<compile_context>
chip_gen: v7x
topology: tpu7x:2x2x1
jax: 0.10.2.dev20260603
libtpu: 0.0.44.dev20260713+nightly
codegen_flags: <defaults>
</compile_context>

<pallas_src>
import functools

import jax
import jax.numpy as jnp
from jax import lax
from jax.experimental import pallas as pl
from jax.experimental.pallas import tpu as pltpu
from jax.experimental.pallas import tpu_sc as plsc

N = 10000
E = 320000
F = 128
H = 256
D = 128

NC = 2
NS = 16
L = 16
CH = 200
CHC = 80
CHS = 400

RPT_A = 632
RPT_LAST = N - (NS - 1) * RPT_A

_SC_MESH = plsc.VectorSubcoreMesh(core_axis_name="c", subcore_axis_name="s")


def _db_loop(nch, load_issue, consume):
    load_issue(0, 0)

    def body(gg, _):
        g0 = 2 * gg
        load_issue(g0 + 1, 1)
        consume(g0, 0)

        @pl.when(gg < nch // 2 - 1)
        def _():
            load_issue(g0 + 2, 0)

        consume(g0 + 1, 1)
        return ()

    lax.fori_loop(0, nch // 2, body, ())


def _tile_rows(s, fn):

    @pl.when(s < NS - 1)
    def _():
        fn(pl.multiple_of(s * RPT_A, 8), RPT_A)

    @pl.when(s == NS - 1)
    def _():
        fn((NS - 1) * RPT_A, RPT_LAST)


@functools.partial(
    pl.kernel,
    out_type=(jax.ShapeDtypeStruct((N,), jnp.float32),
              jax.ShapeDtypeStruct((N,), jnp.float32)),
    mesh=_SC_MESH,
    scratch_types=[
        pltpu.VMEM((CHS,), jnp.int32),
        pltpu.VMEM((CHS,), jnp.float32),
        pltpu.VMEM_SHARED((N,), jnp.float32),
    ],
)
def _deg_kernel(dst_hbm, zeros_hbm, out0_hbm, out1_hbm, idx_v, ones_v, acc):
    c = lax.axis_index("c")
    s = lax.axis_index("s")
    ept = E // (NC * NS)

    @pl.when(s == 0)
    def _():
        pltpu.sync_copy(zeros_hbm, acc)

    for j in range(CHS // L):
        ones_v[pl.ds(j * L, L)] = jnp.ones((L,), jnp.float32)
    plsc.subcore_barrier()

    base = (c * NS + s) * ept

    def chunk(g, _):
        pltpu.sync_copy(dst_hbm.at[pl.ds(base + g * CHS, CHS)], idx_v)
        pltpu.sync_copy(ones_v, acc.at[idx_v], add=True)
        return ()

    lax.fori_loop(0, ept // CHS, chunk, ())
    plsc.subcore_barrier()

    @pl.when((s == 0) & (c == 0))
    def _():
        pltpu.sync_copy(acc, out0_hbm)

    @pl.when((s == 0) & (c == 1))
    def _():
        pltpu.sync_copy(acc, out1_hbm)


_EPT_COL = E // NS


@functools.partial(
    pl.kernel,
    out_type=jax.ShapeDtypeStruct((N, 256), jnp.float32),
    mesh=_SC_MESH,
    scratch_types=[
        pltpu.VMEM((CHC,), jnp.int32),
        pltpu.VMEM((CHC,), jnp.int32),
        pltpu.VMEM((CHC,), jnp.int32),
        pltpu.VMEM((CHC,), jnp.int32),
        pltpu.VMEM((CHC, 128), jnp.float32),
        pltpu.VMEM((CHC, 128), jnp.float32),
        pltpu.VMEM_SHARED((N, 128), jnp.float32),
        pltpu.SemaphoreType.DMA,
        pltpu.SemaphoreType.DMA,
    ],
)
def _colsplit_scatter(table_hbm, src_hbm, dst_hbm, zeros_hbm, out_hbm,
                      idx_s0, idx_s1, idx_d0, idx_d1, rows0, rows1,
                      acc, sem0, sem1):
    c = lax.axis_index("c")
    s = lax.axis_index("s")
    idx_s = [idx_s0, idx_s1]
    idx_d = [idx_d0, idx_d1]
    rows = [rows0, rows1]
    sems = [sem0, sem1]

    def zero(off, sz):
        pltpu.sync_copy(zeros_hbm.at[pl.ds(off, sz)], acc.at[pl.ds(off, sz)])

    _tile_rows(s, zero)
    plsc.subcore_barrier()
    base = s * _EPT_COL

    def load_issue(g, b):
        off = base + g * CHC
        pltpu.sync_copy(src_hbm.at[pl.ds(c * E + off, CHC)], idx_s[b])
        pltpu.sync_copy(dst_hbm.at[pl.ds(off, CHC)], idx_d[b])
        pltpu.async_copy(table_hbm.at[idx_s[b]], rows[b], sems[b])

    def consume(g, b):
        pltpu.make_async_copy(table_hbm.at[idx_s[b]], rows[b], sems[b]).wait()
        pltpu.sync_copy(rows[b], acc.at[idx_d[b]], add=True)

    _db_loop(_EPT_COL // CHC, load_issue, consume)
    plsc.subcore_barrier()

    def wb(off, sz):
        pltpu.sync_copy(
            acc.at[pl.ds(off, sz)],
            out_hbm.at[pl.ds(off, sz), pl.ds(pl.multiple_of(c * 128, 128), 128)])

    _tile_rows(s, wb)


_EPT_EDGE = E // (NC * NS)


@functools.partial(
    pl.kernel,
    out_type=(jax.ShapeDtypeStruct((N, 128), jnp.float32),
              jax.ShapeDtypeStruct((N, 128), jnp.float32)),
    mesh=_SC_MESH,
    scratch_types=[
        pltpu.VMEM((CH,), jnp.int32),
        pltpu.VMEM((CH,), jnp.int32),
        pltpu.VMEM((CH, 128), jnp.float32),
        pltpu.VMEM_SHARED((N, 128), jnp.float32),
        pltpu.SemaphoreType.DMA,
    ],
)
def _edgesplit_scatter(table_hbm, src_hbm, dst_hbm, zeros_hbm,
                       out0_hbm, out1_hbm, idx_s, idx_d, rows, acc, sem):
    c = lax.axis_index("c")
    s = lax.axis_index("s")

    def zero(off, sz):
        pltpu.sync_copy(zeros_hbm.at[pl.ds(off, sz)], acc.at[pl.ds(off, sz)])

    _tile_rows(s, zero)
    plsc.subcore_barrier()
    base = (c * NS + s) * _EPT_EDGE

    def chunk(g, _):
        off = base + g * CH
        pltpu.sync_copy(src_hbm.at[pl.ds(off, CH)], idx_s)
        pltpu.sync_copy(dst_hbm.at[pl.ds(off, CH)], idx_d)
        pltpu.async_copy(table_hbm.at[idx_s], rows, sem).wait()
        pltpu.sync_copy(rows, acc.at[idx_d], add=True)
        return ()

    lax.fori_loop(0, _EPT_EDGE // CH, chunk, ())
    plsc.subcore_barrier()

    def wb0(off, sz):
        pltpu.sync_copy(acc.at[pl.ds(off, sz)], out0_hbm.at[pl.ds(off, sz)])

    def wb1(off, sz):
        pltpu.sync_copy(acc.at[pl.ds(off, sz)], out1_hbm.at[pl.ds(off, sz)])

    @pl.when(c == 0)
    def _():
        _tile_rows(s, wb0)

    @pl.when(c == 1)
    def _():
        _tile_rows(s, wb1)


@functools.partial(
    pl.kernel,
    out_type=jax.ShapeDtypeStruct((NC, E, 128), jnp.float32),
    mesh=_SC_MESH,
    scratch_types=[
        pltpu.VMEM((CH,), jnp.int32),
        pltpu.VMEM((CH,), jnp.int32),
        pltpu.VMEM((CH,), jnp.int32),
        pltpu.VMEM((CH,), jnp.int32),
        pltpu.VMEM((CH, 128), jnp.float32),
        pltpu.VMEM((CH, 128), jnp.float32),
        pltpu.VMEM((CH, 128), jnp.float32),
        pltpu.VMEM((CH, 128), jnp.float32),
        pltpu.SemaphoreType.DMA,
        pltpu.SemaphoreType.DMA,
        pltpu.SemaphoreType.DMA,
        pltpu.SemaphoreType.DMA,
    ],
)
def _gat_pass1(xl2_hbm, xr2_hbm, src_hbm, dst_hbm, g_hbm,
               idx_s0, idx_s1, idx_d0, idx_d1, rowsa0, rowsa1,
               rowsb0, rowsb1, semA0, semA1, semB0, semB1):
    c = lax.axis_index("c")
    s = lax.axis_index("s")
    base = s * _EPT_COL
    idx_s = [idx_s0, idx_s1]
    idx_d = [idx_d0, idx_d1]
    rowsa = [rowsa0, rowsa1]
    rowsb = [rowsb0, rowsb1]
    semA = [semA0, semA1]
    semB = [semB0, semB1]

    def load_issue(g, b):
        off = base + g * CH
        pltpu.sync_copy(src_hbm.at[pl.ds(c * E + off, CH)], idx_s[b])
        pltpu.sync_copy(dst_hbm.at[pl.ds(c * E + off, CH)], idx_d[b])
        pltpu.async_copy(xl2_hbm.at[idx_s[b]], rowsa[b], semA[b])
        pltpu.async_copy(xr2_hbm.at[idx_d[b]], rowsb[b], semB[b])

    def consume(g, b):
        off = base + g * CH
        pltpu.make_async_copy(xl2_hbm.at[idx_s[b]], rowsa[b], semA[b]).wait()
        pltpu.make_async_copy(xr2_hbm.at[idx_d[b]], rowsb[b], semB[b]).wait()

        def vadd(e, _):
            for k in range(128 // L):
                sl = pl.ds(k * L, L)
                rowsa[b][e, sl] = rowsa[b][e, sl] + rowsb[b][e, sl]
            return ()

        lax.fori_loop(0, CH, vadd, ())
        pltpu.sync_copy(rowsa[b], g_hbm.at[c, pl.ds(off, CH)])

    _db_loop(_EPT_COL // CH, load_issue, consume)


@functools.partial(
    pl.kernel,
    out_type=(jax.ShapeDtypeStruct((N,), jnp.float32),
              jax.ShapeDtypeStruct((N,), jnp.float32)),
    mesh=_SC_MESH,
    scratch_types=[
        pltpu.VMEM((CH,), jnp.int32),
        pltpu.VMEM((CH,), jnp.float32),
        pltpu.VMEM_SHARED((N,), jnp.float32),
    ],
)
def _val_segsum(vals_hbm, dst_hbm, zeros_hbm, out0_hbm, out1_hbm,
                idx_v, val_v, acc):
    c = lax.axis_index("c")
    s = lax.axis_index("s")

    @pl.when(s == 0)
    def _():
        pltpu.sync_copy(zeros_hbm, acc)

    plsc.subcore_barrier()
    base = (c * NS + s) * _EPT_EDGE

    def chunk(g, _):
        off = base + g * CH
        pltpu.sync_copy(dst_hbm.at[pl.ds(off, CH)], idx_v)
        pltpu.sync_copy(vals_hbm.at[pl.ds(off, CH)], val_v)
        pltpu.sync_copy(val_v, acc.at[idx_v], add=True)
        return ()

    lax.fori_loop(0, _EPT_EDGE // CH, chunk, ())
    plsc.subcore_barrier()

    @pl.when((s == 0) & (c == 0))
    def _():
        pltpu.sync_copy(acc, out0_hbm)

    @pl.when((s == 0) & (c == 1))
    def _():
        pltpu.sync_copy(acc, out1_hbm)


@functools.partial(
    pl.kernel,
    out_type=jax.ShapeDtypeStruct((N, 256), jnp.float32),
    mesh=_SC_MESH,
    scratch_types=[
        pltpu.VMEM((CHC,), jnp.int32),
        pltpu.VMEM((CHC,), jnp.int32),
        pltpu.VMEM((CHC,), jnp.int32),
        pltpu.VMEM((CHC,), jnp.int32),
        pltpu.VMEM((CHC * L,), jnp.float32),
        pltpu.VMEM((CHC * L,), jnp.float32),
        pltpu.VMEM((CHC, 128), jnp.float32),
        pltpu.VMEM((CHC, 128), jnp.float32),
        pltpu.VMEM_SHARED((N, 128), jnp.float32),
        pltpu.SemaphoreType.DMA,
        pltpu.SemaphoreType.DMA,
    ],
)
def _colsplit_scatter_w(table_hbm, src_hbm, dst_hbm, w16_hbm, zeros_hbm, out_hbm,
                        idx_s0, idx_s1, idx_d0, idx_d1, w_v0, w_v1,
                        rows0, rows1, acc, sem0, sem1):
    c = lax.axis_index("c")
    s = lax.axis_index("s")
    idx_s = [idx_s0, idx_s1]
    idx_d = [idx_d0, idx_d1]
    w_v = [w_v0, w_v1]
    rows = [rows0, rows1]
    sems = [sem0, sem1]

    def zero(off, sz):
        pltpu.sync_copy(zeros_hbm.at[pl.ds(off, sz)], acc.at[pl.ds(off, sz)])

    _tile_rows(s, zero)
    plsc.subcore_barrier()
    base = s * _EPT_COL

    def load_issue(g, b):
        off = base + g * CHC
        pltpu.sync_copy(src_hbm.at[pl.ds(c * E + off, CHC)], idx_s[b])
        pltpu.sync_copy(dst_hbm.at[pl.ds(off, CHC)], idx_d[b])
        pltpu.sync_copy(w16_hbm.at[pl.ds(off * L, CHC * L)], w_v[b])
        pltpu.async_copy(table_hbm.at[idx_s[b]], rows[b], sems[b])

    def consume(g, b):
        pltpu.make_async_copy(table_hbm.at[idx_s[b]], rows[b], sems[b]).wait()

        def scale(e, _):
            wv = w_v[b][pl.ds(e * L, L)]
            for k in range(128 // L):
                sl = pl.ds(k * L, L)
                rows[b][e, sl] = rows[b][e, sl] * wv
            return ()

        lax.fori_loop(0, CHC, scale, ())
        pltpu.sync_copy(rows[b], acc.at[idx_d[b]], add=True)

    _db_loop(_EPT_COL // CHC, load_issue, consume)
    plsc.subcore_barrier()

    def wb(off, sz):
        pltpu.sync_copy(
            acc.at[pl.ds(off, sz)],
            out_hbm.at[pl.ds(off, sz), pl.ds(pl.multiple_of(c * 128, 128), 128)])

    _tile_rows(s, wb)


def _sc_gcn_scatter(xw_scaled, src2, dst):
    w = xw_scaled.shape[1]
    zeros = jnp.zeros((N, 128), jnp.float32)
    if w == 256:
        table2 = jnp.concatenate([xw_scaled[:, :128], xw_scaled[:, 128:]], axis=0)
        return _colsplit_scatter(table2, src2, dst, zeros)
    assert w == 128
    p0, p1 = _edgesplit_scatter(xw_scaled, src2[:E], dst, zeros)
    return p0 + p1


_BM = 1000
_BE = 2000


def _row_spec(bn, w):
    return pl.BlockSpec((bn, w), lambda i: (i, 0))


def _full_spec(a, b):
    return pl.BlockSpec((a, b), lambda i: (0, 0))


def _k_prep_body(deg0, deg1, x, w, xwp, dis):
    d = lax.rsqrt(deg0[...] + deg1[...] + 1.0)
    xwp[...] = (x[...] @ w[...]) * d
    dis[...] = d


def _tc_prep(deg0, deg1, x, w):
    return pl.pallas_call(
        _k_prep_body,
        grid=(N // _BM,),
        in_specs=[_row_spec(_BM, 1), _row_spec(_BM, 1), _row_spec(_BM, F),
                  _full_spec(F, H)],
        out_specs=[_row_spec(_BM, H), _row_spec(_BM, 1)],
        out_shape=[jax.ShapeDtypeStruct((N, H), jnp.float32),
                   jax.ShapeDtypeStruct((N, 1), jnp.float32)],
    )(deg0, deg1, x, w)


def _k_h_body(scat, xwp, dis, gb, wl, bl, wr, br, wer, att, mea, xl_o, xr_o, ls_o):
    h = jnp.maximum(dis[...] * (scat[...] + xwp[...]) + gb[...], 0.0)
    xl = h @ wl[...] + bl[...]
    xr = h @ wr[...] + br[...]
    m = xl + xr + (mea[0, 0] * (1.0 / E)) * wer[...]
    m = jnp.maximum(m, 0.2 * m)
    ls_o[...] = m @ att[...]
    xl_o[...] = xl
    xr_o[...] = xr


def _tc_h(scat, xwp, dis, gb, wl, bl, wr, br, wer, att, ea_sum):
    return pl.pallas_call(
        _k_h_body,
        grid=(N // _BM,),
        in_specs=[_row_spec(_BM, H), _row_spec(_BM, H), _row_spec(_BM, 1),
                  _full_spec(1, H), _full_spec(H, H), _full_spec(1, H),
                  _full_spec(H, H), _full_spec(1, H), _full_spec(1, H),
                  _full_spec(H, 1), _full_spec(1, 1)],
        out_specs=[_row_spec(_BM, H), _row_spec(_BM, H), _row_spec(_BM, 1)],
        out_shape=[jax.ShapeDtypeStruct((N, H), jnp.float32),
                   jax.ShapeDtypeStruct((N, H), jnp.float32),
                   jax.ShapeDtypeStruct((N, 1), jnp.float32)],
    )(scat, xwp, dis, gb, wl, bl, wr, br, wer, att, ea_sum)


def _k_sum_body(v, o):
    @pl.when(pl.program_id(0) == 0)
    def _():
        o[...] = jnp.zeros_like(o)

    o[...] = o[...] + jnp.sum(v[...]).reshape(1, 1)


def _tc_sum(v):
    n = v.shape[0]
    return pl.pallas_call(
        _k_sum_body,
        grid=(n // _BE,),
        in_specs=[_row_spec(_BE, 1)],
        out_specs=_full_spec(1, 1),
        out_shape=jax.ShapeDtypeStruct((1, 1), jnp.float32),
    )(v)


def _k_logits_body(g0, g1, ea, wer, att, o):
    m = jnp.concatenate([g0[0], g1[0]], axis=-1) + ea[...] * wer[...]
    m = jnp.maximum(m, 0.2 * m)
    o[...] = m @ att[...]


def _tc_logits(G, ea, wer, att):
    return pl.pallas_call(
        _k_logits_body,
        grid=(E // _BE,),
        in_specs=[pl.BlockSpec((1, _BE, 128), lambda i: (0, i, 0)),
                  pl.BlockSpec((1, _BE, 128), lambda i: (1, i, 0)),
                  _row_spec(_BE, 1), _full_spec(1, H), _full_spec(H, 1)],
        out_specs=_row_spec(_BE, 1),
        out_shape=jax.ShapeDtypeStruct((E, 1), jnp.float32),
    )(G, G, ea, wer, att)


def _k_max_body(v, o):
    m = jnp.max(v[...]).reshape(1, 1)

    @pl.when(pl.program_id(0) == 0)
    def _():
        o[...] = m

    o[...] = jnp.maximum(o[...], m)


def _tc_max(v):
    n = v.shape[0]
    return pl.pallas_call(
        _k_max_body,
        grid=(n // _BE,),
        in_specs=[_row_spec(_BE, 1)],
        out_specs=_full_spec(1, 1),
        out_shape=jax.ShapeDtypeStruct((1, 1), jnp.float32),
    )(v)


def _k_exp_body(l, c0, ex_o, ex16_o):
    ex = jnp.exp(l[...] - c0[0, 0])
    ex_o[...] = ex
    ex16_o[...] = jnp.broadcast_to(ex, (ex.shape[0], 16))


def _tc_exp(logit, c0):
    return pl.pallas_call(
        _k_exp_body,
        grid=(E // _BE,),
        in_specs=[_row_spec(_BE, 1), _full_spec(1, 1)],
        out_specs=[_row_spec(_BE, 1), _row_spec(_BE, 16)],
        out_shape=[jax.ShapeDtypeStruct((E, 1), jnp.float32),
                   jax.ShapeDtypeStruct((E, 16), jnp.float32)],
    )(logit, c0)


def _k_gatout_body(num, xl, ls, c0, d0, d1, gatb, dis, w2, o):
    es = jnp.exp(ls[...] - c0[0, 0])
    den = d0[...] + d1[...] + es
    h2 = jnp.maximum((num[...] + es * xl[...]) / den + gatb[...], 0.0)
    o[...] = (h2 @ w2[...]) * dis[...]


def _tc_gatout(num, xl, ls, c0, d0, d1, gatb, dis, w2):
    return pl.pallas_call(
        _k_gatout_body,
        grid=(N // _BM,),
        in_specs=[_row_spec(_BM, H), _row_spec(_BM, H), _row_spec(_BM, 1),
                  _full_spec(1, 1), _row_spec(_BM, 1), _row_spec(_BM, 1),
                  _full_spec(1, H), _row_spec(_BM, 1), _full_spec(H, D)],
        out_specs=_row_spec(_BM, D),
        out_shape=jax.ShapeDtypeStruct((N, D), jnp.float32),
    )(num, xl, ls, c0, d0, d1, gatb, dis, w2)


def _k_final_body(q0, q1, hw, dis, g2b, w, b, o):
    z = dis[...] * (q0[...] + q1[...] + hw[...]) + g2b[...]
    o[...] = jnp.maximum(z @ w[...] + b[...], 0.0)


def _tc_final(q0, q1, hw, dis, g2b, w, b):
    return pl.pallas_call(
        _k_final_body,
        grid=(N // _BM,),
        in_specs=[_row_spec(_BM, D), _row_spec(_BM, D), _row_spec(_BM, D),
                  _row_spec(_BM, 1), _full_spec(1, D), _full_spec(D, H),
                  _full_spec(1, H)],
        out_specs=_row_spec(_BM, H),
        out_shape=jax.ShapeDtypeStruct((N, H), jnp.float32),
    )(q0, q1, hw, dis, g2b, w, b)


def _decoder_mm_body(nx_a, nx_b, o_ref):
    a = nx_a[...]
    b = nx_b[...]
    o_ref[...] = jax.lax.dot_general(
        a, b, (((1,), (1,)), ((), ())), preferred_element_type=jnp.float32)


def _decoder_matmul(node_x):
    TM = 1024
    grid = (pl.cdiv(N, TM), pl.cdiv(N, TM))
    return pl.pallas_call(
        _decoder_mm_body,
        grid=grid,
        in_specs=[
            pl.BlockSpec((TM, H), lambda i, j: (i, 0)),
            pl.BlockSpec((TM, H), lambda i, j: (j, 0)),
        ],
        out_specs=pl.BlockSpec((TM, TM), lambda i, j: (i, j)),
        out_shape=jax.ShapeDtypeStruct((N, N), jnp.float32),
    )(node_x, node_x)


def _halves(a):
    return jnp.concatenate([a[:, :128], a[:, 128:]], axis=0)


def kernel(x, edge_index, edge_attr, batch, gcn_W, gcn_b, gat_Wl, gat_bl,
           gat_Wr, gat_br, gat_We, gat_att, gat_b, gcn2_W, gcn2_b, lin1_W, lin1_b):
    src = edge_index[0]
    dst = edge_index[1]
    src2 = jnp.concatenate([src, src + N])
    dst2 = jnp.concatenate([dst, dst + N])
    zeros1 = jnp.zeros((N,), jnp.float32)
    zeros = jnp.zeros((N, 128), jnp.float32)
    ea = edge_attr

    deg0, deg1 = _deg_kernel(dst, zeros1)
    xwp, dis = _tc_prep(deg0[:, None], deg1[:, None], x, gcn_W)
    scat1 = _colsplit_scatter(_halves(xwp), src2, dst, zeros)

    ea_sum = _tc_sum(ea)
    xl, xr, logit_self = _tc_h(scat1, xwp, dis, gcn_b[None, :], gat_Wl,
                               gat_bl[None, :], gat_Wr, gat_br[None, :],
                               gat_We, gat_att[:, None], ea_sum)
    xl2 = _halves(xl)
    G = _gat_pass1(xl2, _halves(xr), src2, dst2)
    logit = _tc_logits(G, ea, gat_We, gat_att[:, None])
    c0 = _tc_max(jnp.concatenate([logit, logit_self], axis=0))
    expl, expl16 = _tc_exp(logit, c0)
    den0, den1 = _val_segsum(expl.reshape(E), dst, zeros1)
    num = _colsplit_scatter_w(xl2, src2, dst, expl16.reshape(E * 16), zeros)
    hw2p = _tc_gatout(num, xl, logit_self, c0, den0[:, None], den1[:, None],
                      gat_b[None, :], dis, gcn2_W)

    q0, q1 = _edgesplit_scatter(hw2p, src, dst, zeros)
    node_x = _tc_final(q0, q1, hw2p, dis, gcn2_b[None, :], lin1_W,
                       lin1_b[None, :])
    return _decoder_matmul(node_x)

# --- scband reference (transcript-rebuilt; emitter-appended) ---
"""Pipeline reference for scband-gcn-gat-autoencoder-35656818492016 (READ-ONLY COPY).

The authoritative reference and input builder live on the scoring server;
editing this copy changes nothing except your own understanding.
"""

import jax, jax.numpy as jnp
import numpy as np

N = 10000
E = 320000
F = 128
H = 256
D = 128

def _p(k, shape, fan_in):
    return jax.random.normal(k, shape, dtype=jnp.float32) / np.sqrt(fan_in)

def setup_inputs(seed: int = 0) -> dict:
    key = jax.random.key(seed)
    ks = jax.random.split(key, 20)
    inp = {}
    inp['x'] = jax.random.normal(ks[0], (N, F), dtype=jnp.float32)
    inp['edge_index'] = jax.random.randint(ks[1], (2, E), 0, N)
    inp['edge_attr'] = jax.random.uniform(ks[2], (E, 1), dtype=jnp.float32)
    inp['batch'] = jnp.zeros((N,), dtype=jnp.int32)
    inp['gcn_W'] = _p(ks[3], (F, H), F)
    inp['gcn_b'] = jnp.zeros((H,), dtype=jnp.float32)
    inp['gat_Wl'] = _p(ks[4], (H, H), H)
    inp['gat_bl'] = jnp.zeros((H,), dtype=jnp.float32)
    inp['gat_Wr'] = _p(ks[5], (H, H), H)
    inp['gat_br'] = jnp.zeros((H,), dtype=jnp.float32)
    inp['gat_We'] = _p(ks[6], (1, H), 1)
    inp['gat_att'] = _p(ks[7], (H,), H)
    inp['gat_b'] = jnp.zeros((H,), dtype=jnp.float32)
    inp['gcn2_W'] = _p(ks[8], (H, D), H)
    inp['gcn2_b'] = jnp.zeros((D,), dtype=jnp.float32)
    inp['lin1_W'] = _p(ks[9], (D, H), D)
    inp['lin1_b'] = jnp.zeros((H,), dtype=jnp.float32)
    return inp

def _gcn_conv(x, src, dst, W, b, n):
    xw = x @ W
    loop = jnp.arange(n)
    s = jnp.concatenate([src, loop])
    d = jnp.concatenate([dst, loop])
    deg = jax.ops.segment_sum(jnp.ones(s.shape[0], x.dtype), d, num_segments=n)
    dis = jnp.where(deg > 0, 1.0 / jnp.sqrt(deg), 0.0)
    norm = dis[s] * dis[d]
    out = jax.ops.segment_sum(xw[s] * norm[:, None], d, num_segments=n)
    return out + b

def _gatv2_conv(x, src, dst, edge_attr, Wl, bl, Wr, br, We, att, b, n):
    xl = x @ Wl + bl
    xr = x @ Wr + br
    loop = jnp.arange(n)
    s = jnp.concatenate([src, loop])
    d = jnp.concatenate([dst, loop])
    loop_attr = jnp.broadcast_to(edge_attr.mean(axis=0, keepdims=True), (n, edge_attr.shape[1]))
    ea = jnp.concatenate([edge_attr, loop_attr], axis=0)
    ef = ea @ We
    m = xl[s] + xr[d] + ef
    m = jax.nn.leaky_relu(m, 0.2)
    logit = m @ att
    mx = jax.lax.stop_gradient(jax.ops.segment_max(logit, d, num_segments=n))
    al = jnp.exp(logit - mx[d])
    den = jax.ops.segment_sum(al, d, num_segments=n)
    alpha = al / den[d]
    out = jax.ops.segment_sum(xl[s] * alpha[:, None], d, num_segments=n)
    return out + b

def reference(x, edge_index, edge_attr, batch, gcn_W, gcn_b, gat_Wl, gat_bl, gat_Wr, gat_br, gat_We, gat_att, gat_b, gcn2_W, gcn2_b, lin1_W, lin1_b):
    src = edge_index[0]
    dst = edge_index[1]
    n = x.shape[0]
    h = jax.nn.relu(_gcn_conv(x, src, dst, gcn_W, gcn_b, n))
    h = jax.nn.relu(_gatv2_conv(h, src, dst, edge_attr, gat_Wl, gat_bl, gat_Wr, gat_br, gat_We, gat_att, gat_b, n))
    z = _gcn_conv(h, src, dst, gcn2_W, gcn2_b, n)
    node_x = jax.nn.relu(z @ lin1_W + lin1_b)
    node_logits = node_x @ node_x.T
    return node_logits

if __name__ == "__main__":
    import jax
    _d = setup_inputs()
    print(jax.jit(kernel)(*tuple(_d.values())))

</pallas_src>

<mosaic_0001>
#map = affine_map<(d0, d1) -> (0)>
module attributes {stable_mosaic.version = 14 : i64} {
  func.func @_val_segsum(%arg0: i32, %arg1: i32, %arg2: memref<320000xf32, #tpu.memory_space<hbm>>, %arg3: memref<320000xi32, #tpu.memory_space<hbm>>, %arg4: memref<10000xf32, #tpu.memory_space<hbm>>, %arg5: memref<10000xf32, #tpu.memory_space<hbm>>, %arg6: memref<10000xf32, #tpu.memory_space<hbm>>, %arg7: memref<200xi32, #tpu.memory_space<vmem>>, %arg8: memref<200xf32, #tpu.memory_space<vmem>>, %arg9: memref<10000xf32, #tpu.memory_space<vmem_shared>>) attributes {dimension_semantics = [#tpu.dimension_semantics<core_parallel>, #tpu.dimension_semantics<subcore_parallel>], iteration_bounds = array<i64: 2, 16>, scalar_prefetch = 0 : i64, scratch_operands = 3 : i64, tpu.core_type = #tpu.core_type<sc_vector_subcore>, window_params = [{transform_indices = #map}, {transform_indices = #map}, {transform_indices = #map}, {transform_indices = #map}, {transform_indices = #map}]} {
    %eq3A = arith.constant 0 : i32
    %eq3A_0 = arith.cmpi eq, %arg1, %eq3A : i32
    %convert_element_type3A = arith.extui %eq3A_0 : i1 to i32
    %cond3A = arith.constant 0 : i32
    %cond3A_1 = arith.cmpi ne, %convert_element_type3A, %cond3A : i32
    scf.if %cond3A_1 {
      "tpu.region"() ({
        %run_scoped3A = tpu.sem_alloc : memref<!tpu.dma_semaphore, #tpu.memory_space<semaphore_mem>>
        tpu.enqueue_dma source(%arg4 : memref<10000xf32, #tpu.memory_space<hbm>>) target(%arg9 : memref<10000xf32, #tpu.memory_space<vmem_shared>>) target_semaphore(%run_scoped3A : memref<!tpu.dma_semaphore, #tpu.memory_space<semaphore_mem>>)
        tpu.wait_dma2 semaphore(%run_scoped3A : memref<!tpu.dma_semaphore, #tpu.memory_space<semaphore_mem>>) src(%arg4 : memref<10000xf32, #tpu.memory_space<hbm>>) dst(%arg9 : memref<10000xf32, #tpu.memory_space<vmem_shared>>)
        tpu.yield
      }) : () -> ()
    } else {
    }
    %barrier3A = arith.constant 0 : index
    tpu.barrier barrier_id(%barrier3A)
    %mul3A = arith.constant 16 : i32
    %mul3A_2 = arith.muli %arg0, %mul3A : i32
    %add3A = arith.addi %mul3A_2, %arg1 : i32
    %mul3A_3 = arith.constant 10000 : i32
    %mul3A_4 = arith.muli %add3A, %mul3A_3 : i32
    %scan3A = arith.constant 0 : i32
    %scan3A_5 = arith.constant 50 : i32
    %scan3A_6 = arith.addi %scan3A, %scan3A_5 : i32
    %scan3A_7 = arith.constant 1 : i32
    scf.for %scan3A_25 = %scan3A to %scan3A_6 step %scan3A_7  : i32 {
      %mul3A_26 = arith.constant 200 : i32
      %mul3A_27 = arith.muli %scan3A_25, %mul3A_26 : i32
      %add3A_28 = arith.addi %mul3A_4, %mul3A_27 : i32
      "tpu.region"() ({
        %run_scoped3A = tpu.sem_alloc : memref<!tpu.dma_semaphore, #tpu.memory_space<semaphore_mem>>
        %dma_start3A = tpu.memref_slice %arg3[%add3A_28] : memref<320000xi32, #tpu.memory_space<hbm>> -> memref<200xi32, #tpu.memory_space<hbm>>
        %dma_start3A_29 = tpu.memref_slice %arg3[%add3A_28] : memref<320000xi32, #tpu.memory_space<hbm>> -> memref<200xi32, #tpu.memory_space<hbm>>
        tpu.enqueue_dma source(%dma_start3A_29 : memref<200xi32, #tpu.memory_space<hbm>>) target(%arg7 : memref<200xi32, #tpu.memory_space<vmem>>) target_semaphore(%run_scoped3A : memref<!tpu.dma_semaphore, #tpu.memory_space<semaphore_mem>>)
        %dma_wait3A = tpu.memref_slice %arg3[%add3A_28] : memref<320000xi32, #tpu.memory_space<hbm>> -> memref<200xi32, #tpu.memory_space<hbm>>
        %dma_wait3A_30 = tpu.memref_slice %arg3[%add3A_28] : memref<320000xi32, #tpu.memory_space<hbm>> -> memref<200xi32, #tpu.memory_space<hbm>>
        tpu.wait_dma2 semaphore(%run_scoped3A : memref<!tpu.dma_semaphore, #tpu.memory_space<semaphore_mem>>) src(%dma_wait3A_30 : memref<200xi32, #tpu.memory_space<hbm>>) dst(%arg7 : memref<200xi32, #tpu.memory_space<vmem>>)
        tpu.yield
      }) : () -> ()
      "tpu.region"() ({
        %run_scoped3A = tpu.sem_alloc : memref<!tpu.dma_semaphore, #tpu.memory_space<semaphore_mem>>
        %dma_start3A = tpu.memref_slice %arg2[%add3A_28] : memref<320000xf32, #tpu.memory_space<hbm>> -> memref<200xf32, #tpu.memory_space<hbm>>
        %dma_start3A_29 = tpu.memref_slice %arg2[%add3A_28] : memref<320000xf32, #tpu.memory_space<hbm>> -> memref<200xf32, #tpu.memory_space<hbm>>
        tpu.enqueue_dma source(%dma_start3A_29 : memref<200xf32, #tpu.memory_space<hbm>>) target(%arg8 : memref<200xf32, #tpu.memory_space<vmem>>) target_semaphore(%run_scoped3A : memref<!tpu.dma_semaphore, #tpu.memory_space<semaphore_mem>>)
        %dma_wait3A = tpu.memref_slice %arg2[%add3A_28] : memref<320000xf32, #tpu.memory_space<hbm>> -> memref<200xf32, #tpu.memory_space<hbm>>
        %dma_wait3A_30 = tpu.memref_slice %arg2[%add3A_28] : memref<320000xf32, #tpu.memory_space<hbm>> -> memref<200xf32, #tpu.memory_space<hbm>>
        tpu.wait_dma2 semaphore(%run_scoped3A : memref<!tpu.dma_semaphore, #tpu.memory_space<semaphore_mem>>) src(%dma_wait3A_30 : memref<200xf32, #tpu.memory_space<hbm>>) dst(%arg8 : memref<200xf32, #tpu.memory_space<vmem>>)
        tpu.yield
      }) : () -> ()
      "tpu.region"() ({
        %run_scoped3A = tpu.sem_alloc : memref<!tpu.dma_semaphore, #tpu.memory_space<semaphore_mem>>
        %dma_start3A = arith.constant 0 : i32
        %dma_start3A_29 = tpu.memref_slice %arg9[%dma_start3A] : memref<10000xf32, #tpu.memory_space<vmem_shared>> -> memref<10000xf32, #tpu.memory_space<vmem_shared>>
        tpu.enqueue_indirect_dma source(%arg8 : memref<200xf32, #tpu.memory_space<vmem>>) target(%dma_start3A_29 : memref<10000xf32, #tpu.memory_space<vmem_shared>>) offsets(%arg7 : memref<200xi32, #tpu.memory_space<vmem>>) semaphore(%run_scoped3A : memref<!tpu.dma_semaphore, #tpu.memory_space<semaphore_mem>>) {add = true}
        %dma_wait3A = arith.constant 0 : i32
        %dma_wait3A_30 = tpu.memref_slice %arg9[%dma_wait3A] : memref<10000xf32, #tpu.memory_space<vmem_shared>> -> memref<10000xf32, #tpu.memory_space<vmem_shared>>
        tpu.wait_indirect_dma semaphore(%run_scoped3A : memref<!tpu.dma_semaphore, #tpu.memory_space<semaphore_mem>>) src(%arg8 : memref<200xf32, #tpu.memory_space<vmem>>) dst(%dma_wait3A_30 : memref<10000xf32, #tpu.memory_space<vmem_shared>>)
        tpu.yield
      }) : () -> ()
    }
    %scan3A_8 = arith.constant 50 : i32
    %barrier3A_9 = arith.constant 0 : index
    tpu.barrier barrier_id(%barrier3A_9)
    %eq3A_10 = arith.constant 0 : i32
    %eq3A_11 = arith.cmpi eq, %arg1, %eq3A_10 : i32
    %eq3A_12 = arith.constant 0 : i32
    %eq3A_13 = arith.cmpi eq, %arg0, %eq3A_12 : i32
    %and3A = arith.andi %eq3A_11, %eq3A_13 : i1
    %convert_element_type3A_14 = arith.extui %and3A : i1 to i32
    %cond3A_15 = arith.constant 0 : i32
    %cond3A_16 = arith.cmpi ne, %convert_element_type3A_14, %cond3A_15 : i32
    scf.if %cond3A_16 {
      "tpu.region"() ({
        %run_scoped3A = tpu.sem_alloc : memref<!tpu.dma_semaphore, #tpu.memory_space<semaphore_mem>>
        tpu.enqueue_dma source(%arg9 : memref<10000xf32, #tpu.memory_space<vmem_shared>>) target(%arg5 : memref<10000xf32, #tpu.memory_space<hbm>>) target_semaphore(%run_scoped3A : memref<!tpu.dma_semaphore, #tpu.memory_space<semaphore_mem>>)
        tpu.wait_dma2 semaphore(%run_scoped3A : memref<!tpu.dma_semaphore, #tpu.memory_space<semaphore_mem>>) src(%arg9 : memref<10000xf32, #tpu.memory_space<vmem_shared>>) dst(%arg5 : memref<10000xf32, #tpu.memory_space<hbm>>)
        tpu.yield
      }) : () -> ()
    } else {
    }
    %eq3A_17 = arith.constant 0 : i32
    %eq3A_18 = arith.cmpi eq, %arg1, %eq3A_17 : i32
    %eq3A_19 = arith.constant 1 : i32
    %eq3A_20 = arith.cmpi eq, %arg0, %eq3A_19 : i32
    %and3A_21 = arith.andi %eq3A_18, %eq3A_20 : i1
    %convert_element_type3A_22 = arith.extui %and3A_21 : i1 to i32
    %cond3A_23 = arith.constant 0 : i32
    %cond3A_24 = arith.cmpi ne, %convert_element_type3A_22, %cond3A_23 : i32
    scf.if %cond3A_24 {
      "tpu.region"() ({
        %run_scoped3A = tpu.sem_alloc : memref<!tpu.dma_semaphore, #tpu.memory_space<semaphore_mem>>
        tpu.enqueue_dma source(%arg9 : memref<10000xf32, #tpu.memory_space<vmem_shared>>) target(%arg6 : memref<10000xf32, #tpu.memory_space<hbm>>) target_semaphore(%run_scoped3A : memref<!tpu.dma_semaphore, #tpu.memory_space<semaphore_mem>>)
        tpu.wait_dma2 semaphore(%run_scoped3A : memref<!tpu.dma_semaphore, #tpu.memory_space<semaphore_mem>>) src(%arg9 : memref<10000xf32, #tpu.memory_space<vmem_shared>>) dst(%arg6 : memref<10000xf32, #tpu.memory_space<hbm>>)
        tpu.yield
      }) : () -> ()
    } else {
    }
    return
  }
}

#map = affine_map<(d0, d1) -> (0)>
module attributes {stable_mosaic.version = 14 : i64} {
  func.func @_deg_kernel(%arg0: i32, %arg1: i32, %arg2: memref<320000xi32, #tpu.memory_space<hbm>>, %arg3: memref<10000xf32, #tpu.memory_space<hbm>>, %arg4: memref<10000xf32, #tpu.memory_space<hbm>>, %arg5: memref<10000xf32, #tpu.memory_space<hbm>>, %arg6: memref<400xi32, #tpu.memory_space<vmem>>, %arg7: memref<400xf32, #tpu.memory_space<vmem>>, %arg8: memref<10000xf32, #tpu.memory_space<vmem_shared>>) attributes {dimension_semantics = [#tpu.dimension_semantics<core_parallel>, #tpu.dimension_semantics<subcore_parallel>], iteration_bounds = array<i64: 2, 16>, scalar_prefetch = 0 : i64, scratch_operands = 3 : i64, tpu.core_type = #tpu.core_type<sc_vector_subcore>, window_params = [{transform_indices = #map}, {transform_indices = #map}, {transform_indices = #map}, {transform_indices = #map}]} {
    %eq3A = arith.constant 0 : i32
    %eq3A_0 = arith.cmpi eq, %arg1, %eq3A : i32
    %convert_element_type3A = arith.extui %eq3A_0 : i1 to i32
    %cond3A = arith.constant 0 : i32
    %cond3A_1 = arith.cmpi ne, %convert_element_type3A, %cond3A : i32
    scf.if %cond3A_1 {
      "tpu.region"() ({
        %run_scoped3A = tpu.sem_alloc : memref<!tpu.dma_semaphore, #tpu.memory_space<semaphore_mem>>
        tpu.enqueue_dma source(%arg3 : memref<10000xf32, #tpu.memory_space<hbm>>) target(%arg8 : memref<10000xf32, #tpu.memory_space<vmem_shared>>) target_semaphore(%run_scoped3A : memref<!tpu.dma_semaphore, #tpu.memory_space<semaphore_mem>>)
        tpu.wait_dma2 semaphore(%run_scoped3A : memref<!tpu.dma_semaphore, #tpu.memory_space<semaphore_mem>>) src(%arg3 : memref<10000xf32, #tpu.memory_space<hbm>>) dst(%arg8 : memref<10000xf32, #tpu.memory_space<vmem_shared>>)
        tpu.yield
      }) : () -> ()
    } else {
    }
    %broadcast_in_dim3A = arith.constant 1.000000e+00 : f32
    %broadcast_in_dim3A_2 = vector.broadcast %broadcast_in_dim3A : f32 to vector<16xf32>
    %swap3A = arith.constant 0 : index
    %swap3A_3 = tpu.vector_load %arg7[%swap3A] {strides = array<i32>} : memref<400xf32, #tpu.memory_space<vmem>>, vector<16xf32>,
    %swap3A_4 = vector.shape_cast %swap3A_3 : vector<16xf32> to vector<16xf32>
    %swap3A_5 = vector.shape_cast %broadcast_in_dim3A_2 : vector<16xf32> to vector<16xf32>
    tpu.vector_store %arg7[%swap3A], %swap3A_5 {strides = array<i32>} : memref<400xf32, #tpu.memory_space<vmem>>, vector<16xf32>,
    %broadcast_in_dim3A_6 = arith.constant 1.000000e+00 : f32
    %broadcast_in_dim3A_7 = vector.broadcast %broadcast_in_dim3A_6 : f32 to vector<16xf32>
    %swap3A_8 = arith.constant 16 : index
    %swap3A_9 = tpu.vector_load %arg7[%swap3A_8] {strides = array<i32>} : memref<400xf32, #tpu.memory_space<vmem>>, vector<16xf32>,
    %swap3A_10 = vector.shape_cast %swap3A_9 : vector<16xf32> to vector<16xf32>
    %swap3A_11 = vector.shape_cast %broadcast_in_dim3A_7 : vector<16xf32> to vector<16xf32>
    tpu.vector_store %arg7[%swap3A_8], %swap3A_11 {strides = array<i32>} : memref<400xf32, #tpu.memory_space<vmem>>, vector<16xf32>,
    %broadcast_in_dim3A_12 = arith.constant 1.000000e+00 : f32
    %broadcast_in_dim3A_13 = vector.broadcast %broadcast_in_dim3A_12 : f32 to vector<16xf32>
    %swap3A_14 = arith.constant 32 : index
    %swap3A_15 = tpu.vector_load %arg7[%swap3A_14] {strides = array<i32>} : memref<400xf32, #tpu.memory_space<vmem>>, vector<16xf32>,
    %swap3A_16 = vector.shape_cast %swap3A_15 : vector<16xf32> to vector<16xf32>
    %swap3A_17 = vector.shape_cast %broadcast_in_dim3A_13 : vector<16xf32> to vector<16xf32>
    tpu.vector_store %arg7[%swap3A_14], %swap3A_17 {strides = array<i32>} : memref<400xf32, #tpu.memory_space<vmem>>, vector<16xf32>,
    %broadcast_in_dim3A_18 = arith.constant 1.000000e+00 : f32
    %broadcast_in_dim3A_19 = vector.broadcast %broadcast_in_dim3A_18 : f32 to vector<16xf32>
    %swap3A_20 = arith.constant 48 : index
    %swap3A_21 = tpu.vector_load %arg7[%swap3A_20] {strides = array<i32>} : memref<400xf32, #tpu.memory_space<vmem>>, vector<16xf32>,
    %swap3A_22 = vector.shape_cast %swap3A_21 : vector<16xf32> to vector<16xf32>
    %swap3A_23 = vector.shape_cast %broadcast_in_dim3A_19 : vector<16xf32> to vector<16xf32>
    tpu.vector_store %arg7[%swap3A_20], %swap3A_23 {strides = array<i32>} : memref<400xf32, #tpu.memory_space<vmem>>, vector<16xf32>,
    %broadcast_in_dim3A_24 = arith.constant 1.000000e+00 : f32
    %broadcast_in_dim3A_25 = vector.broadcast %broadcast_in_dim3A_24 : f32 to vector<16xf32>
    %swap3A_26 = arith.constant 64 : index
    %swap3A_27 = tpu.vector_load %arg7[%swap3A_26] {strides = array<i32>} : memref<400xf32, #tpu.memory_space<vmem>>, vector<16xf32>,
    %swap3A_28 = vector.shape_cast %swap3A_27 : vector<16xf32> to vector<16xf32>
    %swap3A_29 = vector.shape_cast %broadcast_in_dim3A_25 : vector<16xf32> to vector<16xf32>
    tpu.vector_store %arg7[%swap3A_26], %swap3A_29 {strides = array<i32>} : memref<400xf32, #tpu.memory_space<vmem>>, vector<16xf32>,
    %broadcast_in_dim3A_30 = arith.constant 1.000000e+00 : f32
    %broadcast_in_dim3A_31 = vector.broadcast %broadcast_in_dim3A_30 : f32 to vector<16xf32>
    %swap3A_32 = arith.constant 80 : index
    %swap3A_33 = tpu.vector_load %arg7[%swap3A_32] {strides = array<i32>} : memref<400xf32, #tpu.memory_space<vmem>>, vector<16xf32>,
    %swap3A_34 = vector.shape_cast %swap3A_33 : vector<16xf32> to vector<16xf32>
    %swap3A_35 = vector.shape_cast %broadcast_in_dim3A_31 : vector<16xf32> to vector<16xf32>
    tpu.vector_store %arg7[%swap3A_32], %swap3A_35 {strides = array<i32>} : memref<400xf32, #tpu.memory_space<vmem>>, vector<16xf32>,
    %broadcast_in_dim3A_36 = arith.constant 1.000000e+00 : f32
    %broadcast_in_dim3A_37 = vector.broadcast %broadcast_in_dim3A_36 : f32 to vector<16xf32>
    %swap3A_38 = arith.constant 96 : index
    %swap3A_39 = tpu.vector_load %arg7[%swap3A_38] {strides = array<i32>} : memref<400xf32, #tpu.memory_space<vmem>>, vector<16xf32>,
    %swap3A_40 = vector.shape_cast %swap3A_39 : vector<16xf32> to vector<16xf32>
    %swap3A_41 = vector.shape_cast %broadcast_in_dim3A_37 : vector<16xf32> to vector<16xf32>
    tpu.vector_store %arg7[%swap3A_38], %swap3A_41 {strides = array<i32>} : memref<400xf32, #tpu.memory_space<vmem>>, vector<16xf32>,
    %broadcast_in_dim3A_42 = arith.constant 1.000000e+00 : f32
    %broadcast_in_dim3A_43 = vector.broadcast %broadcast_in_dim3A_42 : f32 to vector<16xf32>
    %swap3A_44 = arith.constant 112 : index
    %swap3A_45 = tpu.vector_load %arg7[%swap3A_44] {strides = array<i32>} : memref<400xf32, #tpu.memory_space<vmem>>, vector<16xf32>,
    %swap3A_46 = vector.shape_cast %swap3A_45 : vector<16xf32> to vector<16xf32>
    %swap3A_47 = vector.shape_cast %broadcast_in_dim3A_43 : vector<16xf32> to vector<16xf32>
    tpu.vector_store %arg7[%swap3A_44], %swap3A_47 {strides = array<i32>} : memref<400xf32, #tpu.memory_space<vmem>>, vector<16xf32>,
    %broadcast_in_dim3A_48 = arith.constant 1.000000e+00 : f32
    %broadcast_in_dim3A_49 = vector.broadcast %broadcast_in_dim3A_48 : f32 to vector<16xf32>
    %swap3A_50 = arith.constant 128 : index
    %swap3A_51 = tpu.vector_load %arg7[%swap3A_50] {strides = array<i32>} : memref<400xf32, #tpu.memory_space<vmem>>, vector<16xf32>,
    %swap3A_52 = vector.shape_cast %swap3A_51 : vector<16xf32> to vector<16xf32>
    %swap3A_53 = vector.shape_cast %broadcast_in_dim3A_49 : vector<16xf32> to vector<16xf32>
    tpu.vector_store %arg7[%swap3A_50], %swap3A_53 {strides = array<i32>} : memref<400xf32, #tpu.memory_space<vmem>>, vector<16xf32>,
    %broadcast_in_dim3A_54 = arith.constant 1.000000e+00 : f32
    %broadcast_in_dim3A_55 = vector.broadcast %broadcast_in_dim3A_54 : f32 to vector<16xf32>
    %swap3A_56 = arith.constant 144 : index
    %swap3A_57 = tpu.vector_load %arg7[%swap3A_56] {strides = array<i32>} : memref<400xf32, #tpu.memory_space<vmem>>, vector<16xf32>,
    %swap3A_58 = vector.shape_cast %swap3A_57 : vector<16xf32> to vector<16xf32>
    %swap3A_59 = vector.shape_cast %broadcast_in_dim3A_55 : vector<16xf32> to vector<16xf32>
    tpu.vector_store %arg7[%swap3A_56], %swap3A_59 {strides = array<i32>} : memref<400xf32, #tpu.memory_space<vmem>>, vector<16xf32>,
    %broadcast_in_dim3A_60 = arith.constant 1.000000e+00 : f32
    %broadcast_in_dim3A_61 = vector.broadcast %broadcast_in_dim3A_60 : f32 to vector<16xf32>
    %swap3A_62 = arith.constant 160 : index
    %swap3A_63 = tpu.vector_load %arg7[%swap3A_62] {strides = array<i32>} : memref<400xf32, #tpu.memory_space<vmem>>, vector<16xf32>,
    %swap3A_64 = vector.shape_cast %swap3A_63 : vector<16xf32> to vector<16xf32>
    %swap3A_65 = vector.shape_cast %broadcast_in_dim3A_61 : vector<16xf32> to vector<16xf32>
    tpu.vector_store %arg7[%swap3A_62], %swap3A_65 {strides = array<i32>} : memref<400xf32, #tpu.memory_space<vmem>>, vector<16xf32>,
    %broadcast_in_dim3A_66 = arith.constant 1.000000e+00 : f32
    %broadcast_in_dim3A_67 = vector.broadcast %broadcast_in_dim3A_66 : f32 to vector<16xf32>
    %swap3A_68 = arith.constant 176 : index
    %swap3A_69 = tpu.vector_load %arg7[%swap3A_68] {strides = array<i32>} : memref<400xf32, #tpu.memory_space<vmem>>, vector<16xf32>,
    %swap3A_70 = vector.shape_cast %swap3A_69 : vector<16xf32> to vector<16xf32>
    %swap3A_71 = vector.shape_cast %broadcast_in_dim3A_67 : vector<16xf32> to vector<16xf32>
    tpu.vector_store %arg7[%swap3A_68], %swap3A_71 {strides = array<i32>} : memref<400xf32, #tpu.memory_space<vmem>>, vector<16xf32>,
    %broadcast_in_dim3A_72 = arith.constant 1.000000e+00 : f32
    %broadcast_in_dim3A_73 = vector.broadcast %broadcast_in_dim3A_72 : f32 to vector<16xf32>
    %swap3A_74 = arith.constant 192 : index
    %swap3A_75 = tpu.vector_load %arg7[%swap3A_74] {strides = array<i32>} : memref<400xf32, #tpu.memory_space<vmem>>, vector<16xf32>,
    %swap3A_76 = vector.shape_cast %swap3A_75 : vector<16xf32> to vector<16xf32>
    %swap3A_77 = vector.shape_cast %broadcast_in_dim3A_73 : vector<16xf32> to vector<16xf32>
    tpu.vector_store %arg7[%swap3A_74], %swap3A_77 {strides = array<i32>} : memref<400xf32, #tpu.memory_space<vmem>>, vector<16xf32>,
    %broadcast_in_dim3A_78 = arith.constant 1.000000e+00 : f32
    %broadcast_in_dim3A_79 = vector.broadcast %broadcast_in_dim3A_78 : f32 to vector<16xf32>
    %swap3A_80 = arith.constant 208 : index
    %swap3A_81 = tpu.vector_load %arg7[%swap3A_80] {strides = array<i32>} : memref<400xf32, #tpu.memory_space<vmem>>, vector<16xf32>,
    %swap3A_82 = vector.shape_cast %swap3A_81 : vector<16xf32> to vector<16xf32>
    %swap3A_83 = vector.shape_cast %broadcast_in_dim3A_79 : vector<16xf32> to vector<16xf32>
    tpu.vector_store %arg7[%swap3A_80], %swap3A_83 {strides = array<i32>} : memref<400xf32, #tpu.memory_space<vmem>>, vector<16xf32>,
    %broadcast_in_dim3A_84 = arith.constant 1.000000e+00 : f32
    %broadcast_in_dim3A_85 = vector.broadcast %broadcast_in_dim3A_84 : f32 to vector<16xf32>
    %swap3A_86 = arith.constant 224 : index
    %swap3A_87 = tpu.vector_load %arg7[%swap3A_86] {strides = array<i32>} : memref<400xf32, #tpu.memory_space<vmem>>, vector<16xf32>,
    %swap3A_88 = vector.shape_cast %swap3A_87 : vector<16xf32> to vector<16xf32>
    %swap3A_89 = vector.shape_cast %broadcast_in_dim3A_85 : vector<16xf32> to vector<16xf32>
    tpu.vector_store %arg7[%swap3A_86], %swap3A_89 {strides = array<i32>} : memref<400xf32, #tpu.memory_space<vmem>>, vector<16xf32>,
    %broadcast_in_dim3A_90 = arith.constant 1.000000e+00 : f32
    %broadcast_in_dim3A_91 = vector.broadcast %broadcast_in_dim3A_90 : f32 to vector<16xf32>
    %swap3A_92 = arith.constant 240 : index
    %swap3A_93 = tpu.vector_load %arg7[%swap3A_92] {strides = array<i32>} : memref<400xf32, #tpu.memory_space<vmem>>, vector<16xf32>,
    %swap3A_94 = vector.shape_cast %swap3A_93 : vector<16xf32> to vector<16xf32>
    %swap3A_95 = vector.shape_cast %broadcast_in_dim3A_91 : vector<16xf32> to vector<16xf32>
    tpu.vector_store %arg7[%swap3A_92], %swap3A_95 {strides = array<i32>} : memref<400xf32, #tpu.memory_space<vmem>>, vector<16xf32>,
    %broadcast_in_dim3A_96 = arith.constant 1.000000e+00 : f32
    %broadcast_in_dim3A_97 = vector.broadcast %broadcast_in_dim3A_96 : f32 to vector<16xf32>
    %swap3A_98 = arith.constant 256 : index
    %swap3A_99 = tpu.vector_load %arg7[%swap3A_98] {strides = array<i32>} : memref<400xf32, #tpu.memory_space<vmem>>, vector<16xf32>,
    %swap3A_100 = vector.shape_cast %swap3A_99 : vector<16xf32> to vector<16xf32>
    %swap3A_101 = vector.shape_cast %broadcast_in_dim3A_97 : vector<16xf32> to vector<16xf32>
    tpu.vector_store %arg7[%swap3A_98], %swap3A_101 {strides = array<i32>} : memref<400xf32, #tpu.memory_space<vmem>>, vector<16xf32>,
    %broadcast_in_dim3A_102 = arith.constant 1.000000e+00 : f32
    %broadcast_in_dim3A_103 = vector.broadcast %broadcast_in_dim3A_102 : f32 to vector<16xf32>
    %swap3A_104 = arith.constant 272 : index
    %swap3A_105 = tpu.vector_load %arg7[%swap3A_104] {strides = array<i32>} : memref<400xf32, #tpu.memory_space<vmem>>, vector<16xf32>,
    %swap3A_106 = vector.shape_cast %swap3A_105 : vector<16xf32> to vector<16xf32>
    %swap3A_107 = vector.shape_cast %broadcast_in_dim3A_103 : vector<16xf32> to vector<16xf32>
    tpu.vector_store %arg7[%swap3A_104], %swap3A_107 {strides = array<i32>} : memref<400xf32, #tpu.memory_space<vmem>>, vector<16xf32>,
    %broadcast_in_dim3A_108 = arith.constant 1.000000e+00 : f32
    %broadcast_in_dim3A_109 = vector.broadcast %broadcast_in_dim3A_108 : f32 to vector<16xf32>
    %swap3A_110 = arith.constant 288 : index
    %swap3A_111 = tpu.vector_load %arg7[%swap3A_110] {strides = array<i32>} : memref<400xf32, #tpu.memory_space<vmem>>, vector<16xf32>,
    %swap3A_112 = vector.shape_cast %swap3A_111 : vector<16xf32> to vector<16xf32>
    %swap3A_113 = vector.shape_cast %broadcast_in_dim3A_109 : vector<16xf32> to vector<16xf32>
    tpu.vector_store %arg7[%swap3A_110], %swap3A_113 {strides = array<i32>} : memref<400xf32, #tpu.memory_space<vmem>>, vector<16xf32>,
    %broadcast_in_dim3A_114 = arith.constant 1.000000e+00 : f32
    %broadcast_in_dim3A_115 = vector.broadcast %broadcast_in_dim3A_114 : f32 to vector<16xf32>
    %swap3A_116 = arith.constant 304 : index
    %swap3A_117 = tpu.vector_load %arg7[%swap3A_116] {strides = array<i32>} : memref<400xf32, #tpu.memory_space<vmem>>, vector<16xf32>,
    %swap3A_118 = vector.shape_cast %swap3A_117 : vector<16xf32> to vector<16xf32>
    %swap3A_119 = vector.shape_cast %broadcast_in_dim3A_115 : vector<16xf32> to vector<16xf32>
    tpu.vector_store %arg7[%swap3A_116], %swap3A_119 {strides = array<i32>} : memref<400xf32, #tpu.memory_space<vmem>>, vector<16xf32>,
    %broadcast_in_dim3A_120 = arith.constant 1.000000e+00 : f32
    %broadcast_in_dim3A_121 = vector.broadcast %broadcast_in_dim3A_120 : f32 to vector<16xf32>
    %swap3A_122 = arith.constant 320 : index
    %swap3A_123 = tpu.vector_load %arg7[%swap3A_122] {strides = array<i32>} : memref<400xf32, #tpu.memory_space<vmem>>, vector<16xf32>,
    %swap3A_124 = vector.shape_cast %swap3A_123 : vector<16xf32> to vector<16xf32>
    %swap3A_125 = vector.shape_cast %broadcast_in_dim3A_121 : vector<16xf32> to vector<16xf32>
    tpu.vector_store %arg7[%swap3A_122], %swap3A_125 {strides = array<i32>} : memref<400xf32, #tpu.memory_space<vmem>>, vector<16xf32>,
    %broadcast_in_dim3A_126 = arith.constant 1.000000e+00 : f32
    %broadcast_in_dim3A_127 = vector.broadcast %broadcast_in_dim3A_126 : f32 to vector<16xf32>
    %swap3A_128 = arith.constant 336 : index
    %swap3A_129 = tpu.vector_load %arg7[%swap3A_128] {strides = array<i32>} : memref<400xf32, #tpu.memory_space<vmem>>, vector<16xf32>,
    %swap3A_130 = vector.shape_cast %swap3A_129 : vector<16xf32> to vector<16xf32>
    %swap3A_131 = vector.shape_cast %broadcast_in_dim3A_127 : vector<16xf32> to vector<16xf32>
    tpu.vector_store %arg7[%swap3A_128], %swap3A_131 {strides = array<i32>} : memref<400xf32, #tpu.memory_space<vmem>>, vector<16xf32>,
    %broadcast_in_dim3A_132 = arith.constant 1.000000e+00 : f32
    %broadcast_in_dim3A_133 = vector.broadcast %broadcast_in_dim3A_132 : f32 to vector<16xf32>
    %swap3A_134 = arith.constant 352 : index
    %swap3A_135 = tpu.vector_load %arg7[%swap3A_134] {strides = array<i32>} : memref<400xf32, #tpu.memory_space<vmem>>, vector<16xf32>,
    %swap3A_136 = vector.shape_cast %swap3A_135 : vector<16xf32> to vector<16xf32>
    %swap3A_137 = vector.shape_cast %broadcast_in_dim3A_133 : vector<16xf32> to vector<16xf32>
    tpu.vector_store %arg7[%swap3A_134], %swap3A_137 {strides = array<i32>} : memref<400xf32, #tpu.memory_space<vmem>>, vector<16xf32>,
    %broadcast_in_dim3A_138 = arith.constant 1.000000e+00 : f32
    %broadcast_in_dim3A_139 = vector.broadcast %broadcast_in_dim3A_138 : f32 to vector<16xf32>
    %swap3A_140 = arith.constant 368 : index
    %swap3A_141 = tpu.vector_load %arg7[%swap3A_140] {strides = array<i32>} : memref<400xf32, #tpu.memory_space<vmem>>, vector<16xf32>,
    %swap3A_142 = vector.shape_cast %swap3A_141 : vector<16xf32> to vector<16xf32>
    %swap3A_143 = vector.shape_cast %broadcast_in_dim3A_139 : vector<16xf32> to vector<16xf32>
    tpu.vector_store %arg7[%swap3A_140], %swap3A_143 {strides = array<i32>} : memref<400xf32, #tpu.memory_space<vmem>>, vector<16xf32>,
    %broadcast_in_dim3A_144 = arith.constant 1.000000e+00 : f32
    %broadcast_in_dim3A_145 = vector.broadcast %broadcast_in_dim3A_144 : f32 to vector<16xf32>
    %swap3A_146 = arith.constant 384 : index
    %swap3A_147 = tpu.vector_load %arg7[%swap3A_146] {strides = array<i32>} : memref<400xf32, #tpu.memory_space<vmem>>, vector<16xf32>,
    %swap3A_148 = vector.shape_cast %swap3A_147 : vector<16xf32> to vector<16xf32>
    %swap3A_149 = vector.shape_cast %broadcast_in_dim3A_145 : vector<16xf32> to vector<16xf32>
    tpu.vector_store %arg7[%swap3A_146], %swap3A_149 {strides = array<i32>} : memref<400xf32, #tpu.memory_space<vmem>>, vector<16xf32>,
    %barrier3A = arith.constant 0 : index
    tpu.barrier barrier_id(%barrier3A)
    %mul3A = arith.constant 16 : i32
    %mul3A_150 = arith.muli %arg0, %mul3A : i32
    %add3A = arith.addi %mul3A_150, %arg1 : i32
    %mul3A_151 = arith.constant 10000 : i32
    %mul3A_152 = arith.muli %add3A, %mul3A_151 : i32
    %scan3A = arith.constant 0 : i32
    %scan3A_153 = arith.constant 25 : i32
    %scan3A_154 = arith.addi %scan3A, %scan3A_153 : i32
    %scan3A_155 = arith.constant 1 : i32
    scf.for %scan3A_173 = %scan3A to %scan3A_154 step %scan3A_155  : i32 {
      %mul3A_174 = arith.constant 400 : i32
      %mul3A_175 = arith.muli %scan3A_173, %mul3A_174 : i32
      %add3A_176 = arith.addi %mul3A_152, %mul3A_175 : i32
      "tpu.region"() ({
        %run_scoped3A = tpu.sem_alloc : memref<!tpu.dma_semaphore, #tpu.memory_space<semaphore_mem>>
        %dma_start3A = tpu.memref_slice %arg2[%add3A_176] : memref<320000xi32, #tpu.memory_space<hbm>> -> memref<400xi32, #tpu.memory_space<hbm>>
        %dma_start3A_177 = tpu.memref_slice %arg2[%add3A_176] : memref<320000xi32, #tpu.memory_space<hbm>> -> memref<400xi32, #tpu.memory_space<hbm>>
        tpu.enqueue_dma source(%dma_start3A_177 : memref<400xi32, #tpu.memory_space<hbm>>) target(%arg6 : memref<400xi32, #tpu.memory_space<vmem>>) target_semaphore(%run_scoped3A : memref<!tpu.dma_semaphore, #tpu.memory_space<semaphore_mem>>)
        %dma_wait3A = tpu.memref_slice %arg2[%add3A_176] : memref<320000xi32, #tpu.memory_space<hbm>> -> memref<400xi32, #tpu.memory_space<hbm>>
        %dma_wait3A_178 = tpu.memref_slice %arg2[%add3A_176] : memref<320000xi32, #tpu.memory_space<hbm>> -> memref<400xi32, #tpu.memory_space<hbm>>
        tpu.wait_dma2 semaphore(%run_scoped3A : memref<!tpu.dma_semaphore, #tpu.memory_space<semaphore_mem>>) src(%dma_wait3A_178 : memref<400xi32, #tpu.memory_space<hbm>>) dst(%arg6 : memref<400xi32, #tpu.memory_space<vmem>>)
        tpu.yield
      }) : () -> ()
      "tpu.region"() ({
        %run_scoped3A = tpu.sem_alloc : memref<!tpu.dma_semaphore, #tpu.memory_space<semaphore_mem>>
        %dma_start3A = arith.constant 0 : i32
        %dma_start3A_177 = tpu.memref_slice %arg8[%dma_start3A] : memref<10000xf32, #tpu.memory_space<vmem_shared>> -> memref<10000xf32, #tpu.memory_space<vmem_shared>>
        tpu.enqueue_indirect_dma source(%arg7 : memref<400xf32, #tpu.memory_space<vmem>>) target(%dma_start3A_177 : memref<10000xf32, #tpu.memory_space<vmem_shared>>) offsets(%arg6 : memref<400xi32, #tpu.memory_space<vmem>>) semaphore(%run_scoped3A : memref<!tpu.dma_semaphore, #tpu.memory_space<semaphore_mem>>) {add = true}
        %dma_wait3A = arith.constant 0 : i32
        %dma_wait3A_178 = tpu.memref_slice %arg8[%dma_wait3A] : memref<10000xf32, #tpu.memory_space<vmem_shared>> -> memref<10000xf32, #tpu.memory_space<vmem_shared>>
        tpu.wait_indirect_dma semaphore(%run_scoped3A : memref<!tpu.dma_semaphore, #tpu.memory_space<semaphore_mem>>) src(%arg7 : memref<400xf32, #tpu.memory_space<vmem>>) dst(%dma_wait3A_178 : memref<10000xf32, #tpu.memory_space<vmem_shared>>)
        tpu.yield
      }) : () -> ()
    }
    %scan3A_156 = arith.constant 25 : i32
    %barrier3A_157 = arith.constant 0 : index
    tpu.barrier barrier_id(%barrier3A_157)
    %eq3A_158 = arith.constant 0 : i32
    %eq3A_159 = arith.cmpi eq, %arg1, %eq3A_158 : i32
    %eq3A_160 = arith.constant 0 : i32
    %eq3A_161 = arith.cmpi eq, %arg0, %eq3A_160 : i32
    %and3A = arith.andi %eq3A_159, %eq3A_161 : i1
    %convert_element_type3A_162 = arith.extui %and3A : i1 to i32
    %cond3A_163 = arith.constant 0 : i32
    %cond3A_164 = arith.cmpi ne, %convert_element_type3A_162, %cond3A_163 : i32
    scf.if %cond3A_164 {
      "tpu.region"() ({
        %run_scoped3A = tpu.sem_alloc : memref<!tpu.dma_semaphore, #tpu.memory_space<semaphore_mem>>
        tpu.enqueue_dma source(%arg8 : memref<10000xf32, #tpu.memory_space<vmem_shared>>) target(%arg4 : memref<10000xf32, #tpu.memory_space<hbm>>) target_semaphore(%run_scoped3A : memref<!tpu.dma_semaphore, #tpu.memory_space<semaphore_mem>>)
        tpu.wait_dma2 semaphore(%run_scoped3A : memref<!tpu.dma_semaphore, #tpu.memory_space<semaphore_mem>>) src(%arg8 : memref<10000xf32, #tpu.memory_space<vmem_shared>>) dst(%arg4 : memref<10000xf32, #tpu.memory_space<hbm>>)
        tpu.yield
      }) : () -> ()
    } else {
    }
    %eq3A_165 = arith.constant 0 : i32
    %eq3A_166 = arith.cmpi eq, %arg1, %eq3A_165 : i32
    %eq3A_167 = arith.constant 1 : i32
    %eq3A_168 = arith.cmpi eq, %arg0, %eq3A_167 : i32
    %and3A_169 = arith.andi %eq3A_166, %eq3A_168 : i1
    %convert_element_type3A_170 = arith.extui %and3A_169 : i1 to i32
    %cond3A_171 = arith.constant 0 : i32
    %cond3A_172 = arith.cmpi ne, %convert_element_type3A_170, %cond3A_171 : i32
    scf.if %cond3A_172 {
      "tpu.region"() ({
        %run_scoped3A = tpu.sem_alloc : memref<!tpu.dma_semaphore, #tpu.memory_space<semaphore_mem>>
        tpu.enqueue_dma source(%arg8 : memref<10000xf32, #tpu.memory_space<vmem_shared>>) target(%arg5 : memref<10000xf32, #tpu.memory_space<hbm>>) target_semaphore(%run_scoped3A : memref<!tpu.dma_semaphore, #tpu.memory_space<semaphore_mem>>)
        tpu.wait_dma2 semaphore(%run_scoped3A : memref<!tpu.dma_semaphore, #tpu.memory_space<semaphore_mem>>) src(%arg8 : memref<10000xf32, #tpu.memory_space<vmem_shared>>) dst(%arg5 : memref<10000xf32, #tpu.memory_space<hbm>>)
        tpu.yield
      }) : () -> ()
    } else {
    }
    return
  }
}

#map = affine_map<(d0, d1) -> (0, 0)>
#map1 = affine_map<(d0, d1) -> (0)>
#map2 = affine_map<(d0, d1) -> (0, 0, 0)>
module attributes {stable_mosaic.version = 14 : i64} {
  func.func @_gat_pass1(%arg0: i32, %arg1: i32, %arg2: memref<20000x128xf32, #tpu.memory_space<hbm>>, %arg3: memref<20000x128xf32, #tpu.memory_space<hbm>>, %arg4: memref<640000xi32, #tpu.memory_space<hbm>>, %arg5: memref<640000xi32, #tpu.memory_space<hbm>>, %arg6: memref<2x320000x128xf32, #tpu.memory_space<hbm>>, %arg7: memref<200xi32, #tpu.memory_space<vmem>>, %arg8: memref<200xi32, #tpu.memory_space<vmem>>, %arg9: memref<200xi32, #tpu.memory_space<vmem>>, %arg10: memref<200xi32, #tpu.memory_space<vmem>>, %arg11: memref<200x128xf32, #tpu.memory_space<vmem>>, %arg12: memref<200x128xf32, #tpu.memory_space<vmem>>, %arg13: memref<200x128xf32, #tpu.memory_space<vmem>>, %arg14: memref<200x128xf32, #tpu.memory_space<vmem>>, %arg15: memref<!tpu.dma_semaphore, #tpu.memory_space<semaphore_mem>>, %arg16: memref<!tpu.dma_semaphore, #tpu.memory_space<semaphore_mem>>, %arg17: memref<!tpu.dma_semaphore, #tpu.memory_space<semaphore_mem>>, %arg18: memref<!tpu.dma_semaphore, #tpu.memory_space<semaphore_mem>>) attributes {dimension_semantics = [#tpu.dimension_semantics<core_parallel>, #tpu.dimension_semantics<subcore_parallel>], iteration_bounds = array<i64: 2, 16>, scalar_prefetch = 0 : i64, scratch_operands = 12 : i64, tpu.core_type = #tpu.core_type<sc_vector_subcore>, window_params = [{transform_indices = #map}, {transform_indices = #map}, {transform_indices = #map1}, {transform_indices = #map1}, {transform_indices = #map2}]} {
    %mul3A = arith.constant 20000 : i32
    %mul3A_0 = arith.muli %arg1, %mul3A : i32
    %add3A = arith.constant 0 : i32
    %add3A_1 = arith.addi %mul3A_0, %add3A : i32
    %mul3A_2 = arith.constant 320000 : i32
    %mul3A_3 = arith.muli %arg0, %mul3A_2 : i32
    %add3A_4 = arith.addi %mul3A_3, %add3A_1 : i32
    "tpu.region"() ({
      %run_scoped3A = tpu.sem_alloc : memref<!tpu.dma_semaphore, #tpu.memory_space<semaphore_mem>>
      %dma_start3A_17 = tpu.memref_slice %arg4[%add3A_4] : memref<640000xi32, #tpu.memory_space<hbm>> -> memref<200xi32, #tpu.memory_space<hbm>>
      %dma_start3A_18 = tpu.memref_slice %arg4[%add3A_4] : memref<640000xi32, #tpu.memory_space<hbm>> -> memref<200xi32, #tpu.memory_space<hbm>>
      tpu.enqueue_dma source(%dma_start3A_18 : memref<200xi32, #tpu.memory_space<hbm>>) target(%arg7 : memref<200xi32, #tpu.memory_space<vmem>>) target_semaphore(%run_scoped3A : memref<!tpu.dma_semaphore, #tpu.memory_space<semaphore_mem>>)
      %dma_wait3A = tpu.memref_slice %arg4[%add3A_4] : memref<640000xi32, #tpu.memory_space<hbm>> -> memref<200xi32, #tpu.memory_space<hbm>>
      %dma_wait3A_19 = tpu.memref_slice %arg4[%add3A_4] : memref<640000xi32, #tpu.memory_space<hbm>> -> memref<200xi32, #tpu.memory_space<hbm>>
      tpu.wait_dma2 semaphore(%run_scoped3A : memref<!tpu.dma_semaphore, #tpu.memory_space<semaphore_mem>>) src(%dma_wait3A_19 : memref<200xi32, #tpu.memory_space<hbm>>) dst(%arg7 : memref<200xi32, #tpu.memory_space<vmem>>)
      tpu.yield
    }) : () -> ()
    %mul3A_5 = arith.constant 320000 : i32
    %mul3A_6 = arith.muli %arg0, %mul3A_5 : i32
    %add3A_7 = arith.addi %mul3A_6, %add3A_1 : i32
    "tpu.region"() ({
      %run_scoped3A = tpu.sem_alloc : memref<!tpu.dma_semaphore, #tpu.memory_space<semaphore_mem>>
      %dma_start3A_17 = tpu.memref_slice %arg5[%add3A_7] : memref<640000xi32, #tpu.memory_space<hbm>> -> memref<200xi32, #tpu.memory_space<hbm>>
      %dma_start3A_18 = tpu.memref_slice %arg5[%add3A_7] : memref<640000xi32, #tpu.memory_space<hbm>> -> memref<200xi32, #tpu.memory_space<hbm>>
      tpu.enqueue_dma source(%dma_start3A_18 : memref<200xi32, #tpu.memory_space<hbm>>) target(%arg9 : memref<200xi32, #tpu.memory_space<vmem>>) target_semaphore(%run_scoped3A : memref<!tpu.dma_semaphore, #tpu.memory_space<semaphore_mem>>)
      %dma_wait3A = tpu.memref_slice %arg5[%add3A_7] : memref<640000xi32, #tpu.memory_space<hbm>> -> memref<200xi32, #tpu.memory_space<hbm>>
      %dma_wait3A_19 = tpu.memref_slice %arg5[%add3A_7] : memref<640000xi32, #tpu.memory_space<hbm>> -> memref<200xi32, #tpu.memory_space<hbm>>
      tpu.wait_dma2 semaphore(%run_scoped3A : memref<!tpu.dma_semaphore, #tpu.memory_space<semaphore_mem>>) src(%dma_wait3A_19 : memref<200xi32, #tpu.memory_space<hbm>>) dst(%arg9 : memref<200xi32, #tpu.memory_space<vmem>>)
      tpu.yield
    }) : () -> ()
    %dma_start3A = arith.constant 0 : i32
    %dma_start3A_8 = arith.constant 0 : i32
    %dma_start3A_9 = tpu.memref_slice %arg2[%dma_start3A, %dma_start3A_8] : memref<20000x128xf32, #tpu.memory_space<hbm>> -> memref<20000x128xf32, #tpu.memory_space<hbm>>
    tpu.enqueue_indirect_dma source(%dma_start3A_9 : memref<20000x128xf32, #tpu.memory_space<hbm>>) target(%arg11 : memref<200x128xf32, #tpu.memory_space<vmem>>) offsets(%arg7 : memref<200xi32, #tpu.memory_space<vmem>>) semaphore(%arg15 : memref<!tpu.dma_semaphore, #tpu.memory_space<semaphore_mem>>)
    %dma_start3A_10 = arith.constant 0 : i32
    %dma_start3A_11 = arith.constant 0 : i32
    %dma_start3A_12 = tpu.memref_slice %arg3[%dma_start3A_10, %dma_start3A_11] : memref<20000x128xf32, #tpu.memory_space<hbm>> -> memref<20000x128xf32, #tpu.memory_space<hbm>>
    tpu.enqueue_indirect_dma source(%dma_start3A_12 : memref<20000x128xf32, #tpu.memory_space<hbm>>) target(%arg13 : memref<200x128xf32, #tpu.memory_space<vmem>>) offsets(%arg9 : memref<200xi32, #tpu.memory_space<vmem>>) semaphore(%arg17 : memref<!tpu.dma_semaphore, #tpu.memory_space<semaphore_mem>>)
    %scan3A = arith.constant 0 : i32
    %scan3A_13 = arith.constant 50 : i32
    %scan3A_14 = arith.addi %scan3A, %scan3A_13 : i32
    %scan3A_15 = arith.constant 1 : i32
    scf.for %scan3A_17 = %scan3A to %scan3A_14 step %scan3A_15  : i32 {
      %mul3A_18 = arith.constant 2 : i32
      %mul3A_19 = arith.muli %mul3A_18, %scan3A_17 : i32
      %add3A_20 = arith.constant 1 : i32
      %add3A_21 = arith.addi %mul3A_19, %add3A_20 : i32
      %mul3A_22 = arith.constant 200 : i32
      %mul3A_23 = arith.muli %add3A_21, %mul3A_22 : i32
      %add3A_24 = arith.addi %mul3A_0, %mul3A_23 : i32
      %mul3A_25 = arith.constant 320000 : i32
      %mul3A_26 = arith.muli %arg0, %mul3A_25 : i32
      %add3A_27 = arith.addi %mul3A_26, %add3A_24 : i32
      "tpu.region"() ({
        %run_scoped3A = tpu.sem_alloc : memref<!tpu.dma_semaphore, #tpu.memory_space<semaphore_mem>>
        %dma_start3A_68 = tpu.memref_slice %arg4[%add3A_27] : memref<640000xi32, #tpu.memory_space<hbm>> -> memref<200xi32, #tpu.memory_space<hbm>>
        %dma_start3A_69 = tpu.memref_slice %arg4[%add3A_27] : memref<640000xi32, #tpu.memory_space<hbm>> -> memref<200xi32, #tpu.memory_space<hbm>>
        tpu.enqueue_dma source(%dma_start3A_69 : memref<200xi32, #tpu.memory_space<hbm>>) target(%arg8 : memref<200xi32, #tpu.memory_space<vmem>>) target_semaphore(%run_scoped3A : memref<!tpu.dma_semaphore, #tpu.memory_space<semaphore_mem>>)
        %dma_wait3A_70 = tpu.memref_slice %arg4[%add3A_27] : memref<640000xi32, #tpu.memory_space<hbm>> -> memref<200xi32, #tpu.memory_space<hbm>>
        %dma_wait3A_71 = tpu.memref_slice %arg4[%add3A_27] : memref<640000xi32, #tpu.memory_space<hbm>> -> memref<200xi32, #tpu.memory_space<hbm>>
        tpu.wait_dma2 semaphore(%run_scoped3A : memref<!tpu.dma_semaphore, #tpu.memory_space<semaphore_mem>>) src(%dma_wait3A_71 : memref<200xi32, #tpu.memory_space<hbm>>) dst(%arg8 : memref<200xi32, #tpu.memory_space<vmem>>)
        tpu.yield
      }) : () -> ()
      %mul3A_28 = arith.constant 320000 : i32
      %mul3A_29 = arith.muli %arg0, %mul3A_28 : i32
      %add3A_30 = arith.addi %mul3A_29, %add3A_24 : i32
      "tpu.region"() ({
        %run_scoped3A = tpu.sem_alloc : memref<!tpu.dma_semaphore, #tpu.memory_space<semaphore_mem>>
        %dma_start3A_68 = tpu.memref_slice %arg5[%add3A_30] : memref<640000xi32, #tpu.memory_space<hbm>> -> memref<200xi32, #tpu.memory_space<hbm>>
        %dma_start3A_69 = tpu.memref_slice %arg5[%add3A_30] : memref<640000xi32, #tpu.memory_space<hbm>> -> memref<200xi32, #tpu.memory_space<hbm>>
        tpu.enqueue_dma source(%dma_start3A_69 : memref<200xi32, #tpu.memory_space<hbm>>) target(%arg10 : memref<200xi32, #tpu.memory_space<vmem>>) target_semaphore(%run_scoped3A : memref<!tpu.dma_semaphore, #tpu.memory_space<semaphore_mem>>)
        %dma_wait3A_70 = tpu.memref_slice %arg5[%add3A_30] : memref<640000xi32, #tpu.memory_space<hbm>> -> memref<200xi32, #tpu.memory_space<hbm>>
        %dma_wait3A_71 = tpu.memref_slice %arg5[%add3A_30] : memref<640000xi32, #tpu.memory_space<hbm>> -> memref<200xi32, #tpu.memory_space<hbm>>
        tpu.wait_dma2 semaphore(%run_scoped3A : memref<!tpu.dma_semaphore, #tpu.memory_space<semaphore_mem>>) src(%dma_wait3A_71 : memref<200xi32, #tpu.memory_space<hbm>>) dst(%arg10 : memref<200xi32, #tpu.memory_space<vmem>>)
        tpu.yield
      }) : () -> ()
      %dma_start3A_31 = arith.constant 0 : i32
      %dma_start3A_32 = arith.constant 0 : i32
      %dma_start3A_33 = tpu.memref_slice %arg2[%dma_start3A_31, %dma_start3A_32] : memref<20000x128xf32, #tpu.memory_space<hbm>> -> memref<20000x128xf32, #tpu.memory_space<hbm>>
      tpu.enqueue_indirect_dma source(%dma_start3A_33 : memref<20000x128xf32, #tpu.memory_space<hbm>>) target(%arg12 : memref<200x128xf32, #tpu.memory_space<vmem>>) offsets(%arg8 : memref<200xi32, #tpu.memory_space<vmem>>) semaphore(%arg16 : memref<!tpu.dma_semaphore, #tpu.memory_space<semaphore_mem>>)
      %dma_start3A_34 = arith.constant 0 : i32
      %dma_start3A_35 = arith.constant 0 : i32
      %dma_start3A_36 = tpu.memref_slice %arg3[%dma_start3A_34, %dma_start3A_35] : memref<20000x128xf32, #tpu.memory_space<hbm>> -> memref<20000x128xf32, #tpu.memory_space<hbm>>
      tpu.enqueue_indirect_dma source(%dma_start3A_36 : memref<20000x128xf32, #tpu.memory_space<hbm>>) target(%arg14 : memref<200x128xf32, #tpu.memory_space<vmem>>) offsets(%arg10 : memref<200xi32, #tpu.memory_space<vmem>>) semaphore(%arg18 : memref<!tpu.dma_semaphore, #tpu.memory_space<semaphore_mem>>)
      %mul3A_37 = arith.constant 200 : i32
      %mul3A_38 = arith.muli %mul3A_19, %mul3A_37 : i32
      %add3A_39 = arith.addi %mul3A_0, %mul3A_38 : i32
      %dma_wait3A = arith.constant 0 : i32
      %dma_wait3A_40 = arith.constant 0 : i32
      %dma_wait3A_41 = tpu.memref_slice %arg2[%dma_wait3A, %dma_wait3A_40] : memref<20000x128xf32, #tpu.memory_space<hbm>> -> memref<20000x128xf32, #tpu.memory_space<hbm>>
      tpu.wait_indirect_dma semaphore(%arg15 : memref<!tpu.dma_semaphore, #tpu.memory_space<semaphore_mem>>) src(%dma_wait3A_41 : memref<20000x128xf32, #tpu.memory_space<hbm>>) dst(%arg11 : memref<200x128xf32, #tpu.memory_space<vmem>>)
      %dma_wait3A_42 = arith.constant 0 : i32
      %dma_wait3A_43 = arith.constant 0 : i32
      %dma_wait3A_44 = tpu.memref_slice %arg3[%dma_wait3A_42, %dma_wait3A_43] : memref<20000x128xf32, #tpu.memory_space<hbm>> -> memref<20000x128xf32, #tpu.memory_space<hbm>>
      tpu.wait_indirect_dma semaphore(%arg17 : memref<!tpu.dma_semaphore, #tpu.memory_space<semaphore_mem>>) src(%dma_wait3A_44 : memref<20000x128xf32, #tpu.memory_space<hbm>>) dst(%arg13 : memref<200x128xf32, #tpu.memory_space<vmem>>)
      %scan3A_45 = arith.constant 0 : i32
      %scan3A_46 = arith.constant 200 : i32
      %scan3A_47 = arith.addi %scan3A_45, %scan3A_46 : i32
      %scan3A_48 = arith.constant 1 : i32
      scf.for %scan3A_68 = %scan3A_45 to %scan3A_47 step %scan3A_48  : i32 {
        %get3A = arith.index_cast %scan3A_68 : i32 to index
        %get3A_69 = arith.constant 0 : index
        %get3A_70 = tpu.vector_load %arg11[%get3A, %get3A_69] {strides = array<i32>} : memref<200x128xf32, #tpu.memory_space<vmem>>, vector<1x16xf32>,
        %get3A_71 = vector.shape_cast %get3A_70 : vector<1x16xf32> to vector<16xf32>
        %get3A_72 = arith.index_cast %scan3A_68 : i32 to index
        %get3A_73 = arith.constant 0 : index
        %get3A_74 = tpu.vector_load %arg13[%get3A_72, %get3A_73] {strides = array<i32>} : memref<200x128xf32, #tpu.memory_space<vmem>>, vector<1x16xf32>,
        %get3A_75 = vector.shape_cast %get3A_74 : vector<1x16xf32> to vector<16xf32>
        %add3A_76 = arith.addf %get3A_71, %get3A_75 : vector<16xf32>
        %swap3A = arith.index_cast %scan3A_68 : i32 to index
        %swap3A_77 = arith.constant 0 : index
        %swap3A_78 = tpu.vector_load %arg11[%swap3A, %swap3A_77] {strides = array<i32>} : memref<200x128xf32, #tpu.memory_space<vmem>>, vector<1x16xf32>,
        %swap3A_79 = vector.shape_cast %swap3A_78 : vector<1x16xf32> to vector<16xf32>
        %swap3A_80 = vector.shape_cast %add3A_76 : vector<16xf32> to vector<1x16xf32>
        tpu.vector_store %arg11[%swap3A, %swap3A_77], %swap3A_80 {strides = array<i32>} : memref<200x128xf32, #tpu.memory_space<vmem>>, vector<1x16xf32>,
        %get3A_81 = arith.index_cast %scan3A_68 : i32 to index
        %get3A_82 = arith.constant 16 : index
        %get3A_83 = tpu.vector_load %arg11[%get3A_81, %get3A_82] {strides = array<i32>} : memref<200x128xf32, #tpu.memory_space<vmem>>, vector<1x16xf32>,
        %get3A_84 = vector.shape_cast %get3A_83 : vector<1x16xf32> to vector<16xf32>
        %get3A_85 = arith.index_cast %scan3A_68 : i32 to index
        %get3A_86 = arith.constant 16 : index
        %get3A_87 = tpu.vector_load %arg13[%get3A_85, %get3A_86] {strides = array<i32>} : memref<200x128xf32, #tpu.memory_space<vmem>>, vector<1x16xf32>,
        %get3A_88 = vector.shape_cast %get3A_87 : vector<1x16xf32> to vector<16xf32>
        %add3A_89 = arith.addf %get3A_84, %get3A_88 : vector<16xf32>
        %swap3A_90 = arith.index_cast %scan3A_68 : i32 to index
        %swap3A_91 = arith.constant 16 : index
        %swap3A_92 = tpu.vector_load %arg11[%swap3A_90, %swap3A_91] {strides = array<i32>} : memref<200x128xf32, #tpu.memory_space<vmem>>, vector<1x16xf32>,
        %swap3A_93 = vector.shape_cast %swap3A_92 : vector<1x16xf32> to vector<16xf32>
        %swap3A_94 = vector.shape_cast %add3A_89 : vector<16xf32> to vector<1x16xf32>
        tpu.vector_store %arg11[%swap3A_90, %swap3A_91], %swap3A_94 {strides = array<i32>} : memref<200x128xf32, #tpu.memory_space<vmem>>, vector<1x16xf32>,
        %get3A_95 = arith.index_cast %scan3A_68 : i32 to index
        %get3A_96 = arith.constant 32 : index
        %get3A_97 = tpu.vector_load %arg11[%get3A_95, %get3A_96] {strides = array<i32>} : memref<200x128xf32, #tpu.memory_space<vmem>>, vector<1x16xf32>,
        %get3A_98 = vector.shape_cast %get3A_97 : vector<1x16xf32> to vector<16xf32>
        %get3A_99 = arith.index_cast %scan3A_68 : i32 to index
        %get3A_100 = arith.constant 32 : index
        %get3A_101 = tpu.vector_load %arg13[%get3A_99, %get3A_100] {strides = array<i32>} : memref<200x128xf32, #tpu.memory_space<vmem>>, vector<1x16xf32>,
        %get3A_102 = vector.shape_cast %get3A_101 : vector<1x16xf32> to vector<16xf32>
        %add3A_103 = arith.addf %get3A_98, %get3A_102 : vector<16xf32>
        %swap3A_104 = arith.index_cast %scan3A_68 : i32 to index
        %swap3A_105 = arith.constant 32 : index
        %swap3A_106 = tpu.vector_load %arg11[%swap3A_104, %swap3A_105] {strides = array<i32>} : memref<200x128xf32, #tpu.memory_space<vmem>>, vector<1x16xf32>,
        %swap3A_107 = vector.shape_cast %swap3A_106 : vector<1x16xf32> to vector<16xf32>
        %swap3A_108 = vector.shape_cast %add3A_103 : vector<16xf32> to vector<1x16xf32>
        tpu.vector_store %arg11[%swap3A_104, %swap3A_105], %swap3A_108 {strides = array<i32>} : memref<200x128xf32, #tpu.memory_space<vmem>>, vector<1x16xf32>,
        %get3A_109 = arith.index_cast %scan3A_68 : i32 to index
        %get3A_110 = arith.constant 48 : index
        %get3A_111 = tpu.vector_load %arg11[%get3A_109, %get3A_110] {strides = array<i32>} : memref<200x128xf32, #tpu.memory_space<vmem>>, vector<1x16xf32>,
        %get3A_112 = vector.shape_cast %get3A_111 : vector<1x16xf32> to vector<16xf32>
        %get3A_113 = arith.index_cast %scan3A_68 : i32 to index
        %get3A_114 = arith.constant 48 : index
        %get3A_115 = tpu.vector_load %arg13[%get3A_113, %get3A_114] {strides = array<i32>} : memref<200x128xf32, #tpu.memory_space<vmem>>, vector<1x16xf32>,
        %get3A_116 = vector.shape_cast %get3A_115 : vector<1x16xf32> to vector<16xf32>
        %add3A_117 = arith.addf %get3A_112, %get3A_116 : vector<16xf32>
        %swap3A_118 = arith.index_cast %scan3A_68 : i32 to index
        %swap3A_119 = arith.constant 48 : index
        %swap3A_120 = tpu.vector_load %arg11[%swap3A_118, %swap3A_119] {strides = array<i32>} : memref<200x128xf32, #tpu.memory_space<vmem>>, vector<1x16xf32>,
        %swap3A_121 = vector.shape_cast %swap3A_120 : vector<1x16xf32> to vector<16xf32>
        %swap3A_122 = vector.shape_cast %add3A_117 : vector<16xf32> to vector<1x16xf32>
        tpu.vector_store %arg11[%swap3A_118, %swap3A_119], %swap3A_122 {strides = array<i32>} : memref<200x128xf32, #tpu.memory_space<vmem>>, vector<1x16xf32>,
        %get3A_123 = arith.index_cast %scan3A_68 : i32 to index
        %get3A_124 = arith.constant 64 : index
        %get3A_125 = tpu.vector_load %arg11[%get3A_123, %get3A_124] {strides = array<i32>} : memref<200x128xf32, #tpu.memory_space<vmem>>, vector<1x16xf32>,
        %get3A_126 = vector.shape_cast %get3A_125 : vector<1x16xf32> to vector<16xf32>
        %get3A_127 = arith.index_cast %scan3A_68 : i32 to index
        %get3A_128 = arith.constant 64 : index
        %get3A_129 = tpu.vector_load %arg13[%get3A_127, %get3A_128] {strides = array<i32>} : memref<200x128xf32, #tpu.memory_space<vmem>>, vector<1x16xf32>,
        %get3A_130 = vector.shape_cast %get3A_129 : vector<1x16xf32> to vector<16xf32>
        %add3A_131 = arith.addf %get3A_126, %get3A_130 : vector<16xf32>
        %swap3A_132 = arith.index_cast %scan3A_68 : i32 to index
        %swap3A_133 = arith.constant 64 : index
        %swap3A_134 = tpu.vector_load %arg11[%swap3A_132, %swap3A_133] {strides = array<i32>} : memref<200x128xf32, #tpu.memory_space<vmem>>, vector<1x16xf32>,
        %swap3A_135 = vector.shape_cast %swap3A_134 : vector<1x16xf32> to vector<16xf32>
        %swap3A_136 = vector.shape_cast %add3A_131 : vector<16xf32> to vector<1x16xf32>
        tpu.vector_store %arg11[%swap3A_132, %swap3A_133], %swap3A_136 {strides = array<i32>} : memref<200x128xf32, #tpu.memory_space<vmem>>, vector<1x16xf32>,
        %get3A_137 = arith.index_cast %scan3A_68 : i32 to index
        %get3A_138 = arith.constant 80 : index
        %get3A_139 = tpu.vector_load %arg11[%get3A_137, %get3A_138] {strides = array<i32>} : memref<200x128xf32, #tpu.memory_space<vmem>>, vector<1x16xf32>,
        %get3A_140 = vector.shape_cast %get3A_139 : vector<1x16xf32> to vector<16xf32>
        %get3A_141 = arith.index_cast %scan3A_68 : i32 to index
        %get3A_142 = arith.constant 80 : index
        %get3A_143 = tpu.vector_load %arg13[%get3A_141, %get3A_142] {strides = array<i32>} : memref<200x128xf32, #tpu.memory_space<vmem>>, vector<1x16xf32>,
        %get3A_144 = vector.shape_cast %get3A_143 : vector<1x16xf32> to vector<16xf32>
        %add3A_145 = arith.addf %get3A_140, %get3A_144 : vector<16xf32>
        %swap3A_146 = arith.index_cast %scan3A_68 : i32 to index
        %swap3A_147 = arith.constant 80 : index
        %swap3A_148 = tpu.vector_load %arg11[%swap3A_146, %swap3A_147] {strides = array<i32>} : memref<200x128xf32, #tpu.memory_space<vmem>>, vector<1x16xf32>,
        %swap3A_149 = vector.shape_cast %swap3A_148 : vector<1x16xf32> to vector<16xf32>
        %swap3A_150 = vector.shape_cast %add3A_145 : vector<16xf32> to vector<1x16xf32>
        tpu.vector_store %arg11[%swap3A_146, %swap3A_147], %swap3A_150 {strides = array<i32>} : memref<200x128xf32, #tpu.memory_space<vmem>>, vector<1x16xf32>,
        %get3A_151 = arith.index_cast %scan3A_68 : i32 to index
        %get3A_152 = arith.constant 96 : index
        %get3A_153 = tpu.vector_load %arg11[%get3A_151, %get3A_152] {strides = array<i32>} : memref<200x128xf32, #tpu.memory_space<vmem>>, vector<1x16xf32>,
        %get3A_154 = vector.shape_cast %get3A_153 : vector<1x16xf32> to vector<16xf32>
        %get3A_155 = arith.index_cast %scan3A_68 : i32 to index
        %get3A_156 = arith.constant 96 : index
        %get3A_157 = tpu.vector_load %arg13[%get3A_155, %get3A_156] {strides = array<i32>} : memref<200x128xf32, #tpu.memory_space<vmem>>, vector<1x16xf32>,
        %get3A_158 = vector.shape_cast %get3A_157 : vector<1x16xf32> to vector<16xf32>
        %add3A_159 = arith.addf %get3A_154, %get3A_158 : vector<16xf32>
        %swap3A_160 = arith.index_cast %scan3A_68 : i32 to index
        %swap3A_161 = arith.constant 96 : index
        %swap3A_162 = tpu.vector_load %arg11[%swap3A_160, %swap3A_161] {strides = array<i32>} : memref<200x128xf32, #tpu.memory_space<vmem>>, vector<1x16xf32>,
        %swap3A_163 = vector.shape_cast %swap3A_162 : vector<1x16xf32> to vector<16xf32>
        %swap3A_164 = vector.shape_cast %add3A_159 : vector<16xf32> to vector<1x16xf32>
        tpu.vector_store %arg11[%swap3A_160, %swap3A_161], %swap3A_164 {strides = array<i32>} : memref<200x128xf32, #tpu.memory_space<vmem>>, vector<1x16xf32>,
        %get3A_165 = arith.index_cast %scan3A_68 : i32 to index
        %get3A_166 = arith.constant 112 : index
        %get3A_167 = tpu.vector_load %arg11[%get3A_165, %get3A_166] {strides = array<i32>} : memref<200x128xf32, #tpu.memory_space<vmem>>, vector<1x16xf32>,
        %get3A_168 = vector.shape_cast %get3A_167 : vector<1x16xf32> to vector<16xf32>
        %get3A_169 = arith.index_cast %scan3A_68 : i32 to index
        %get3A_170 = arith.constant 112 : index
        %get3A_171 = tpu.vector_load %arg13[%get3A_169, %get3A_170] {strides = array<i32>} : memref<200x128xf32, #tpu.memory_space<vmem>>, vector<1x16xf32>,
        %get3A_172 = vector.shape_cast %get3A_171 : vector<1x16xf32> to vector<16xf32>
        %add3A_173 = arith.addf %get3A_168, %get3A_172 : vector<16xf32>
        %swap3A_174 = arith.index_cast %scan3A_68 : i32 to index
        %swap3A_175 = arith.constant 112 : index
        %swap3A_176 = tpu.vector_load %arg11[%swap3A_174, %swap3A_175] {strides = array<i32>} : memref<200x128xf32, #tpu.memory_space<vmem>>, vector<1x16xf32>,
        %swap3A_177 = vector.shape_cast %swap3A_176 : vector<1x16xf32> to vector<16xf32>
        %swap3A_178 = vector.shape_cast %add3A_173 : vector<16xf32> to vector<1x16xf32>
        tpu.vector_store %arg11[%swap3A_174, %swap3A_175], %swap3A_178 {strides = array<i32>} : memref<200x128xf32, #tpu.memory_space<vmem>>, vector<1x16xf32>,
      }
      %scan3A_49 = arith.constant 200 : i32
      "tpu.region"() ({
        %run_scoped3A = tpu.sem_alloc : memref<!tpu.dma_semaphore, #tpu.memory_space<semaphore_mem>>
        %dma_start3A_68 = arith.constant 0 : i32
        %dma_start3A_69 = tpu.memref_slice %arg6[%arg0, %add3A_39, %dma_start3A_68] : memref<2x320000x128xf32, #tpu.memory_space<hbm>> -> memref<1x200x128xf32, #tpu.memory_space<hbm>>
        %dma_start3A_70 = tpu.memref_squeeze %dma_start3A_69 : memref<1x200x128xf32, #tpu.memory_space<hbm>> -> memref<200x128xf32, #tpu.memory_space<hbm>>
        %dma_start3A_71 = arith.constant 0 : i32
        %dma_start3A_72 = tpu.memref_slice %arg6[%arg0, %add3A_39, %dma_start3A_71] : memref<2x320000x128xf32, #tpu.memory_space<hbm>> -> memref<1x200x128xf32, #tpu.memory_space<hbm>>
        %dma_start3A_73 = tpu.memref_squeeze %dma_start3A_72 : memref<1x200x128xf32, #tpu.memory_space<hbm>> -> memref<200x128xf32, #tpu.memory_space<hbm>>
        tpu.enqueue_dma source(%arg11 : memref<200x128xf32, #tpu.memory_space<vmem>>) target(%dma_start3A_73 : memref<200x128xf32, #tpu.memory_space<hbm>>) target_semaphore(%run_scoped3A : memref<!tpu.dma_semaphore, #tpu.memory_space<semaphore_mem>>)
        %dma_wait3A_74 = arith.constant 0 : i32
        %dma_wait3A_75 = tpu.memref_slice %arg6[%arg0, %add3A_39, %dma_wait3A_74] : memref<2x320000x128xf32, #tpu.memory_space<hbm>> -> memref<1x200x128xf32, #tpu.memory_space<hbm>>
        %dma_wait3A_76 = tpu.memref_squeeze %dma_wait3A_75 : memref<1x200x128xf32, #tpu.memory_space<hbm>> -> memref<200x128xf32, #tpu.memory_space<hbm>>
        %dma_wait3A_77 = arith.constant 0 : i32
        %dma_wait3A_78 = tpu.memref_slice %arg6[%arg0, %add3A_39, %dma_wait3A_77] : memref<2x320000x128xf32, #tpu.memory_space<hbm>> -> memref<1x200x128xf32, #tpu.memory_space<hbm>>
        %dma_wait3A_79 = tpu.memref_squeeze %dma_wait3A_78 : memref<1x200x128xf32, #tpu.memory_space<hbm>> -> memref<200x128xf32, #tpu.memory_space<hbm>>
        tpu.wait_dma2 semaphore(%run_scoped3A : memref<!tpu.dma_semaphore, #tpu.memory_space<semaphore_mem>>) src(%arg11 : memref<200x128xf32, #tpu.memory_space<vmem>>) dst(%dma_wait3A_79 : memref<200x128xf32, #tpu.memory_space<hbm>>)
        tpu.yield
      }) : () -> ()
      %lt3A = arith.constant 49 : i32
      %lt3A_50 = arith.cmpi slt, %scan3A_17, %lt3A : i32
      %convert_element_type3A = arith.extui %lt3A_50 : i1 to i32
      %cond3A = arith.constant 0 : i32
      %cond3A_51 = arith.cmpi ne, %convert_element_type3A, %cond3A : i32
      scf.if %cond3A_51 {
        %add3A_68 = arith.constant 2 : i32
        %add3A_69 = arith.addi %mul3A_19, %add3A_68 : i32
        %mul3A_70 = arith.constant 200 : i32
        %mul3A_71 = arith.muli %add3A_69, %mul3A_70 : i32
        %add3A_72 = arith.addi %mul3A_0, %mul3A_71 : i32
        %mul3A_73 = arith.constant 320000 : i32
        %mul3A_74 = arith.muli %arg0, %mul3A_73 : i32
        %add3A_75 = arith.addi %mul3A_74, %add3A_72 : i32
        "tpu.region"() ({
          %run_scoped3A = tpu.sem_alloc : memref<!tpu.dma_semaphore, #tpu.memory_space<semaphore_mem>>
          %dma_start3A_85 = tpu.memref_slice %arg4[%add3A_75] : memref<640000xi32, #tpu.memory_space<hbm>> -> memref<200xi32, #tpu.memory_space<hbm>>
          %dma_start3A_86 = tpu.memref_slice %arg4[%add3A_75] : memref<640000xi32, #tpu.memory_space<hbm>> -> memref<200xi32, #tpu.memory_space<hbm>>
          tpu.enqueue_dma source(%dma_start3A_86 : memref<200xi32, #tpu.memory_space<hbm>>) target(%arg7 : memref<200xi32, #tpu.memory_space<vmem>>) target_semaphore(%run_scoped3A : memref<!tpu.dma_semaphore, #tpu.memory_space<semaphore_mem>>)
          %dma_wait3A_87 = tpu.memref_slice %arg4[%add3A_75] : memref<640000xi32, #tpu.memory_space<hbm>> -> memref<200xi32, #tpu.memory_space<hbm>>
          %dma_wait3A_88 = tpu.memref_slice %arg4[%add3A_75] : memref<640000xi32, #tpu.memory_space<hbm>> -> memref<200xi32, #tpu.memory_space<hbm>>
          tpu.wait_dma2 semaphore(%run_scoped3A : memref<!tpu.dma_semaphore, #tpu.memory_space<semaphore_mem>>) src(%dma_wait3A_88 : memref<200xi32, #tpu.memory_space<hbm>>) dst(%arg7 : memref<200xi32, #tpu.memory_space<vmem>>)
          tpu.yield
        }) : () -> ()
        %mul3A_76 = arith.constant 320000 : i32
        %mul3A_77 = arith.muli %arg0, %mul3A_76 : i32
        %add3A_78 = arith.addi %mul3A_77, %add3A_72 : i32
        "tpu.region"() ({
          %run_scoped3A = tpu.sem_alloc : memref<!tpu.dma_semaphore, #tpu.memory_space<semaphore_mem>>
          %dma_start3A_85 = tpu.memref_slice %arg5[%add3A_78] : memref<640000xi32, #tpu.memory_space<hbm>> -> memref<200xi32, #tpu.memory_space<hbm>>
          %dma_start3A_86 = tpu.memref_slice %arg5[%add3A_78] : memref<640000xi32, #tpu.memory_space<hbm>> -> memref<200xi32, #tpu.memory_space<hbm>>
          tpu.enqueue_dma source(%dma_start3A_86 : memref<200xi32, #tpu.memory_space<hbm>>) target(%arg9 : memref<200xi32, #tpu.memory_space<vmem>>) target_semaphore(%run_scoped3A : memref<!tpu.dma_semaphore, #tpu.memory_space<semaphore_mem>>)
          %dma_wait3A_87 = tpu.memref_slice %arg5[%add3A_78] : memref<640000xi32, #tpu.memory_space<hbm>> -> memref<200xi32, #tpu.memory_space<hbm>>
          %dma_wait3A_88 = tpu.memref_slice %arg5[%add3A_78] : memref<640000xi32, #tpu.memory_space<hbm>> -> memref<200xi32, #tpu.memory_space<hbm>>
          tpu.wait_dma2 semaphore(%run_scoped3A : memref<!tpu.dma_semaphore, #tpu.memory_space<semaphore_mem>>) src(%dma_wait3A_88 : memref<200xi32, #tpu.memory_space<hbm>>) dst(%arg9 : memref<200xi32, #tpu.memory_space<vmem>>)
          tpu.yield
        }) : () -> ()
        %dma_start3A_79 = arith.constant 0 : i32
        %dma_start3A_80 = arith.constant 0 : i32
        %dma_start3A_81 = tpu.memref_slice %arg2[%dma_start3A_79, %dma_start3A_80] : memref<20000x128xf32, #tpu.memory_space<hbm>> -> memref<20000x128xf32, #tpu.memory_space<hbm>>
        tpu.enqueue_indirect_dma source(%dma_start3A_81 : memref<20000x128xf32, #tpu.memory_space<hbm>>) target(%arg11 : memref<200x128xf32, #tpu.memory_space<vmem>>) offsets(%arg7 : memref<200xi32, #tpu.memory_space<vmem>>) semaphore(%arg15 : memref<!tpu.dma_semaphore, #tpu.memory_space<semaphore_mem>>)
        %dma_start3A_82 = arith.constant 0 : i32
        %dma_start3A_83 = arith.constant 0 : i32
        %dma_start3A_84 = tpu.memref_slice %arg3[%dma_start3A_82, %dma_start3A_83] : memref<20000x128xf32, #tpu.memory_space<hbm>> -> memref<20000x128xf32, #tpu.memory_space<hbm>>
        tpu.enqueue_indirect_dma source(%dma_start3A_84 : memref<20000x128xf32, #tpu.memory_space<hbm>>) target(%arg13 : memref<200x128xf32, #tpu.memory_space<vmem>>) offsets(%arg9 : memref<200xi32, #tpu.memory_space<vmem>>) semaphore(%arg17 : memref<!tpu.dma_semaphore, #tpu.memory_space<semaphore_mem>>)
      } else {
      }
      %add3A_52 = arith.constant 1 : i32
      %add3A_53 = arith.addi %mul3A_19, %add3A_52 : i32
      %mul3A_54 = arith.constant 200 : i32
      %mul3A_55 = arith.muli %add3A_53, %mul3A_54 : i32
      %add3A_56 = arith.addi %mul3A_0, %mul3A_55 : i32
      %dma_wait3A_57 = arith.constant 0 : i32
      %dma_wait3A_58 = arith.constant 0 : i32
      %dma_wait3A_59 = tpu.memref_slice %arg2[%dma_wait3A_57, %dma_wait3A_58] : memref<20000x128xf32, #tpu.memory_space<hbm>> -> memref<20000x128xf32, #tpu.memory_space<hbm>>
      tpu.wait_indirect_dma semaphore(%arg16 : memref<!tpu.dma_semaphore, #tpu.memory_space<semaphore_mem>>) src(%dma_wait3A_59 : memref<20000x128xf32, #tpu.memory_space<hbm>>) dst(%arg12 : memref<200x128xf32, #tpu.memory_space<vmem>>)
      %dma_wait3A_60 = arith.constant 0 : i32
      %dma_wait3A_61 = arith.constant 0 : i32
      %dma_wait3A_62 = tpu.memref_slice %arg3[%dma_wait3A_60, %dma_wait3A_61] : memref<20000x128xf32, #tpu.memory_space<hbm>> -> memref<20000x128xf32, #tpu.memory_space<hbm>>
      tpu.wait_indirect_dma semaphore(%arg18 : memref<!tpu.dma_semaphore, #tpu.memory_space<semaphore_mem>>) src(%dma_wait3A_62 : memref<20000x128xf32, #tpu.memory_space<hbm>>) dst(%arg14 : memref<200x128xf32, #tpu.memory_space<vmem>>)
      %scan3A_63 = arith.constant 0 : i32
      %scan3A_64 = arith.constant 200 : i32
      %scan3A_65 = arith.addi %scan3A_63, %scan3A_64 : i32
      %scan3A_66 = arith.constant 1 : i32
      scf.for %scan3A_68 = %scan3A_63 to %scan3A_65 step %scan3A_66  : i32 {
        %get3A = arith.index_cast %scan3A_68 : i32 to index
        %get3A_69 = arith.constant 0 : index
        %get3A_70 = tpu.vector_load %arg12[%get3A, %get3A_69] {strides = array<i32>} : memref<200x128xf32, #tpu.memory_space<vmem>>, vector<1x16xf32>,
        %get3A_71 = vector.shape_cast %get3A_70 : vector<1x16xf32> to vector<16xf32>
        %get3A_72 = arith.index_cast %scan3A_68 : i32 to index
        %get3A_73 = arith.constant 0 : index
        %get3A_74 = tpu.vector_load %arg14[%get3A_72, %get3A_73] {strides = array<i32>} : memref<200x128xf32, #tpu.memory_space<vmem>>, vector<1x16xf32>,
        %get3A_75 = vector.shape_cast %get3A_74 : vector<1x16xf32> to vector<16xf32>
        %add3A_76 = arith.addf %get3A_71, %get3A_75 : vector<16xf32>
        %swap3A = arith.index_cast %scan3A_68 : i32 to index
        %swap3A_77 = arith.constant 0 : index
        %swap3A_78 = tpu.vector_load %arg12[%swap3A, %swap3A_77] {strides = array<i32>} : memref<200x128xf32, #tpu.memory_space<vmem>>, vector<1x16xf32>,
        %swap3A_79 = vector.shape_cast %swap3A_78 : vector<1x16xf32> to vector<16xf32>
        %swap3A_80 = vector.shape_cast %add3A_76 : vector<16xf32> to vector<1x16xf32>
        tpu.vector_store %arg12[%swap3A, %swap3A_77], %swap3A_80 {strides = array<i32>} : memref<200x128xf32, #tpu.memory_space<vmem>>, vector<1x16xf32>,
        %get3A_81 = arith.index_cast %scan3A_68 : i32 to index
        %get3A_82 = arith.constant 16 : index
        %get3A_83 = tpu.vector_load %arg12[%get3A_81, %get3A_82] {strides = array<i32>} : memref<200x128xf32, #tpu.memory_space<vmem>>, vector<1x16xf32>,
        %get3A_84 = vector.shape_cast %get3A_83 : vector<1x16xf32> to vector<16xf32>
        %get3A_85 = arith.index_cast %scan3A_68 : i32 to index
        %get3A_86 = arith.constant 16 : index
        %get3A_87 = tpu.vector_load %arg14[%get3A_85, %get3A_86] {strides = array<i32>} : memref<200x128xf32, #tpu.memory_space<vmem>>, vector<1x16xf32>,
        %get3A_88 = vector.shape_cast %get3A_87 : vector<1x16xf32> to vector<16xf32>
        %add3A_89 = arith.addf %get3A_84, %get3A_88 : vector<16xf32>
        %swap3A_90 = arith.index_cast %scan3A_68 : i32 to index
        %swap3A_91 = arith.constant 16 : index
        %swap3A_92 = tpu.vector_load %arg12[%swap3A_90, %swap3A_91] {strides = array<i32>} : memref<200x128xf32, #tpu.memory_space<vmem>>, vector<1x16xf32>,
        %swap3A_93 = vector.shape_cast %swap3A_92 : vector<1x16xf32> to vector<16xf32>
        %swap3A_94 = vector.shape_cast %add3A_89 : vector<16xf32> to vector<1x16xf32>
        tpu.vector_store %arg12[%swap3A_90, %swap3A_91], %swap3A_94 {strides = array<i32>} : memref<200x128xf32, #tpu.memory_space<vmem>>, vector<1x16xf32>,
        %get3A_95 = arith.index_cast %scan3A_68 : i32 to index
        %get3A_96 = arith.constant 32 : index
        %get3A_97 = tpu.vector_load %arg12[%get3A_95, %get3A_96] {strides = array<i32>} : memref<200x128xf32, #tpu.memory_space<vmem>>, vector<1x16xf32>,
        %get3A_98 = vector.shape_cast %get3A_97 : vector<1x16xf32> to vector<16xf32>
        %get3A_99 = arith.index_cast %scan3A_68 : i32 to index
        %get3A_100 = arith.constant 32 : index
        %get3A_101 = tpu.vector_load %arg14[%get3A_99, %get3A_100] {strides = array<i32>} : memref<200x128xf32, #tpu.memory_space<vmem>>, vector<1x16xf32>,
        %get3A_102 = vector.shape_cast %get3A_101 : vector<1x16xf32> to vector<16xf32>
        %add3A_103 = arith.addf %get3A_98, %get3A_102 : vector<16xf32>
        %swap3A_104 = arith.index_cast %scan3A_68 : i32 to index
        %swap3A_105 = arith.constant 32 : index
        %swap3A_106 = tpu.vector_load %arg12[%swap3A_104, %swap3A_105] {strides = array<i32>} : memref<200x128xf32, #tpu.memory_space<vmem>>, vector<1x16xf32>,
        %swap3A_107 = vector.shape_cast %swap3A_106 : vector<1x16xf32> to vector<16xf32>
        %swap3A_108 = vector.shape_cast %add3A_103 : vector<16xf32> to vector<1x16xf32>
        tpu.vector_store %arg12[%swap3A_104, %swap3A_105], %swap3A_108 {strides = array<i32>} : memref<200x128xf32, #tpu.memory_space<vmem>>, vector<1x16xf32>,
        %get3A_109 = arith.index_cast %scan3A_68 : i32 to index
        %get3A_110 = arith.constant 48 : index
        %get3A_111 = tpu.vector_load %arg12[%get3A_109, %get3A_110] {strides = array<i32>} : memref<200x128xf32, #tpu.memory_space<vmem>>, vector<1x16xf32>,
        %get3A_112 = vector.shape_cast %get3A_111 : vector<1x16xf32> to vector<16xf32>
        %get3A_113 = arith.index_cast %scan3A_68 : i32 to index
        %get3A_114 = arith.constant 48 : index
        %get3A_115 = tpu.vector_load %arg14[%get3A_113, %get3A_114] {strides = array<i32>} : memref<200x128xf32, #tpu.memory_space<vmem>>, vector<1x16xf32>,
        %get3A_116 = vector.shape_cast %get3A_115 : vector<1x16xf32> to vector<16xf32>
        %add3A_117 = arith.addf %get3A_112, %get3A_116 : vector<16xf32>
        %swap3A_118 = arith.index_cast %scan3A_68 : i32 to index
        %swap3A_119 = arith.constant 48 : index
        %swap3A_120 = tpu.vector_load %arg12[%swap3A_118, %swap3A_119] {strides = array<i32>} : memref<200x128xf32, #tpu.memory_space<vmem>>, vector<1x16xf32>,
        %swap3A_121 = vector.shape_cast %swap3A_120 : vector<1x16xf32> to vector<16xf32>
        %swap3A_122 = vector.shape_cast %add3A_117 : vector<16xf32> to vector<1x16xf32>
        tpu.vector_store %arg12[%swap3A_118, %swap3A_119], %swap3A_122 {strides = array<i32>} : memref<200x128xf32, #tpu.memory_space<vmem>>, vector<1x16xf32>,
        %get3A_123 = arith.index_cast %scan3A_68 : i32 to index
        %get3A_124 = arith.constant 64 : index
        %get3A_125 = tpu.vector_load %arg12[%get3A_123, %get3A_124] {strides = array<i32>} : memref<200x128xf32, #tpu.memory_space<vmem>>, vector<1x16xf32>,
        %get3A_126 = vector.shape_cast %get3A_125 : vector<1x16xf32> to vector<16xf32>
        %get3A_127 = arith.index_cast %scan3A_68 : i32 to index
        %get3A_128 = arith.constant 64 : index
        %get3A_129 = tpu.vector_load %arg14[%get3A_127, %get3A_128] {strides = array<i32>} : memref<200x128xf32, #tpu.memory_space<vmem>>, vector<1x16xf32>,
        %get3A_130 = vector.shape_cast %get3A_129 : vector<1x16xf32> to vector<16xf32>
        %add3A_131 = arith.addf %get3A_126, %get3A_130 : vector<16xf32>
        %swap3A_132 = arith.index_cast %scan3A_68 : i32 to index
        %swap3A_133 = arith.constant 64 : index
        %swap3A_134 = tpu.vector_load %arg12[%swap3A_132, %swap3A_133] {strides = array<i32>} : memref<200x128xf32, #tpu.memory_space<vmem>>, vector<1x16xf32>,
        %swap3A_135 = vector.shape_cast %swap3A_134 : vector<1x16xf32> to vector<16xf32>
        %swap3A_136 = vector.shape_cast %add3A_131 : vector<16xf32> to vector<1x16xf32>
        tpu.vector_store %arg12[%swap3A_132, %swap3A_133], %swap3A_136 {strides = array<i32>} : memref<200x128xf32, #tpu.memory_space<vmem>>, vector<1x16xf32>,
        %get3A_137 = arith.index_cast %scan3A_68 : i32 to index
        %get3A_138 = arith.constant 80 : index
        %get3A_139 = tpu.vector_load %arg12[%get3A_137, %get3A_138] {strides = array<i32>} : memref<200x128xf32, #tpu.memory_space<vmem>>, vector<1x16xf32>,
        %get3A_140 = vector.shape_cast %get3A_139 : vector<1x16xf32> to vector<16xf32>
        %get3A_141 = arith.index_cast %scan3A_68 : i32 to index
        %get3A_142 = arith.constant 80 : index
        %get3A_143 = tpu.vector_load %arg14[%get3A_141, %get3A_142] {strides = array<i32>} : memref<200x128xf32, #tpu.memory_space<vmem>>, vector<1x16xf32>,
        %get3A_144 = vector.shape_cast %get3A_143 : vector<1x16xf32> to vector<16xf32>
        %add3A_145 = arith.addf %get3A_140, %get3A_144 : vector<16xf32>
        %swap3A_146 = arith.index_cast %scan3A_68 : i32 to index
        %swap3A_147 = arith.constant 80 : index
        %swap3A_148 = tpu.vector_load %arg12[%swap3A_146, %swap3A_147] {strides = array<i32>} : memref<200x128xf32, #tpu.memory_space<vmem>>, vector<1x16xf32>,
        %swap3A_149 = vector.shape_cast %swap3A_148 : vector<1x16xf32> to vector<16xf32>
        %swap3A_150 = vector.shape_cast %add3A_145 : vector<16xf32> to vector<1x16xf32>
        tpu.vector_store %arg12[%swap3A_146, %swap3A_147], %swap3A_150 {strides = array<i32>} : memref<200x128xf32, #tpu.memory_space<vmem>>, vector<1x16xf32>,
        %get3A_151 = arith.index_cast %scan3A_68 : i32 to index
        %get3A_152 = arith.constant 96 : index
        %get3A_153 = tpu.vector_load %arg12[%get3A_151, %get3A_152] {strides = array<i32>} : memref<200x128xf32, #tpu.memory_space<vmem>>, vector<1x16xf32>,
        %get3A_154 = vector.shape_cast %get3A_153 : vector<1x16xf32> to vector<16xf32>
        %get3A_155 = arith.index_cast %scan3A_68 : i32 to index
        %get3A_156 = arith.constant 96 : index
        %get3A_157 = tpu.vector_load %arg14[%get3A_155, %get3A_156] {strides = array<i32>} : memref<200x128xf32, #tpu.memory_space<vmem>>, vector<1x16xf32>,
        %get3A_158 = vector.shape_cast %get3A_157 : vector<1x16xf32> to vector<16xf32>
        %add3A_159 = arith.addf %get3A_154, %get3A_158 : vector<16xf32>
        %swap3A_160 = arith.index_cast %scan3A_68 : i32 to index
        %swap3A_161 = arith.constant 96 : index
        %swap3A_162 = tpu.vector_load %arg12[%swap3A_160, %swap3A_161] {strides = array<i32>} : memref<200x128xf32, #tpu.memory_space<vmem>>, vector<1x16xf32>,
        %swap3A_163 = vector.shape_cast %swap3A_162 : vector<1x16xf32> to vector<16xf32>
        %swap3A_164 = vector.shape_cast %add3A_159 : vector<16xf32> to vector<1x16xf32>
        tpu.vector_store %arg12[%swap3A_160, %swap3A_161], %swap3A_164 {strides = array<i32>} : memref<200x128xf32, #tpu.memory_space<vmem>>, vector<1x16xf32>,
        %get3A_165 = arith.index_cast %scan3A_68 : i32 to index
        %get3A_166 = arith.constant 112 : index
        %get3A_167 = tpu.vector_load %arg12[%get3A_165, %get3A_166] {strides = array<i32>} : memref<200x128xf32, #tpu.memory_space<vmem>>, vector<1x16xf32>,
        %get3A_168 = vector.shape_cast %get3A_167 : vector<1x16xf32> to vector<16xf32>
        %get3A_169 = arith.index_cast %scan3A_68 : i32 to index
        %get3A_170 = arith.constant 112 : index
        %get3A_171 = tpu.vector_load %arg14[%get3A_169, %get3A_170] {strides = array<i32>} : memref<200x128xf32, #tpu.memory_space<vmem>>, vector<1x16xf32>,
        %get3A_172 = vector.shape_cast %get3A_171 : vector<1x16xf32> to vector<16xf32>
        %add3A_173 = arith.addf %get3A_168, %get3A_172 : vector<16xf32>
        %swap3A_174 = arith.index_cast %scan3A_68 : i32 to index
        %swap3A_175 = arith.constant 112 : index
        %swap3A_176 = tpu.vector_load %arg12[%swap3A_174, %swap3A_175] {strides = array<i32>} : memref<200x128xf32, #tpu.memory_space<vmem>>, vector<1x16xf32>,
        %swap3A_177 = vector.shape_cast %swap3A_176 : vector<1x16xf32> to vector<16xf32>
        %swap3A_178 = vector.shape_cast %add3A_173 : vector<16xf32> to vector<1x16xf32>
        tpu.vector_store %arg12[%swap3A_174, %swap3A_175], %swap3A_178 {strides = array<i32>} : memref<200x128xf32, #tpu.memory_space<vmem>>, vector<1x16xf32>,
      }
      %scan3A_67 = arith.constant 200 : i32
      "tpu.region"() ({
        %run_scoped3A = tpu.sem_alloc : memref<!tpu.dma_semaphore, #tpu.memory_space<semaphore_mem>>
        %dma_start3A_68 = arith.constant 0 : i32
        %dma_start3A_69 = tpu.memref_slice %arg6[%arg0, %add3A_56, %dma_start3A_68] : memref<2x320000x128xf32, #tpu.memory_space<hbm>> -> memref<1x200x128xf32, #tpu.memory_space<hbm>>
        %dma_start3A_70 = tpu.memref_squeeze %dma_start3A_69 : memref<1x200x128xf32, #tpu.memory_space<hbm>> -> memref<200x128xf32, #tpu.memory_space<hbm>>
        %dma_start3A_71 = arith.constant 0 : i32
        %dma_start3A_72 = tpu.memref_slice %arg6[%arg0, %add3A_56, %dma_start3A_71] : memref<2x320000x128xf32, #tpu.memory_space<hbm>> -> memref<1x200x128xf32, #tpu.memory_space<hbm>>
        %dma_start3A_73 = tpu.memref_squeeze %dma_start3A_72 : memref<1x200x128xf32, #tpu.memory_space<hbm>> -> memref<200x128xf32, #tpu.memory_space<hbm>>
        tpu.enqueue_dma source(%arg12 : memref<200x128xf32, #tpu.memory_space<vmem>>) target(%dma_start3A_73 : memref<200x128xf32, #tpu.memory_space<hbm>>) target_semaphore(%run_scoped3A : memref<!tpu.dma_semaphore, #tpu.memory_space<semaphore_mem>>)
        %dma_wait3A_74 = arith.constant 0 : i32
        %dma_wait3A_75 = tpu.memref_slice %arg6[%arg0, %add3A_56, %dma_wait3A_74] : memref<2x320000x128xf32, #tpu.memory_space<hbm>> -> memref<1x200x128xf32, #tpu.memory_space<hbm>>
        %dma_wait3A_76 = tpu.memref_squeeze %dma_wait3A_75 : memref<1x200x128xf32, #tpu.memory_space<hbm>> -> memref<200x128xf32, #tpu.memory_space<hbm>>
        %dma_wait3A_77 = arith.constant 0 : i32
        %dma_wait3A_78 = tpu.memref_slice %arg6[%arg0, %add3A_56, %dma_wait3A_77] : memref<2x320000x128xf32, #tpu.memory_space<hbm>> -> memref<1x200x128xf32, #tpu.memory_space<hbm>>
        %dma_wait3A_79 = tpu.memref_squeeze %dma_wait3A_78 : memref<1x200x128xf32, #tpu.memory_space<hbm>> -> memref<200x128xf32, #tpu.memory_space<hbm>>
        tpu.wait_dma2 semaphore(%run_scoped3A : memref<!tpu.dma_semaphore, #tpu.memory_space<semaphore_mem>>) src(%arg12 : memref<200x128xf32, #tpu.memory_space<vmem>>) dst(%dma_wait3A_79 : memref<200x128xf32, #tpu.memory_space<hbm>>)
        tpu.yield
      }) : () -> ()
    }
    %scan3A_16 = arith.constant 50 : i32
    return
  }
}

#map = affine_map<(d0, d1) -> (0, 0)>
#map1 = affine_map<(d0, d1) -> (0)>
module attributes {stable_mosaic.version = 14 : i64} {
  func.func @_colsplit_scatter(%arg0: i32, %arg1: i32, %arg2: memref<20000x128xf32, #tpu.memory_space<hbm>>, %arg3: memref<640000xi32, #tpu.memory_space<hbm>>, %arg4: memref<320000xi32, #tpu.memory_space<hbm>>, %arg5: memref<10000x128xf32, #tpu.memory_space<hbm>>, %arg6: memref<10000x256xf32, #tpu.memory_space<hbm>>, %arg7: memref<80xi32, #tpu.memory_space<vmem>>, %arg8: memref<80xi32, #tpu.memory_space<vmem>>, %arg9: memref<80xi32, #tpu.memory_space<vmem>>, %arg10: memref<80xi32, #tpu.memory_space<vmem>>, %arg11: memref<80x128xf32, #tpu.memory_space<vmem>>, %arg12: memref<80x128xf32, #tpu.memory_space<vmem>>, %arg13: memref<10000x128xf32, #tpu.memory_space<vmem_shared>>, %arg14: memref<!tpu.dma_semaphore, #tpu.memory_space<semaphore_mem>>, %arg15: memref<!tpu.dma_semaphore, #tpu.memory_space<semaphore_mem>>) attributes {dimension_semantics = [#tpu.dimension_semantics<core_parallel>, #tpu.dimension_semantics<subcore_parallel>], iteration_bounds = array<i64: 2, 16>, scalar_prefetch = 0 : i64, scratch_operands = 9 : i64, tpu.core_type = #tpu.core_type<sc_vector_subcore>, window_params = [{transform_indices = #map}, {transform_indices = #map1}, {transform_indices = #map1}, {transform_indices = #map}, {transform_indices = #map}]} {
    %lt3A = arith.constant 15 : i32
    %lt3A_0 = arith.cmpi slt, %arg1, %lt3A : i32
    %convert_element_type3A = arith.extui %lt3A_0 : i1 to i32
    %cond3A = arith.constant 0 : i32
    %cond3A_1 = arith.cmpi ne, %convert_element_type3A, %cond3A : i32
    scf.if %cond3A_1 {
      %mul3A_28 = arith.constant 632 : i32
      %mul3A_29 = arith.muli %arg1, %mul3A_28 : i32
      %multiple_of3A = tpu.assume_multiple %mul3A_29, 8 : i32
      "tpu.region"() ({
        %run_scoped3A = tpu.sem_alloc : memref<!tpu.dma_semaphore, #tpu.memory_space<semaphore_mem>>
        %dma_start3A_30 = arith.constant 0 : i32
        %dma_start3A_31 = tpu.memref_slice %arg13[%multiple_of3A, %dma_start3A_30] : memref<10000x128xf32, #tpu.memory_space<vmem_shared>> -> memref<632x128xf32, #tpu.memory_space<vmem_shared>>
        %dma_start3A_32 = arith.constant 0 : i32
        %dma_start3A_33 = tpu.memref_slice %arg5[%multiple_of3A, %dma_start3A_32] : memref<10000x128xf32, #tpu.memory_space<hbm>> -> memref<632x128xf32, #tpu.memory_space<hbm>>
        tpu.enqueue_dma source(%dma_start3A_33 : memref<632x128xf32, #tpu.memory_space<hbm>>) target(%dma_start3A_31 : memref<632x128xf32, #tpu.memory_space<vmem_shared>>) target_semaphore(%run_scoped3A : memref<!tpu.dma_semaphore, #tpu.memory_space<semaphore_mem>>)
        %dma_wait3A = arith.constant 0 : i32
        %dma_wait3A_34 = tpu.memref_slice %arg13[%multiple_of3A, %dma_wait3A] : memref<10000x128xf32, #tpu.memory_space<vmem_shared>> -> memref<632x128xf32, #tpu.memory_space<vmem_shared>>
        %dma_wait3A_35 = arith.constant 0 : i32
        %dma_wait3A_36 = tpu.memref_slice %arg5[%multiple_of3A, %dma_wait3A_35] : memref<10000x128xf32, #tpu.memory_space<hbm>> -> memref<632x128xf32, #tpu.memory_space<hbm>>
        tpu.wait_dma2 semaphore(%run_scoped3A : memref<!tpu.dma_semaphore, #tpu.memory_space<semaphore_mem>>) src(%dma_wait3A_36 : memref<632x128xf32, #tpu.memory_space<hbm>>) dst(%dma_wait3A_34 : memref<632x128xf32, #tpu.memory_space<vmem_shared>>)
        tpu.yield
      }) : () -> ()
    } else {
    }
    %eq3A = arith.constant 15 : i32
    %eq3A_2 = arith.cmpi eq, %arg1, %eq3A : i32
    %convert_element_type3A_3 = arith.extui %eq3A_2 : i1 to i32
    %cond3A_4 = arith.constant 0 : i32
    %cond3A_5 = arith.cmpi ne, %convert_element_type3A_3, %cond3A_4 : i32
    scf.if %cond3A_5 {
      "tpu.region"() ({
        %run_scoped3A = tpu.sem_alloc : memref<!tpu.dma_semaphore, #tpu.memory_space<semaphore_mem>>
        %dma_start3A_28 = arith.constant 9480 : i32
        %dma_start3A_29 = arith.constant 0 : i32
        %dma_start3A_30 = tpu.memref_slice %arg13[%dma_start3A_28, %dma_start3A_29] : memref<10000x128xf32, #tpu.memory_space<vmem_shared>> -> memref<520x128xf32, #tpu.memory_space<vmem_shared>>
        %dma_start3A_31 = arith.constant 9480 : i32
        %dma_start3A_32 = arith.constant 0 : i32
        %dma_start3A_33 = tpu.memref_slice %arg5[%dma_start3A_31, %dma_start3A_32] : memref<10000x128xf32, #tpu.memory_space<hbm>> -> memref<520x128xf32, #tpu.memory_space<hbm>>
        tpu.enqueue_dma source(%dma_start3A_33 : memref<520x128xf32, #tpu.memory_space<hbm>>) target(%dma_start3A_30 : memref<520x128xf32, #tpu.memory_space<vmem_shared>>) target_semaphore(%run_scoped3A : memref<!tpu.dma_semaphore, #tpu.memory_space<semaphore_mem>>)
        %dma_wait3A = arith.constant 9480 : i32
        %dma_wait3A_34 = arith.constant 0 : i32
        %dma_wait3A_35 = tpu.memref_slice %arg13[%dma_wait3A, %dma_wait3A_34] : memref<10000x128xf32, #tpu.memory_space<vmem_shared>> -> memref<520x128xf32, #tpu.memory_space<vmem_shared>>
        %dma_wait3A_36 = arith.constant 9480 : i32
        %dma_wait3A_37 = arith.constant 0 : i32
        %dma_wait3A_38 = tpu.memref_slice %arg5[%dma_wait3A_36, %dma_wait3A_37] : memref<10000x128xf32, #tpu.memory_space<hbm>> -> memref<520x128xf32, #tpu.memory_space<hbm>>
        tpu.wait_dma2 semaphore(%run_scoped3A : memref<!tpu.dma_semaphore, #tpu.memory_space<semaphore_mem>>) src(%dma_wait3A_38 : memref<520x128xf32, #tpu.memory_space<hbm>>) dst(%dma_wait3A_35 : memref<520x128xf32, #tpu.memory_space<vmem_shared>>)
        tpu.yield
      }) : () -> ()
    } else {
    }
    %barrier3A = arith.constant 0 : index
    tpu.barrier barrier_id(%barrier3A)
    %mul3A = arith.constant 20000 : i32
    %mul3A_6 = arith.muli %arg1, %mul3A : i32
    %add3A = arith.constant 0 : i32
    %add3A_7 = arith.addi %mul3A_6, %add3A : i32
    %mul3A_8 = arith.constant 320000 : i32
    %mul3A_9 = arith.muli %arg0, %mul3A_8 : i32
    %add3A_10 = arith.addi %mul3A_9, %add3A_7 : i32
    "tpu.region"() ({
      %run_scoped3A = tpu.sem_alloc : memref<!tpu.dma_semaphore, #tpu.memory_space<semaphore_mem>>
      %dma_start3A_28 = tpu.memref_slice %arg3[%add3A_10] : memref<640000xi32, #tpu.memory_space<hbm>> -> memref<80xi32, #tpu.memory_space<hbm>>
      %dma_start3A_29 = tpu.memref_slice %arg3[%add3A_10] : memref<640000xi32, #tpu.memory_space<hbm>> -> memref<80xi32, #tpu.memory_space<hbm>>
      tpu.enqueue_dma source(%dma_start3A_29 : memref<80xi32, #tpu.memory_space<hbm>>) target(%arg7 : memref<80xi32, #tpu.memory_space<vmem>>) target_semaphore(%run_scoped3A : memref<!tpu.dma_semaphore, #tpu.memory_space<semaphore_mem>>)
      %dma_wait3A = tpu.memref_slice %arg3[%add3A_10] : memref<640000xi32, #tpu.memory_space<hbm>> -> memref<80xi32, #tpu.memory_space<hbm>>
      %dma_wait3A_30 = tpu.memref_slice %arg3[%add3A_10] : memref<640000xi32, #tpu.memory_space<hbm>> -> memref<80xi32, #tpu.memory_space<hbm>>
      tpu.wait_dma2 semaphore(%run_scoped3A : memref<!tpu.dma_semaphore, #tpu.memory_space<semaphore_mem>>) src(%dma_wait3A_30 : memref<80xi32, #tpu.memory_space<hbm>>) dst(%arg7 : memref<80xi32, #tpu.memory_space<vmem>>)
      tpu.yield
    }) : () -> ()
    "tpu.region"() ({
      %run_scoped3A = tpu.sem_alloc : memref<!tpu.dma_semaphore, #tpu.memory_space<semaphore_mem>>
      %dma_start3A_28 = tpu.memref_slice %arg4[%add3A_7] : memref<320000xi32, #tpu.memory_space<hbm>> -> memref<80xi32, #tpu.memory_space<hbm>>
      %dma_start3A_29 = tpu.memref_slice %arg4[%add3A_7] : memref<320000xi32, #tpu.memory_space<hbm>> -> memref<80xi32, #tpu.memory_space<hbm>>
      tpu.enqueue_dma source(%dma_start3A_29 : memref<80xi32, #tpu.memory_space<hbm>>) target(%arg9 : memref<80xi32, #tpu.memory_space<vmem>>) target_semaphore(%run_scoped3A : memref<!tpu.dma_semaphore, #tpu.memory_space<semaphore_mem>>)
      %dma_wait3A = tpu.memref_slice %arg4[%add3A_7] : memref<320000xi32, #tpu.memory_space<hbm>> -> memref<80xi32, #tpu.memory_space<hbm>>
      %dma_wait3A_30 = tpu.memref_slice %arg4[%add3A_7] : memref<320000xi32, #tpu.memory_space<hbm>> -> memref<80xi32, #tpu.memory_space<hbm>>
      tpu.wait_dma2 semaphore(%run_scoped3A : memref<!tpu.dma_semaphore, #tpu.memory_space<semaphore_mem>>) src(%dma_wait3A_30 : memref<80xi32, #tpu.memory_space<hbm>>) dst(%arg9 : memref<80xi32, #tpu.memory_space<vmem>>)
      tpu.yield
    }) : () -> ()
    %dma_start3A = arith.constant 0 : i32
    %dma_start3A_11 = arith.constant 0 : i32
    %dma_start3A_12 = tpu.memref_slice %arg2[%dma_start3A, %dma_start3A_11] : memref<20000x128xf32, #tpu.memory_space<hbm>> -> memref<20000x128xf32, #tpu.memory_space<hbm>>
    tpu.enqueue_indirect_dma source(%dma_start3A_12 : memref<20000x128xf32, #tpu.memory_space<hbm>>) target(%arg11 : memref<80x128xf32, #tpu.memory_space<vmem>>) offsets(%arg7 : memref<80xi32, #tpu.memory_space<vmem>>) semaphore(%arg14 : memref<!tpu.dma_semaphore, #tpu.memory_space<semaphore_mem>>)
    %scan3A = arith.constant 0 : i32
    %scan3A_13 = arith.constant 125 : i32
    %scan3A_14 = arith.addi %scan3A, %scan3A_13 : i32
    %scan3A_15 = arith.constant 1 : i32
    scf.for %scan3A_28 = %scan3A to %scan3A_14 step %scan3A_15  : i32 {
      %mul3A_29 = arith.constant 2 : i32
      %mul3A_30 = arith.muli %mul3A_29, %scan3A_28 : i32
      %add3A_31 = arith.constant 1 : i32
      %add3A_32 = arith.addi %mul3A_30, %add3A_31 : i32
      %mul3A_33 = arith.constant 80 : i32
      %mul3A_34 = arith.muli %add3A_32, %mul3A_33 : i32
      %add3A_35 = arith.addi %mul3A_6, %mul3A_34 : i32
      %mul3A_36 = arith.constant 320000 : i32
      %mul3A_37 = arith.muli %arg0, %mul3A_36 : i32
      %add3A_38 = arith.addi %mul3A_37, %add3A_35 : i32
      "tpu.region"() ({
        %run_scoped3A = tpu.sem_alloc : memref<!tpu.dma_semaphore, #tpu.memory_space<semaphore_mem>>
        %dma_start3A_54 = tpu.memref_slice %arg3[%add3A_38] : memref<640000xi32, #tpu.memory_space<hbm>> -> memref<80xi32, #tpu.memory_space<hbm>>
        %dma_start3A_55 = tpu.memref_slice %arg3[%add3A_38] : memref<640000xi32, #tpu.memory_space<hbm>> -> memref<80xi32, #tpu.memory_space<hbm>>
        tpu.enqueue_dma source(%dma_start3A_55 : memref<80xi32, #tpu.memory_space<hbm>>) target(%arg8 : memref<80xi32, #tpu.memory_space<vmem>>) target_semaphore(%run_scoped3A : memref<!tpu.dma_semaphore, #tpu.memory_space<semaphore_mem>>)
        %dma_wait3A_56 = tpu.memref_slice %arg3[%add3A_38] : memref<640000xi32, #tpu.memory_space<hbm>> -> memref<80xi32, #tpu.memory_space<hbm>>
        %dma_wait3A_57 = tpu.memref_slice %arg3[%add3A_38] : memref<640000xi32, #tpu.memory_space<hbm>> -> memref<80xi32, #tpu.memory_space<hbm>>
        tpu.wait_dma2 semaphore(%run_scoped3A : memref<!tpu.dma_semaphore, #tpu.memory_space<semaphore_mem>>) src(%dma_wait3A_57 : memref<80xi32, #tpu.memory_space<hbm>>) dst(%arg8 : memref<80xi32, #tpu.memory_space<vmem>>)
        tpu.yield
      }) : () -> ()
      "tpu.region"() ({
        %run_scoped3A = tpu.sem_alloc : memref<!tpu.dma_semaphore, #tpu.memory_space<semaphore_mem>>
        %dma_start3A_54 = tpu.memref_slice %arg4[%add3A_35] : memref<320000xi32, #tpu.memory_space<hbm>> -> memref<80xi32, #tpu.memory_space<hbm>>
        %dma_start3A_55 = tpu.memref_slice %arg4[%add3A_35] : memref<320000xi32, #tpu.memory_space<hbm>> -> memref<80xi32, #tpu.memory_space<hbm>>
        tpu.enqueue_dma source(%dma_start3A_55 : memref<80xi32, #tpu.memory_space<hbm>>) target(%arg10 : memref<80xi32, #tpu.memory_space<vmem>>) target_semaphore(%run_scoped3A : memref<!tpu.dma_semaphore, #tpu.memory_space<semaphore_mem>>)
        %dma_wait3A_56 = tpu.memref_slice %arg4[%add3A_35] : memref<320000xi32, #tpu.memory_space<hbm>> -> memref<80xi32, #tpu.memory_space<hbm>>
        %dma_wait3A_57 = tpu.memref_slice %arg4[%add3A_35] : memref<320000xi32, #tpu.memory_space<hbm>> -> memref<80xi32, #tpu.memory_space<hbm>>
        tpu.wait_dma2 semaphore(%run_scoped3A : memref<!tpu.dma_semaphore, #tpu.memory_space<semaphore_mem>>) src(%dma_wait3A_57 : memref<80xi32, #tpu.memory_space<hbm>>) dst(%arg10 : memref<80xi32, #tpu.memory_space<vmem>>)
        tpu.yield
      }) : () -> ()
      %dma_start3A_39 = arith.constant 0 : i32
      %dma_start3A_40 = arith.constant 0 : i32
      %dma_start3A_41 = tpu.memref_slice %arg2[%dma_start3A_39, %dma_start3A_40] : memref<20000x128xf32, #tpu.memory_space<hbm>> -> memref<20000x128xf32, #tpu.memory_space<hbm>>
      tpu.enqueue_indirect_dma source(%dma_start3A_41 : memref<20000x128xf32, #tpu.memory_space<hbm>>) target(%arg12 : memref<80x128xf32, #tpu.memory_space<vmem>>) offsets(%arg8 : memref<80xi32, #tpu.memory_space<vmem>>) semaphore(%arg15 : memref<!tpu.dma_semaphore, #tpu.memory_space<semaphore_mem>>)
      %dma_wait3A = arith.constant 0 : i32
      %dma_wait3A_42 = arith.constant 0 : i32
      %dma_wait3A_43 = tpu.memref_slice %arg2[%dma_wait3A, %dma_wait3A_42] : memref<20000x128xf32, #tpu.memory_space<hbm>> -> memref<20000x128xf32, #tpu.memory_space<hbm>>
      tpu.wait_indirect_dma semaphore(%arg14 : memref<!tpu.dma_semaphore, #tpu.memory_space<semaphore_mem>>) src(%dma_wait3A_43 : memref<20000x128xf32, #tpu.memory_space<hbm>>) dst(%arg11 : memref<80x128xf32, #tpu.memory_space<vmem>>)
      "tpu.region"() ({
        %run_scoped3A = tpu.sem_alloc : memref<!tpu.dma_semaphore, #tpu.memory_space<semaphore_mem>>
        %dma_start3A_54 = arith.constant 0 : i32
        %dma_start3A_55 = arith.constant 0 : i32
        %dma_start3A_56 = tpu.memref_slice %arg13[%dma_start3A_54, %dma_start3A_55] : memref<10000x128xf32, #tpu.memory_space<vmem_shared>> -> memref<10000x128xf32, #tpu.memory_space<vmem_shared>>
        tpu.enqueue_indirect_dma source(%arg11 : memref<80x128xf32, #tpu.memory_space<vmem>>) target(%dma_start3A_56 : memref<10000x128xf32, #tpu.memory_space<vmem_shared>>) offsets(%arg9 : memref<80xi32, #tpu.memory_space<vmem>>) semaphore(%run_scoped3A : memref<!tpu.dma_semaphore, #tpu.memory_space<semaphore_mem>>) {add = true}
        %dma_wait3A_57 = arith.constant 0 : i32
        %dma_wait3A_58 = arith.constant 0 : i32
        %dma_wait3A_59 = tpu.memref_slice %arg13[%dma_wait3A_57, %dma_wait3A_58] : memref<10000x128xf32, #tpu.memory_space<vmem_shared>> -> memref<10000x128xf32, #tpu.memory_space<vmem_shared>>
        tpu.wait_indirect_dma semaphore(%run_scoped3A : memref<!tpu.dma_semaphore, #tpu.memory_space<semaphore_mem>>) src(%arg11 : memref<80x128xf32, #tpu.memory_space<vmem>>) dst(%dma_wait3A_59 : memref<10000x128xf32, #tpu.memory_space<vmem_shared>>)
        tpu.yield
      }) : () -> ()
      %lt3A_44 = arith.constant 124 : i32
      %lt3A_45 = arith.cmpi slt, %scan3A_28, %lt3A_44 : i32
      %convert_element_type3A_46 = arith.extui %lt3A_45 : i1 to i32
      %cond3A_47 = arith.constant 0 : i32
      %cond3A_48 = arith.cmpi ne, %convert_element_type3A_46, %cond3A_47 : i32
      scf.if %cond3A_48 {
        %add3A_54 = arith.constant 2 : i32
        %add3A_55 = arith.addi %mul3A_30, %add3A_54 : i32
        %mul3A_56 = arith.constant 80 : i32
        %mul3A_57 = arith.muli %add3A_55, %mul3A_56 : i32
        %add3A_58 = arith.addi %mul3A_6, %mul3A_57 : i32
        %mul3A_59 = arith.constant 320000 : i32
        %mul3A_60 = arith.muli %arg0, %mul3A_59 : i32
        %add3A_61 = arith.addi %mul3A_60, %add3A_58 : i32
        "tpu.region"() ({
          %run_scoped3A = tpu.sem_alloc : memref<!tpu.dma_semaphore, #tpu.memory_space<semaphore_mem>>
          %dma_start3A_65 = tpu.memref_slice %arg3[%add3A_61] : memref<640000xi32, #tpu.memory_space<hbm>> -> memref<80xi32, #tpu.memory_space<hbm>>
          %dma_start3A_66 = tpu.memref_slice %arg3[%add3A_61] : memref<640000xi32, #tpu.memory_space<hbm>> -> memref<80xi32, #tpu.memory_space<hbm>>
          tpu.enqueue_dma source(%dma_start3A_66 : memref<80xi32, #tpu.memory_space<hbm>>) target(%arg7 : memref<80xi32, #tpu.memory_space<vmem>>) target_semaphore(%run_scoped3A : memref<!tpu.dma_semaphore, #tpu.memory_space<semaphore_mem>>)
          %dma_wait3A_67 = tpu.memref_slice %arg3[%add3A_61] : memref<640000xi32, #tpu.memory_space<hbm>> -> memref<80xi32, #tpu.memory_space<hbm>>
          %dma_wait3A_68 = tpu.memref_slice %arg3[%add3A_61] : memref<640000xi32, #tpu.memory_space<hbm>> -> memref<80xi32, #tpu.memory_space<hbm>>
          tpu.wait_dma2 semaphore(%run_scoped3A : memref<!tpu.dma_semaphore, #tpu.memory_space<semaphore_mem>>) src(%dma_wait3A_68 : memref<80xi32, #tpu.memory_space<hbm>>) dst(%arg7 : memref<80xi32, #tpu.memory_space<vmem>>)
          tpu.yield
        }) : () -> ()
        "tpu.region"() ({
          %run_scoped3A = tpu.sem_alloc : memref<!tpu.dma_semaphore, #tpu.memory_space<semaphore_mem>>
          %dma_start3A_65 = tpu.memref_slice %arg4[%add3A_58] : memref<320000xi32, #tpu.memory_space<hbm>> -> memref<80xi32, #tpu.memory_space<hbm>>
          %dma_start3A_66 = tpu.memref_slice %arg4[%add3A_58] : memref<320000xi32, #tpu.memory_space<hbm>> -> memref<80xi32, #tpu.memory_space<hbm>>
          tpu.enqueue_dma source(%dma_start3A_66 : memref<80xi32, #tpu.memory_space<hbm>>) target(%arg9 : memref<80xi32, #tpu.memory_space<vmem>>) target_semaphore(%run_scoped3A : memref<!tpu.dma_semaphore, #tpu.memory_space<semaphore_mem>>)
          %dma_wait3A_67 = tpu.memref_slice %arg4[%add3A_58] : memref<320000xi32, #tpu.memory_space<hbm>> -> memref<80xi32, #tpu.memory_space<hbm>>
          %dma_wait3A_68 = tpu.memref_slice %arg4[%add3A_58] : memref<320000xi32, #tpu.memory_space<hbm>> -> memref<80xi32, #tpu.memory_space<hbm>>
          tpu.wait_dma2 semaphore(%run_scoped3A : memref<!tpu.dma_semaphore, #tpu.memory_space<semaphore_mem>>) src(%dma_wait3A_68 : memref<80xi32, #tpu.memory_space<hbm>>) dst(%arg9 : memref<80xi32, #tpu.memory_space<vmem>>)
          tpu.yield
        }) : () -> ()
        %dma_start3A_62 = arith.constant 0 : i32
        %dma_start3A_63 = arith.constant 0 : i32
        %dma_start3A_64 = tpu.memref_slice %arg2[%dma_start3A_62, %dma_start3A_63] : memref<20000x128xf32, #tpu.memory_space<hbm>> -> memref<20000x128xf32, #tpu.memory_space<hbm>>
        tpu.enqueue_indirect_dma source(%dma_start3A_64 : memref<20000x128xf32, #tpu.memory_space<hbm>>) target(%arg11 : memref<80x128xf32, #tpu.memory_space<vmem>>) offsets(%arg7 : memref<80xi32, #tpu.memory_space<vmem>>) semaphore(%arg14 : memref<!tpu.dma_semaphore, #tpu.memory_space<semaphore_mem>>)
      } else {
      }
      %add3A_49 = arith.constant 1 : i32
      %add3A_50 = arith.addi %mul3A_30, %add3A_49 : i32
      %dma_wait3A_51 = arith.constant 0 : i32
      %dma_wait3A_52 = arith.constant 0 : i32
      %dma_wait3A_53 = tpu.memref_slice %arg2[%dma_wait3A_51, %dma_wait3A_52] : memref<20000x128xf32, #tpu.memory_space<hbm>> -> memref<20000x128xf32, #tpu.memory_space<hbm>>
      tpu.wait_indirect_dma semaphore(%arg15 : memref<!tpu.dma_semaphore, #tpu.memory_space<semaphore_mem>>) src(%dma_wait3A_53 : memref<20000x128xf32, #tpu.memory_space<hbm>>) dst(%arg12 : memref<80x128xf32, #tpu.memory_space<vmem>>)
      "tpu.region"() ({
        %run_scoped3A = tpu.sem_alloc : memref<!tpu.dma_semaphore, #tpu.memory_space<semaphore_mem>>
        %dma_start3A_54 = arith.constant 0 : i32
        %dma_start3A_55 = arith.constant 0 : i32
        %dma_start3A_56 = tpu.memref_slice %arg13[%dma_start3A_54, %dma_start3A_55] : memref<10000x128xf32, #tpu.memory_space<vmem_shared>> -> memref<10000x128xf32, #tpu.memory_space<vmem_shared>>
        tpu.enqueue_indirect_dma source(%arg12 : memref<80x128xf32, #tpu.memory_space<vmem>>) target(%dma_start3A_56 : memref<10000x128xf32, #tpu.memory_space<vmem_shared>>) offsets(%arg10 : memref<80xi32, #tpu.memory_space<vmem>>) semaphore(%run_scoped3A : memref<!tpu.dma_semaphore, #tpu.memory_space<semaphore_mem>>) {add = true}
        %dma_wait3A_57 = arith.constant 0 : i32
        %dma_wait3A_58 = arith.constant 0 : i32
        %dma_wait3A_59 = tpu.memref_slice %arg13[%dma_wait3A_57, %dma_wait3A_58] : memref<10000x128xf32, #tpu.memory_space<vmem_shared>> -> memref<10000x128xf32, #tpu.memory_space<vmem_shared>>
        tpu.wait_indirect_dma semaphore(%run_scoped3A : memref<!tpu.dma_semaphore, #tpu.memory_space<semaphore_mem>>) src(%arg12 : memref<80x128xf32, #tpu.memory_space<vmem>>) dst(%dma_wait3A_59 : memref<10000x128xf32, #tpu.memory_space<vmem_shared>>)
        tpu.yield
      }) : () -> ()
    }
    %scan3A_16 = arith.constant 125 : i32
    %barrier3A_17 = arith.constant 0 : index
    tpu.barrier barrier_id(%barrier3A_17)
    %lt3A_18 = arith.constant 15 : i32
    %lt3A_19 = arith.cmpi slt, %arg1, %lt3A_18 : i32
    %convert_element_type3A_20 = arith.extui %lt3A_19 : i1 to i32
    %cond3A_21 = arith.constant 0 : i32
    %cond3A_22 = arith.cmpi ne, %convert_element_type3A_20, %cond3A_21 : i32
    scf.if %cond3A_22 {
      %mul3A_28 = arith.constant 632 : i32
      %mul3A_29 = arith.muli %arg1, %mul3A_28 : i32
      %multiple_of3A = tpu.assume_multiple %mul3A_29, 8 : i32
      %mul3A_30 = arith.constant 128 : i32
      %mul3A_31 = arith.muli %arg0, %mul3A_30 : i32
      %multiple_of3A_32 = tpu.assume_multiple %mul3A_31, 128 : i32
      "tpu.region"() ({
        %run_scoped3A = tpu.sem_alloc : memref<!tpu.dma_semaphore, #tpu.memory_space<semaphore_mem>>
        %dma_start3A_33 = tpu.memref_slice %arg6[%multiple_of3A, %multiple_of3A_32] : memref<10000x256xf32, #tpu.memory_space<hbm>> -> memref<632x128xf32, #tpu.memory_space<hbm>>
        %dma_start3A_34 = arith.constant 0 : i32
        %dma_start3A_35 = tpu.memref_slice %arg13[%multiple_of3A, %dma_start3A_34] : memref<10000x128xf32, #tpu.memory_space<vmem_shared>> -> memref<632x128xf32, #tpu.memory_space<vmem_shared>>
        tpu.enqueue_dma source(%dma_start3A_35 : memref<632x128xf32, #tpu.memory_space<vmem_shared>>) target(%dma_start3A_33 : memref<632x128xf32, #tpu.memory_space<hbm>>) target_semaphore(%run_scoped3A : memref<!tpu.dma_semaphore, #tpu.memory_space<semaphore_mem>>)
        %dma_wait3A = tpu.memref_slice %arg6[%multiple_of3A, %multiple_of3A_32] : memref<10000x256xf32, #tpu.memory_space<hbm>> -> memref<632x128xf32, #tpu.memory_space<hbm>>
        %dma_wait3A_36 = arith.constant 0 : i32
        %dma_wait3A_37 = tpu.memref_slice %arg13[%multiple_of3A, %dma_wait3A_36] : memref<10000x128xf32, #tpu.memory_space<vmem_shared>> -> memref<632x128xf32, #tpu.memory_space<vmem_shared>>
        tpu.wait_dma2 semaphore(%run_scoped3A : memref<!tpu.dma_semaphore, #tpu.memory_space<semaphore_mem>>) src(%dma_wait3A_37 : memref<632x128xf32, #tpu.memory_space<vmem_shared>>) dst(%dma_wait3A : memref<632x128xf32, #tpu.memory_space<hbm>>)
        tpu.yield
      }) : () -> ()
    } else {
    }
    %eq3A_23 = arith.constant 15 : i32
    %eq3A_24 = arith.cmpi eq, %arg1, %eq3A_23 : i32
    %convert_element_type3A_25 = arith.extui %eq3A_24 : i1 to i32
    %cond3A_26 = arith.constant 0 : i32
    %cond3A_27 = arith.cmpi ne, %convert_element_type3A_25, %cond3A_26 : i32
    scf.if %cond3A_27 {
      %mul3A_28 = arith.constant 128 : i32
      %mul3A_29 = arith.muli %arg0, %mul3A_28 : i32
      %multiple_of3A = tpu.assume_multiple %mul3A_29, 128 : i32
      "tpu.region"() ({
        %run_scoped3A = tpu.sem_alloc : memref<!tpu.dma_semaphore, #tpu.memory_space<semaphore_mem>>
        %dma_start3A_30 = arith.constant 9480 : i32
        %dma_start3A_31 = tpu.memref_slice %arg6[%dma_start3A_30, %multiple_of3A] : memref<10000x256xf32, #tpu.memory_space<hbm>> -> memref<520x128xf32, #tpu.memory_space<hbm>>
        %dma_start3A_32 = arith.constant 9480 : i32
        %dma_start3A_33 = arith.constant 0 : i32
        %dma_start3A_34 = tpu.memref_slice %arg13[%dma_start3A_32, %dma_start3A_33] : memref<10000x128xf32, #tpu.memory_space<vmem_shared>> -> memref<520x128xf32, #tpu.memory_space<vmem_shared>>
        tpu.enqueue_dma source(%dma_start3A_34 : memref<520x128xf32, #tpu.memory_space<vmem_shared>>) target(%dma_start3A_31 : memref<520x128xf32, #tpu.memory_space<hbm>>) target_semaphore(%run_scoped3A : memref<!tpu.dma_semaphore, #tpu.memory_space<semaphore_mem>>)
        %dma_wait3A = arith.constant 9480 : i32
        %dma_wait3A_35 = tpu.memref_slice %arg6[%dma_wait3A, %multiple_of3A] : memref<10000x256xf32, #tpu.memory_space<hbm>> -> memref<520x128xf32, #tpu.memory_space<hbm>>
        %dma_wait3A_36 = arith.constant 9480 : i32
        %dma_wait3A_37 = arith.constant 0 : i32
        %dma_wait3A_38 = tpu.memref_slice %arg13[%dma_wait3A_36, %dma_wait3A_37] : memref<10000x128xf32, #tpu.memory_space<vmem_shared>> -> memref<520x128xf32, #tpu.memory_space<vmem_shared>>
        tpu.wait_dma2 semaphore(%run_scoped3A : memref<!tpu.dma_semaphore, #tpu.memory_space<semaphore_mem>>) src(%dma_wait3A_38 : memref<520x128xf32, #tpu.memory_space<vmem_shared>>) dst(%dma_wait3A_35 : memref<520x128xf32, #tpu.memory_space<hbm>>)
        tpu.yield
      }) : () -> ()
    } else {
    }
    return
  }
}

#map = affine_map<(d0, d1) -> (0, 0)>
#map1 = affine_map<(d0, d1) -> (0)>
module attributes {stable_mosaic.version = 14 : i64} {
  func.func @_colsplit_scatter_w(%arg0: i32, %arg1: i32, %arg2: memref<20000x128xf32, #tpu.memory_space<hbm>>, %arg3: memref<640000xi32, #tpu.memory_space<hbm>>, %arg4: memref<320000xi32, #tpu.memory_space<hbm>>, %arg5: memref<5120000xf32, #tpu.memory_space<hbm>>, %arg6: memref<10000x128xf32, #tpu.memory_space<hbm>>, %arg7: memref<10000x256xf32, #tpu.memory_space<hbm>>, %arg8: memref<80xi32, #tpu.memory_space<vmem>>, %arg9: memref<80xi32, #tpu.memory_space<vmem>>, %arg10: memref<80xi32, #tpu.memory_space<vmem>>, %arg11: memref<80xi32, #tpu.memory_space<vmem>>, %arg12: memref<1280xf32, #tpu.memory_space<vmem>>, %arg13: memref<1280xf32, #tpu.memory_space<vmem>>, %arg14: memref<80x128xf32, #tpu.memory_space<vmem>>, %arg15: memref<80x128xf32, #tpu.memory_space<vmem>>, %arg16: memref<10000x128xf32, #tpu.memory_space<vmem_shared>>, %arg17: memref<!tpu.dma_semaphore, #tpu.memory_space<semaphore_mem>>, %arg18: memref<!tpu.dma_semaphore, #tpu.memory_space<semaphore_mem>>) attributes {dimension_semantics = [#tpu.dimension_semantics<core_parallel>, #tpu.dimension_semantics<subcore_parallel>], iteration_bounds = array<i64: 2, 16>, scalar_prefetch = 0 : i64, scratch_operands = 11 : i64, tpu.core_type = #tpu.core_type<sc_vector_subcore>, window_params = [{transform_indices = #map}, {transform_indices = #map1}, {transform_indices = #map1}, {transform_indices = #map1}, {transform_indices = #map}, {transform_indices = #map}]} {
    %lt3A = arith.constant 15 : i32
    %lt3A_0 = arith.cmpi slt, %arg1, %lt3A : i32
    %convert_element_type3A = arith.extui %lt3A_0 : i1 to i32
    %cond3A = arith.constant 0 : i32
    %cond3A_1 = arith.cmpi ne, %convert_element_type3A, %cond3A : i32
    scf.if %cond3A_1 {
      %mul3A_30 = arith.constant 632 : i32
      %mul3A_31 = arith.muli %arg1, %mul3A_30 : i32
      %multiple_of3A = tpu.assume_multiple %mul3A_31, 8 : i32
      "tpu.region"() ({
        %run_scoped3A = tpu.sem_alloc : memref<!tpu.dma_semaphore, #tpu.memory_space<semaphore_mem>>
        %dma_start3A_32 = arith.constant 0 : i32
        %dma_start3A_33 = tpu.memref_slice %arg16[%multiple_of3A, %dma_start3A_32] : memref<10000x128xf32, #tpu.memory_space<vmem_shared>> -> memref<632x128xf32, #tpu.memory_space<vmem_shared>>
        %dma_start3A_34 = arith.constant 0 : i32
        %dma_start3A_35 = tpu.memref_slice %arg6[%multiple_of3A, %dma_start3A_34] : memref<10000x128xf32, #tpu.memory_space<hbm>> -> memref<632x128xf32, #tpu.memory_space<hbm>>
        tpu.enqueue_dma source(%dma_start3A_35 : memref<632x128xf32, #tpu.memory_space<hbm>>) target(%dma_start3A_33 : memref<632x128xf32, #tpu.memory_space<vmem_shared>>) target_semaphore(%run_scoped3A : memref<!tpu.dma_semaphore, #tpu.memory_space<semaphore_mem>>)
        %dma_wait3A = arith.constant 0 : i32
        %dma_wait3A_36 = tpu.memref_slice %arg16[%multiple_of3A, %dma_wait3A] : memref<10000x128xf32, #tpu.memory_space<vmem_shared>> -> memref<632x128xf32, #tpu.memory_space<vmem_shared>>
        %dma_wait3A_37 = arith.constant 0 : i32
        %dma_wait3A_38 = tpu.memref_slice %arg6[%multiple_of3A, %dma_wait3A_37] : memref<10000x128xf32, #tpu.memory_space<hbm>> -> memref<632x128xf32, #tpu.memory_space<hbm>>
        tpu.wait_dma2 semaphore(%run_scoped3A : memref<!tpu.dma_semaphore, #tpu.memory_space<semaphore_mem>>) src(%dma_wait3A_38 : memref<632x128xf32, #tpu.memory_space<hbm>>) dst(%dma_wait3A_36 : memref<632x128xf32, #tpu.memory_space<vmem_shared>>)
        tpu.yield
      }) : () -> ()
    } else {
    }
    %eq3A = arith.constant 15 : i32
    %eq3A_2 = arith.cmpi eq, %arg1, %eq3A : i32
    %convert_element_type3A_3 = arith.extui %eq3A_2 : i1 to i32
    %cond3A_4 = arith.constant 0 : i32
    %cond3A_5 = arith.cmpi ne, %convert_element_type3A_3, %cond3A_4 : i32
    scf.if %cond3A_5 {
      "tpu.region"() ({
        %run_scoped3A = tpu.sem_alloc : memref<!tpu.dma_semaphore, #tpu.memory_space<semaphore_mem>>
        %dma_start3A_30 = arith.constant 9480 : i32
        %dma_start3A_31 = arith.constant 0 : i32
        %dma_start3A_32 = tpu.memref_slice %arg16[%dma_start3A_30, %dma_start3A_31] : memref<10000x128xf32, #tpu.memory_space<vmem_shared>> -> memref<520x128xf32, #tpu.memory_space<vmem_shared>>
        %dma_start3A_33 = arith.constant 9480 : i32
        %dma_start3A_34 = arith.constant 0 : i32
        %dma_start3A_35 = tpu.memref_slice %arg6[%dma_start3A_33, %dma_start3A_34] : memref<10000x128xf32, #tpu.memory_space<hbm>> -> memref<520x128xf32, #tpu.memory_space<hbm>>
        tpu.enqueue_dma source(%dma_start3A_35 : memref<520x128xf32, #tpu.memory_space<hbm>>) target(%dma_start3A_32 : memref<520x128xf32, #tpu.memory_space<vmem_shared>>) target_semaphore(%run_scoped3A : memref<!tpu.dma_semaphore, #tpu.memory_space<semaphore_mem>>)
        %dma_wait3A = arith.constant 9480 : i32
        %dma_wait3A_36 = arith.constant 0 : i32
        %dma_wait3A_37 = tpu.memref_slice %arg16[%dma_wait3A, %dma_wait3A_36] : memref<10000x128xf32, #tpu.memory_space<vmem_shared>> -> memref<520x128xf32, #tpu.memory_space<vmem_shared>>
        %dma_wait3A_38 = arith.constant 9480 : i32
        %dma_wait3A_39 = arith.constant 0 : i32
        %dma_wait3A_40 = tpu.memref_slice %arg6[%dma_wait3A_38, %dma_wait3A_39] : memref<10000x128xf32, #tpu.memory_space<hbm>> -> memref<520x128xf32, #tpu.memory_space<hbm>>
        tpu.wait_dma2 semaphore(%run_scoped3A : memref<!tpu.dma_semaphore, #tpu.memory_space<semaphore_mem>>) src(%dma_wait3A_40 : memref<520x128xf32, #tpu.memory_space<hbm>>) dst(%dma_wait3A_37 : memref<520x128xf32, #tpu.memory_space<vmem_shared>>)
        tpu.yield
      }) : () -> ()
    } else {
    }
    %barrier3A = arith.constant 0 : index
    tpu.barrier barrier_id(%barrier3A)
    %mul3A = arith.constant 20000 : i32
    %mul3A_6 = arith.muli %arg1, %mul3A : i32
    %add3A = arith.constant 0 : i32
    %add3A_7 = arith.addi %mul3A_6, %add3A : i32
    %mul3A_8 = arith.constant 320000 : i32
    %mul3A_9 = arith.muli %arg0, %mul3A_8 : i32
    %add3A_10 = arith.addi %mul3A_9, %add3A_7 : i32
    "tpu.region"() ({
      %run_scoped3A = tpu.sem_alloc : memref<!tpu.dma_semaphore, #tpu.memory_space<semaphore_mem>>
      %dma_start3A_30 = tpu.memref_slice %arg3[%add3A_10] : memref<640000xi32, #tpu.memory_space<hbm>> -> memref<80xi32, #tpu.memory_space<hbm>>
      %dma_start3A_31 = tpu.memref_slice %arg3[%add3A_10] : memref<640000xi32, #tpu.memory_space<hbm>> -> memref<80xi32, #tpu.memory_space<hbm>>
      tpu.enqueue_dma source(%dma_start3A_31 : memref<80xi32, #tpu.memory_space<hbm>>) target(%arg8 : memref<80xi32, #tpu.memory_space<vmem>>) target_semaphore(%run_scoped3A : memref<!tpu.dma_semaphore, #tpu.memory_space<semaphore_mem>>)
      %dma_wait3A = tpu.memref_slice %arg3[%add3A_10] : memref<640000xi32, #tpu.memory_space<hbm>> -> memref<80xi32, #tpu.memory_space<hbm>>
      %dma_wait3A_32 = tpu.memref_slice %arg3[%add3A_10] : memref<640000xi32, #tpu.memory_space<hbm>> -> memref<80xi32, #tpu.memory_space<hbm>>
      tpu.wait_dma2 semaphore(%run_scoped3A : memref<!tpu.dma_semaphore, #tpu.memory_space<semaphore_mem>>) src(%dma_wait3A_32 : memref<80xi32, #tpu.memory_space<hbm>>) dst(%arg8 : memref<80xi32, #tpu.memory_space<vmem>>)
      tpu.yield
    }) : () -> ()
    "tpu.region"() ({
      %run_scoped3A = tpu.sem_alloc : memref<!tpu.dma_semaphore, #tpu.memory_space<semaphore_mem>>
      %dma_start3A_30 = tpu.memref_slice %arg4[%add3A_7] : memref<320000xi32, #tpu.memory_space<hbm>> -> memref<80xi32, #tpu.memory_space<hbm>>
      %dma_start3A_31 = tpu.memref_slice %arg4[%add3A_7] : memref<320000xi32, #tpu.memory_space<hbm>> -> memref<80xi32, #tpu.memory_space<hbm>>
      tpu.enqueue_dma source(%dma_start3A_31 : memref<80xi32, #tpu.memory_space<hbm>>) target(%arg10 : memref<80xi32, #tpu.memory_space<vmem>>) target_semaphore(%run_scoped3A : memref<!tpu.dma_semaphore, #tpu.memory_space<semaphore_mem>>)
      %dma_wait3A = tpu.memref_slice %arg4[%add3A_7] : memref<320000xi32, #tpu.memory_space<hbm>> -> memref<80xi32, #tpu.memory_space<hbm>>
      %dma_wait3A_32 = tpu.memref_slice %arg4[%add3A_7] : memref<320000xi32, #tpu.memory_space<hbm>> -> memref<80xi32, #tpu.memory_space<hbm>>
      tpu.wait_dma2 semaphore(%run_scoped3A : memref<!tpu.dma_semaphore, #tpu.memory_space<semaphore_mem>>) src(%dma_wait3A_32 : memref<80xi32, #tpu.memory_space<hbm>>) dst(%arg10 : memref<80xi32, #tpu.memory_space<vmem>>)
      tpu.yield
    }) : () -> ()
    %mul3A_11 = arith.constant 16 : i32
    %mul3A_12 = arith.muli %add3A_7, %mul3A_11 : i32
    "tpu.region"() ({
      %run_scoped3A = tpu.sem_alloc : memref<!tpu.dma_semaphore, #tpu.memory_space<semaphore_mem>>
      %dma_start3A_30 = tpu.memref_slice %arg5[%mul3A_12] : memref<5120000xf32, #tpu.memory_space<hbm>> -> memref<1280xf32, #tpu.memory_space<hbm>>
      %dma_start3A_31 = tpu.memref_slice %arg5[%mul3A_12] : memref<5120000xf32, #tpu.memory_space<hbm>> -> memref<1280xf32, #tpu.memory_space<hbm>>
      tpu.enqueue_dma source(%dma_start3A_31 : memref<1280xf32, #tpu.memory_space<hbm>>) target(%arg12 : memref<1280xf32, #tpu.memory_space<vmem>>) target_semaphore(%run_scoped3A : memref<!tpu.dma_semaphore, #tpu.memory_space<semaphore_mem>>)
      %dma_wait3A = tpu.memref_slice %arg5[%mul3A_12] : memref<5120000xf32, #tpu.memory_space<hbm>> -> memref<1280xf32, #tpu.memory_space<hbm>>
      %dma_wait3A_32 = tpu.memref_slice %arg5[%mul3A_12] : memref<5120000xf32, #tpu.memory_space<hbm>> -> memref<1280xf32, #tpu.memory_space<hbm>>
      tpu.wait_dma2 semaphore(%run_scoped3A : memref<!tpu.dma_semaphore, #tpu.memory_space<semaphore_mem>>) src(%dma_wait3A_32 : memref<1280xf32, #tpu.memory_space<hbm>>) dst(%arg12 : memref<1280xf32, #tpu.memory_space<vmem>>)
      tpu.yield
    }) : () -> ()
    %dma_start3A = arith.constant 0 : i32
    %dma_start3A_13 = arith.constant 0 : i32
    %dma_start3A_14 = tpu.memref_slice %arg2[%dma_start3A, %dma_start3A_13] : memref<20000x128xf32, #tpu.memory_space<hbm>> -> memref<20000x128xf32, #tpu.memory_space<hbm>>
    tpu.enqueue_indirect_dma source(%dma_start3A_14 : memref<20000x128xf32, #tpu.memory_space<hbm>>) target(%arg14 : memref<80x128xf32, #tpu.memory_space<vmem>>) offsets(%arg8 : memref<80xi32, #tpu.memory_space<vmem>>) semaphore(%arg17 : memref<!tpu.dma_semaphore, #tpu.memory_space<semaphore_mem>>)
    %scan3A = arith.constant 0 : i32
    %scan3A_15 = arith.constant 125 : i32
    %scan3A_16 = arith.addi %scan3A, %scan3A_15 : i32
    %scan3A_17 = arith.constant 1 : i32
    scf.for %scan3A_30 = %scan3A to %scan3A_16 step %scan3A_17  : i32 {
      %mul3A_31 = arith.constant 2 : i32
      %mul3A_32 = arith.muli %mul3A_31, %scan3A_30 : i32
      %add3A_33 = arith.constant 1 : i32
      %add3A_34 = arith.addi %mul3A_32, %add3A_33 : i32
      %mul3A_35 = arith.constant 80 : i32
      %mul3A_36 = arith.muli %add3A_34, %mul3A_35 : i32
      %add3A_37 = arith.addi %mul3A_6, %mul3A_36 : i32
      %mul3A_38 = arith.constant 320000 : i32
      %mul3A_39 = arith.muli %arg0, %mul3A_38 : i32
      %add3A_40 = arith.addi %mul3A_39, %add3A_37 : i32
      "tpu.region"() ({
        %run_scoped3A = tpu.sem_alloc : memref<!tpu.dma_semaphore, #tpu.memory_space<semaphore_mem>>
        %dma_start3A_68 = tpu.memref_slice %arg3[%add3A_40] : memref<640000xi32, #tpu.memory_space<hbm>> -> memref<80xi32, #tpu.memory_space<hbm>>
        %dma_start3A_69 = tpu.memref_slice %arg3[%add3A_40] : memref<640000xi32, #tpu.memory_space<hbm>> -> memref<80xi32, #tpu.memory_space<hbm>>
        tpu.enqueue_dma source(%dma_start3A_69 : memref<80xi32, #tpu.memory_space<hbm>>) target(%arg9 : memref<80xi32, #tpu.memory_space<vmem>>) target_semaphore(%run_scoped3A : memref<!tpu.dma_semaphore, #tpu.memory_space<semaphore_mem>>)
        %dma_wait3A_70 = tpu.memref_slice %arg3[%add3A_40] : memref<640000xi32, #tpu.memory_space<hbm>> -> memref<80xi32, #tpu.memory_space<hbm>>
        %dma_wait3A_71 = tpu.memref_slice %arg3[%add3A_40] : memref<640000xi32, #tpu.memory_space<hbm>> -> memref<80xi32, #tpu.memory_space<hbm>>
        tpu.wait_dma2 semaphore(%run_scoped3A : memref<!tpu.dma_semaphore, #tpu.memory_space<semaphore_mem>>) src(%dma_wait3A_71 : memref<80xi32, #tpu.memory_space<hbm>>) dst(%arg9 : memref<80xi32, #tpu.memory_space<vmem>>)
        tpu.yield
      }) : () -> ()
      "tpu.region"() ({
        %run_scoped3A = tpu.sem_alloc : memref<!tpu.dma_semaphore, #tpu.memory_space<semaphore_mem>>
        %dma_start3A_68 = tpu.memref_slice %arg4[%add3A_37] : memref<320000xi32, #tpu.memory_space<hbm>> -> memref<80xi32, #tpu.memory_space<hbm>>
        %dma_start3A_69 = tpu.memref_slice %arg4[%add3A_37] : memref<320000xi32, #tpu.memory_space<hbm>> -> memref<80xi32, #tpu.memory_space<hbm>>
        tpu.enqueue_dma source(%dma_start3A_69 : memref<80xi32, #tpu.memory_space<hbm>>) target(%arg11 : memref<80xi32, #tpu.memory_space<vmem>>) target_semaphore(%run_scoped3A : memref<!tpu.dma_semaphore, #tpu.memory_space<semaphore_mem>>)
        %dma_wait3A_70 = tpu.memref_slice %arg4[%add3A_37] : memref<320000xi32, #tpu.memory_space<hbm>> -> memref<80xi32, #tpu.memory_space<hbm>>
        %dma_wait3A_71 = tpu.memref_slice %arg4[%add3A_37] : memref<320000xi32, #tpu.memory_space<hbm>> -> memref<80xi32, #tpu.memory_space<hbm>>
        tpu.wait_dma2 semaphore(%run_scoped3A : memref<!tpu.dma_semaphore, #tpu.memory_space<semaphore_mem>>) src(%dma_wait3A_71 : memref<80xi32, #tpu.memory_space<hbm>>) dst(%arg11 : memref<80xi32, #tpu.memory_space<vmem>>)
        tpu.yield
      }) : () -> ()
      %mul3A_41 = arith.constant 16 : i32
      %mul3A_42 = arith.muli %add3A_37, %mul3A_41 : i32
      "tpu.region"() ({
        %run_scoped3A = tpu.sem_alloc : memref<!tpu.dma_semaphore, #tpu.memory_space<semaphore_mem>>
        %dma_start3A_68 = tpu.memref_slice %arg5[%mul3A_42] : memref<5120000xf32, #tpu.memory_space<hbm>> -> memref<1280xf32, #tpu.memory_space<hbm>>
        %dma_start3A_69 = tpu.memref_slice %arg5[%mul3A_42] : memref<5120000xf32, #tpu.memory_space<hbm>> -> memref<1280xf32, #tpu.memory_space<hbm>>
        tpu.enqueue_dma source(%dma_start3A_69 : memref<1280xf32, #tpu.memory_space<hbm>>) target(%arg13 : memref<1280xf32, #tpu.memory_space<vmem>>) target_semaphore(%run_scoped3A : memref<!tpu.dma_semaphore, #tpu.memory_space<semaphore_mem>>)
        %dma_wait3A_70 = tpu.memref_slice %arg5[%mul3A_42] : memref<5120000xf32, #tpu.memory_space<hbm>> -> memref<1280xf32, #tpu.memory_space<hbm>>
        %dma_wait3A_71 = tpu.memref_slice %arg5[%mul3A_42] : memref<5120000xf32, #tpu.memory_space<hbm>> -> memref<1280xf32, #tpu.memory_space<hbm>>
        tpu.wait_dma2 semaphore(%run_scoped3A : memref<!tpu.dma_semaphore, #tpu.memory_space<semaphore_mem>>) src(%dma_wait3A_71 : memref<1280xf32, #tpu.memory_space<hbm>>) dst(%arg13 : memref<1280xf32, #tpu.memory_space<vmem>>)
        tpu.yield
      }) : () -> ()
      %dma_start3A_43 = arith.constant 0 : i32
      %dma_start3A_44 = arith.constant 0 : i32
      %dma_start3A_45 = tpu.memref_slice %arg2[%dma_start3A_43, %dma_start3A_44] : memref<20000x128xf32, #tpu.memory_space<hbm>> -> memref<20000x128xf32, #tpu.memory_space<hbm>>
      tpu.enqueue_indirect_dma source(%dma_start3A_45 : memref<20000x128xf32, #tpu.memory_space<hbm>>) target(%arg15 : memref<80x128xf32, #tpu.memory_space<vmem>>) offsets(%arg9 : memref<80xi32, #tpu.memory_space<vmem>>) semaphore(%arg18 : memref<!tpu.dma_semaphore, #tpu.memory_space<semaphore_mem>>)
      %dma_wait3A = arith.constant 0 : i32
      %dma_wait3A_46 = arith.constant 0 : i32
      %dma_wait3A_47 = tpu.memref_slice %arg2[%dma_wait3A, %dma_wait3A_46] : memref<20000x128xf32, #tpu.memory_space<hbm>> -> memref<20000x128xf32, #tpu.memory_space<hbm>>
      tpu.wait_indirect_dma semaphore(%arg17 : memref<!tpu.dma_semaphore, #tpu.memory_space<semaphore_mem>>) src(%dma_wait3A_47 : memref<20000x128xf32, #tpu.memory_space<hbm>>) dst(%arg14 : memref<80x128xf32, #tpu.memory_space<vmem>>)
      %scan3A_48 = arith.constant 0 : i32
      %scan3A_49 = arith.constant 80 : i32
      %scan3A_50 = arith.addi %scan3A_48, %scan3A_49 : i32
      %scan3A_51 = arith.constant 1 : i32
      scf.for %scan3A_68 = %scan3A_48 to %scan3A_50 step %scan3A_51  : i32 {
        %mul3A_69 = arith.constant 16 : i32
        %mul3A_70 = arith.muli %scan3A_68, %mul3A_69 : i32
        %get3A = arith.index_cast %mul3A_70 : i32 to index
        %get3A_71 = tpu.vector_load %arg12[%get3A] {strides = array<i32>} : memref<1280xf32, #tpu.memory_space<vmem>>, vector<16xf32>,
        %get3A_72 = vector.shape_cast %get3A_71 : vector<16xf32> to vector<16xf32>
        %get3A_73 = arith.index_cast %scan3A_68 : i32 to index
        %get3A_74 = arith.constant 0 : index
        %get3A_75 = tpu.vector_load %arg14[%get3A_73, %get3A_74] {strides = array<i32>} : memref<80x128xf32, #tpu.memory_space<vmem>>, vector<1x16xf32>,
        %get3A_76 = vector.shape_cast %get3A_75 : vector<1x16xf32> to vector<16xf32>
        %mul3A_77 = arith.mulf %get3A_76, %get3A_72 : vector<16xf32>
        %swap3A = arith.index_cast %scan3A_68 : i32 to index
        %swap3A_78 = arith.constant 0 : index
        %swap3A_79 = tpu.vector_load %arg14[%swap3A, %swap3A_78] {strides = array<i32>} : memref<80x128xf32, #tpu.memory_space<vmem>>, vector<1x16xf32>,
        %swap3A_80 = vector.shape_cast %swap3A_79 : vector<1x16xf32> to vector<16xf32>
        %swap3A_81 = vector.shape_cast %mul3A_77 : vector<16xf32> to vector<1x16xf32>
        tpu.vector_store %arg14[%swap3A, %swap3A_78], %swap3A_81 {strides = array<i32>} : memref<80x128xf32, #tpu.memory_space<vmem>>, vector<1x16xf32>,
        %get3A_82 = arith.index_cast %scan3A_68 : i32 to index
        %get3A_83 = arith.constant 16 : index
        %get3A_84 = tpu.vector_load %arg14[%get3A_82, %get3A_83] {strides = array<i32>} : memref<80x128xf32, #tpu.memory_space<vmem>>, vector<1x16xf32>,
        %get3A_85 = vector.shape_cast %get3A_84 : vector<1x16xf32> to vector<16xf32>
        %mul3A_86 = arith.mulf %get3A_85, %get3A_72 : vector<16xf32>
        %swap3A_87 = arith.index_cast %scan3A_68 : i32 to index
        %swap3A_88 = arith.constant 16 : index
        %swap3A_89 = tpu.vector_load %arg14[%swap3A_87, %swap3A_88] {strides = array<i32>} : memref<80x128xf32, #tpu.memory_space<vmem>>, vector<1x16xf32>,
        %swap3A_90 = vector.shape_cast %swap3A_89 : vector<1x16xf32> to vector<16xf32>
        %swap3A_91 = vector.shape_cast %mul3A_86 : vector<16xf32> to vector<1x16xf32>
        tpu.vector_store %arg14[%swap3A_87, %swap3A_88], %swap3A_91 {strides = array<i32>} : memref<80x128xf32, #tpu.memory_space<vmem>>, vector<1x16xf32>,
        %get3A_92 = arith.index_cast %scan3A_68 : i32 to index
        %get3A_93 = arith.constant 32 : index
        %get3A_94 = tpu.vector_load %arg14[%get3A_92, %get3A_93] {strides = array<i32>} : memref<80x128xf32, #tpu.memory_space<vmem>>, vector<1x16xf32>,
        %get3A_95 = vector.shape_cast %get3A_94 : vector<1x16xf32> to vector<16xf32>
        %mul3A_96 = arith.mulf %get3A_95, %get3A_72 : vector<16xf32>
        %swap3A_97 = arith.index_cast %scan3A_68 : i32 to index
        %swap3A_98 = arith.constant 32 : index
        %swap3A_99 = tpu.vector_load %arg14[%swap3A_97, %swap3A_98] {strides = array<i32>} : memref<80x128xf32, #tpu.memory_space<vmem>>, vector<1x16xf32>,
        %swap3A_100 = vector.shape_cast %swap3A_99 : vector<1x16xf32> to vector<16xf32>
        %swap3A_101 = vector.shape_cast %mul3A_96 : vector<16xf32> to vector<1x16xf32>
        tpu.vector_store %arg14[%swap3A_97, %swap3A_98], %swap3A_101 {strides = array<i32>} : memref<80x128xf32, #tpu.memory_space<vmem>>, vector<1x16xf32>,
        %get3A_102 = arith.index_cast %scan3A_68 : i32 to index
        %get3A_103 = arith.constant 48 : index
        %get3A_104 = tpu.vector_load %arg14[%get3A_102, %get3A_103] {strides = array<i32>} : memref<80x128xf32, #tpu.memory_space<vmem>>, vector<1x16xf32>,
        %get3A_105 = vector.shape_cast %get3A_104 : vector<1x16xf32> to vector<16xf32>
        %mul3A_106 = arith.mulf %get3A_105, %get3A_72 : vector<16xf32>
        %swap3A_107 = arith.index_cast %scan3A_68 : i32 to index
        %swap3A_108 = arith.constant 48 : index
        %swap3A_109 = tpu.vector_load %arg14[%swap3A_107, %swap3A_108] {strides = array<i32>} : memref<80x128xf32, #tpu.memory_space<vmem>>, vector<1x16xf32>,
        %swap3A_110 = vector.shape_cast %swap3A_109 : vector<1x16xf32> to vector<16xf32>
        %swap3A_111 = vector.shape_cast %mul3A_106 : vector<16xf32> to vector<1x16xf32>
        tpu.vector_store %arg14[%swap3A_107, %swap3A_108], %swap3A_111 {strides = array<i32>} : memref<80x128xf32, #tpu.memory_space<vmem>>, vector<1x16xf32>,
        %get3A_112 = arith.index_cast %scan3A_68 : i32 to index
        %get3A_113 = arith.constant 64 : index
        %get3A_114 = tpu.vector_load %arg14[%get3A_112, %get3A_113] {strides = array<i32>} : memref<80x128xf32, #tpu.memory_space<vmem>>, vector<1x16xf32>,
        %get3A_115 = vector.shape_cast %get3A_114 : vector<1x16xf32> to vector<16xf32>
        %mul3A_116 = arith.mulf %get3A_115, %get3A_72 : vector<16xf32>
        %swap3A_117 = arith.index_cast %scan3A_68 : i32 to index
        %swap3A_118 = arith.constant 64 : index
        %swap3A_119 = tpu.vector_load %arg14[%swap3A_117, %swap3A_118] {strides = array<i32>} : memref<80x128xf32, #tpu.memory_space<vmem>>, vector<1x16xf32>,
        %swap3A_120 = vector.shape_cast %swap3A_119 : vector<1x16xf32> to vector<16xf32>
        %swap3A_121 = vector.shape_cast %mul3A_116 : vector<16xf32> to vector<1x16xf32>
        tpu.vector_store %arg14[%swap3A_117, %swap3A_118], %swap3A_121 {strides = array<i32>} : memref<80x128xf32, #tpu.memory_space<vmem>>, vector<1x16xf32>,
        %get3A_122 = arith.index_cast %scan3A_68 : i32 to index
        %get3A_123 = arith.constant 80 : index
        %get3A_124 = tpu.vector_load %arg14[%get3A_122, %get3A_123] {strides = array<i32>} : memref<80x128xf32, #tpu.memory_space<vmem>>, vector<1x16xf32>,
        %get3A_125 = vector.shape_cast %get3A_124 : vector<1x16xf32> to vector<16xf32>
        %mul3A_126 = arith.mulf %get3A_125, %get3A_72 : vector<16xf32>
        %swap3A_127 = arith.index_cast %scan3A_68 : i32 to index
        %swap3A_128 = arith.constant 80 : index
        %swap3A_129 = tpu.vector_load %arg14[%swap3A_127, %swap3A_128] {strides = array<i32>} : memref<80x128xf32, #tpu.memory_space<vmem>>, vector<1x16xf32>,
        %swap3A_130 = vector.shape_cast %swap3A_129 : vector<1x16xf32> to vector<16xf32>
        %swap3A_131 = vector.shape_cast %mul3A_126 : vector<16xf32> to vector<1x16xf32>
        tpu.vector_store %arg14[%swap3A_127, %swap3A_128], %swap3A_131 {strides = array<i32>} : memref<80x128xf32, #tpu.memory_space<vmem>>, vector<1x16xf32>,
        %get3A_132 = arith.index_cast %scan3A_68 : i32 to index
        %get3A_133 = arith.constant 96 : index
        %get3A_134 = tpu.vector_load %arg14[%get3A_132, %get3A_133] {strides = array<i32>} : memref<80x128xf32, #tpu.memory_space<vmem>>, vector<1x16xf32>,
        %get3A_135 = vector.shape_cast %get3A_134 : vector<1x16xf32> to vector<16xf32>
        %mul3A_136 = arith.mulf %get3A_135, %get3A_72 : vector<16xf32>
        %swap3A_137 = arith.index_cast %scan3A_68 : i32 to index
        %swap3A_138 = arith.constant 96 : index
        %swap3A_139 = tpu.vector_load %arg14[%swap3A_137, %swap3A_138] {strides = array<i32>} : memref<80x128xf32, #tpu.memory_space<vmem>>, vector<1x16xf32>,
        %swap3A_140 = vector.shape_cast %swap3A_139 : vector<1x16xf32> to vector<16xf32>
        %swap3A_141 = vector.shape_cast %mul3A_136 : vector<16xf32> to vector<1x16xf32>
        tpu.vector_store %arg14[%swap3A_137, %swap3A_138], %swap3A_141 {strides = array<i32>} : memref<80x128xf32, #tpu.memory_space<vmem>>, vector<1x16xf32>,
        %get3A_142 = arith.index_cast %scan3A_68 : i32 to index
        %get3A_143 = arith.constant 112 : index
        %get3A_144 = tpu.vector_load %arg14[%get3A_142, %get3A_143] {strides = array<i32>} : memref<80x128xf32, #tpu.memory_space<vmem>>, vector<1x16xf32>,
        %get3A_145 = vector.shape_cast %get3A_144 : vector<1x16xf32> to vector<16xf32>
        %mul3A_146 = arith.mulf %get3A_145, %get3A_72 : vector<16xf32>
        %swap3A_147 = arith.index_cast %scan3A_68 : i32 to index
        %swap3A_148 = arith.constant 112 : index
        %swap3A_149 = tpu.vector_load %arg14[%swap3A_147, %swap3A_148] {strides = array<i32>} : memref<80x128xf32, #tpu.memory_space<vmem>>, vector<1x16xf32>,
        %swap3A_150 = vector.shape_cast %swap3A_149 : vector<1x16xf32> to vector<16xf32>
        %swap3A_151 = vector.shape_cast %mul3A_146 : vector<16xf32> to vector<1x16xf32>
        tpu.vector_store %arg14[%swap3A_147, %swap3A_148], %swap3A_151 {strides = array<i32>} : memref<80x128xf32, #tpu.memory_space<vmem>>, vector<1x16xf32>,
      }
      %scan3A_52 = arith.constant 80 : i32
      "tpu.region"() ({
        %run_scoped3A = tpu.sem_alloc : memref<!tpu.dma_semaphore, #tpu.memory_space<semaphore_mem>>
        %dma_start3A_68 = arith.constant 0 : i32
        %dma_start3A_69 = arith.constant 0 : i32
        %dma_start3A_70 = tpu.memref_slice %arg16[%dma_start3A_68, %dma_start3A_69] : memref<10000x128xf32, #tpu.memory_space<vmem_shared>> -> memref<10000x128xf32, #tpu.memory_space<vmem_shared>>
        tpu.enqueue_indirect_dma source(%arg14 : memref<80x128xf32, #tpu.memory_space<vmem>>) target(%dma_start3A_70 : memref<10000x128xf32, #tpu.memory_space<vmem_shared>>) offsets(%arg10 : memref<80xi32, #tpu.memory_space<vmem>>) semaphore(%run_scoped3A : memref<!tpu.dma_semaphore, #tpu.memory_space<semaphore_mem>>) {add = true}
        %dma_wait3A_71 = arith.constant 0 : i32
        %dma_wait3A_72 = arith.constant 0 : i32
        %dma_wait3A_73 = tpu.memref_slice %arg16[%dma_wait3A_71, %dma_wait3A_72] : memref<10000x128xf32, #tpu.memory_space<vmem_shared>> -> memref<10000x128xf32, #tpu.memory_space<vmem_shared>>
        tpu.wait_indirect_dma semaphore(%run_scoped3A : memref<!tpu.dma_semaphore, #tpu.memory_space<semaphore_mem>>) src(%arg14 : memref<80x128xf32, #tpu.memory_space<vmem>>) dst(%dma_wait3A_73 : memref<10000x128xf32, #tpu.memory_space<vmem_shared>>)
        tpu.yield
      }) : () -> ()
      %lt3A_53 = arith.constant 124 : i32
      %lt3A_54 = arith.cmpi slt, %scan3A_30, %lt3A_53 : i32
      %convert_element_type3A_55 = arith.extui %lt3A_54 : i1 to i32
      %cond3A_56 = arith.constant 0 : i32
      %cond3A_57 = arith.cmpi ne, %convert_element_type3A_55, %cond3A_56 : i32
      scf.if %cond3A_57 {
        %add3A_68 = arith.constant 2 : i32
        %add3A_69 = arith.addi %mul3A_32, %add3A_68 : i32
        %mul3A_70 = arith.constant 80 : i32
        %mul3A_71 = arith.muli %add3A_69, %mul3A_70 : i32
        %add3A_72 = arith.addi %mul3A_6, %mul3A_71 : i32
        %mul3A_73 = arith.constant 320000 : i32
        %mul3A_74 = arith.muli %arg0, %mul3A_73 : i32
        %add3A_75 = arith.addi %mul3A_74, %add3A_72 : i32
        "tpu.region"() ({
          %run_scoped3A = tpu.sem_alloc : memref<!tpu.dma_semaphore, #tpu.memory_space<semaphore_mem>>
          %dma_start3A_81 = tpu.memref_slice %arg3[%add3A_75] : memref<640000xi32, #tpu.memory_space<hbm>> -> memref<80xi32, #tpu.memory_space<hbm>>
          %dma_start3A_82 = tpu.memref_slice %arg3[%add3A_75] : memref<640000xi32, #tpu.memory_space<hbm>> -> memref<80xi32, #tpu.memory_space<hbm>>
          tpu.enqueue_dma source(%dma_start3A_82 : memref<80xi32, #tpu.memory_space<hbm>>) target(%arg8 : memref<80xi32, #tpu.memory_space<vmem>>) target_semaphore(%run_scoped3A : memref<!tpu.dma_semaphore, #tpu.memory_space<semaphore_mem>>)
          %dma_wait3A_83 = tpu.memref_slice %arg3[%add3A_75] : memref<640000xi32, #tpu.memory_space<hbm>> -> memref<80xi32, #tpu.memory_space<hbm>>
          %dma_wait3A_84 = tpu.memref_slice %arg3[%add3A_75] : memref<640000xi32, #tpu.memory_space<hbm>> -> memref<80xi32, #tpu.memory_space<hbm>>
          tpu.wait_dma2 semaphore(%run_scoped3A : memref<!tpu.dma_semaphore, #tpu.memory_space<semaphore_mem>>) src(%dma_wait3A_84 : memref<80xi32, #tpu.memory_space<hbm>>) dst(%arg8 : memref<80xi32, #tpu.memory_space<vmem>>)
          tpu.yield
        }) : () -> ()
        "tpu.region"() ({
          %run_scoped3A = tpu.sem_alloc : memref<!tpu.dma_semaphore, #tpu.memory_space<semaphore_mem>>
          %dma_start3A_81 = tpu.memref_slice %arg4[%add3A_72] : memref<320000xi32, #tpu.memory_space<hbm>> -> memref<80xi32, #tpu.memory_space<hbm>>
          %dma_start3A_82 = tpu.memref_slice %arg4[%add3A_72] : memref<320000xi32, #tpu.memory_space<hbm>> -> memref<80xi32, #tpu.memory_space<hbm>>
          tpu.enqueue_dma source(%dma_start3A_82 : memref<80xi32, #tpu.memory_space<hbm>>) target(%arg10 : memref<80xi32, #tpu.memory_space<vmem>>) target_semaphore(%run_scoped3A : memref<!tpu.dma_semaphore, #tpu.memory_space<semaphore_mem>>)
          %dma_wait3A_83 = tpu.memref_slice %arg4[%add3A_72] : memref<320000xi32, #tpu.memory_space<hbm>> -> memref<80xi32, #tpu.memory_space<hbm>>
          %dma_wait3A_84 = tpu.memref_slice %arg4[%add3A_72] : memref<320000xi32, #tpu.memory_space<hbm>> -> memref<80xi32, #tpu.memory_space<hbm>>
          tpu.wait_dma2 semaphore(%run_scoped3A : memref<!tpu.dma_semaphore, #tpu.memory_space<semaphore_mem>>) src(%dma_wait3A_84 : memref<80xi32, #tpu.memory_space<hbm>>) dst(%arg10 : memref<80xi32, #tpu.memory_space<vmem>>)
          tpu.yield
        }) : () -> ()
        %mul3A_76 = arith.constant 16 : i32
        %mul3A_77 = arith.muli %add3A_72, %mul3A_76 : i32
        "tpu.region"() ({
          %run_scoped3A = tpu.sem_alloc : memref<!tpu.dma_semaphore, #tpu.memory_space<semaphore_mem>>
          %dma_start3A_81 = tpu.memref_slice %arg5[%mul3A_77] : memref<5120000xf32, #tpu.memory_space<hbm>> -> memref<1280xf32, #tpu.memory_space<hbm>>
          %dma_start3A_82 = tpu.memref_slice %arg5[%mul3A_77] : memref<5120000xf32, #tpu.memory_space<hbm>> -> memref<1280xf32, #tpu.memory_space<hbm>>
          tpu.enqueue_dma source(%dma_start3A_82 : memref<1280xf32, #tpu.memory_space<hbm>>) target(%arg12 : memref<1280xf32, #tpu.memory_space<vmem>>) target_semaphore(%run_scoped3A : memref<!tpu.dma_semaphore, #tpu.memory_space<semaphore_mem>>)
          %dma_wait3A_83 = tpu.memref_slice %arg5[%mul3A_77] : memref<5120000xf32, #tpu.memory_space<hbm>> -> memref<1280xf32, #tpu.memory_space<hbm>>
          %dma_wait3A_84 = tpu.memref_slice %arg5[%mul3A_77] : memref<5120000xf32, #tpu.memory_space<hbm>> -> memref<1280xf32, #tpu.memory_space<hbm>>
          tpu.wait_dma2 semaphore(%run_scoped3A : memref<!tpu.dma_semaphore, #tpu.memory_space<semaphore_mem>>) src(%dma_wait3A_84 : memref<1280xf32, #tpu.memory_space<hbm>>) dst(%arg12 : memref<1280xf32, #tpu.memory_space<vmem>>)
          tpu.yield
        }) : () -> ()
        %dma_start3A_78 = arith.constant 0 : i32
        %dma_start3A_79 = arith.constant 0 : i32
        %dma_start3A_80 = tpu.memref_slice %arg2[%dma_start3A_78, %dma_start3A_79] : memref<20000x128xf32, #tpu.memory_space<hbm>> -> memref<20000x128xf32, #tpu.memory_space<hbm>>
        tpu.enqueue_indirect_dma source(%dma_start3A_80 : memref<20000x128xf32, #tpu.memory_space<hbm>>) target(%arg14 : memref<80x128xf32, #tpu.memory_space<vmem>>) offsets(%arg8 : memref<80xi32, #tpu.memory_space<vmem>>) semaphore(%arg17 : memref<!tpu.dma_semaphore, #tpu.memory_space<semaphore_mem>>)
      } else {
      }
      %add3A_58 = arith.constant 1 : i32
      %add3A_59 = arith.addi %mul3A_32, %add3A_58 : i32
      %dma_wait3A_60 = arith.constant 0 : i32
      %dma_wait3A_61 = arith.constant 0 : i32
      %dma_wait3A_62 = tpu.memref_slice %arg2[%dma_wait3A_60, %dma_wait3A_61] : memref<20000x128xf32, #tpu.memory_space<hbm>> -> memref<20000x128xf32, #tpu.memory_space<hbm>>
      tpu.wait_indirect_dma semaphore(%arg18 : memref<!tpu.dma_semaphore, #tpu.memory_space<semaphore_mem>>) src(%dma_wait3A_62 : memref<20000x128xf32, #tpu.memory_space<hbm>>) dst(%arg15 : memref<80x128xf32, #tpu.memory_space<vmem>>)
      %scan3A_63 = arith.constant 0 : i32
      %scan3A_64 = arith.constant 80 : i32
      %scan3A_65 = arith.addi %scan3A_63, %scan3A_64 : i32
      %scan3A_66 = arith.constant 1 : i32
      scf.for %scan3A_68 = %scan3A_63 to %scan3A_65 step %scan3A_66  : i32 {
        %mul3A_69 = arith.constant 16 : i32
        %mul3A_70 = arith.muli %scan3A_68, %mul3A_69 : i32
        %get3A = arith.index_cast %mul3A_70 : i32 to index
        %get3A_71 = tpu.vector_load %arg13[%get3A] {strides = array<i32>} : memref<1280xf32, #tpu.memory_space<vmem>>, vector<16xf32>,
        %get3A_72 = vector.shape_cast %get3A_71 : vector<16xf32> to vector<16xf32>
        %get3A_73 = arith.index_cast %scan3A_68 : i32 to index
        %get3A_74 = arith.constant 0 : index
        %get3A_75 = tpu.vector_load %arg15[%get3A_73, %get3A_74] {strides = array<i32>} : memref<80x128xf32, #tpu.memory_space<vmem>>, vector<1x16xf32>,
        %get3A_76 = vector.shape_cast %get3A_75 : vector<1x16xf32> to vector<16xf32>
        %mul3A_77 = arith.mulf %get3A_76, %get3A_72 : vector<16xf32>
        %swap3A = arith.index_cast %scan3A_68 : i32 to index
        %swap3A_78 = arith.constant 0 : index
        %swap3A_79 = tpu.vector_load %arg15[%swap3A, %swap3A_78] {strides = array<i32>} : memref<80x128xf32, #tpu.memory_space<vmem>>, vector<1x16xf32>,
        %swap3A_80 = vector.shape_cast %swap3A_79 : vector<1x16xf32> to vector<16xf32>
        %swap3A_81 = vector.shape_cast %mul3A_77 : vector<16xf32> to vector<1x16xf32>
        tpu.vector_store %arg15[%swap3A, %swap3A_78], %swap3A_81 {strides = array<i32>} : memref<80x128xf32, #tpu.memory_space<vmem>>, vector<1x16xf32>,
        %get3A_82 = arith.index_cast %scan3A_68 : i32 to index
        %get3A_83 = arith.constant 16 : index
        %get3A_84 = tpu.vector_load %arg15[%get3A_82, %get3A_83] {strides = array<i32>} : memref<80x128xf32, #tpu.memory_space<vmem>>, vector<1x16xf32>,
        %get3A_85 = vector.shape_cast %get3A_84 : vector<1x16xf32> to vector<16xf32>
        %mul3A_86 = arith.mulf %get3A_85, %get3A_72 : vector<16xf32>
        %swap3A_87 = arith.index_cast %scan3A_68 : i32 to index
        %swap3A_88 = arith.constant 16 : index
        %swap3A_89 = tpu.vector_load %arg15[%swap3A_87, %swap3A_88] {strides = array<i32>} : memref<80x128xf32, #tpu.memory_space<vmem>>, vector<1x16xf32>,
        %swap3A_90 = vector.shape_cast %swap3A_89 : vector<1x16xf32> to vector<16xf32>
        %swap3A_91 = vector.shape_cast %mul3A_86 : vector<16xf32> to vector<1x16xf32>
        tpu.vector_store %arg15[%swap3A_87, %swap3A_88], %swap3A_91 {strides = array<i32>} : memref<80x128xf32, #tpu.memory_space<vmem>>, vector<1x16xf32>,
        %get3A_92 = arith.index_cast %scan3A_68 : i32 to index
        %get3A_93 = arith.constant 32 : index
        %get3A_94 = tpu.vector_load %arg15[%get3A_92, %get3A_93] {strides = array<i32>} : memref<80x128xf32, #tpu.memory_space<vmem>>, vector<1x16xf32>,
        %get3A_95 = vector.shape_cast %get3A_94 : vector<1x16xf32> to vector<16xf32>
        %mul3A_96 = arith.mulf %get3A_95, %get3A_72 : vector<16xf32>
        %swap3A_97 = arith.index_cast %scan3A_68 : i32 to index
        %swap3A_98 = arith.constant 32 : index
        %swap3A_99 = tpu.vector_load %arg15[%swap3A_97, %swap3A_98] {strides = array<i32>} : memref<80x128xf32, #tpu.memory_space<vmem>>, vector<1x16xf32>,
        %swap3A_100 = vector.shape_cast %swap3A_99 : vector<1x16xf32> to vector<16xf32>
        %swap3A_101 = vector.shape_cast %mul3A_96 : vector<16xf32> to vector<1x16xf32>
        tpu.vector_store %arg15[%swap3A_97, %swap3A_98], %swap3A_101 {strides = array<i32>} : memref<80x128xf32, #tpu.memory_space<vmem>>, vector<1x16xf32>,
        %get3A_102 = arith.index_cast %scan3A_68 : i32 to index
        %get3A_103 = arith.constant 48 : index
        %get3A_104 = tpu.vector_load %arg15[%get3A_102, %get3A_103] {strides = array<i32>} : memref<80x128xf32, #tpu.memory_space<vmem>>, vector<1x16xf32>,
        %get3A_105 = vector.shape_cast %get3A_104 : vector<1x16xf32> to vector<16xf32>
        %mul3A_106 = arith.mulf %get3A_105, %get3A_72 : vector<16xf32>
        %swap3A_107 = arith.index_cast %scan3A_68 : i32 to index
        %swap3A_108 = arith.constant 48 : index
        %swap3A_109 = tpu.vector_load %arg15[%swap3A_107, %swap3A_108] {strides = array<i32>} : memref<80x128xf32, #tpu.memory_space<vmem>>, vector<1x16xf32>,
        %swap3A_110 = vector.shape_cast %swap3A_109 : vector<1x16xf32> to vector<16xf32>
        %swap3A_111 = vector.shape_cast %mul3A_106 : vector<16xf32> to vector<1x16xf32>
        tpu.vector_store %arg15[%swap3A_107, %swap3A_108], %swap3A_111 {strides = array<i32>} : memref<80x128xf32, #tpu.memory_space<vmem>>, vector<1x16xf32>,
        %get3A_112 = arith.index_cast %scan3A_68 : i32 to index
        %get3A_113 = arith.constant 64 : index
        %get3A_114 = tpu.vector_load %arg15[%get3A_112, %get3A_113] {strides = array<i32>} : memref<80x128xf32, #tpu.memory_space<vmem>>, vector<1x16xf32>,
        %get3A_115 = vector.shape_cast %get3A_114 : vector<1x16xf32> to vector<16xf32>
        %mul3A_116 = arith.mulf %get3A_115, %get3A_72 : vector<16xf32>
        %swap3A_117 = arith.index_cast %scan3A_68 : i32 to index
        %swap3A_118 = arith.constant 64 : index
        %swap3A_119 = tpu.vector_load %arg15[%swap3A_117, %swap3A_118] {strides = array<i32>} : memref<80x128xf32, #tpu.memory_space<vmem>>, vector<1x16xf32>,
        %swap3A_120 = vector.shape_cast %swap3A_119 : vector<1x16xf32> to vector<16xf32>
        %swap3A_121 = vector.shape_cast %mul3A_116 : vector<16xf32> to vector<1x16xf32>
        tpu.vector_store %arg15[%swap3A_117, %swap3A_118], %swap3A_121 {strides = array<i32>} : memref<80x128xf32, #tpu.memory_space<vmem>>, vector<1x16xf32>,
        %get3A_122 = arith.index_cast %scan3A_68 : i32 to index
        %get3A_123 = arith.constant 80 : index
        %get3A_124 = tpu.vector_load %arg15[%get3A_122, %get3A_123] {strides = array<i32>} : memref<80x128xf32, #tpu.memory_space<vmem>>, vector<1x16xf32>,
        %get3A_125 = vector.shape_cast %get3A_124 : vector<1x16xf32> to vector<16xf32>
        %mul3A_126 = arith.mulf %get3A_125, %get3A_72 : vector<16xf32>
        %swap3A_127 = arith.index_cast %scan3A_68 : i32 to index
        %swap3A_128 = arith.constant 80 : index
        %swap3A_129 = tpu.vector_load %arg15[%swap3A_127, %swap3A_128] {strides = array<i32>} : memref<80x128xf32, #tpu.memory_space<vmem>>, vector<1x16xf32>,
        %swap3A_130 = vector.shape_cast %swap3A_129 : vector<1x16xf32> to vector<16xf32>
        %swap3A_131 = vector.shape_cast %mul3A_126 : vector<16xf32> to vector<1x16xf32>
        tpu.vector_store %arg15[%swap3A_127, %swap3A_128], %swap3A_131 {strides = array<i32>} : memref<80x128xf32, #tpu.memory_space<vmem>>, vector<1x16xf32>,
        %get3A_132 = arith.index_cast %scan3A_68 : i32 to index
        %get3A_133 = arith.constant 96 : index
        %get3A_134 = tpu.vector_load %arg15[%get3A_132, %get3A_133] {strides = array<i32>} : memref<80x128xf32, #tpu.memory_space<vmem>>, vector<1x16xf32>,
        %get3A_135 = vector.shape_cast %get3A_134 : vector<1x16xf32> to vector<16xf32>
        %mul3A_136 = arith.mulf %get3A_135, %get3A_72 : vector<16xf32>
        %swap3A_137 = arith.index_cast %scan3A_68 : i32 to index
        %swap3A_138 = arith.constant 96 : index
        %swap3A_139 = tpu.vector_load %arg15[%swap3A_137, %swap3A_138] {strides = array<i32>} : memref<80x128xf32, #tpu.memory_space<vmem>>, vector<1x16xf32>,
        %swap3A_140 = vector.shape_cast %swap3A_139 : vector<1x16xf32> to vector<16xf32>
        %swap3A_141 = vector.shape_cast %mul3A_136 : vector<16xf32> to vector<1x16xf32>
        tpu.vector_store %arg15[%swap3A_137, %swap3A_138], %swap3A_141 {strides = array<i32>} : memref<80x128xf32, #tpu.memory_space<vmem>>, vector<1x16xf32>,
        %get3A_142 = arith.index_cast %scan3A_68 : i32 to index
        %get3A_143 = arith.constant 112 : index
        %get3A_144 = tpu.vector_load %arg15[%get3A_142, %get3A_143] {strides = array<i32>} : memref<80x128xf32, #tpu.memory_space<vmem>>, vector<1x16xf32>,
        %get3A_145 = vector.shape_cast %get3A_144 : vector<1x16xf32> to vector<16xf32>
        %mul3A_146 = arith.mulf %get3A_145, %get3A_72 : vector<16xf32>
        %swap3A_147 = arith.index_cast %scan3A_68 : i32 to index
        %swap3A_148 = arith.constant 112 : index
        %swap3A_149 = tpu.vector_load %arg15[%swap3A_147, %swap3A_148] {strides = array<i32>} : memref<80x128xf32, #tpu.memory_space<vmem>>, vector<1x16xf32>,
        %swap3A_150 = vector.shape_cast %swap3A_149 : vector<1x16xf32> to vector<16xf32>
        %swap3A_151 = vector.shape_cast %mul3A_146 : vector<16xf32> to vector<1x16xf32>
        tpu.vector_store %arg15[%swap3A_147, %swap3A_148], %swap3A_151 {strides = array<i32>} : memref<80x128xf32, #tpu.memory_space<vmem>>, vector<1x16xf32>,
      }
      %scan3A_67 = arith.constant 80 : i32
      "tpu.region"() ({
        %run_scoped3A = tpu.sem_alloc : memref<!tpu.dma_semaphore, #tpu.memory_space<semaphore_mem>>
        %dma_start3A_68 = arith.constant 0 : i32
        %dma_start3A_69 = arith.constant 0 : i32
        %dma_start3A_70 = tpu.memref_slice %arg16[%dma_start3A_68, %dma_start3A_69] : memref<10000x128xf32, #tpu.memory_space<vmem_shared>> -> memref<10000x128xf32, #tpu.memory_space<vmem_shared>>
        tpu.enqueue_indirect_dma source(%arg15 : memref<80x128xf32, #tpu.memory_space<vmem>>) target(%dma_start3A_70 : memref<10000x128xf32, #tpu.memory_space<vmem_shared>>) offsets(%arg11 : memref<80xi32, #tpu.memory_space<vmem>>) semaphore(%run_scoped3A : memref<!tpu.dma_semaphore, #tpu.memory_space<semaphore_mem>>) {add = true}
        %dma_wait3A_71 = arith.constant 0 : i32
        %dma_wait3A_72 = arith.constant 0 : i32
        %dma_wait3A_73 = tpu.memref_slice %arg16[%dma_wait3A_71, %dma_wait3A_72] : memref<10000x128xf32, #tpu.memory_space<vmem_shared>> -> memref<10000x128xf32, #tpu.memory_space<vmem_shared>>
        tpu.wait_indirect_dma semaphore(%run_scoped3A : memref<!tpu.dma_semaphore, #tpu.memory_space<semaphore_mem>>) src(%arg15 : memref<80x128xf32, #tpu.memory_space<vmem>>) dst(%dma_wait3A_73 : memref<10000x128xf32, #tpu.memory_space<vmem_shared>>)
        tpu.yield
      }) : () -> ()
    }
    %scan3A_18 = arith.constant 125 : i32
    %barrier3A_19 = arith.constant 0 : index
    tpu.barrier barrier_id(%barrier3A_19)
    %lt3A_20 = arith.constant 15 : i32
    %lt3A_21 = arith.cmpi slt, %arg1, %lt3A_20 : i32
    %convert_element_type3A_22 = arith.extui %lt3A_21 : i1 to i32
    %cond3A_23 = arith.constant 0 : i32
    %cond3A_24 = arith.cmpi ne, %convert_element_type3A_22, %cond3A_23 : i32
    scf.if %cond3A_24 {
      %mul3A_30 = arith.constant 632 : i32
      %mul3A_31 = arith.muli %arg1, %mul3A_30 : i32
      %multiple_of3A = tpu.assume_multiple %mul3A_31, 8 : i32
      %mul3A_32 = arith.constant 128 : i32
      %mul3A_33 = arith.muli %arg0, %mul3A_32 : i32
      %multiple_of3A_34 = tpu.assume_multiple %mul3A_33, 128 : i32
      "tpu.region"() ({
        %run_scoped3A = tpu.sem_alloc : memref<!tpu.dma_semaphore, #tpu.memory_space<semaphore_mem>>
        %dma_start3A_35 = tpu.memref_slice %arg7[%multiple_of3A, %multiple_of3A_34] : memref<10000x256xf32, #tpu.memory_space<hbm>> -> memref<632x128xf32, #tpu.memory_space<hbm>>
        %dma_start3A_36 = arith.constant 0 : i32
        %dma_start3A_37 = tpu.memref_slice %arg16[%multiple_of3A, %dma_start3A_36] : memref<10000x128xf32, #tpu.memory_space<vmem_shared>> -> memref<632x128xf32, #tpu.memory_space<vmem_shared>>
        tpu.enqueue_dma source(%dma_start3A_37 : memref<632x128xf32, #tpu.memory_space<vmem_shared>>) target(%dma_start3A_35 : memref<632x128xf32, #tpu.memory_space<hbm>>) target_semaphore(%run_scoped3A : memref<!tpu.dma_semaphore, #tpu.memory_space<semaphore_mem>>)
        %dma_wait3A = tpu.memref_slice %arg7[%multiple_of3A, %multiple_of3A_34] : memref<10000x256xf32, #tpu.memory_space<hbm>> -> memref<632x128xf32, #tpu.memory_space<hbm>>
        %dma_wait3A_38 = arith.constant 0 : i32
        %dma_wait3A_39 = tpu.memref_slice %arg16[%multiple_of3A, %dma_wait3A_38] : memref<10000x128xf32, #tpu.memory_space<vmem_shared>> -> memref<632x128xf32, #tpu.memory_space<vmem_shared>>
        tpu.wait_dma2 semaphore(%run_scoped3A : memref<!tpu.dma_semaphore, #tpu.memory_space<semaphore_mem>>) src(%dma_wait3A_39 : memref<632x128xf32, #tpu.memory_space<vmem_shared>>) dst(%dma_wait3A : memref<632x128xf32, #tpu.memory_space<hbm>>)
        tpu.yield
      }) : () -> ()
    } else {
    }
    %eq3A_25 = arith.constant 15 : i32
    %eq3A_26 = arith.cmpi eq, %arg1, %eq3A_25 : i32
    %convert_element_type3A_27 = arith.extui %eq3A_26 : i1 to i32
    %cond3A_28 = arith.constant 0 : i32
    %cond3A_29 = arith.cmpi ne, %convert_element_type3A_27, %cond3A_28 : i32
    scf.if %cond3A_29 {
      %mul3A_30 = arith.constant 128 : i32
      %mul3A_31 = arith.muli %arg0, %mul3A_30 : i32
      %multiple_of3A = tpu.assume_multiple %mul3A_31, 128 : i32
      "tpu.region"() ({
        %run_scoped3A = tpu.sem_alloc : memref<!tpu.dma_semaphore, #tpu.memory_space<semaphore_mem>>
        %dma_start3A_32 = arith.constant 9480 : i32
        %dma_start3A_33 = tpu.memref_slice %arg7[%dma_start3A_32, %multiple_of3A] : memref<10000x256xf32, #tpu.memory_space<hbm>> -> memref<520x128xf32, #tpu.memory_space<hbm>>
        %dma_start3A_34 = arith.constant 9480 : i32
        %dma_start3A_35 = arith.constant 0 : i32
        %dma_start3A_36 = tpu.memref_slice %arg16[%dma_start3A_34, %dma_start3A_35] : memref<10000x128xf32, #tpu.memory_space<vmem_shared>> -> memref<520x128xf32, #tpu.memory_space<vmem_shared>>
        tpu.enqueue_dma source(%dma_start3A_36 : memref<520x128xf32, #tpu.memory_space<vmem_shared>>) target(%dma_start3A_33 : memref<520x128xf32, #tpu.memory_space<hbm>>) target_semaphore(%run_scoped3A : memref<!tpu.dma_semaphore, #tpu.memory_space<semaphore_mem>>)
        %dma_wait3A = arith.constant 9480 : i32
        %dma_wait3A_37 = tpu.memref_slice %arg7[%dma_wait3A, %multiple_of3A] : memref<10000x256xf32, #tpu.memory_space<hbm>> -> memref<520x128xf32, #tpu.memory_space<hbm>>
        %dma_wait3A_38 = arith.constant 9480 : i32
        %dma_wait3A_39 = arith.constant 0 : i32
        %dma_wait3A_40 = tpu.memref_slice %arg16[%dma_wait3A_38, %dma_wait3A_39] : memref<10000x128xf32, #tpu.memory_space<vmem_shared>> -> memref<520x128xf32, #tpu.memory_space<vmem_shared>>
        tpu.wait_dma2 semaphore(%run_scoped3A : memref<!tpu.dma_semaphore, #tpu.memory_space<semaphore_mem>>) src(%dma_wait3A_40 : memref<520x128xf32, #tpu.memory_space<vmem_shared>>) dst(%dma_wait3A_37 : memref<520x128xf32, #tpu.memory_space<hbm>>)
        tpu.yield
      }) : () -> ()
    } else {
    }
    return
  }
}

#map = affine_map<(d0, d1) -> (0, 0)>
#map1 = affine_map<(d0, d1) -> (0)>
module attributes {stable_mosaic.version = 14 : i64} {
  func.func @_edgesplit_scatter(%arg0: i32, %arg1: i32, %arg2: memref<10000x128xf32, #tpu.memory_space<hbm>>, %arg3: memref<320000xi32, #tpu.memory_space<hbm>>, %arg4: memref<320000xi32, #tpu.memory_space<hbm>>, %arg5: memref<10000x128xf32, #tpu.memory_space<hbm>>, %arg6: memref<10000x128xf32, #tpu.memory_space<hbm>>, %arg7: memref<10000x128xf32, #tpu.memory_space<hbm>>, %arg8: memref<200xi32, #tpu.memory_space<vmem>>, %arg9: memref<200xi32, #tpu.memory_space<vmem>>, %arg10: memref<200x128xf32, #tpu.memory_space<vmem>>, %arg11: memref<10000x128xf32, #tpu.memory_space<vmem_shared>>, %arg12: memref<!tpu.dma_semaphore, #tpu.memory_space<semaphore_mem>>) attributes {dimension_semantics = [#tpu.dimension_semantics<core_parallel>, #tpu.dimension_semantics<subcore_parallel>], iteration_bounds = array<i64: 2, 16>, scalar_prefetch = 0 : i64, scratch_operands = 5 : i64, tpu.core_type = #tpu.core_type<sc_vector_subcore>, window_params = [{transform_indices = #map}, {transform_indices = #map1}, {transform_indices = #map1}, {transform_indices = #map}, {transform_indices = #map}, {transform_indices = #map}]} {
    %lt3A = arith.constant 15 : i32
    %lt3A_0 = arith.cmpi slt, %arg1, %lt3A : i32
    %convert_element_type3A = arith.extui %lt3A_0 : i1 to i32
    %cond3A = arith.constant 0 : i32
    %cond3A_1 = arith.cmpi ne, %convert_element_type3A, %cond3A : i32
    scf.if %cond3A_1 {
      %mul3A_24 = arith.constant 632 : i32
      %mul3A_25 = arith.muli %arg1, %mul3A_24 : i32
      %multiple_of3A = tpu.assume_multiple %mul3A_25, 8 : i32
      "tpu.region"() ({
        %run_scoped3A = tpu.sem_alloc : memref<!tpu.dma_semaphore, #tpu.memory_space<semaphore_mem>>
        %dma_start3A = arith.constant 0 : i32
        %dma_start3A_26 = tpu.memref_slice %arg11[%multiple_of3A, %dma_start3A] : memref<10000x128xf32, #tpu.memory_space<vmem_shared>> -> memref<632x128xf32, #tpu.memory_space<vmem_shared>>
        %dma_start3A_27 = arith.constant 0 : i32
        %dma_start3A_28 = tpu.memref_slice %arg5[%multiple_of3A, %dma_start3A_27] : memref<10000x128xf32, #tpu.memory_space<hbm>> -> memref<632x128xf32, #tpu.memory_space<hbm>>
        tpu.enqueue_dma source(%dma_start3A_28 : memref<632x128xf32, #tpu.memory_space<hbm>>) target(%dma_start3A_26 : memref<632x128xf32, #tpu.memory_space<vmem_shared>>) target_semaphore(%run_scoped3A : memref<!tpu.dma_semaphore, #tpu.memory_space<semaphore_mem>>)
        %dma_wait3A = arith.constant 0 : i32
        %dma_wait3A_29 = tpu.memref_slice %arg11[%multiple_of3A, %dma_wait3A] : memref<10000x128xf32, #tpu.memory_space<vmem_shared>> -> memref<632x128xf32, #tpu.memory_space<vmem_shared>>
        %dma_wait3A_30 = arith.constant 0 : i32
        %dma_wait3A_31 = tpu.memref_slice %arg5[%multiple_of3A, %dma_wait3A_30] : memref<10000x128xf32, #tpu.memory_space<hbm>> -> memref<632x128xf32, #tpu.memory_space<hbm>>
        tpu.wait_dma2 semaphore(%run_scoped3A : memref<!tpu.dma_semaphore, #tpu.memory_space<semaphore_mem>>) src(%dma_wait3A_31 : memref<632x128xf32, #tpu.memory_space<hbm>>) dst(%dma_wait3A_29 : memref<632x128xf32, #tpu.memory_space<vmem_shared>>)
        tpu.yield
      }) : () -> ()
    } else {
    }
    %eq3A = arith.constant 15 : i32
    %eq3A_2 = arith.cmpi eq, %arg1, %eq3A : i32
    %convert_element_type3A_3 = arith.extui %eq3A_2 : i1 to i32
    %cond3A_4 = arith.constant 0 : i32
    %cond3A_5 = arith.cmpi ne, %convert_element_type3A_3, %cond3A_4 : i32
    scf.if %cond3A_5 {
      "tpu.region"() ({
        %run_scoped3A = tpu.sem_alloc : memref<!tpu.dma_semaphore, #tpu.memory_space<semaphore_mem>>
        %dma_start3A = arith.constant 9480 : i32
        %dma_start3A_24 = arith.constant 0 : i32
        %dma_start3A_25 = tpu.memref_slice %arg11[%dma_start3A, %dma_start3A_24] : memref<10000x128xf32, #tpu.memory_space<vmem_shared>> -> memref<520x128xf32, #tpu.memory_space<vmem_shared>>
        %dma_start3A_26 = arith.constant 9480 : i32
        %dma_start3A_27 = arith.constant 0 : i32
        %dma_start3A_28 = tpu.memref_slice %arg5[%dma_start3A_26, %dma_start3A_27] : memref<10000x128xf32, #tpu.memory_space<hbm>> -> memref<520x128xf32, #tpu.memory_space<hbm>>
        tpu.enqueue_dma source(%dma_start3A_28 : memref<520x128xf32, #tpu.memory_space<hbm>>) target(%dma_start3A_25 : memref<520x128xf32, #tpu.memory_space<vmem_shared>>) target_semaphore(%run_scoped3A : memref<!tpu.dma_semaphore, #tpu.memory_space<semaphore_mem>>)
        %dma_wait3A = arith.constant 9480 : i32
        %dma_wait3A_29 = arith.constant 0 : i32
        %dma_wait3A_30 = tpu.memref_slice %arg11[%dma_wait3A, %dma_wait3A_29] : memref<10000x128xf32, #tpu.memory_space<vmem_shared>> -> memref<520x128xf32, #tpu.memory_space<vmem_shared>>
        %dma_wait3A_31 = arith.constant 9480 : i32
        %dma_wait3A_32 = arith.constant 0 : i32
        %dma_wait3A_33 = tpu.memref_slice %arg5[%dma_wait3A_31, %dma_wait3A_32] : memref<10000x128xf32, #tpu.memory_space<hbm>> -> memref<520x128xf32, #tpu.memory_space<hbm>>
        tpu.wait_dma2 semaphore(%run_scoped3A : memref<!tpu.dma_semaphore, #tpu.memory_space<semaphore_mem>>) src(%dma_wait3A_33 : memref<520x128xf32, #tpu.memory_space<hbm>>) dst(%dma_wait3A_30 : memref<520x128xf32, #tpu.memory_space<vmem_shared>>)
        tpu.yield
      }) : () -> ()
    } else {
    }
    %barrier3A = arith.constant 0 : index
    tpu.barrier barrier_id(%barrier3A)
    %mul3A = arith.constant 16 : i32
    %mul3A_6 = arith.muli %arg0, %mul3A : i32
    %add3A = arith.addi %mul3A_6, %arg1 : i32
    %mul3A_7 = arith.constant 10000 : i32
    %mul3A_8 = arith.muli %add3A, %mul3A_7 : i32
    %scan3A = arith.constant 0 : i32
    %scan3A_9 = arith.constant 50 : i32
    %scan3A_10 = arith.addi %scan3A, %scan3A_9 : i32
    %scan3A_11 = arith.constant 1 : i32
    scf.for %scan3A_24 = %scan3A to %scan3A_10 step %scan3A_11  : i32 {
      %mul3A_25 = arith.constant 200 : i32
      %mul3A_26 = arith.muli %scan3A_24, %mul3A_25 : i32
      %add3A_27 = arith.addi %mul3A_8, %mul3A_26 : i32
      "tpu.region"() ({
        %run_scoped3A = tpu.sem_alloc : memref<!tpu.dma_semaphore, #tpu.memory_space<semaphore_mem>>
        %dma_start3A_32 = tpu.memref_slice %arg3[%add3A_27] : memref<320000xi32, #tpu.memory_space<hbm>> -> memref<200xi32, #tpu.memory_space<hbm>>
        %dma_start3A_33 = tpu.memref_slice %arg3[%add3A_27] : memref<320000xi32, #tpu.memory_space<hbm>> -> memref<200xi32, #tpu.memory_space<hbm>>
        tpu.enqueue_dma source(%dma_start3A_33 : memref<200xi32, #tpu.memory_space<hbm>>) target(%arg8 : memref<200xi32, #tpu.memory_space<vmem>>) target_semaphore(%run_scoped3A : memref<!tpu.dma_semaphore, #tpu.memory_space<semaphore_mem>>)
        %dma_wait3A_34 = tpu.memref_slice %arg3[%add3A_27] : memref<320000xi32, #tpu.memory_space<hbm>> -> memref<200xi32, #tpu.memory_space<hbm>>
        %dma_wait3A_35 = tpu.memref_slice %arg3[%add3A_27] : memref<320000xi32, #tpu.memory_space<hbm>> -> memref<200xi32, #tpu.memory_space<hbm>>
        tpu.wait_dma2 semaphore(%run_scoped3A : memref<!tpu.dma_semaphore, #tpu.memory_space<semaphore_mem>>) src(%dma_wait3A_35 : memref<200xi32, #tpu.memory_space<hbm>>) dst(%arg8 : memref<200xi32, #tpu.memory_space<vmem>>)
        tpu.yield
      }) : () -> ()
      "tpu.region"() ({
        %run_scoped3A = tpu.sem_alloc : memref<!tpu.dma_semaphore, #tpu.memory_space<semaphore_mem>>
        %dma_start3A_32 = tpu.memref_slice %arg4[%add3A_27] : memref<320000xi32, #tpu.memory_space<hbm>> -> memref<200xi32, #tpu.memory_space<hbm>>
        %dma_start3A_33 = tpu.memref_slice %arg4[%add3A_27] : memref<320000xi32, #tpu.memory_space<hbm>> -> memref<200xi32, #tpu.memory_space<hbm>>
        tpu.enqueue_dma source(%dma_start3A_33 : memref<200xi32, #tpu.memory_space<hbm>>) target(%arg9 : memref<200xi32, #tpu.memory_space<vmem>>) target_semaphore(%run_scoped3A : memref<!tpu.dma_semaphore, #tpu.memory_space<semaphore_mem>>)
        %dma_wait3A_34 = tpu.memref_slice %arg4[%add3A_27] : memref<320000xi32, #tpu.memory_space<hbm>> -> memref<200xi32, #tpu.memory_space<hbm>>
        %dma_wait3A_35 = tpu.memref_slice %arg4[%add3A_27] : memref<320000xi32, #tpu.memory_space<hbm>> -> memref<200xi32, #tpu.memory_space<hbm>>
        tpu.wait_dma2 semaphore(%run_scoped3A : memref<!tpu.dma_semaphore, #tpu.memory_space<semaphore_mem>>) src(%dma_wait3A_35 : memref<200xi32, #tpu.memory_space<hbm>>) dst(%arg9 : memref<200xi32, #tpu.memory_space<vmem>>)
        tpu.yield
      }) : () -> ()
      %dma_start3A = arith.constant 0 : i32
      %dma_start3A_28 = arith.constant 0 : i32
      %dma_start3A_29 = tpu.memref_slice %arg2[%dma_start3A, %dma_start3A_28] : memref<10000x128xf32, #tpu.memory_space<hbm>> -> memref<10000x128xf32, #tpu.memory_space<hbm>>
      tpu.enqueue_indirect_dma source(%dma_start3A_29 : memref<10000x128xf32, #tpu.memory_space<hbm>>) target(%arg10 : memref<200x128xf32, #tpu.memory_space<vmem>>) offsets(%arg8 : memref<200xi32, #tpu.memory_space<vmem>>) semaphore(%arg12 : memref<!tpu.dma_semaphore, #tpu.memory_space<semaphore_mem>>)
      %dma_wait3A = arith.constant 0 : i32
      %dma_wait3A_30 = arith.constant 0 : i32
      %dma_wait3A_31 = tpu.memref_slice %arg2[%dma_wait3A, %dma_wait3A_30] : memref<10000x128xf32, #tpu.memory_space<hbm>> -> memref<10000x128xf32, #tpu.memory_space<hbm>>
      tpu.wait_indirect_dma semaphore(%arg12 : memref<!tpu.dma_semaphore, #tpu.memory_space<semaphore_mem>>) src(%dma_wait3A_31 : memref<10000x128xf32, #tpu.memory_space<hbm>>) dst(%arg10 : memref<200x128xf32, #tpu.memory_space<vmem>>)
      "tpu.region"() ({
        %run_scoped3A = tpu.sem_alloc : memref<!tpu.dma_semaphore, #tpu.memory_space<semaphore_mem>>
        %dma_start3A_32 = arith.constant 0 : i32
        %dma_start3A_33 = arith.constant 0 : i32
        %dma_start3A_34 = tpu.memref_slice %arg11[%dma_start3A_32, %dma_start3A_33] : memref<10000x128xf32, #tpu.memory_space<vmem_shared>> -> memref<10000x128xf32, #tpu.memory_space<vmem_shared>>
        tpu.enqueue_indirect_dma source(%arg10 : memref<200x128xf32, #tpu.memory_space<vmem>>) target(%dma_start3A_34 : memref<10000x128xf32, #tpu.memory_space<vmem_shared>>) offsets(%arg9 : memref<200xi32, #tpu.memory_space<vmem>>) semaphore(%run_scoped3A : memref<!tpu.dma_semaphore, #tpu.memory_space<semaphore_mem>>) {add = true}
        %dma_wait3A_35 = arith.constant 0 : i32
        %dma_wait3A_36 = arith.constant 0 : i32
        %dma_wait3A_37 = tpu.memref_slice %arg11[%dma_wait3A_35, %dma_wait3A_36] : memref<10000x128xf32, #tpu.memory_space<vmem_shared>> -> memref<10000x128xf32, #tpu.memory_space<vmem_shared>>
        tpu.wait_indirect_dma semaphore(%run_scoped3A : memref<!tpu.dma_semaphore, #tpu.memory_space<semaphore_mem>>) src(%arg10 : memref<200x128xf32, #tpu.memory_space<vmem>>) dst(%dma_wait3A_37 : memref<10000x128xf32, #tpu.memory_space<vmem_shared>>)
        tpu.yield
      }) : () -> ()
    }
    %scan3A_12 = arith.constant 50 : i32
    %barrier3A_13 = arith.constant 0 : index
    tpu.barrier barrier_id(%barrier3A_13)
    %eq3A_14 = arith.constant 0 : i32
    %eq3A_15 = arith.cmpi eq, %arg0, %eq3A_14 : i32
    %convert_element_type3A_16 = arith.extui %eq3A_15 : i1 to i32
    %cond3A_17 = arith.constant 0 : i32
    %cond3A_18 = arith.cmpi ne, %convert_element_type3A_16, %cond3A_17 : i32
    scf.if %cond3A_18 {
      %lt3A_24 = arith.constant 15 : i32
      %lt3A_25 = arith.cmpi slt, %arg1, %lt3A_24 : i32
      %convert_element_type3A_26 = arith.extui %lt3A_25 : i1 to i32
      %cond3A_27 = arith.constant 0 : i32
      %cond3A_28 = arith.cmpi ne, %convert_element_type3A_26, %cond3A_27 : i32
      scf.if %cond3A_28 {
        %mul3A_34 = arith.constant 632 : i32
        %mul3A_35 = arith.muli %arg1, %mul3A_34 : i32
        %multiple_of3A = tpu.assume_multiple %mul3A_35, 8 : i32
        "tpu.region"() ({
          %run_scoped3A = tpu.sem_alloc : memref<!tpu.dma_semaphore, #tpu.memory_space<semaphore_mem>>
          %dma_start3A = arith.constant 0 : i32
          %dma_start3A_36 = tpu.memref_slice %arg6[%multiple_of3A, %dma_start3A] : memref<10000x128xf32, #tpu.memory_space<hbm>> -> memref<632x128xf32, #tpu.memory_space<hbm>>
          %dma_start3A_37 = arith.constant 0 : i32
          %dma_start3A_38 = tpu.memref_slice %arg11[%multiple_of3A, %dma_start3A_37] : memref<10000x128xf32, #tpu.memory_space<vmem_shared>> -> memref<632x128xf32, #tpu.memory_space<vmem_shared>>
          tpu.enqueue_dma source(%dma_start3A_38 : memref<632x128xf32, #tpu.memory_space<vmem_shared>>) target(%dma_start3A_36 : memref<632x128xf32, #tpu.memory_space<hbm>>) target_semaphore(%run_scoped3A : memref<!tpu.dma_semaphore, #tpu.memory_space<semaphore_mem>>)
          %dma_wait3A = arith.constant 0 : i32
          %dma_wait3A_39 = tpu.memref_slice %arg6[%multiple_of3A, %dma_wait3A] : memref<10000x128xf32, #tpu.memory_space<hbm>> -> memref<632x128xf32, #tpu.memory_space<hbm>>
          %dma_wait3A_40 = arith.constant 0 : i32
          %dma_wait3A_41 = tpu.memref_slice %arg11[%multiple_of3A, %dma_wait3A_40] : memref<10000x128xf32, #tpu.memory_space<vmem_shared>> -> memref<632x128xf32, #tpu.memory_space<vmem_shared>>
          tpu.wait_dma2 semaphore(%run_scoped3A : memref<!tpu.dma_semaphore, #tpu.memory_space<semaphore_mem>>) src(%dma_wait3A_41 : memref<632x128xf32, #tpu.memory_space<vmem_shared>>) dst(%dma_wait3A_39 : memref<632x128xf32, #tpu.memory_space<hbm>>)
          tpu.yield
        }) : () -> ()
      } else {
      }
      %eq3A_29 = arith.constant 15 : i32
      %eq3A_30 = arith.cmpi eq, %arg1, %eq3A_29 : i32
      %convert_element_type3A_31 = arith.extui %eq3A_30 : i1 to i32
      %cond3A_32 = arith.constant 0 : i32
      %cond3A_33 = arith.cmpi ne, %convert_element_type3A_31, %cond3A_32 : i32
      scf.if %cond3A_33 {
        "tpu.region"() ({
          %run_scoped3A = tpu.sem_alloc : memref<!tpu.dma_semaphore, #tpu.memory_space<semaphore_mem>>
          %dma_start3A = arith.constant 9480 : i32
          %dma_start3A_34 = arith.constant 0 : i32
          %dma_start3A_35 = tpu.memref_slice %arg6[%dma_start3A, %dma_start3A_34] : memref<10000x128xf32, #tpu.memory_space<hbm>> -> memref<520x128xf32, #tpu.memory_space<hbm>>
          %dma_start3A_36 = arith.constant 9480 : i32
          %dma_start3A_37 = arith.constant 0 : i32
          %dma_start3A_38 = tpu.memref_slice %arg11[%dma_start3A_36, %dma_start3A_37] : memref<10000x128xf32, #tpu.memory_space<vmem_shared>> -> memref<520x128xf32, #tpu.memory_space<vmem_shared>>
          tpu.enqueue_dma source(%dma_start3A_38 : memref<520x128xf32, #tpu.memory_space<vmem_shared>>) target(%dma_start3A_35 : memref<520x128xf32, #tpu.memory_space<hbm>>) target_semaphore(%run_scoped3A : memref<!tpu.dma_semaphore, #tpu.memory_space<semaphore_mem>>)
          %dma_wait3A = arith.constant 9480 : i32
          %dma_wait3A_39 = arith.constant 0 : i32
          %dma_wait3A_40 = tpu.memref_slice %arg6[%dma_wait3A, %dma_wait3A_39] : memref<10000x128xf32, #tpu.memory_space<hbm>> -> memref<520x128xf32, #tpu.memory_space<hbm>>
          %dma_wait3A_41 = arith.constant 9480 : i32
          %dma_wait3A_42 = arith.constant 0 : i32
          %dma_wait3A_43 = tpu.memref_slice %arg11[%dma_wait3A_41, %dma_wait3A_42] : memref<10000x128xf32, #tpu.memory_space<vmem_shared>> -> memref<520x128xf32, #tpu.memory_space<vmem_shared>>
          tpu.wait_dma2 semaphore(%run_scoped3A : memref<!tpu.dma_semaphore, #tpu.memory_space<semaphore_mem>>) src(%dma_wait3A_43 : memref<520x128xf32, #tpu.memory_space<vmem_shared>>) dst(%dma_wait3A_40 : memref<520x128xf32, #tpu.memory_space<hbm>>)
          tpu.yield
        }) : () -> ()
      } else {
      }
    } else {
    }
    %eq3A_19 = arith.constant 1 : i32
    %eq3A_20 = arith.cmpi eq, %arg0, %eq3A_19 : i32
    %convert_element_type3A_21 = arith.extui %eq3A_20 : i1 to i32
    %cond3A_22 = arith.constant 0 : i32
    %cond3A_23 = arith.cmpi ne, %convert_element_type3A_21, %cond3A_22 : i32
    scf.if %cond3A_23 {
      %lt3A_24 = arith.constant 15 : i32
      %lt3A_25 = arith.cmpi slt, %arg1, %lt3A_24 : i32
      %convert_element_type3A_26 = arith.extui %lt3A_25 : i1 to i32
      %cond3A_27 = arith.constant 0 : i32
      %cond3A_28 = arith.cmpi ne, %convert_element_type3A_26, %cond3A_27 : i32
      scf.if %cond3A_28 {
        %mul3A_34 = arith.constant 632 : i32
        %mul3A_35 = arith.muli %arg1, %mul3A_34 : i32
        %multiple_of3A = tpu.assume_multiple %mul3A_35, 8 : i32
        "tpu.region"() ({
          %run_scoped3A = tpu.sem_alloc : memref<!tpu.dma_semaphore, #tpu.memory_space<semaphore_mem>>
          %dma_start3A = arith.constant 0 : i32
          %dma_start3A_36 = tpu.memref_slice %arg7[%multiple_of3A, %dma_start3A] : memref<10000x128xf32, #tpu.memory_space<hbm>> -> memref<632x128xf32, #tpu.memory_space<hbm>>
          %dma_start3A_37 = arith.constant 0 : i32
          %dma_start3A_38 = tpu.memref_slice %arg11[%multiple_of3A, %dma_start3A_37] : memref<10000x128xf32, #tpu.memory_space<vmem_shared>> -> memref<632x128xf32, #tpu.memory_space<vmem_shared>>
          tpu.enqueue_dma source(%dma_start3A_38 : memref<632x128xf32, #tpu.memory_space<vmem_shared>>) target(%dma_start3A_36 : memref<632x128xf32, #tpu.memory_space<hbm>>) target_semaphore(%run_scoped3A : memref<!tpu.dma_semaphore, #tpu.memory_space<semaphore_mem>>)
          %dma_wait3A = arith.constant 0 : i32
          %dma_wait3A_39 = tpu.memref_slice %arg7[%multiple_of3A, %dma_wait3A] : memref<10000x128xf32, #tpu.memory_space<hbm>> -> memref<632x128xf32, #tpu.memory_space<hbm>>
          %dma_wait3A_40 = arith.constant 0 : i32
          %dma_wait3A_41 = tpu.memref_slice %arg11[%multiple_of3A, %dma_wait3A_40] : memref<10000x128xf32, #tpu.memory_space<vmem_shared>> -> memref<632x128xf32, #tpu.memory_space<vmem_shared>>
          tpu.wait_dma2 semaphore(%run_scoped3A : memref<!tpu.dma_semaphore, #tpu.memory_space<semaphore_mem>>) src(%dma_wait3A_41 : memref<632x128xf32, #tpu.memory_space<vmem_shared>>) dst(%dma_wait3A_39 : memref<632x128xf32, #tpu.memory_space<hbm>>)
          tpu.yield
        }) : () -> ()
      } else {
      }
      %eq3A_29 = arith.constant 15 : i32
      %eq3A_30 = arith.cmpi eq, %arg1, %eq3A_29 : i32
      %convert_element_type3A_31 = arith.extui %eq3A_30 : i1 to i32
      %cond3A_32 = arith.constant 0 : i32
      %cond3A_33 = arith.cmpi ne, %convert_element_type3A_31, %cond3A_32 : i32
      scf.if %cond3A_33 {
        "tpu.region"() ({
          %run_scoped3A = tpu.sem_alloc : memref<!tpu.dma_semaphore, #tpu.memory_space<semaphore_mem>>
          %dma_start3A = arith.constant 9480 : i32
          %dma_start3A_34 = arith.constant 0 : i32
          %dma_start3A_35 = tpu.memref_slice %arg7[%dma_start3A, %dma_start3A_34] : memref<10000x128xf32, #tpu.memory_space<hbm>> -> memref<520x128xf32, #tpu.memory_space<hbm>>
          %dma_start3A_36 = arith.constant 9480 : i32
          %dma_start3A_37 = arith.constant 0 : i32
          %dma_start3A_38 = tpu.memref_slice %arg11[%dma_start3A_36, %dma_start3A_37] : memref<10000x128xf32, #tpu.memory_space<vmem_shared>> -> memref<520x128xf32, #tpu.memory_space<vmem_shared>>
          tpu.enqueue_dma source(%dma_start3A_38 : memref<520x128xf32, #tpu.memory_space<vmem_shared>>) target(%dma_start3A_35 : memref<520x128xf32, #tpu.memory_space<hbm>>) target_semaphore(%run_scoped3A : memref<!tpu.dma_semaphore, #tpu.memory_space<semaphore_mem>>)
          %dma_wait3A = arith.constant 9480 : i32
          %dma_wait3A_39 = arith.constant 0 : i32
          %dma_wait3A_40 = tpu.memref_slice %arg7[%dma_wait3A, %dma_wait3A_39] : memref<10000x128xf32, #tpu.memory_space<hbm>> -> memref<520x128xf32, #tpu.memory_space<hbm>>
          %dma_wait3A_41 = arith.constant 9480 : i32
          %dma_wait3A_42 = arith.constant 0 : i32
          %dma_wait3A_43 = tpu.memref_slice %arg11[%dma_wait3A_41, %dma_wait3A_42] : memref<10000x128xf32, #tpu.memory_space<vmem_shared>> -> memref<520x128xf32, #tpu.memory_space<vmem_shared>>
          tpu.wait_dma2 semaphore(%run_scoped3A : memref<!tpu.dma_semaphore, #tpu.memory_space<semaphore_mem>>) src(%dma_wait3A_43 : memref<520x128xf32, #tpu.memory_space<vmem_shared>>) dst(%dma_wait3A_40 : memref<520x128xf32, #tpu.memory_space<hbm>>)
          tpu.yield
        }) : () -> ()
      } else {
      }
    } else {
    }
    return
  }
}

module attributes {stable_mosaic.version = 14 : i64} {
  func.func @_k_prep_body(%arg0: i32, %arg1: memref<1000x1xf32, #tpu.memory_space<vmem>>, %arg2: memref<1000x1xf32, #tpu.memory_space<vmem>>, %arg3: memref<1000x128xf32, #tpu.memory_space<vmem>>, %arg4: memref<128x256xf32, #tpu.memory_space<vmem>>, %arg5: memref<1000x256xf32, #tpu.memory_space<vmem>>, %arg6: memref<1000x1xf32, #tpu.memory_space<vmem>>) attributes {dimension_semantics = [#tpu.dimension_semantics<arbitrary>], iteration_bounds = array<i64: 10>, scalar_prefetch = 0 : i64, scratch_operands = 0 : i64, tpu.core_type = #tpu.core_type<tc>, window_params = [{transform_indices = @transform_0, window_bounds = array<i64: 1000, 1>}, {transform_indices = @transform_1, window_bounds = array<i64: 1000, 1>}, {transform_indices = @transform_2, window_bounds = array<i64: 1000, 128>}, {pipeline_mode = #tpu.pipeline_mode<synchronous>, transform_indices = @transform_3, window_bounds = array<i64: 128, 256>}, {transform_indices = @transform_4, window_bounds = array<i64: 1000, 256>}, {transform_indices = @transform_5, window_bounds = array<i64: 1000, 1>}]} {
    %get3A = arith.constant 0 : index
    %get3A_0 = arith.constant 0 : index
    %get3A_1 = vector.load %arg1[%get3A, %get3A_0] : memref<1000x1xf32, #tpu.memory_space<vmem>>, vector<1000x1xf32>
    %get3A_2 = arith.constant 0 : index
    %get3A_3 = arith.constant 0 : index
    %get3A_4 = vector.load %arg2[%get3A_2, %get3A_3] : memref<1000x1xf32, #tpu.memory_space<vmem>>, vector<1000x1xf32>
    %add3A = arith.addf %get3A_1, %get3A_4 : vector<1000x1xf32>
    %add3A_5 = arith.constant 1.000000e+00 : f32
    %add3A_6 = vector.broadcast %add3A_5 : f32 to vector<1000x1xf32>
    %add3A_7 = arith.addf %add3A, %add3A_6 : vector<1000x1xf32>
    %rsqrt3A = math.rsqrt %add3A_7 : vector<1000x1xf32>
    %get3A_8 = arith.constant 0 : index
    %get3A_9 = arith.constant 0 : index
    %get3A_10 = vector.load %arg3[%get3A_8, %get3A_9] : memref<1000x128xf32, #tpu.memory_space<vmem>>, vector<1000x128xf32>
    %get3A_11 = arith.constant 0 : index
    %get3A_12 = arith.constant 0 : index
    %get3A_13 = vector.load %arg4[%get3A_11, %get3A_12] : memref<128x256xf32, #tpu.memory_space<vmem>>, vector<128x256xf32>
    %dot_general3A = arith.constant dense<0.000000e+00> : vector<1000x256xf32>
    %dot_general3A_14 = tpu.matmul %get3A_10, %get3A_13, %dot_general3A {dimension_numbers = #tpu.dot_dimension_numbers<[1], [0], [0], [1], [0, 0, 1, 1], [], []>, transpose_lhs_hint = false} : vector<1000x128xf32>, vector<128x256xf32>, vector<1000x256xf32> -> vector<1000x256xf32>
    %mul3A = vector.broadcast %rsqrt3A : vector<1000x1xf32> to vector<1000x256xf32>
    %mul3A_15 = arith.mulf %dot_general3A_14, %mul3A : vector<1000x256xf32>
    %swap3A = arith.constant 0 : index
    %swap3A_16 = arith.constant 0 : index
    %swap3A_17 = vector.load %arg5[%swap3A, %swap3A_16] : memref<1000x256xf32, #tpu.memory_space<vmem>>, vector<1000x256xf32>
    tpu.vector_store %arg5[%swap3A, %swap3A_16], %mul3A_15 {strides = array<i32>} : memref<1000x256xf32, #tpu.memory_space<vmem>>, vector<1000x256xf32>,
    %swap3A_18 = arith.constant 0 : index
    %swap3A_19 = arith.constant 0 : index
    %swap3A_20 = vector.load %arg6[%swap3A_18, %swap3A_19] : memref<1000x1xf32, #tpu.memory_space<vmem>>, vector<1000x1xf32>
    tpu.vector_store %arg6[%swap3A_18, %swap3A_19], %rsqrt3A {strides = array<i32>} : memref<1000x1xf32, #tpu.memory_space<vmem>>, vector<1000x1xf32>,
    return
  }
  func.func @transform_0(%arg0: i32) -> (i32, i32) {
    %c0_i32 = arith.constant 0 : i32
    %c0_i32_0 = arith.constant 0 : i32
    return %arg0, %c0_i32 : i32, i32
  }
  func.func @transform_1(%arg0: i32) -> (i32, i32) {
    %c0_i32 = arith.constant 0 : i32
    %c0_i32_0 = arith.constant 0 : i32
    return %arg0, %c0_i32 : i32, i32
  }
  func.func @transform_2(%arg0: i32) -> (i32, i32) {
    %c0_i32 = arith.constant 0 : i32
    %c0_i32_0 = arith.constant 0 : i32
    return %arg0, %c0_i32 : i32, i32
  }
  func.func @transform_3(%arg0: i32) -> (i32, i32) {
    %c0_i32 = arith.constant 0 : i32
    %c0_i32_0 = arith.constant 0 : i32
    %c0_i32_1 = arith.constant 0 : i32
    return %c0_i32, %c0_i32_0 : i32, i32
  }
  func.func @transform_4(%arg0: i32) -> (i32, i32) {
    %c0_i32 = arith.constant 0 : i32
    %c0_i32_0 = arith.constant 0 : i32
    return %arg0, %c0_i32 : i32, i32
  }
  func.func @transform_5(%arg0: i32) -> (i32, i32) {
    %c0_i32 = arith.constant 0 : i32
    %c0_i32_0 = arith.constant 0 : i32
    return %arg0, %c0_i32 : i32, i32
  }
}

module attributes {stable_mosaic.version = 14 : i64} {
  func.func @_k_sum_body(%arg0: i32, %arg1: memref<2000x1xf32, #tpu.memory_space<vmem>>, %arg2: memref<1x1xf32, #tpu.memory_space<vmem>>) attributes {dimension_semantics = [#tpu.dimension_semantics<arbitrary>], iteration_bounds = array<i64: 160>, scalar_prefetch = 0 : i64, scratch_operands = 0 : i64, tpu.core_type = #tpu.core_type<tc>, window_params = [{transform_indices = @transform_0, window_bounds = array<i64: 2000, 1>}, {pipeline_mode = #tpu.pipeline_mode<synchronous>, transform_indices = @transform_1, window_bounds = array<i64: 1, 1>}]} {
    %eq3A = arith.constant 0 : i32
    %eq3A_0 = arith.cmpi eq, %arg0, %eq3A : i32
    %convert_element_type3A = arith.extui %eq3A_0 : i1 to i32
    %cond3A = arith.constant 0 : i32
    %cond3A_1 = arith.cmpi ne, %convert_element_type3A, %cond3A : i32
    scf.if %cond3A_1 {
      %broadcast_in_dim3A = arith.constant 0.000000e+00 : f32
      %broadcast_in_dim3A_13 = vector.broadcast %broadcast_in_dim3A : f32 to vector<1x1xf32>
      %swap3A_14 = arith.constant 0 : index
      %swap3A_15 = arith.constant 0 : index
      %swap3A_16 = vector.load %arg2[%swap3A_14, %swap3A_15] : memref<1x1xf32, #tpu.memory_space<vmem>>, vector<1x1xf32>
      tpu.vector_store %arg2[%swap3A_14, %swap3A_15], %broadcast_in_dim3A_13 {strides = array<i32>} : memref<1x1xf32, #tpu.memory_space<vmem>>, vector<1x1xf32>,
    } else {
    }
    %get3A = arith.constant 0 : index
    %get3A_2 = arith.constant 0 : index
    %get3A_3 = vector.load %arg2[%get3A, %get3A_2] : memref<1x1xf32, #tpu.memory_space<vmem>>, vector<1x1xf32>
    %get3A_4 = arith.constant 0 : index
    %get3A_5 = arith.constant 0 : index
    %get3A_6 = vector.load %arg1[%get3A_4, %get3A_5] : memref<2000x1xf32, #tpu.memory_space<vmem>>, vector<2000x1xf32>
    %reduce_sum3A = vector.shape_cast %get3A_6 : vector<2000x1xf32> to vector<1x2000x1xf32>
    %reduce_sum3A_7 = arith.constant dense<0.000000e+00> : vector<1xf32>
    %reduce_sum3A_8 = vector.multi_reduction <add>, %reduce_sum3A, %reduce_sum3A_7 [1, 2] : vector<1x2000x1xf32> to vector<1xf32>
    %reduce_sum3A_9 = vector.shape_cast %reduce_sum3A_8 : vector<1xf32> to vector<1x1x1xf32>
    %reduce_sum3A_10 = vector.extract %reduce_sum3A_9[0, 0, 0] : f32 from vector<1x1x1xf32>
    %reshape3A = vector.broadcast %reduce_sum3A_10 : f32 to vector<1x1xf32>
    %add3A = arith.addf %get3A_3, %reshape3A : vector<1x1xf32>
    %swap3A = arith.constant 0 : index
    %swap3A_11 = arith.constant 0 : index
    %swap3A_12 = vector.load %arg2[%swap3A, %swap3A_11] : memref<1x1xf32, #tpu.memory_space<vmem>>, vector<1x1xf32>
    tpu.vector_store %arg2[%swap3A, %swap3A_11], %add3A {strides = array<i32>} : memref<1x1xf32, #tpu.memory_space<vmem>>, vector<1x1xf32>,
    return
  }
  func.func @transform_0(%arg0: i32) -> (i32, i32) {
    %c0_i32 = arith.constant 0 : i32
    %c0_i32_0 = arith.constant 0 : i32
    return %arg0, %c0_i32 : i32, i32
  }
  func.func @transform_1(%arg0: i32) -> (i32, i32) {
    %c0_i32 = arith.constant 0 : i32
    %c0_i32_0 = arith.constant 0 : i32
    %c0_i32_1 = arith.constant 0 : i32
    return %c0_i32, %c0_i32_0 : i32, i32
  }
}

module attributes {stable_mosaic.version = 14 : i64} {
  func.func @_k_h_body(%arg0: i32, %arg1: memref<1000x256xf32, #tpu.memory_space<vmem>>, %arg2: memref<1000x256xf32, #tpu.memory_space<vmem>>, %arg3: memref<1000x1xf32, #tpu.memory_space<vmem>>, %arg4: memref<1x256xf32, #tpu.memory_space<vmem>>, %arg5: memref<256x256xf32, #tpu.memory_space<vmem>>, %arg6: memref<1x256xf32, #tpu.memory_space<vmem>>, %arg7: memref<256x256xf32, #tpu.memory_space<vmem>>, %arg8: memref<1x256xf32, #tpu.memory_space<vmem>>, %arg9: memref<1x256xf32, #tpu.memory_space<vmem>>, %arg10: memref<256x1xf32, #tpu.memory_space<vmem>>, %arg11: memref<1x1xf32, #tpu.memory_space<vmem>>, %arg12: memref<1000x256xf32, #tpu.memory_space<vmem>>, %arg13: memref<1000x256xf32, #tpu.memory_space<vmem>>, %arg14: memref<1000x1xf32, #tpu.memory_space<vmem>>) attributes {dimension_semantics = [#tpu.dimension_semantics<arbitrary>], iteration_bounds = array<i64: 10>, scalar_prefetch = 0 : i64, scratch_operands = 0 : i64, tpu.core_type = #tpu.core_type<tc>, window_params = [{transform_indices = @transform_0, window_bounds = array<i64: 1000, 256>}, {transform_indices = @transform_1, window_bounds = array<i64: 1000, 256>}, {transform_indices = @transform_2, window_bounds = array<i64: 1000, 1>}, {pipeline_mode = #tpu.pipeline_mode<synchronous>, transform_indices = @transform_3, window_bounds = array<i64: 1, 256>}, {pipeline_mode = #tpu.pipeline_mode<synchronous>, transform_indices = @transform_4, window_bounds = array<i64: 256, 256>}, {pipeline_mode = #tpu.pipeline_mode<synchronous>, transform_indices = @transform_5, window_bounds = array<i64: 1, 256>}, {pipeline_mode = #tpu.pipeline_mode<synchronous>, transform_indices = @transform_6, window_bounds = array<i64: 256, 256>}, {pipeline_mode = #tpu.pipeline_mode<synchronous>, transform_indices = @transform_7, window_bounds = array<i64: 1, 256>}, {pipeline_mode = #tpu.pipeline_mode<synchronous>, transform_indices = @transform_8, window_bounds = array<i64: 1, 256>}, {pipeline_mode = #tpu.pipeline_mode<synchronous>, transform_indices = @transform_9, window_bounds = array<i64: 256, 1>}, {pipeline_mode = #tpu.pipeline_mode<synchronous>, transform_indices = @transform_10, window_bounds = array<i64: 1, 1>}, {transform_indices = @transform_11, window_bounds = array<i64: 1000, 256>}, {transform_indices = @transform_12, window_bounds = array<i64: 1000, 256>}, {transform_indices = @transform_13, window_bounds = array<i64: 1000, 1>}]} {
    %get3A = arith.constant 0 : index
    %get3A_0 = arith.constant 0 : index
    %get3A_1 = vector.load %arg3[%get3A, %get3A_0] : memref<1000x1xf32, #tpu.memory_space<vmem>>, vector<1000x1xf32>
    %get3A_2 = arith.constant 0 : index
    %get3A_3 = arith.constant 0 : index
    %get3A_4 = vector.load %arg1[%get3A_2, %get3A_3] : memref<1000x256xf32, #tpu.memory_space<vmem>>, vector<1000x256xf32>
    %get3A_5 = arith.constant 0 : index
    %get3A_6 = arith.constant 0 : index
    %get3A_7 = vector.load %arg2[%get3A_5, %get3A_6] : memref<1000x256xf32, #tpu.memory_space<vmem>>, vector<1000x256xf32>
    %add3A = arith.addf %get3A_4, %get3A_7 : vector<1000x256xf32>
    %mul3A = vector.broadcast %get3A_1 : vector<1000x1xf32> to vector<1000x256xf32>
    %mul3A_8 = arith.mulf %mul3A, %add3A : vector<1000x256xf32>
    %get3A_9 = arith.constant 0 : index
    %get3A_10 = arith.constant 0 : index
    %get3A_11 = vector.load %arg4[%get3A_9, %get3A_10] : memref<1x256xf32, #tpu.memory_space<vmem>>, vector<1x256xf32>
    %add3A_12 = vector.broadcast %get3A_11 : vector<1x256xf32> to vector<1000x256xf32>
    %add3A_13 = arith.addf %mul3A_8, %add3A_12 : vector<1000x256xf32>
    %max3A = arith.constant 0.000000e+00 : f32
    %max3A_14 = vector.broadcast %max3A : f32 to vector<1000x256xf32>
    %max3A_15 = arith.maximumf %add3A_13, %max3A_14 : vector<1000x256xf32>
    %get3A_16 = arith.constant 0 : index
    %get3A_17 = arith.constant 0 : index
    %get3A_18 = vector.load %arg5[%get3A_16, %get3A_17] : memref<256x256xf32, #tpu.memory_space<vmem>>, vector<256x256xf32>
    %dot_general3A = arith.constant dense<0.000000e+00> : vector<1000x256xf32>
    %dot_general3A_19 = tpu.matmul %max3A_15, %get3A_18, %dot_general3A {dimension_numbers = #tpu.dot_dimension_numbers<[1], [0], [0], [1], [0, 0, 1, 1], [], []>, transpose_lhs_hint = false} : vector<1000x256xf32>, vector<256x256xf32>, vector<1000x256xf32> -> vector<1000x256xf32>
    %get3A_20 = arith.constant 0 : index
    %get3A_21 = arith.constant 0 : index
    %get3A_22 = vector.load %arg6[%get3A_20, %get3A_21] : memref<1x256xf32, #tpu.memory_space<vmem>>, vector<1x256xf32>
    %add3A_23 = vector.broadcast %get3A_22 : vector<1x256xf32> to vector<1000x256xf32>
    %add3A_24 = arith.addf %dot_general3A_19, %add3A_23 : vector<1000x256xf32>
    %get3A_25 = arith.constant 0 : index
    %get3A_26 = arith.constant 0 : index
    %get3A_27 = vector.load %arg7[%get3A_25, %get3A_26] : memref<256x256xf32, #tpu.memory_space<vmem>>, vector<256x256xf32>
    %dot_general3A_28 = arith.constant dense<0.000000e+00> : vector<1000x256xf32>
    %dot_general3A_29 = tpu.matmul %max3A_15, %get3A_27, %dot_general3A_28 {dimension_numbers = #tpu.dot_dimension_numbers<[1], [0], [0], [1], [0, 0, 1, 1], [], []>, transpose_lhs_hint = false} : vector<1000x256xf32>, vector<256x256xf32>, vector<1000x256xf32> -> vector<1000x256xf32>
    %get3A_30 = arith.constant 0 : index
    %get3A_31 = arith.constant 0 : index
    %get3A_32 = vector.load %arg8[%get3A_30, %get3A_31] : memref<1x256xf32, #tpu.memory_space<vmem>>, vector<1x256xf32>
    %add3A_33 = vector.broadcast %get3A_32 : vector<1x256xf32> to vector<1000x256xf32>
    %add3A_34 = arith.addf %dot_general3A_29, %add3A_33 : vector<1000x256xf32>
    %add3A_35 = arith.addf %add3A_24, %add3A_34 : vector<1000x256xf32>
    %get3A_36 = arith.constant 0 : index
    %get3A_37 = arith.constant 0 : index
    %get3A_38 = vector.load %arg11[%get3A_36, %get3A_37] : memref<1x1xf32, #tpu.memory_space<vmem>>, vector<1x1xf32>
    %get3A_39 = vector.extract %get3A_38[0, 0] : f32 from vector<1x1xf32>
    %mul3A_40 = arith.constant 3.125000e-06 : f32
    %mul3A_41 = arith.mulf %get3A_39, %mul3A_40 : f32
    %get3A_42 = arith.constant 0 : index
    %get3A_43 = arith.constant 0 : index
    %get3A_44 = vector.load %arg9[%get3A_42, %get3A_43] : memref<1x256xf32, #tpu.memory_space<vmem>>, vector<1x256xf32>
    %mul3A_45 = vector.broadcast %mul3A_41 : f32 to vector<1x256xf32>
    %mul3A_46 = arith.mulf %mul3A_45, %get3A_44 : vector<1x256xf32>
    %add3A_47 = vector.broadcast %mul3A_46 : vector<1x256xf32> to vector<1000x256xf32>
    %add3A_48 = arith.addf %add3A_35, %add3A_47 : vector<1000x256xf32>
    %mul3A_49 = arith.constant 2.000000e-01 : f32
    %mul3A_50 = vector.broadcast %mul3A_49 : f32 to vector<1000x256xf32>
    %mul3A_51 = arith.mulf %mul3A_50, %add3A_48 : vector<1000x256xf32>
    %max3A_52 = arith.maximumf %add3A_48, %mul3A_51 : vector<1000x256xf32>
    %get3A_53 = arith.constant 0 : index
    %get3A_54 = arith.constant 0 : index
    %get3A_55 = vector.load %arg10[%get3A_53, %get3A_54] : memref<256x1xf32, #tpu.memory_space<vmem>>, vector<256x1xf32>
    %dot_general3A_56 = arith.constant dense<0.000000e+00> : vector<1000x1xf32>
    %dot_general3A_57 = tpu.matmul %max3A_52, %get3A_55, %dot_general3A_56 {dimension_numbers = #tpu.dot_dimension_numbers<[1], [0], [0], [1], [0, 0, 1, 1], [], []>, transpose_lhs_hint = false} : vector<1000x256xf32>, vector<256x1xf32>, vector<1000x1xf32> -> vector<1000x1xf32>
    %swap3A = arith.constant 0 : index
    %swap3A_58 = arith.constant 0 : index
    %swap3A_59 = vector.load %arg14[%swap3A, %swap3A_58] : memref<1000x1xf32, #tpu.memory_space<vmem>>, vector<1000x1xf32>
    tpu.vector_store %arg14[%swap3A, %swap3A_58], %dot_general3A_57 {strides = array<i32>} : memref<1000x1xf32, #tpu.memory_space<vmem>>, vector<1000x1xf32>,
    %swap3A_60 = arith.constant 0 : index
    %swap3A_61 = arith.constant 0 : index
    %swap3A_62 = vector.load %arg12[%swap3A_60, %swap3A_61] : memref<1000x256xf32, #tpu.memory_space<vmem>>, vector<1000x256xf32>
    tpu.vector_store %arg12[%swap3A_60, %swap3A_61], %add3A_24 {strides = array<i32>} : memref<1000x256xf32, #tpu.memory_space<vmem>>, vector<1000x256xf32>,
    %swap3A_63 = arith.constant 0 : index
    %swap3A_64 = arith.constant 0 : index
    %swap3A_65 = vector.load %arg13[%swap3A_63, %swap3A_64] : memref<1000x256xf32, #tpu.memory_space<vmem>>, vector<1000x256xf32>
    tpu.vector_store %arg13[%swap3A_63, %swap3A_64], %add3A_34 {strides = array<i32>} : memref<1000x256xf32, #tpu.memory_space<vmem>>, vector<1000x256xf32>,
    return
  }
  func.func @transform_0(%arg0: i32) -> (i32, i32) {
    %c0_i32 = arith.constant 0 : i32
    %c0_i32_0 = arith.constant 0 : i32
    return %arg0, %c0_i32 : i32, i32
  }
  func.func @transform_1(%arg0: i32) -> (i32, i32) {
    %c0_i32 = arith.constant 0 : i32
    %c0_i32_0 = arith.constant 0 : i32
    return %arg0, %c0_i32 : i32, i32
  }
  func.func @transform_2(%arg0: i32) -> (i32, i32) {
    %c0_i32 = arith.constant 0 : i32
    %c0_i32_0 = arith.constant 0 : i32
    return %arg0, %c0_i32 : i32, i32
  }
  func.func @transform_3(%arg0: i32) -> (i32, i32) {
    %c0_i32 = arith.constant 0 : i32
    %c0_i32_0 = arith.constant 0 : i32
    %c0_i32_1 = arith.constant 0 : i32
    return %c0_i32, %c0_i32_0 : i32, i32
  }
  func.func @transform_4(%arg0: i32) -> (i32, i32) {
    %c0_i32 = arith.constant 0 : i32
    %c0_i32_0 = arith.constant 0 : i32
    %c0_i32_1 = arith.constant 0 : i32
    return %c0_i32, %c0_i32_0 : i32, i32
  }
  func.func @transform_5(%arg0: i32) -> (i32, i32) {
    %c0_i32 = arith.constant 0 : i32
    %c0_i32_0 = arith.constant 0 : i32
    %c0_i32_1 = arith.constant 0 : i32
    return %c0_i32, %c0_i32_0 : i32, i32
  }
  func.func @transform_6(%arg0: i32) -> (i32, i32) {
    %c0_i32 = arith.constant 0 : i32
    %c0_i32_0 = arith.constant 0 : i32
    %c0_i32_1 = arith.constant 0 : i32
    return %c0_i32, %c0_i32_0 : i32, i32
  }
  func.func @transform_7(%arg0: i32) -> (i32, i32) {
    %c0_i32 = arith.constant 0 : i32
    %c0_i32_0 = arith.constant 0 : i32
    %c0_i32_1 = arith.constant 0 : i32
    return %c0_i32, %c0_i32_0 : i32, i32
  }
  func.func @transform_8(%arg0: i32) -> (i32, i32) {
    %c0_i32 = arith.constant 0 : i32
    %c0_i32_0 = arith.constant 0 : i32
    %c0_i32_1 = arith.constant 0 : i32
    return %c0_i32, %c0_i32_0 : i32, i32
  }
  func.func @transform_9(%arg0: i32) -> (i32, i32) {
    %c0_i32 = arith.constant 0 : i32
    %c0_i32_0 = arith.constant 0 : i32
    %c0_i32_1 = arith.constant 0 : i32
    return %c0_i32, %c0_i32_0 : i32, i32
  }
  func.func @transform_10(%arg0: i32) -> (i32, i32) {
    %c0_i32 = arith.constant 0 : i32
    %c0_i32_0 = arith.constant 0 : i32
    %c0_i32_1 = arith.constant 0 : i32
    return %c0_i32, %c0_i32_0 : i32, i32
  }
  func.func @transform_11(%arg0: i32) -> (i32, i32) {
    %c0_i32 = arith.constant 0 : i32
    %c0_i32_0 = arith.constant 0 : i32
    return %arg0, %c0_i32 : i32, i32
  }
  func.func @transform_12(%arg0: i32) -> (i32, i32) {
    %c0_i32 = arith.constant 0 : i32
    %c0_i32_0 = arith.constant 0 : i32
    return %arg0, %c0_i32 : i32, i32
  }
  func.func @transform_13(%arg0: i32) -> (i32, i32) {
    %c0_i32 = arith.constant 0 : i32
    %c0_i32_0 = arith.constant 0 : i32
    return %arg0, %c0_i32 : i32, i32
  }
}

module attributes {stable_mosaic.version = 14 : i64} {
  func.func @_k_logits_body(%arg0: i32, %arg1: memref<1x2000x128xf32, #tpu.memory_space<vmem>>, %arg2: memref<1x2000x128xf32, #tpu.memory_space<vmem>>, %arg3: memref<2000x1xf32, #tpu.memory_space<vmem>>, %arg4: memref<1x256xf32, #tpu.memory_space<vmem>>, %arg5: memref<256x1xf32, #tpu.memory_space<vmem>>, %arg6: memref<2000x1xf32, #tpu.memory_space<vmem>>) attributes {dimension_semantics = [#tpu.dimension_semantics<arbitrary>], iteration_bounds = array<i64: 160>, scalar_prefetch = 0 : i64, scratch_operands = 0 : i64, tpu.core_type = #tpu.core_type<tc>, window_params = [{transform_indices = @transform_0, window_bounds = array<i64: 1, 2000, 128>}, {transform_indices = @transform_1, window_bounds = array<i64: 1, 2000, 128>}, {transform_indices = @transform_2, window_bounds = array<i64: 2000, 1>}, {pipeline_mode = #tpu.pipeline_mode<synchronous>, transform_indices = @transform_3, window_bounds = array<i64: 1, 256>}, {pipeline_mode = #tpu.pipeline_mode<synchronous>, transform_indices = @transform_4, window_bounds = array<i64: 256, 1>}, {transform_indices = @transform_5, window_bounds = array<i64: 2000, 1>}]} {
    %get3A = arith.constant 0 : index
    %get3A_0 = arith.constant 0 : index
    %get3A_1 = arith.constant 0 : index
    %get3A_2 = vector.load %arg1[%get3A, %get3A_0, %get3A_1] : memref<1x2000x128xf32, #tpu.memory_space<vmem>>, vector<1x2000x128xf32>
    %get3A_3 = vector.shape_cast %get3A_2 : vector<1x2000x128xf32> to vector<2000x128xf32>
    %get3A_4 = arith.constant 0 : index
    %get3A_5 = arith.constant 0 : index
    %get3A_6 = arith.constant 0 : index
    %get3A_7 = vector.load %arg2[%get3A_4, %get3A_5, %get3A_6] : memref<1x2000x128xf32, #tpu.memory_space<vmem>>, vector<1x2000x128xf32>
    %get3A_8 = vector.shape_cast %get3A_7 : vector<1x2000x128xf32> to vector<2000x128xf32>
    %concatenate3A = tpu.concatenate %get3A_3, %get3A_8 in 1 : vector<2000x128xf32>, vector<2000x128xf32> -> vector<2000x256xf32>
    %get3A_9 = arith.constant 0 : index
    %get3A_10 = arith.constant 0 : index
    %get3A_11 = vector.load %arg3[%get3A_9, %get3A_10] : memref<2000x1xf32, #tpu.memory_space<vmem>>, vector<2000x1xf32>
    %get3A_12 = arith.constant 0 : index
    %get3A_13 = arith.constant 0 : index
    %get3A_14 = vector.load %arg4[%get3A_12, %get3A_13] : memref<1x256xf32, #tpu.memory_space<vmem>>, vector<1x256xf32>
    %mul3A = vector.broadcast %get3A_11 : vector<2000x1xf32> to vector<2000x256xf32>
    %mul3A_15 = vector.broadcast %get3A_14 : vector<1x256xf32> to vector<2000x256xf32>
    %mul3A_16 = arith.mulf %mul3A, %mul3A_15 : vector<2000x256xf32>
    %add3A = arith.addf %concatenate3A, %mul3A_16 : vector<2000x256xf32>
    %mul3A_17 = arith.constant 2.000000e-01 : f32
    %mul3A_18 = vector.broadcast %mul3A_17 : f32 to vector<2000x256xf32>
    %mul3A_19 = arith.mulf %mul3A_18, %add3A : vector<2000x256xf32>
    %max3A = arith.maximumf %add3A, %mul3A_19 : vector<2000x256xf32>
    %get3A_20 = arith.constant 0 : index
    %get3A_21 = arith.constant 0 : index
    %get3A_22 = vector.load %arg5[%get3A_20, %get3A_21] : memref<256x1xf32, #tpu.memory_space<vmem>>, vector<256x1xf32>
    %dot_general3A = arith.constant dense<0.000000e+00> : vector<2000x1xf32>
    %dot_general3A_23 = tpu.matmul %max3A, %get3A_22, %dot_general3A {dimension_numbers = #tpu.dot_dimension_numbers<[1], [0], [0], [1], [0, 0, 1, 1], [], []>, transpose_lhs_hint = false} : vector<2000x256xf32>, vector<256x1xf32>, vector<2000x1xf32> -> vector<2000x1xf32>
    %swap3A = arith.constant 0 : index
    %swap3A_24 = arith.constant 0 : index
    %swap3A_25 = vector.load %arg6[%swap3A, %swap3A_24] : memref<2000x1xf32, #tpu.memory_space<vmem>>, vector<2000x1xf32>
    tpu.vector_store %arg6[%swap3A, %swap3A_24], %dot_general3A_23 {strides = array<i32>} : memref<2000x1xf32, #tpu.memory_space<vmem>>, vector<2000x1xf32>,
    return
  }
  func.func @transform_0(%arg0: i32) -> (i32, i32, i32) {
    %c0_i32 = arith.constant 0 : i32
    %c0_i32_0 = arith.constant 0 : i32
    %c0_i32_1 = arith.constant 0 : i32
    return %c0_i32, %arg0, %c0_i32_0 : i32, i32, i32
  }
  func.func @transform_1(%arg0: i32) -> (i32, i32, i32) {
    %c1_i32 = arith.constant 1 : i32
    %c0_i32 = arith.constant 0 : i32
    %c0_i32_0 = arith.constant 0 : i32
    return %c1_i32, %arg0, %c0_i32 : i32, i32, i32
  }
  func.func @transform_2(%arg0: i32) -> (i32, i32) {
    %c0_i32 = arith.constant 0 : i32
    %c0_i32_0 = arith.constant 0 : i32
    return %arg0, %c0_i32 : i32, i32
  }
  func.func @transform_3(%arg0: i32) -> (i32, i32) {
    %c0_i32 = arith.constant 0 : i32
    %c0_i32_0 = arith.constant 0 : i32
    %c0_i32_1 = arith.constant 0 : i32
    return %c0_i32, %c0_i32_0 : i32, i32
  }
  func.func @transform_4(%arg0: i32) -> (i32, i32) {
    %c0_i32 = arith.constant 0 : i32
    %c0_i32_0 = arith.constant 0 : i32
    %c0_i32_1 = arith.constant 0 : i32
    return %c0_i32, %c0_i32_0 : i32, i32
  }
  func.func @transform_5(%arg0: i32) -> (i32, i32) {
    %c0_i32 = arith.constant 0 : i32
    %c0_i32_0 = arith.constant 0 : i32
    return %arg0, %c0_i32 : i32, i32
  }
}

module attributes {stable_mosaic.version = 14 : i64} {
  func.func @_k_max_body(%arg0: i32, %arg1: memref<2000x1xf32, #tpu.memory_space<vmem>>, %arg2: memref<1x1xf32, #tpu.memory_space<vmem>>) attributes {dimension_semantics = [#tpu.dimension_semantics<arbitrary>], iteration_bounds = array<i64: 165>, scalar_prefetch = 0 : i64, scratch_operands = 0 : i64, tpu.core_type = #tpu.core_type<tc>, window_params = [{transform_indices = @transform_0, window_bounds = array<i64: 2000, 1>}, {pipeline_mode = #tpu.pipeline_mode<synchronous>, transform_indices = @transform_1, window_bounds = array<i64: 1, 1>}]} {
    %get3A = arith.constant 0 : index
    %get3A_0 = arith.constant 0 : index
    %get3A_1 = vector.load %arg1[%get3A, %get3A_0] : memref<2000x1xf32, #tpu.memory_space<vmem>>, vector<2000x1xf32>
    %reduce_max3A = vector.shape_cast %get3A_1 : vector<2000x1xf32> to vector<1x2000x1xf32>
    %reduce_max3A_2 = arith.constant dense<0xFF800000> : vector<1xf32>
    %reduce_max3A_3 = vector.multi_reduction <maximumf>, %reduce_max3A, %reduce_max3A_2 [1, 2] : vector<1x2000x1xf32> to vector<1xf32>
    %reduce_max3A_4 = vector.shape_cast %reduce_max3A_3 : vector<1xf32> to vector<1x1x1xf32>
    %reduce_max3A_5 = vector.extract %reduce_max3A_4[0, 0, 0] : f32 from vector<1x1x1xf32>
    %reshape3A = vector.broadcast %reduce_max3A_5 : f32 to vector<1x1xf32>
    %eq3A = arith.constant 0 : i32
    %eq3A_6 = arith.cmpi eq, %arg0, %eq3A : i32
    %convert_element_type3A = arith.extui %eq3A_6 : i1 to i32
    %cond3A = arith.constant 0 : i32
    %cond3A_7 = arith.cmpi ne, %convert_element_type3A, %cond3A : i32
    scf.if %cond3A_7 {
      %swap3A_13 = arith.constant 0 : index
      %swap3A_14 = arith.constant 0 : index
      %swap3A_15 = vector.load %arg2[%swap3A_13, %swap3A_14] : memref<1x1xf32, #tpu.memory_space<vmem>>, vector<1x1xf32>
      tpu.vector_store %arg2[%swap3A_13, %swap3A_14], %reshape3A {strides = array<i32>} : memref<1x1xf32, #tpu.memory_space<vmem>>, vector<1x1xf32>,
    } else {
    }
    %get3A_8 = arith.constant 0 : index
    %get3A_9 = arith.constant 0 : index
    %get3A_10 = vector.load %arg2[%get3A_8, %get3A_9] : memref<1x1xf32, #tpu.memory_space<vmem>>, vector<1x1xf32>
    %max3A = arith.maximumf %get3A_10, %reshape3A : vector<1x1xf32>
    %swap3A = arith.constant 0 : index
    %swap3A_11 = arith.constant 0 : index
    %swap3A_12 = vector.load %arg2[%swap3A, %swap3A_11] : memref<1x1xf32, #tpu.memory_space<vmem>>, vector<1x1xf32>
    tpu.vector_store %arg2[%swap3A, %swap3A_11], %max3A {strides = array<i32>} : memref<1x1xf32, #tpu.memory_space<vmem>>, vector<1x1xf32>,
    return
  }
  func.func @transform_0(%arg0: i32) -> (i32, i32) {
    %c0_i32 = arith.constant 0 : i32
    %c0_i32_0 = arith.constant 0 : i32
    return %arg0, %c0_i32 : i32, i32
  }
  func.func @transform_1(%arg0: i32) -> (i32, i32) {
    %c0_i32 = arith.constant 0 : i32
    %c0_i32_0 = arith.constant 0 : i32
    %c0_i32_1 = arith.constant 0 : i32
    return %c0_i32, %c0_i32_0 : i32, i32
  }
}

module attributes {stable_mosaic.version = 14 : i64} {
  func.func @_k_exp_body(%arg0: i32, %arg1: memref<2000x1xf32, #tpu.memory_space<vmem>>, %arg2: memref<1x1xf32, #tpu.memory_space<vmem>>, %arg3: memref<2000x1xf32, #tpu.memory_space<vmem>>, %arg4: memref<2000x16xf32, #tpu.memory_space<vmem>>) attributes {dimension_semantics = [#tpu.dimension_semantics<arbitrary>], iteration_bounds = array<i64: 160>, scalar_prefetch = 0 : i64, scratch_operands = 0 : i64, tpu.core_type = #tpu.core_type<tc>, window_params = [{transform_indices = @transform_0, window_bounds = array<i64: 2000, 1>}, {pipeline_mode = #tpu.pipeline_mode<synchronous>, transform_indices = @transform_1, window_bounds = array<i64: 1, 1>}, {transform_indices = @transform_2, window_bounds = array<i64: 2000, 1>}, {transform_indices = @transform_3, window_bounds = array<i64: 2000, 16>}]} {
    %get3A = arith.constant 0 : index
    %get3A_0 = arith.constant 0 : index
    %get3A_1 = vector.load %arg1[%get3A, %get3A_0] : memref<2000x1xf32, #tpu.memory_space<vmem>>, vector<2000x1xf32>
    %get3A_2 = arith.constant 0 : index
    %get3A_3 = arith.constant 0 : index
    %get3A_4 = vector.load %arg2[%get3A_2, %get3A_3] : memref<1x1xf32, #tpu.memory_space<vmem>>, vector<1x1xf32>
    %get3A_5 = vector.extract %get3A_4[0, 0] : f32 from vector<1x1xf32>
    %sub3A = vector.broadcast %get3A_5 : f32 to vector<2000x1xf32>
    %sub3A_6 = arith.subf %get3A_1, %sub3A : vector<2000x1xf32>
    %exp3A = math.exp %sub3A_6 : vector<2000x1xf32>
    %swap3A = arith.constant 0 : index
    %swap3A_7 = arith.constant 0 : index
    %swap3A_8 = vector.load %arg3[%swap3A, %swap3A_7] : memref<2000x1xf32, #tpu.memory_space<vmem>>, vector<2000x1xf32>
    tpu.vector_store %arg3[%swap3A, %swap3A_7], %exp3A {strides = array<i32>} : memref<2000x1xf32, #tpu.memory_space<vmem>>, vector<2000x1xf32>,
    %broadcast_in_dim3A = vector.shape_cast %exp3A : vector<2000x1xf32> to vector<2000x1xf32>
    %broadcast_in_dim3A_9 = vector.broadcast %broadcast_in_dim3A : vector<2000x1xf32> to vector<2000x16xf32>
    %swap3A_10 = arith.constant 0 : index
    %swap3A_11 = arith.constant 0 : index
    %swap3A_12 = vector.load %arg4[%swap3A_10, %swap3A_11] : memref<2000x16xf32, #tpu.memory_space<vmem>>, vector<2000x16xf32>
    tpu.vector_store %arg4[%swap3A_10, %swap3A_11], %broadcast_in_dim3A_9 {strides = array<i32>} : memref<2000x16xf32, #tpu.memory_space<vmem>>, vector<2000x16xf32>,
    return
  }
  func.func @transform_0(%arg0: i32) -> (i32, i32) {
    %c0_i32 = arith.constant 0 : i32
    %c0_i32_0 = arith.constant 0 : i32
    return %arg0, %c0_i32 : i32, i32
  }
  func.func @transform_1(%arg0: i32) -> (i32, i32) {
    %c0_i32 = arith.constant 0 : i32
    %c0_i32_0 = arith.constant 0 : i32
    %c0_i32_1 = arith.constant 0 : i32
    return %c0_i32, %c0_i32_0 : i32, i32
  }
  func.func @transform_2(%arg0: i32) -> (i32, i32) {
    %c0_i32 = arith.constant 0 : i32
    %c0_i32_0 = arith.constant 0 : i32
    return %arg0, %c0_i32 : i32, i32
  }
  func.func @transform_3(%arg0: i32) -> (i32, i32) {
    %c0_i32 = arith.constant 0 : i32
    %c0_i32_0 = arith.constant 0 : i32
    return %arg0, %c0_i32 : i32, i32
  }
}

module attributes {stable_mosaic.version = 14 : i64} {
  func.func @_k_gatout_body(%arg0: i32, %arg1: memref<1000x256xf32, #tpu.memory_space<vmem>>, %arg2: memref<1000x256xf32, #tpu.memory_space<vmem>>, %arg3: memref<1000x1xf32, #tpu.memory_space<vmem>>, %arg4: memref<1x1xf32, #tpu.memory_space<vmem>>, %arg5: memref<1000x1xf32, #tpu.memory_space<vmem>>, %arg6: memref<1000x1xf32, #tpu.memory_space<vmem>>, %arg7: memref<1x256xf32, #tpu.memory_space<vmem>>, %arg8: memref<1000x1xf32, #tpu.memory_space<vmem>>, %arg9: memref<256x128xf32, #tpu.memory_space<vmem>>, %arg10: memref<1000x128xf32, #tpu.memory_space<vmem>>) attributes {dimension_semantics = [#tpu.dimension_semantics<arbitrary>], iteration_bounds = array<i64: 10>, scalar_prefetch = 0 : i64, scratch_operands = 0 : i64, tpu.core_type = #tpu.core_type<tc>, window_params = [{transform_indices = @transform_0, window_bounds = array<i64: 1000, 256>}, {transform_indices = @transform_1, window_bounds = array<i64: 1000, 256>}, {transform_indices = @transform_2, window_bounds = array<i64: 1000, 1>}, {pipeline_mode = #tpu.pipeline_mode<synchronous>, transform_indices = @transform_3, window_bounds = array<i64: 1, 1>}, {transform_indices = @transform_4, window_bounds = array<i64: 1000, 1>}, {transform_indices = @transform_5, window_bounds = array<i64: 1000, 1>}, {pipeline_mode = #tpu.pipeline_mode<synchronous>, transform_indices = @transform_6, window_bounds = array<i64: 1, 256>}, {transform_indices = @transform_7, window_bounds = array<i64: 1000, 1>}, {pipeline_mode = #tpu.pipeline_mode<synchronous>, transform_indices = @transform_8, window_bounds = array<i64: 256, 128>}, {transform_indices = @transform_9, window_bounds = array<i64: 1000, 128>}]} {
    %get3A = arith.constant 0 : index
    %get3A_0 = arith.constant 0 : index
    %get3A_1 = vector.load %arg3[%get3A, %get3A_0] : memref<1000x1xf32, #tpu.memory_space<vmem>>, vector<1000x1xf32>
    %get3A_2 = arith.constant 0 : index
    %get3A_3 = arith.constant 0 : index
    %get3A_4 = vector.load %arg4[%get3A_2, %get3A_3] : memref<1x1xf32, #tpu.memory_space<vmem>>, vector<1x1xf32>
    %get3A_5 = vector.extract %get3A_4[0, 0] : f32 from vector<1x1xf32>
    %sub3A = vector.broadcast %get3A_5 : f32 to vector<1000x1xf32>
    %sub3A_6 = arith.subf %get3A_1, %sub3A : vector<1000x1xf32>
    %exp3A = math.exp %sub3A_6 : vector<1000x1xf32>
    %get3A_7 = arith.constant 0 : index
    %get3A_8 = arith.constant 0 : index
    %get3A_9 = vector.load %arg5[%get3A_7, %get3A_8] : memref<1000x1xf32, #tpu.memory_space<vmem>>, vector<1000x1xf32>
    %get3A_10 = arith.constant 0 : index
    %get3A_11 = arith.constant 0 : index
    %get3A_12 = vector.load %arg6[%get3A_10, %get3A_11] : memref<1000x1xf32, #tpu.memory_space<vmem>>, vector<1000x1xf32>
    %add3A = arith.addf %get3A_9, %get3A_12 : vector<1000x1xf32>
    %add3A_13 = arith.addf %add3A, %exp3A : vector<1000x1xf32>
    %get3A_14 = arith.constant 0 : index
    %get3A_15 = arith.constant 0 : index
    %get3A_16 = vector.load %arg1[%get3A_14, %get3A_15] : memref<1000x256xf32, #tpu.memory_space<vmem>>, vector<1000x256xf32>
    %get3A_17 = arith.constant 0 : index
    %get3A_18 = arith.constant 0 : index
    %get3A_19 = vector.load %arg2[%get3A_17, %get3A_18] : memref<1000x256xf32, #tpu.memory_space<vmem>>, vector<1000x256xf32>
    %mul3A = vector.broadcast %exp3A : vector<1000x1xf32> to vector<1000x256xf32>
    %mul3A_20 = arith.mulf %mul3A, %get3A_19 : vector<1000x256xf32>
    %add3A_21 = arith.addf %get3A_16, %mul3A_20 : vector<1000x256xf32>
    %div3A = vector.broadcast %add3A_13 : vector<1000x1xf32> to vector<1000x256xf32>
    %div3A_22 = arith.divf %add3A_21, %div3A : vector<1000x256xf32>
    %get3A_23 = arith.constant 0 : index
    %get3A_24 = arith.constant 0 : index
    %get3A_25 = vector.load %arg7[%get3A_23, %get3A_24] : memref<1x256xf32, #tpu.memory_space<vmem>>, vector<1x256xf32>
    %add3A_26 = vector.broadcast %get3A_25 : vector<1x256xf32> to vector<1000x256xf32>
    %add3A_27 = arith.addf %div3A_22, %add3A_26 : vector<1000x256xf32>
    %max3A = arith.constant 0.000000e+00 : f32
    %max3A_28 = vector.broadcast %max3A : f32 to vector<1000x256xf32>
    %max3A_29 = arith.maximumf %add3A_27, %max3A_28 : vector<1000x256xf32>
    %get3A_30 = arith.constant 0 : index
    %get3A_31 = arith.constant 0 : index
    %get3A_32 = vector.load %arg9[%get3A_30, %get3A_31] : memref<256x128xf32, #tpu.memory_space<vmem>>, vector<256x128xf32>
    %dot_general3A = arith.constant dense<0.000000e+00> : vector<1000x128xf32>
    %dot_general3A_33 = tpu.matmul %max3A_29, %get3A_32, %dot_general3A {dimension_numbers = #tpu.dot_dimension_numbers<[1], [0], [0], [1], [0, 0, 1, 1], [], []>, transpose_lhs_hint = false} : vector<1000x256xf32>, vector<256x128xf32>, vector<1000x128xf32> -> vector<1000x128xf32>
    %get3A_34 = arith.constant 0 : index
    %get3A_35 = arith.constant 0 : index
    %get3A_36 = vector.load %arg8[%get3A_34, %get3A_35] : memref<1000x1xf32, #tpu.memory_space<vmem>>, vector<1000x1xf32>
    %mul3A_37 = vector.broadcast %get3A_36 : vector<1000x1xf32> to vector<1000x128xf32>
    %mul3A_38 = arith.mulf %dot_general3A_33, %mul3A_37 : vector<1000x128xf32>
    %swap3A = arith.constant 0 : index
    %swap3A_39 = arith.constant 0 : index
    %swap3A_40 = vector.load %arg10[%swap3A, %swap3A_39] : memref<1000x128xf32, #tpu.memory_space<vmem>>, vector<1000x128xf32>
    tpu.vector_store %arg10[%swap3A, %swap3A_39], %mul3A_38 {strides = array<i32>} : memref<1000x128xf32, #tpu.memory_space<vmem>>, vector<1000x128xf32>,
    return
  }
  func.func @transform_0(%arg0: i32) -> (i32, i32) {
    %c0_i32 = arith.constant 0 : i32
    %c0_i32_0 = arith.constant 0 : i32
    return %arg0, %c0_i32 : i32, i32
  }
  func.func @transform_1(%arg0: i32) -> (i32, i32) {
    %c0_i32 = arith.constant 0 : i32
    %c0_i32_0 = arith.constant 0 : i32
    return %arg0, %c0_i32 : i32, i32
  }
  func.func @transform_2(%arg0: i32) -> (i32, i32) {
    %c0_i32 = arith.constant 0 : i32
    %c0_i32_0 = arith.constant 0 : i32
    return %arg0, %c0_i32 : i32, i32
  }
  func.func @transform_3(%arg0: i32) -> (i32, i32) {
    %c0_i32 = arith.constant 0 : i32
    %c0_i32_0 = arith.constant 0 : i32
    %c0_i32_1 = arith.constant 0 : i32
    return %c0_i32, %c0_i32_0 : i32, i32
  }
  func.func @transform_4(%arg0: i32) -> (i32, i32) {
    %c0_i32 = arith.constant 0 : i32
    %c0_i32_0 = arith.constant 0 : i32
    return %arg0, %c0_i32 : i32, i32
  }
  func.func @transform_5(%arg0: i32) -> (i32, i32) {
    %c0_i32 = arith.constant 0 : i32
    %c0_i32_0 = arith.constant 0 : i32
    return %arg0, %c0_i32 : i32, i32
  }
  func.func @transform_6(%arg0: i32) -> (i32, i32) {
    %c0_i32 = arith.constant 0 : i32
    %c0_i32_0 = arith.constant 0 : i32
    %c0_i32_1 = arith.constant 0 : i32
    return %c0_i32, %c0_i32_0 : i32, i32
  }
  func.func @transform_7(%arg0: i32) -> (i32, i32) {
    %c0_i32 = arith.constant 0 : i32
    %c0_i32_0 = arith.constant 0 : i32
    return %arg0, %c0_i32 : i32, i32
  }
  func.func @transform_8(%arg0: i32) -> (i32, i32) {
    %c0_i32 = arith.constant 0 : i32
    %c0_i32_0 = arith.constant 0 : i32
    %c0_i32_1 = arith.constant 0 : i32
    return %c0_i32, %c0_i32_0 : i32, i32
  }
  func.func @transform_9(%arg0: i32) -> (i32, i32) {
    %c0_i32 = arith.constant 0 : i32
    %c0_i32_0 = arith.constant 0 : i32
    return %arg0, %c0_i32 : i32, i32
  }
}

module attributes {stable_mosaic.version = 14 : i64} {
  func.func @_k_final_body(%arg0: i32, %arg1: memref<1000x128xf32, #tpu.memory_space<vmem>>, %arg2: memref<1000x128xf32, #tpu.memory_space<vmem>>, %arg3: memref<1000x128xf32, #tpu.memory_space<vmem>>, %arg4: memref<1000x1xf32, #tpu.memory_space<vmem>>, %arg5: memref<1x128xf32, #tpu.memory_space<vmem>>, %arg6: memref<128x256xf32, #tpu.memory_space<vmem>>, %arg7: memref<1x256xf32, #tpu.memory_space<vmem>>, %arg8: memref<1000x256xf32, #tpu.memory_space<vmem>>) attributes {dimension_semantics = [#tpu.dimension_semantics<arbitrary>], iteration_bounds = array<i64: 10>, scalar_prefetch = 0 : i64, scratch_operands = 0 : i64, tpu.core_type = #tpu.core_type<tc>, window_params = [{transform_indices = @transform_0, window_bounds = array<i64: 1000, 128>}, {transform_indices = @transform_1, window_bounds = array<i64: 1000, 128>}, {transform_indices = @transform_2, window_bounds = array<i64: 1000, 128>}, {transform_indices = @transform_3, window_bounds = array<i64: 1000, 1>}, {pipeline_mode = #tpu.pipeline_mode<synchronous>, transform_indices = @transform_4, window_bounds = array<i64: 1, 128>}, {pipeline_mode = #tpu.pipeline_mode<synchronous>, transform_indices = @transform_5, window_bounds = array<i64: 128, 256>}, {pipeline_mode = #tpu.pipeline_mode<synchronous>, transform_indices = @transform_6, window_bounds = array<i64: 1, 256>}, {transform_indices = @transform_7, window_bounds = array<i64: 1000, 256>}]} {
    %get3A = arith.constant 0 : index
    %get3A_0 = arith.constant 0 : index
    %get3A_1 = vector.load %arg4[%get3A, %get3A_0] : memref<1000x1xf32, #tpu.memory_space<vmem>>, vector<1000x1xf32>
    %get3A_2 = arith.constant 0 : index
    %get3A_3 = arith.constant 0 : index
    %get3A_4 = vector.load %arg1[%get3A_2, %get3A_3] : memref<1000x128xf32, #tpu.memory_space<vmem>>, vector<1000x128xf32>
    %get3A_5 = arith.constant 0 : index
    %get3A_6 = arith.constant 0 : index
    %get3A_7 = vector.load %arg2[%get3A_5, %get3A_6] : memref<1000x128xf32, #tpu.memory_space<vmem>>, vector<1000x128xf32>
    %add3A = arith.addf %get3A_4, %get3A_7 : vector<1000x128xf32>
    %get3A_8 = arith.constant 0 : index
    %get3A_9 = arith.constant 0 : index
    %get3A_10 = vector.load %arg3[%get3A_8, %get3A_9] : memref<1000x128xf32, #tpu.memory_space<vmem>>, vector<1000x128xf32>
    %add3A_11 = arith.addf %add3A, %get3A_10 : vector<1000x128xf32>
    %mul3A = vector.broadcast %get3A_1 : vector<1000x1xf32> to vector<1000x128xf32>
    %mul3A_12 = arith.mulf %mul3A, %add3A_11 : vector<1000x128xf32>
    %get3A_13 = arith.constant 0 : index
    %get3A_14 = arith.constant 0 : index
    %get3A_15 = vector.load %arg5[%get3A_13, %get3A_14] : memref<1x128xf32, #tpu.memory_space<vmem>>, vector<1x128xf32>
    %add3A_16 = vector.broadcast %get3A_15 : vector<1x128xf32> to vector<1000x128xf32>
    %add3A_17 = arith.addf %mul3A_12, %add3A_16 : vector<1000x128xf32>
    %get3A_18 = arith.constant 0 : index
    %get3A_19 = arith.constant 0 : index
    %get3A_20 = vector.load %arg6[%get3A_18, %get3A_19] : memref<128x256xf32, #tpu.memory_space<vmem>>, vector<128x256xf32>
    %dot_general3A = arith.constant dense<0.000000e+00> : vector<1000x256xf32>
    %dot_general3A_21 = tpu.matmul %add3A_17, %get3A_20, %dot_general3A {dimension_numbers = #tpu.dot_dimension_numbers<[1], [0], [0], [1], [0, 0, 1, 1], [], []>, transpose_lhs_hint = false} : vector<1000x128xf32>, vector<128x256xf32>, vector<1000x256xf32> -> vector<1000x256xf32>
    %get3A_22 = arith.constant 0 : index
    %get3A_23 = arith.constant 0 : index
    %get3A_24 = vector.load %arg7[%get3A_22, %get3A_23] : memref<1x256xf32, #tpu.memory_space<vmem>>, vector<1x256xf32>
    %add3A_25 = vector.broadcast %get3A_24 : vector<1x256xf32> to vector<1000x256xf32>
    %add3A_26 = arith.addf %dot_general3A_21, %add3A_25 : vector<1000x256xf32>
    %max3A = arith.constant 0.000000e+00 : f32
    %max3A_27 = vector.broadcast %max3A : f32 to vector<1000x256xf32>
    %max3A_28 = arith.maximumf %add3A_26, %max3A_27 : vector<1000x256xf32>
    %swap3A = arith.constant 0 : index
    %swap3A_29 = arith.constant 0 : index
    %swap3A_30 = vector.load %arg8[%swap3A, %swap3A_29] : memref<1000x256xf32, #tpu.memory_space<vmem>>, vector<1000x256xf32>
    tpu.vector_store %arg8[%swap3A, %swap3A_29], %max3A_28 {strides = array<i32>} : memref<1000x256xf32, #tpu.memory_space<vmem>>, vector<1000x256xf32>,
    return
  }
  func.func @transform_0(%arg0: i32) -> (i32, i32) {
    %c0_i32 = arith.constant 0 : i32
    %c0_i32_0 = arith.constant 0 : i32
    return %arg0, %c0_i32 : i32, i32
  }
  func.func @transform_1(%arg0: i32) -> (i32, i32) {
    %c0_i32 = arith.constant 0 : i32
    %c0_i32_0 = arith.constant 0 : i32
    return %arg0, %c0_i32 : i32, i32
  }
  func.func @transform_2(%arg0: i32) -> (i32, i32) {
    %c0_i32 = arith.constant 0 : i32
    %c0_i32_0 = arith.constant 0 : i32
    return %arg0, %c0_i32 : i32, i32
  }
  func.func @transform_3(%arg0: i32) -> (i32, i32) {
    %c0_i32 = arith.constant 0 : i32
    %c0_i32_0 = arith.constant 0 : i32
    return %arg0, %c0_i32 : i32, i32
  }
  func.func @transform_4(%arg0: i32) -> (i32, i32) {
    %c0_i32 = arith.constant 0 : i32
    %c0_i32_0 = arith.constant 0 : i32
    %c0_i32_1 = arith.constant 0 : i32
    return %c0_i32, %c0_i32_0 : i32, i32
  }
  func.func @transform_5(%arg0: i32) -> (i32, i32) {
    %c0_i32 = arith.constant 0 : i32
    %c0_i32_0 = arith.constant 0 : i32
    %c0_i32_1 = arith.constant 0 : i32
    return %c0_i32, %c0_i32_0 : i32, i32
  }
  func.func @transform_6(%arg0: i32) -> (i32, i32) {
    %c0_i32 = arith.constant 0 : i32
    %c0_i32_0 = arith.constant 0 : i32
    %c0_i32_1 = arith.constant 0 : i32
    return %c0_i32, %c0_i32_0 : i32, i32
  }
  func.func @transform_7(%arg0: i32) -> (i32, i32) {
    %c0_i32 = arith.constant 0 : i32
    %c0_i32_0 = arith.constant 0 : i32
    return %arg0, %c0_i32 : i32, i32
  }
}

module attributes {stable_mosaic.version = 14 : i64} {
  func.func @_decoder_mm_body(%arg0: i32, %arg1: i32, %arg2: memref<1024x256xf32, #tpu.memory_space<vmem>>, %arg3: memref<1024x256xf32, #tpu.memory_space<vmem>>, %arg4: memref<1024x1024xf32, #tpu.memory_space<vmem>>) attributes {dimension_semantics = [#tpu.dimension_semantics<arbitrary>, #tpu.dimension_semantics<arbitrary>], iteration_bounds = array<i64: 10, 10>, scalar_prefetch = 0 : i64, scratch_operands = 0 : i64, tpu.core_type = #tpu.core_type<tc>, window_params = [{transform_indices = @transform_0, window_bounds = array<i64: 1024, 256>}, {transform_indices = @transform_1, window_bounds = array<i64: 1024, 256>}, {transform_indices = @transform_2, window_bounds = array<i64: 1024, 1024>}]} {
    %get3A = arith.constant 0 : index
    %get3A_0 = arith.constant 0 : index
    %get3A_1 = vector.load %arg2[%get3A, %get3A_0] : memref<1024x256xf32, #tpu.memory_space<vmem>>, vector<1024x256xf32>
    %get3A_2 = arith.constant 0 : index
    %get3A_3 = arith.constant 0 : index
    %get3A_4 = vector.load %arg3[%get3A_2, %get3A_3] : memref<1024x256xf32, #tpu.memory_space<vmem>>, vector<1024x256xf32>
    %dot_general3A = arith.constant dense<0.000000e+00> : vector<1024x1024xf32>
    %dot_general3A_5 = tpu.matmul %get3A_1, %get3A_4, %dot_general3A {dimension_numbers = #tpu.dot_dimension_numbers<[1], [1], [0], [0], [0, 0, 1, 0], [], []>, transpose_lhs_hint = false} : vector<1024x256xf32>, vector<1024x256xf32>, vector<1024x1024xf32> -> vector<1024x1024xf32>
    %swap3A = arith.constant 0 : index
    %swap3A_6 = arith.constant 0 : index
    %swap3A_7 = vector.load %arg4[%swap3A, %swap3A_6] : memref<1024x1024xf32, #tpu.memory_space<vmem>>, vector<1024x1024xf32>
    tpu.vector_store %arg4[%swap3A, %swap3A_6], %dot_general3A_5 {strides = array<i32>} : memref<1024x1024xf32, #tpu.memory_space<vmem>>, vector<1024x1024xf32>,
    return
  }
  func.func @transform_0(%arg0: i32, %arg1: i32) -> (i32, i32) {
    %c0_i32 = arith.constant 0 : i32
    %c0_i32_0 = arith.constant 0 : i32
    return %arg0, %c0_i32 : i32, i32
  }
  func.func @transform_1(%arg0: i32, %arg1: i32) -> (i32, i32) {
    %c0_i32 = arith.constant 0 : i32
    %c0_i32_0 = arith.constant 0 : i32
    return %arg1, %c0_i32 : i32, i32
  }
  func.func @transform_2(%arg0: i32, %arg1: i32) -> (i32, i32) {
    %c0_i32 = arith.constant 0 : i32
    return %arg0, %arg1 : i32, i32
  }
}

</mosaic_0001>

<sc_bundles>
// kernel: kernel.17.cloned.1.call-start
scs
__scs_entry_jumppad:
0x0: {  	(pc) =	sbr.rel $0x88, $3  }
0x1: {  	(tag) =	ssettag $0x0;
	lr =	simm.s32 $0x1  }
0x2: {  	[smem:$0x3F91] =	sst lr;
	_ =	strace $0xD0000000  }
0x3: {  	_ = 	snop  }
0x4: {  	_ = 	snop  }
0x5: {  	_ = 	snop  }
0x6: {  	_ = 	snop  }
0x7: {  	_ = 	snop  }
__scs_overlays_trampoline_lowered:
0x8: {  	[smem:$0x3FA0] =	sst s0  }
0x9: {  	[smem:$0x3FA1] =	sst s1  }
0xa: {  	[smem:$0x3FA2] =	sst s2  }
0xb: {  	[smem:$0x3FA3] =	sst s3  }
0xc: {  	[smem:$0x3FA4] =	sst s4  }
0xd: {  	[smem:$0x3FA5] =	sst s5  }
0xe: {  	[smem:$0x3FA6] =	sst s6  }
0xf: {  	[smem:$0x3FA7] =	sst s7  }
0x10: {  	[smem:$0x3FA8] =	sst s8  }
0x11: {  	[smem:$0x3FA9] =	sst s9;
	s0 =	simm.s32 @!p0 $0x0  }
0x12: {  	s1 =	sld [smem:$0x3F8F];
	s0 =	simm.s32 @p0 $0x1  }
0x13: {  	[smem:$0x3FAA] =	sst s0;
	s0 =	simm.s32 @!p1 $0x0  }
0x14: {  	s2 =	sld [smem:$0x3F8E];
	s0 =	simm.s32 @p1 $0x1  }
0x15: {  	[smem:$0x3FAB] =	sst s0;
	s0 =	simm.s32 @!p2 $0x0  }
0x16: {  	s3 =	sld [smem:$0x3FDB];
	s0 =	simm.s32 @p2 $0x1  }
0x17: {  	s4 =	simm.s32 $0x1BF5;
	[smem:$0x3FAD] =	sst s0  }
0x18: {  	s0 =	sld [smem:$0x3F90];
	_ =	swait.ge [sflag:s4], $0x0  }
0x19: {  	s7 =	sld [smem:$0x3F91]  }
0x1a: {  	s8 =	sadd.s32 $0xFFFFE003, lr  }
0x1b: {  	s9 =	sadd.s32 $0xFFFFFEF7, lr;
	s5 =	simm.s32 $0xFFFFFFFF;
	p2 =	slt.u32 s8, $0xFFFFF086  }
0x1c: {  	p1 =	slt.u32 s9, $0xF7A;
	s5 =	simm.s32 @!p2 $0x0  }
0x1d: {  	s5 =	simm.s32 @p1 $0x1;
	p0 =	seq.s32 s7, s2  }
0x1e: {  	s7 =	smul.u32 @!p0 $0xF7A, s2;
	p2 =	seq.s32 @!p0 s5, $0x0  }
0x1f: {  	s9 =	smul.u32 $0xF7A, s1;
	s8 =	simm.s32 @!p0 $0x1BF5;
	p2 =	por !p2, p0  }
0x20: {  	[sflag:s8] =	ssyncset.s32 @!p0 $0xFFFFF086;
	s6 =	sadd.s32 @!p0 s3, s7;
	s7 =	simm.s32 @!p0 $0x108  }
0x21: {  	s3 =	sadd.s32 s3, s9;
	s6 =	sadd.s32 @!p0 $0x88, s6;
	s7 =	simm.s32 @p2 $0x1082  }
0x22: {  	[simem:s7], [sflag:s8] =	dma.local @!p0 [hbm:s6], $0xF7A  }
0x23: {  	s9 =	sor.u32 $0xD0000000, s2;
	s6 =	simm.s32 $0x108;
	_ =	swait.ge @!p0 [sflag:s8], $0x0  }
0x24: {  	s3 =	sadd.s32 $0x88, s3;
	s6 =	simm.s32 @!p1 $0x1082;
	[sflag:s4] =	ssyncset.s32 $0xFFFFF086  }
0x25: {  	[simem:s6], [sflag:s4] =	dma.local [hbm:s3], $0xF7A  }
0x26: {  	[smem:$0x3F91] =	sst s1;
	(tag) =	ssettag s2;
	_ =	strace s9  }
0x27: {  	s1 =	sld [smem:$0x3FA1]  }
0x28: {  	s2 =	sld [smem:$0x3FA2]  }
0x29: {  	s4 =	sld [smem:$0x3FA4]  }
0x2a: {  	p0 =	seq.s32 s5, $0x0;
	s5 =	sld [smem:$0x3FA5]  }
0x2b: {  	s6 =	sld [smem:$0x3FA6]  }
0x2c: {  	s7 =	sld [smem:$0x3FA7]  }
0x2d: {  	s3 =	simm.s32 $0x108;
	s8 =	sld [smem:$0x3FA8]  }
0x2e: {  	s3 =	simm.s32 @!p0 $0x1082;
	s9 =	sld [smem:$0x3FA9]  }
0x2f: {  	lr =	sadd.s32 s0, s3;
	s0 =	sld [smem:$0x3FA0]  }
0x30: {  	s3 =	sld [smem:$0x3FA3]  }
0x31: {  	[smem:$0x3FAC] =	sst s10  }
0x32: {  	s10 =	sld [smem:$0x3FAA];
	_ =	sdelay $0x3  }
0x33: {  	p0 =	seq.s32 s10, $0x1;
	s10 =	sld [smem:$0x3FAC];
	_ =	sdelay $0x3  }
0x34: {  	[smem:$0x3FAC] =	sst s10  }
0x35: {  	s10 =	sld [smem:$0x3FAB];
	_ =	sdelay $0x3  }
0x36: {  	p1 =	seq.s32 s10, $0x1;
	s10 =	sld [smem:$0x3FAC];
	_ =	sdelay $0x3  }
0x37: {  	[smem:$0x3FAC] =	sst s10  }
0x38: {  	s10 =	sld [smem:$0x3FAD]  }
0x39: {  	_ = 	snop;
	(pc) =	sbr.ind lr, $3  }
0x3a: {  	_ = 	snop  }
0x3b: {  	_ = 	snop  }
0x3c: {  	p2 =	seq.s32 s10, $0x1;
	s10 =	sld [smem:$0x3FAC]  }
0x3d: {  	_ =	shalt  }
0x3e: {  	_ =	shalt  }
0x3f: {  	_ =	shalt  }
0x40: {  	_ =	shalt  }
0x41: {  	_ =	shalt  }
0x42: {  	_ =	shalt  }
0x43: {  	_ =	shalt  }
0x44: {  	_ =	shalt  }
0x45: {  	_ =	shalt  }
0x46: {  	_ =	shalt  }
0x47: {  	_ =	shalt  }
0x48: {  	_ =	shalt  }
0x49: {  	_ =	shalt  }
0x4a: {  	_ =	shalt  }
0x4b: {  	_ =	shalt  }
0x4c: {  	_ =	shalt  }
0x4d: {  	_ =	shalt  }
0x4e: {  	_ =	shalt  }
0x4f: {  	_ =	shalt  }
0x50: {  	_ =	shalt  }
0x51: {  	_ =	shalt  }
0x52: {  	_ =	shalt  }
0x53: {  	_ =	shalt  }
0x54: {  	_ =	shalt  }
0x55: {  	_ =	shalt  }
0x56: {  	_ =	shalt  }
0x57: {  	_ =	shalt  }
0x58: {  	_ =	shalt  }
0x59: {  	_ =	shalt  }
0x5a: {  	_ =	shalt  }
0x5b: {  	_ =	shalt  }
0x5c: {  	_ =	shalt  }
0x5d: {  	_ =	shalt  }
0x5e: {  	_ =	shalt  }
0x5f: {  	_ =	shalt  }
0x60: {  	_ =	shalt  }
0x61: {  	_ =	shalt  }
0x62: {  	_ =	shalt  }
0x63: {  	_ =	shalt  }
0x64: {  	_ =	shalt  }
0x65: {  	_ =	shalt  }
0x66: {  	_ =	shalt  }
0x67: {  	_ =	shalt  }
0x68: {  	_ =	shalt  }
0x69: {  	_ =	shalt  }
0x6a: {  	_ =	shalt  }
0x6b: {  	_ =	shalt  }
0x6c: {  	_ =	shalt  }
0x6d: {  	_ =	shalt  }
0x6e: {  	_ =	shalt  }
0x6f: {  	_ =	shalt  }
0x70: {  	_ =	shalt  }
0x71: {  	_ =	shalt  }
0x72: {  	_ =	shalt  }
0x73: {  	_ =	shalt  }
0x74: {  	_ =	shalt  }
0x75: {  	_ =	shalt  }
0x76: {  	_ =	shalt  }
0x77: {  	_ =	shalt  }
0x78: {  	_ =	shalt  }
0x79: {  	_ =	shalt  }
0x7a: {  	_ =	shalt  }
0x7b: {  	_ =	shalt  }
0x7c: {  	_ =	shalt  }
0x7d: {  	_ =	shalt  }
0x7e: {  	_ =	shalt  }
0x7f: {  	_ =	shalt  }
0x80: {  	_ =	shalt  }
0x81: {  	_ =	shalt  }
0x82: {  	_ =	shalt  }
0x83: {  	_ =	shalt  }
0x84: {  	_ =	shalt  }
0x85: {  	_ =	shalt  }
0x86: {  	_ =	shalt  }
0x87: {  	_ =	shalt  }
.Lfunc_end0:
.L_simem_size_0:
called_computation_lowered:
.L_overlay_start_0:
0x88: {  	s2 =	sld [smem:$0x3FD9]  }
0x89: {  	s3 =	sld [smem:$0x3FFE];
	_ =	sdelay $0x1  }
0x8a: {  	s1 =	srdreg.scid  }
0x8b: {  	s0 =	sand.u32 $0x1, s1  }
0x8c: {  	s17 =	sshll.u32 s0, $0xA;
	s2 =	sadd.s32 s3, s2  }
0x8d: {  	s2 =	sadd.s32 s2, s17  }
0x8e: {  	[smem:$0x3FB8] =	sst s2  }
0x8f: {  	_ = 	snop  }
0x90: {  	s2 =	sld [smem:$0x3FD0];
	(tm) =	ssettm $0x1  }
0x91: {  	s18 =	sld [smem:$0x3FFB];
	_ =	sdelay $0x3  }
0x92: {  	_ =	strace s18  }
0x93: {  	s3 =	sld [smem:$0x3FFC];
	_ =	sdelay $0x3  }
0x94: {  	_ =	strace s3  }
0x95: {  	s3 =	sld [smem:$0x3FFD];
	_ =	sdelay $0x3  }
0x96: {  	_ =	strace s3  }
0x97: {  	_ =	strace $0x8FFFFFFF  }
0x98: {  	s19 =	sld [smem:$0x3FDB];
	_ =	sdelay $0x1  }
0x99: {  	s4 =	simm.s32 $_scs_section_size  }
0x9a: {  	s5 =	simm.s32 $_size__tile_overlayer_lowered;
	s6 =	simm.s32 $_tile_overlayer_lowered  }
0x9b: {  	s22 =	simm.s32 $0x1BFF;
	s21 =	sshll.u32 s6, $0x1;
	s3 =	sadd.s32 s4, s19  }
0x9c: {  	s7 =	simm.s32 $0x0;
	s20 =	sshll.u32 s5, $0x1;
	s5 =	sadd.s32 s21, s3  }
0x9d: {  	[timem:s7], [sflag:s22] =	dma.local [hbm:s5], s20  }
0x9e: {  	_ =	swait.ge [sflag:s22], s20  }
0x9f: {  	s4 =	ssub.s32 $0x0, s20;
	[sflag:s22] =	ssyncset.done $0x0  }
0xa0: {  	[sflag:s22] =	ssyncadd.s32 s4;
	_ =	sdelay $0x1  }
0xa1: {  	s23 =	simm.s32 $0x1B8B  }
0xa2: {  	_ =	swait.ge [sflag:s23], $0x1  }
0xa3: {  	[sflag:s23] =	ssyncset.done $0x0  }
0xa4: {  	s25 =	simm.s32 $0x1B8E;
	s24 =	sld [smem:$0x3FFE];
	[sflag:s23] =	ssyncadd.s32 $0xFFFFFFFF  }
0xa5: {  	s26 =	simm.s32 $execute0_lowered;
	[smem:$0x3FD2] =	sst s25  }
0xa6: {  	s5 =	sshll.u32 s26, $0x1;
	_ =	strace $0x80000046;
	[dreg:$0x1] =	wrdreg $0xFFFFFFFF  }
0xa7: {  	s28 =	simm.s32 $_size_execute0_lowered;
	s3 =	sadd.s32 s3, s5;
	[dreg:$0x0] =	wrdreg $0x0  }
0xa8: {  	s5 =	sshll.u32 s28, $0x1;
	[dreg:$0x2] =	wrdreg s3  }
0xa9: {  	[dreg:$0x3] =	wrdreg s5  }
0xaa: {  	[dreg:$0x4] =	wrdreg $0xC0  }
0xab: {  	_ =	task [dreg:s7], $0x5FFFF  }
0xac: {  	[dreg:$0x1] =	wrdreg $0xFFFFFFFF  }
0xad: {  	[dreg:$0x0] =	wrdreg $0x60  }
0xae: {  	[dreg:$0x2] =	wrdreg s24  }
0xaf: {  	[dreg:$0x3] =	wrdreg s2  }
0xb0: {  	[dreg:$0x4] =	wrdreg $0x4000  }
0xb1: {  	[dreg:$0x5] =	wrdreg $0x9  }
0xb2: {  	_ =	task.clear_ibuf [dreg:s7], $0x6FFFF;
	_ =	strace $0x90000046  }
0xb3: {  	s29 =	simm.s32 $0x9;
	_ =	strace $0x80000048  }
0xb4: {  	_ =	swait.ge [sflag:s29], $0x1  }
0xb5: {  	[sflag:s29] =	ssyncadd.s32 $0xFFFFFFFF  }
0xb6: {  	_ =	strace $0x90000048  }
0xb7: {  	_ =	sfence  }
0xb8: {  	s30 =	sld [smem:$0x0];
	_ =	sdelay $0x2  }
0xb9: {  	s31 =	sshll.u32 s1, $0xD;
	s1 =	sshrl.u32 s1, $0x2  }
0xba: {  	s3 =	sand.u32 $0x4000, s31;
	s1 =	sadd.s32 s1, s30  }
0xbb: {  	s0 =	sor.u32 s3, s0;
	s1 =	sshll.u32 s1, $0x11  }
0xbc: {  	s0 =	sor.u32 s1, s0  }
0xbd: {  	s0 =	sadd.s32 $0x8F2B, s0  }
0xbe: {  	[sflag:s0] =	ssyncadd.remote.s32 $0x1  }
0xbf: {  	_ =	sfence.sel $0xFFFF  }
0xc0: {  	[dreg:$0x0] =	wrdreg $0xFFFFFFFF;
	(pc) =	sbr.abs _section_cstart, $3  }
0xc1: {  	[dreg:$0x1] =	wrdreg $0xFFFFFFFF  }
0xc2: {  	_ =	task.clear_ibuf [dreg:s7], $0x2FFFF;
	_ =	strace $0x9FFFFFFF  }
0xc3: {  	(tm) =	ssettm $0x7FFFFFFF  }
tec
execute0_lowered:
.L_overlay_start_1:
0x0: {  	(tag) =	ssettag $0x1  }
0x1: {  	s5 =	rddreg [dreg:$0x0]  }
0x2: {  	s1 =	srdreg.scid;
	s0 =	rddreg [dreg:$0x1]  }
0x3: {  	s10 =	stileid.u32;
	s2 =	rddreg [dreg:$0x2]  }
0x4: {  	s3 =	simm.s32 $0x0;
	s11 =	simm.s32 $0x200;
	s15 =	simm.s32 $0x0  }
0x5: {  	s6 =	sand.u32 $0x1, s1;
	s7 =	smul.u32 $0x2710, s10;
	s1 =	rddreg [dreg:$0x3]  }
0x6: {  	[smem:$0x7FF] =	sst s3;
	p0 =	seq.s32 s10, $0x0;
	s4 =	smul.u32 $0x27100, s6  }
0x7: {  	_ =	strace $0x80000047;
	s8 =	ssub.s32 $0x2, s6;
	p1 =	seq.s32 s6, $0x1  }
0x8: {  	s31 =	sor.u32 s6, s10;
	s9 =	sshrl.u32 s8, $0x1;
	p0 =	por !p0, !p1  }
0x9: {  	p2 =	sne.s32 s31, $0x0;
	s4 =	sadd.s32 s7, s4;
	s8 =	ssub.s32 s8, s9  }
0xa: {  	p1 =	por !p0, !p0;
	p0 =	sne.s32 s10, $0x0;
	s9 =	simm.s32 $0x1  }
0xb: {  	s12 =	sshll.u32 @!p2 s10, $0x6;
	s10 =	simm.s32 $0x190;
	s13 =	sshrl.u32 @!p2 s2, $0x3  }
0xc: {  	s4 =	sshrl.u32 s4, $0x3;
	s6 =	smax.u32 s8, $0x1;
	s8 =	sshrl.u32 @!p0 s2, $0x3  }
0xd: {  	s12 =	sor.u32 @!p2 $0x1C01, s12;
	s14 =	sshrl.u32 @p1 s2, $0x3;
	s30 =	sadd.s32 s4, s5  }
0xe: {  	v0 =	vimm.f32 $1.000000000e+00;
	s4 =	sadd.s32 $0x1B400, s5;
	s5 =	sadd.s32 $0x1BA00, s5;
	s7 =	sadd.s32 $0x7800, s30  }
.LBB2_1:
0xf: {  	s16 =	simm.s32 @!p0 $0x1C01  }
0x10: {  	[spmem:s8], [sflag:s16] =	dma.local @!p0 [hbm:s4], $0x4F0  }
0x11: {  	s16 =	simm.s32 @!p0 $0x1  }
0x12: {  	_ =	swait.ge @!p0 [sflag:s16], $0x4F0  }
0x13: {  	[sflag:s16] =	ssyncset.done @!p0 $0x0  }
0x14: {  	[sflag:s16] =	ssyncadd.s32 @!p0 $0xFFFFFB10  }
0x15: {  	[tilespmem:$0x200] =	vst v0  }
0x16: {  	[tilespmem:$0x210] =	vst v0  }
0x17: {  	[tilespmem:$0x220] =	vst v0  }
0x18: {  	[tilespmem:$0x230] =	vst v0  }
0x19: {  	[tilespmem:$0x240] =	vst v0  }
0x1a: {  	[tilespmem:$0x250] =	vst v0  }
0x1b: {  	[tilespmem:$0x260] =	vst v0  }
0x1c: {  	[tilespmem:$0x270] =	vst v0  }
0x1d: {  	[tilespmem:$0x280] =	vst v0  }
0x1e: {  	[tilespmem:$0x290] =	vst v0  }
0x1f: {  	[tilespmem:$0x2A0] =	vst v0  }
0x20: {  	[tilespmem:$0x2B0] =	vst v0  }
0x21: {  	[tilespmem:$0x2C0] =	vst v0  }
0x22: {  	[tilespmem:$0x2D0] =	vst v0  }
0x23: {  	[tilespmem:$0x2E0] =	vst v0  }
0x24: {  	[tilespmem:$0x2F0] =	vst v0  }
0x25: {  	[tilespmem:$0x300] =	vst v0  }
0x26: {  	[tilespmem:$0x310] =	vst v0  }
0x27: {  	[tilespmem:$0x320] =	vst v0  }
0x28: {  	[tilespmem:$0x330] =	vst v0  }
0x29: {  	[tilespmem:$0x340] =	vst v0  }
0x2a: {  	[tilespmem:$0x350] =	vst v0  }
0x2b: {  	[tilespmem:$0x360] =	vst v0  }
0x2c: {  	[tilespmem:$0x370] =	vst v0  }
0x2d: {  	[tilespmem:$0x380] =	vst v0  }
0x2e: {  	s31 =	sadd.s32 $0x0, s7;
	[bflag:$0x0] =	sbarrier.arrive $0xFFFF  }
0x2f: {  	[tilespmem:s3], [sflag:$0x1] =	stream.linear.gather [hbm4b:s31+s3], $0x190, $0x38;
	[tilespmem:$0x678] =	vst v63  }
0x30: {  	_ =	swait.ge [sflag:s9], $0x190  }
0x31: {  	[sflag:s9] =	ssyncset.done $0x0  }
0x32: {  	[sflag:s9] =	ssyncadd.s32 $0xFFFFFE70  }
0x33: {  	[spmem:s2] =	stream.indirect.scatter.add.f32 [tilespmem:s11], [sflag:$0x1], $0x1, s3, s10, $0xb8;
	[tilespmem:$0x678] =	vst v63  }
0x34: {  	_ =	swait.ge [sflag:s9], $0x190  }
0x35: {  	s17 =	simm.s32 $0x64;
	s16 =	simm.s32 $0x32;
	[sflag:s9] =	ssyncset.done $0x0  }
.LBB2_2:
0x36: {  	s18 =	sadd.s32 s16, s7  }
0x37: {  	[sflag:s9] =	ssyncadd.s32 $0xFFFFFE70;
	s16 =	smov.u32 s17;
	s19 =	sadd.s32 $0x32, s17  }
0x38: {  	[tilespmem:s3], [sflag:$0x1] =	stream.linear.gather [hbm4b:s18+s3], $0x190, $0x38;
	[tilespmem:$0x678] =	vst v63  }
0x39: {  	p3 =	sne.s32 s17, $0x4B0;
	_ =	swait.ge [sflag:s9], $0x190  }
.Ltmp0:
0x3a: {  	[sflag:s9] =	ssyncset.done $0x0;
	(pc) =	sbr.rel @p3 .LBB2_2-.Ltmp0, $4  }
0x3b: {  	[sflag:s9] =	ssyncadd.s32 $0xFFFFFE70  }
0x3c: {  	[spmem:s2] =	stream.indirect.scatter.add.f32 [tilespmem:s11], [sflag:$0x1], $0x1, s3, s10, $0xb8;
	[tilespmem:$0x678] =	vst v63  }
0x3d: {  	_ =	swait.ge [sflag:s9], $0x190  }
0x3e: {  	s17 =	smov.u32 s19;
	[sflag:s9] =	ssyncset.done $0x0  }
0x3f: {  	s16 =	sadd.s32 s16, s7;
	[sflag:s9] =	ssyncadd.s32 $0xFFFFFE70  }
0x40: {  	[tilespmem:s3], [sflag:$0x1] =	stream.linear.gather [hbm4b:s16+s3], $0x190, $0x38;
	[tilespmem:$0x678] =	vst v63  }
0x41: {  	_ =	swait.ge [sflag:s9], $0x190  }
0x42: {  	[sflag:s9] =	ssyncset.done $0x0  }
0x43: {  	[sflag:s9] =	ssyncadd.s32 $0xFFFFFE70  }
0x44: {  	[spmem:s2] =	stream.indirect.scatter.add.f32 [tilespmem:s11], [sflag:$0x1], $0x1, s3, s10, $0xb8;
	[tilespmem:$0x678] =	vst v63  }
0x45: {  	_ =	swait.ge [sflag:s9], $0x190  }
0x46: {  	[sflag:s9] =	ssyncset.done $0x0  }
0x47: {  	[sflag:s9] =	ssyncadd.s32 $0xFFFFFE70  }
0x48: {  	s16 =	simm.s32 @!p2 $0x1;
	[bflag:$0x0] =	sbarrier.arrive $0xFFFF  }
0x49: {  	[hbm:s0], [sflag:s12] =	dma.local @!p2 [spmem:s13], $0x4F0  }
0x4a: {  	_ =	swait.ge @!p2 [sflag:s16], $0x4F0  }
0x4b: {  	s15 =	sadd.s32 $0x1, s15;
	[sflag:s16] =	ssyncset.done @!p2 $0x0  }
0x4c: {  	p3 =	sne.s32 s15, s6;
	[sflag:s16] =	ssyncadd.s32 @!p2 $0xFFFFFB10;
	s16 =	simm.s32 @p1 $0x1C01  }
0x4d: {  	[hbm:s5], [sflag:s16] =	dma.local @p1 [spmem:s14], $0x4F0  }
.Ltmp1:
0x4e: {  	_ = 	snop;
	(pc) =	sbr.rel @p3 .LBB2_1-.Ltmp1, $4  }
0x4f: {  	s16 =	simm.s32 @p1 $0x1  }
0x50: {  	_ =	swait.ge @p1 [sflag:s16], $0x4F0  }
0x51: {  	[sflag:s16] =	ssyncset.done @p1 $0x0  }
0x52: {  	[sflag:s16] =	ssyncadd.s32 @p1 $0xFFFFFB10  }
0x53: {  	_ =	sfence.sel $0x180000  }
0x54: {  	[bflag:$0x0] =	sbarrier.arrive $0xFFFF  }
0x55: {  	_ =	strace $0x90000047  }
0x56: {  	s0 =	sadd.s32 @!p0 $0x100000, s1;
	[bflag:$0x2] =	sbarrier.arrive $0xFFFF  }
0x57: {  	[sflag:s0] =	ssyncadd.tile.s32 @!p0 $0x1;
	_ =	shalt  }
.Lfunc_end2:
_tile_overlayer_lowered:
.L_overlay_start_2:
0x58: {  	(tag) =	ssettag $0x2  }
0x59: {  	s0 =	rddreg [dreg:$0x0];
	s2 =	stileid.u32  }
0x5a: {  	s1 =	rddreg [dreg:$0x1];
	p0 =	sne.s32 s2, $0x0  }
0x5b: {  	s3 =	rddreg [dreg:$0x2];
	[bflag:$0x3] =	sbarrier.arrive $0xFFFF;
	s2 =	simm.s32 @!p0 $0x1C01  }
0x5c: {  	[timem:s3], [sflag:s2] =	dma.local @!p0 [hbm:s0], s1  }
0x5d: {  	s0 =	simm.s32 @!p0 $0x1  }
0x5e: {  	_ =	swait.ge @!p0 [sflag:s0], s1  }
0x5f: {  	s1 =	ssub.s32 @!p0 $0x0, s1;
	[sflag:s0] =	ssyncset.done @!p0 $0x0  }
0x60: {  	[sflag:s0] =	ssyncadd.s32 @!p0 s1  }
0x61: {  	[bflag:$0x3] =	sbarrier.arrive $0xFFFF  }
0x62: {  	_ =	shalt  }

// kernel: kernel.20.cloned.1.call-start
scs
__scs_entry_jumppad:
0x0: {  	(pc) =	sbr.rel $0x88, $3  }
0x1: {  	(tag) =	ssettag $0x0;
	lr =	simm.s32 $0x1  }
0x2: {  	[smem:$0x3F91] =	sst lr;
	_ =	strace $0xD0000000  }
0x3: {  	_ = 	snop  }
0x4: {  	_ = 	snop  }
0x5: {  	_ = 	snop  }
0x6: {  	_ = 	snop  }
0x7: {  	_ = 	snop  }
__scs_overlays_trampoline_lowered:
0x8: {  	[smem:$0x3FA0] =	sst s0  }
0x9: {  	[smem:$0x3FA1] =	sst s1  }
0xa: {  	[smem:$0x3FA2] =	sst s2  }
0xb: {  	[smem:$0x3FA3] =	sst s3  }
0xc: {  	[smem:$0x3FA4] =	sst s4  }
0xd: {  	[smem:$0x3FA5] =	sst s5  }
0xe: {  	[smem:$0x3FA6] =	sst s6  }
0xf: {  	[smem:$0x3FA7] =	sst s7  }
0x10: {  	[smem:$0x3FA8] =	sst s8  }
0x11: {  	[smem:$0x3FA9] =	sst s9;
	s0 =	simm.s32 @!p0 $0x0  }
0x12: {  	s1 =	sld [smem:$0x3F8F];
	s0 =	simm.s32 @p0 $0x1  }
0x13: {  	[smem:$0x3FAA] =	sst s0;
	s0 =	simm.s32 @!p1 $0x0  }
0x14: {  	s2 =	sld [smem:$0x3F8E];
	s0 =	simm.s32 @p1 $0x1  }
0x15: {  	[smem:$0x3FAB] =	sst s0;
	s0 =	simm.s32 @!p2 $0x0  }
0x16: {  	s3 =	sld [smem:$0x3FDB];
	s0 =	simm.s32 @p2 $0x1  }
0x17: {  	s4 =	simm.s32 $0x1BF5;
	[smem:$0x3FAD] =	sst s0  }
0x18: {  	s0 =	sld [smem:$0x3F90];
	_ =	swait.ge [sflag:s4], $0x0  }
0x19: {  	s7 =	sld [smem:$0x3F91]  }
0x1a: {  	s8 =	sadd.s32 $0xFFFFE003, lr  }
0x1b: {  	s9 =	sadd.s32 $0xFFFFFEF7, lr;
	s5 =	simm.s32 $0xFFFFFFFF;
	p2 =	slt.u32 s8, $0xFFFFF086  }
0x1c: {  	p1 =	slt.u32 s9, $0xF7A;
	s5 =	simm.s32 @!p2 $0x0  }
0x1d: {  	s5 =	simm.s32 @p1 $0x1;
	p0 =	seq.s32 s7, s2  }
0x1e: {  	s7 =	smul.u32 @!p0 $0xF7A, s2;
	p2 =	seq.s32 @!p0 s5, $0x0  }
0x1f: {  	s9 =	smul.u32 $0xF7A, s1;
	s8 =	simm.s32 @!p0 $0x1BF5;
	p2 =	por !p2, p0  }
0x20: {  	[sflag:s8] =	ssyncset.s32 @!p0 $0xFFFFF086;
	s6 =	sadd.s32 @!p0 s3, s7;
	s7 =	simm.s32 @!p0 $0x108  }
0x21: {  	s3 =	sadd.s32 s3, s9;
	s6 =	sadd.s32 @!p0 $0x88, s6;
	s7 =	simm.s32 @p2 $0x1082  }
0x22: {  	[simem:s7], [sflag:s8] =	dma.local @!p0 [hbm:s6], $0xF7A  }
0x23: {  	s9 =	sor.u32 $0xD0000000, s2;
	s6 =	simm.s32 $0x108;
	_ =	swait.ge @!p0 [sflag:s8], $0x0  }
0x24: {  	s3 =	sadd.s32 $0x88, s3;
	s6 =	simm.s32 @!p1 $0x1082;
	[sflag:s4] =	ssyncset.s32 $0xFFFFF086  }
0x25: {  	[simem:s6], [sflag:s4] =	dma.local [hbm:s3], $0xF7A  }
0x26: {  	[smem:$0x3F91] =	sst s1;
	(tag) =	ssettag s2;
	_ =	strace s9  }
0x27: {  	s1 =	sld [smem:$0x3FA1]  }
0x28: {  	s2 =	sld [smem:$0x3FA2]  }
0x29: {  	s4 =	sld [smem:$0x3FA4]  }
0x2a: {  	p0 =	seq.s32 s5, $0x0;
	s5 =	sld [smem:$0x3FA5]  }
0x2b: {  	s6 =	sld [smem:$0x3FA6]  }
0x2c: {  	s7 =	sld [smem:$0x3FA7]  }
0x2d: {  	s3 =	simm.s32 $0x108;
	s8 =	sld [smem:$0x3FA8]  }
0x2e: {  	s3 =	simm.s32 @!p0 $0x1082;
	s9 =	sld [smem:$0x3FA9]  }
0x2f: {  	lr =	sadd.s32 s0, s3;
	s0 =	sld [smem:$0x3FA0]  }
0x30: {  	s3 =	sld [smem:$0x3FA3]  }
0x31: {  	[smem:$0x3FAC] =	sst s10  }
0x32: {  	s10 =	sld [smem:$0x3FAA];
	_ =	sdelay $0x3  }
0x33: {  	p0 =	seq.s32 s10, $0x1;
	s10 =	sld [smem:$0x3FAC];
	_ =	sdelay $0x3  }
0x34: {  	[smem:$0x3FAC] =	sst s10  }
0x35: {  	s10 =	sld [smem:$0x3FAB];
	_ =	sdelay $0x3  }
0x36: {  	p1 =	seq.s32 s10, $0x1;
	s10 =	sld [smem:$0x3FAC];
	_ =	sdelay $0x3  }
0x37: {  	[smem:$0x3FAC] =	sst s10  }
0x38: {  	s10 =	sld [smem:$0x3FAD]  }
0x39: {  	_ = 	snop;
	(pc) =	sbr.ind lr, $3  }
0x3a: {  	_ = 	snop  }
0x3b: {  	_ = 	snop  }
0x3c: {  	p2 =	seq.s32 s10, $0x1;
	s10 =	sld [smem:$0x3FAC]  }
0x3d: {  	_ =	shalt  }
0x3e: {  	_ =	shalt  }
0x3f: {  	_ =	shalt  }
0x40: {  	_ =	shalt  }
0x41: {  	_ =	shalt  }
0x42: {  	_ =	shalt  }
0x43: {  	_ =	shalt  }
0x44: {  	_ =	shalt  }
0x45: {  	_ =	shalt  }
0x46: {  	_ =	shalt  }
0x47: {  	_ =	shalt  }
0x48: {  	_ =	shalt  }
0x49: {  	_ =	shalt  }
0x4a: {  	_ =	shalt  }
0x4b: {  	_ =	shalt  }
0x4c: {  	_ =	shalt  }
0x4d: {  	_ =	shalt  }
0x4e: {  	_ =	shalt  }
0x4f: {  	_ =	shalt  }
0x50: {  	_ =	shalt  }
0x51: {  	_ =	shalt  }
0x52: {  	_ =	shalt  }
0x53: {  	_ =	shalt  }
0x54: {  	_ =	shalt  }
0x55: {  	_ =	shalt  }
0x56: {  	_ =	shalt  }
0x57: {  	_ =	shalt  }
0x58: {  	_ =	shalt  }
0x59: {  	_ =	shalt  }
0x5a: {  	_ =	shalt  }
0x5b: {  	_ =	shalt  }
0x5c: {  	_ =	shalt  }
0x5d: {  	_ =	shalt  }
0x5e: {  	_ =	shalt  }
0x5f: {  	_ =	shalt  }
0x60: {  	_ =	shalt  }
0x61: {  	_ =	shalt  }
0x62: {  	_ =	shalt  }
0x63: {  	_ =	shalt  }
0x64: {  	_ =	shalt  }
0x65: {  	_ =	shalt  }
0x66: {  	_ =	shalt  }
0x67: {  	_ =	shalt  }
0x68: {  	_ =	shalt  }
0x69: {  	_ =	shalt  }
0x6a: {  	_ =	shalt  }
0x6b: {  	_ =	shalt  }
0x6c: {  	_ =	shalt  }
0x6d: {  	_ =	shalt  }
0x6e: {  	_ =	shalt  }
0x6f: {  	_ =	shalt  }
0x70: {  	_ =	shalt  }
0x71: {  	_ =	shalt  }
0x72: {  	_ =	shalt  }
0x73: {  	_ =	shalt  }
0x74: {  	_ =	shalt  }
0x75: {  	_ =	shalt  }
0x76: {  	_ =	shalt  }
0x77: {  	_ =	shalt  }
0x78: {  	_ =	shalt  }
0x79: {  	_ =	shalt  }
0x7a: {  	_ =	shalt  }
0x7b: {  	_ =	shalt  }
0x7c: {  	_ =	shalt  }
0x7d: {  	_ =	shalt  }
0x7e: {  	_ =	shalt  }
0x7f: {  	_ =	shalt  }
0x80: {  	_ =	shalt  }
0x81: {  	_ =	shalt  }
0x82: {  	_ =	shalt  }
0x83: {  	_ =	shalt  }
0x84: {  	_ =	shalt  }
0x85: {  	_ =	shalt  }
0x86: {  	_ =	shalt  }
0x87: {  	_ =	shalt  }
.Lfunc_end0:
.L_simem_size_0:
called_computation.1_lowered:
.L_overlay_start_0:
0x88: {  	s2 =	sld [smem:$0x3FD9]  }
0x89: {  	s3 =	sld [smem:$0x3FFE];
	_ =	sdelay $0x1  }
0x8a: {  	s1 =	srdreg.scid  }
0x8b: {  	s0 =	sand.u32 $0x1, s1  }
0x8c: {  	s16 =	sshll.u32 s0, $0xA;
	s2 =	sadd.s32 s3, s2  }
0x8d: {  	s2 =	sadd.s32 s2, s16  }
0x8e: {  	[smem:$0x3FB8] =	sst s2  }
0x8f: {  	_ = 	snop  }
0x90: {  	(tm) =	ssettm $0x1  }
0x91: {  	s17 =	sld [smem:$0x3FFB];
	_ =	sdelay $0x3  }
0x92: {  	_ =	strace s17  }
0x93: {  	s2 =	sld [smem:$0x3FFC];
	_ =	sdelay $0x3  }
0x94: {  	_ =	strace s2  }
0x95: {  	s2 =	sld [smem:$0x3FFD];
	_ =	sdelay $0x3  }
0x96: {  	_ =	strace s2  }
0x97: {  	_ =	strace $0x8FFFFFFF  }
0x98: {  	s18 =	sld [smem:$0x3FDB];
	_ =	sdelay $0x1  }
0x99: {  	s19 =	simm.s32 $_scs_section_size  }
0x9a: {  	s4 =	simm.s32 $_size__tile_overlayer_lowered;
	s5 =	simm.s32 $_tile_overlayer_lowered  }
0x9b: {  	s22 =	simm.s32 $0x1BFF;
	s21 =	sshll.u32 s5, $0x1;
	s2 =	sadd.s32 s19, s18  }
0x9c: {  	s6 =	simm.s32 $0x0;
	s20 =	sshll.u32 s4, $0x1;
	s4 =	sadd.s32 s21, s2  }
0x9d: {  	[timem:s6], [sflag:s22] =	dma.local [hbm:s4], s20  }
0x9e: {  	_ =	swait.ge [sflag:s22], s20  }
0x9f: {  	s3 =	ssub.s32 $0x0, s20;
	[sflag:s22] =	ssyncset.done $0x0  }
0xa0: {  	[sflag:s22] =	ssyncadd.s32 s3;
	_ =	sdelay $0x1  }
0xa1: {  	s23 =	simm.s32 $0x1B8B  }
0xa2: {  	_ =	swait.ge [sflag:s23], $0x1  }
0xa3: {  	[sflag:s23] =	ssyncset.done $0x0  }
0xa4: {  	s25 =	simm.s32 $0x1B8E;
	s24 =	sld [smem:$0x3FFE];
	[sflag:s23] =	ssyncadd.s32 $0xFFFFFFFF  }
0xa5: {  	s26 =	simm.s32 $execute0_lowered;
	[smem:$0x3FD2] =	sst s25  }
0xa6: {  	s4 =	sshll.u32 s26, $0x1;
	_ =	strace $0x80000049;
	[dreg:$0x1] =	wrdreg $0xFFFFFFFF  }
0xa7: {  	s28 =	simm.s32 $_size_execute0_lowered;
	s2 =	sadd.s32 s2, s4;
	[dreg:$0x0] =	wrdreg $0x0  }
0xa8: {  	s4 =	sshll.u32 s28, $0x1;
	[dreg:$0x2] =	wrdreg s2  }
0xa9: {  	[dreg:$0x3] =	wrdreg s4  }
0xaa: {  	[dreg:$0x4] =	wrdreg $0xC0  }
0xab: {  	_ =	task [dreg:s6], $0x5FFFF  }
0xac: {  	[dreg:$0x1] =	wrdreg $0xFFFFFFFF  }
0xad: {  	[dreg:$0x0] =	wrdreg $0x60  }
0xae: {  	[dreg:$0x2] =	wrdreg s24  }
0xaf: {  	[dreg:$0x3] =	wrdreg $0x52000  }
0xb0: {  	[dreg:$0x4] =	wrdreg $0x9  }
0xb1: {  	_ =	task.clear_ibuf [dreg:s6], $0x5FFFF;
	_ =	strace $0x90000049  }
0xb2: {  	s29 =	simm.s32 $0x9;
	_ =	strace $0x8000004B  }
0xb3: {  	_ =	swait.ge [sflag:s29], $0x1  }
0xb4: {  	[sflag:s29] =	ssyncadd.s32 $0xFFFFFFFF  }
0xb5: {  	_ =	strace $0x9000004B  }
0xb6: {  	_ =	sfence  }
0xb7: {  	s30 =	sld [smem:$0x0];
	_ =	sdelay $0x2  }
0xb8: {  	s31 =	sshll.u32 s1, $0xD;
	s1 =	sshrl.u32 s1, $0x2  }
0xb9: {  	s3 =	sand.u32 $0x4000, s31;
	s1 =	sadd.s32 s1, s30  }
0xba: {  	s0 =	sor.u32 s3, s0;
	s1 =	sshll.u32 s1, $0x11  }
0xbb: {  	s0 =	sor.u32 s1, s0  }
0xbc: {  	s0 =	sadd.s32 $0x8F2B, s0  }
0xbd: {  	[sflag:s0] =	ssyncadd.remote.s32 $0x1  }
0xbe: {  	_ =	sfence.sel $0xFFFF  }
0xbf: {  	[dreg:$0x0] =	wrdreg $0xFFFFFFFF;
	(pc) =	sbr.abs _section_cstart, $3  }
0xc0: {  	[dreg:$0x1] =	wrdreg $0xFFFFFFFF  }
0xc1: {  	_ =	task.clear_ibuf [dreg:s6], $0x2FFFF;
	_ =	strace $0x9FFFFFFF  }
0xc2: {  	(tm) =	ssettm $0x7FFFFFFF  }
0xc3: {  	_ =	shalt  }
tec
execute0_lowered:
.L_overlay_start_1:
0x0: {  	(tag) =	ssettag $0x1  }
0x1: {  	s0 =	rddreg [dreg:$0x0]  }
0x2: {  	s2 =	rddreg [dreg:$0x1];
	s3 =	simm.s32 $0x0;
	s19 =	stileid.u32  }
0x3: {  	s7 =	srdreg.scid;
	s28 =	simm.s32 $0x2A00;
	s29 =	simm.s32 $0x1  }
0x4: {  	s30 =	simm.s32 $0x2;
	s31 =	simm.s32 $0x0;
	s1 =	smul.u32 $0x2780, s19  }
0x5: {  	[smem:$0x7FF] =	sst s3;
	s4 =	sadd.s32 $0x6A600, s0;
	s8 =	smul.u32 $0x4F000, s19  }
0x6: {  	s5 =	sadd.s32 $0x2FA00, s0;
	s6 =	sadd.s32 $0x7800, s0;
	s13 =	smul.u32 $0x4E20, s19  }
0x7: {  	s7 =	sand.u32 $0x1, s7;
	s12 =	sadd.s32 $0xDFA00, s0;
	s18 =	smul.u32 $0x27800, s19  }
0x8: {  	s16 =	smul.u32 $0x9C4, s19;
	p0 =	seq.s32 s19, $0xF;
	_ =	strace $0x8000004A  }
0x9: {  	s9 =	ssub.s32 $0x2, s7;
	s14 =	smul.u32 $0x4E200, s7;
	s11 =	sshll.u32 s7, $0xA  }
0xa: {  	s7 =	sshll.u32 s7, $0x7;
	s1 =	sadd.s32 s1, s0;
	s10 =	sshrl.u32 s9, $0x1  }
0xb: {  	s8 =	sshrl.u32 s8, $0x2;
	s0 =	sadd.s32 $0xDD880, s0;
	s21 =	sshrl.u32 s13, $0x3  }
0xc: {  	s11 =	sor.u32 s11, s18;
	s23 =	sadd.s32 s7, s12;
	s24 =	sadd.s32 $0x4DD0, s13  }
0xd: {  	s16 =	sadd.s32 s16, s6;
	s15 =	ssub.s32 s9, s10;
	s8 =	sadd.s32 s8, s2  }
0xe: {  	s1 =	sadd.s32 $0xB8800, s1;
	s17 =	sadd.s32 s13, s14;
	[dreg:$0x5] =	wrdreg s0  }
0xf: {  	s22 =	sshrl.u32 s11, $0x3;
	s25 =	sadd.s32 s14, s24;
	[dreg:$0x3] =	wrdreg s8  }
0x10: {  	s7 =	sshrl.u32 s24, $0x3;
	s24 =	simm.s32 $0x200;
	[dreg:$0x4] =	wrdreg s1  }
0x11: {  	s1 =	sadd.s32 $0x128400, s2;
	s20 =	sshrl.u32 s17, $0x3;
	s11 =	sadd.s32 s12, s22  }
0x12: {  	s12 =	sadd.s32 $0x4A100, s23;
	s13 =	smax.u32 s15, $0x1;
	s15 =	sadd.s32 s6, s7  }
0x13: {  	s26 =	sadd.s32 $0x50, s17;
	s17 =	sadd.s32 $0xA0, s17;
	s0 =	sadd.s32 s5, s20  }
0x14: {  	s22 =	simm.s32 $0x100;
	[dreg:$0x6] =	wrdreg s0;
	s0 =	sadd.s32 s6, s21  }
0x15: {  	s23 =	simm.s32 $0x50;
	[dreg:$0x7] =	wrdreg s0;
	s0 =	sshrl.u32 s25, $0x3  }
0x16: {  	s21 =	simm.s32 $0x3;
	s14 =	sadd.s32 s5, s0;
	s0 =	sshrl.u32 s26, $0x3  }
0x17: {  	s25 =	simm.s32 $0x80;
	s18 =	sadd.s32 s0, s5;
	s0 =	sshll.u32 @!p0 s19, $0x6  }
0x18: {  	s26 =	simm.s32 $0x180;
	s19 =	sshrl.u32 @p0 s1, $0x3;
	s20 =	sor.u32 @!p0 $0x1C03, s0  }
.LBB2_1:
0x19: {  	s0 =	simm.s32 @p0 $0x1FC3;
	s1 =	rddreg [dreg:$0x5]  }
0x1a: {  	[spmem:s19], [sflag:s0] =	dma.local @p0 [hbm:s1], $0x2080  }
0x1b: {  	s0 =	simm.s32 @p0 $0x3  }
0x1c: {  	_ =	swait.ge @p0 [sflag:s0], $0x2080  }
0x1d: {  	[sflag:s0] =	ssyncset.done @p0 $0x0  }
0x1e: {  	[sflag:s0] =	ssyncadd.s32 @p0 $0xFFFFDF80;
	s0 =	rddreg [dreg:$0x3]  }
0x1f: {  	s1 =	rddreg [dreg:$0x4];
	s0 =	sshrl.u32 @!p0 s0, $0x3  }
0x20: {  	[spmem:s0], [sflag:s20] =	dma.local @!p0 [hbm:s1], $0x2780  }
0x21: {  	s1 =	simm.s32 @!p0 $0x3  }
0x22: {  	_ =	swait.ge @!p0 [sflag:s1], $0x2780  }
0x23: {  	[sflag:s1] =	ssyncset.done @!p0 $0x0  }
0x24: {  	[sflag:s1] =	ssyncadd.s32 @!p0 $0xFFFFD880  }
0x25: {  	[bflag:$0x0] =	sbarrier.arrive $0xFFFF  }
0x26: {  	s6 =	rddreg [dreg:$0x6]  }
0x27: {  	[tilespmem:s3], [sflag:$0x3] =	stream.linear.gather [hbm4b:s6+s3], $0x50, $0x38;
	[tilespmem:$0x18A80] =	vst v63  }
0x28: {  	_ =	swait.ge [sflag:s21], $0x50  }
0x29: {  	[sflag:s21] =	ssyncset.done $0x0  }
0x2a: {  	s7 =	rddreg [dreg:$0x7];
	[sflag:s21] =	ssyncadd.s32 $0xFFFFFFB0  }
0x2b: {  	[tilespmem:s22], [sflag:$0x3] =	stream.linear.gather [hbm4b:s7+s3], $0x50, $0x38;
	[tilespmem:$0x18A80] =	vst v63  }
0x2c: {  	_ =	swait.ge [sflag:s21], $0x50  }
0x2d: {  	[sflag:s21] =	ssyncset.done $0x0  }
0x2e: {  	[sflag:s21] =	ssyncadd.s32 $0xFFFFFFB0  }
0x2f: {  	[tilespmem:s24], [sflag:$0x1] =	stream.indirect.gather [hbm4b:s4+s23], $0x80, s3, s23, $0xb8;
	[tilespmem:$0x18A80] =	vst v63  }
0x30: {  	s8 =	sadd.s32 $0x0, s18  }
0x31: {  	[tilespmem:s25], [sflag:$0x3] =	stream.linear.gather [hbm4b:s8+s3], $0x50, $0x38;
	[tilespmem:$0x18A80] =	vst v63  }
0x32: {  	_ =	swait.ge [sflag:s21], $0x50  }
0x33: {  	s9 =	sadd.s32 $0x0, s16;
	[sflag:s21] =	ssyncset.done $0x0  }
0x34: {  	s6 =	sadd.s32 $0xA, s9;
	[sflag:s21] =	ssyncadd.s32 $0xFFFFFFB0  }
0x35: {  	[tilespmem:s26], [sflag:$0x3] =	stream.linear.gather [hbm4b:s6+s3], $0x50, $0x38;
	[tilespmem:$0x18A80] =	vst v63  }
0x36: {  	_ =	swait.ge [sflag:s21], $0x50  }
0x37: {  	[sflag:s21] =	ssyncset.done $0x0  }
0x38: {  	[sflag:s21] =	ssyncadd.s32 $0xFFFFFFB0  }
0x39: {  	[tilespmem:s28], [sflag:$0x2] =	stream.indirect.gather [hbm4b:s4+s23], $0x80, s25, s23, $0xb8;
	[tilespmem:$0x18A80] =	vst v63  }
0x3a: {  	_ =	swait.ge [sflag:s29], $0x2800  }
0x3b: {  	[sflag:s29] =	ssyncset.done $0x0  }
0x3c: {  	[sflag:s29] =	ssyncadd.s32 $0xFFFFD800  }
0x3d: {  	[spmem:s2] =	stream.indirect.scatter.add.f32 [tilespmem:s24], [sflag:$0x3], $0x80, s22, s23, $0xb8;
	[tilespmem:$0x18A80] =	vst v63  }
0x3e: {  	_ =	swait.ge [sflag:s21], $0x2800  }
0x3f: {  	s10 =	sshrl.u32 s17, $0x3;
	[sflag:s21] =	ssyncset.done $0x0  }
0x40: {  	s6 =	sadd.s32 s5, s10;
	[sflag:s21] =	ssyncadd.s32 $0xFFFFD800  }
0x41: {  	[tilespmem:s3], [sflag:$0x3] =	stream.linear.gather [hbm4b:s6+s3], $0x50, $0x38;
	[tilespmem:$0x18A80] =	vst v63  }
0x42: {  	_ =	swait.ge [sflag:s21], $0x50  }
0x43: {  	[sflag:s21] =	ssyncset.done $0x0  }
0x44: {  	s1 =	sadd.s32 $0x14, s9;
	[sflag:s21] =	ssyncadd.s32 $0xFFFFFFB0  }
0x45: {  	[tilespmem:s22], [sflag:$0x3] =	stream.linear.gather [hbm4b:s1+s3], $0x50, $0x38;
	[tilespmem:$0x18A80] =	vst v63  }
0x46: {  	_ =	swait.ge [sflag:s21], $0x50  }
0x47: {  	[sflag:s21] =	ssyncset.done $0x0  }
0x48: {  	[sflag:s21] =	ssyncadd.s32 $0xFFFFFFB0  }
0x49: {  	[tilespmem:s24], [sflag:$0x1] =	stream.indirect.gather [hbm4b:s4+s23], $0x80, s3, s23, $0xb8;
	[tilespmem:$0x18A80] =	vst v63  }
0x4a: {  	_ =	swait.ge [sflag:s30], $0x2800  }
0x4b: {  	[sflag:s30] =	ssyncset.done $0x0  }
0x4c: {  	[sflag:s30] =	ssyncadd.s32 $0xFFFFD800  }
0x4d: {  	[spmem:s2] =	stream.indirect.scatter.add.f32 [tilespmem:s28], [sflag:$0x3], $0x80, s26, s23, $0xb8;
	[tilespmem:$0x18A80] =	vst v63  }
0x4e: {  	s7 =	simm.s32 $0x28;
	_ =	swait.ge [sflag:s21], $0x2800  }
0x4f: {  	s6 =	simm.s32 $0x14;
	s1 =	sadd.s32 $0xA0, s17;
	[sflag:s21] =	ssyncset.done $0x0  }
.LBB2_2:
0x50: {  	s9 =	sadd.s32 s6, s18  }
0x51: {  	[sflag:s21] =	ssyncadd.s32 $0xFFFFD800;
	s10 =	smov.u32 s7;
	s8 =	sadd.s32 $0x14, s7  }
0x52: {  	[tilespmem:s25], [sflag:$0x3] =	stream.linear.gather [hbm4b:s9+s3], $0x50, $0x38;
	[tilespmem:$0x18A80] =	vst v63  }
0x53: {  	p1 =	sne.s32 s7, $0x99C;
	_ =	swait.ge [sflag:s21], $0x50  }
0x54: {  	s7 =	sadd.s32 s6, s16;
	s6 =	smov.u32 s10;
	[sflag:s21] =	ssyncset.done $0x0  }
0x55: {  	s9 =	sadd.s32 $0xA, s7;
	[sflag:s21] =	ssyncadd.s32 $0xFFFFFFB0  }
0x56: {  	[tilespmem:s26], [sflag:$0x3] =	stream.linear.gather [hbm4b:s9+s3], $0x50, $0x38;
	[tilespmem:$0x18A80] =	vst v63  }
0x57: {  	_ =	swait.ge [sflag:s21], $0x50  }
0x58: {  	[sflag:s21] =	ssyncset.done $0x0  }
0x59: {  	[sflag:s21] =	ssyncadd.s32 $0xFFFFFFB0  }
0x5a: {  	[tilespmem:s28], [sflag:$0x2] =	stream.indirect.gather [hbm4b:s4+s23], $0x80, s25, s23, $0xb8;
	[tilespmem:$0x18A80] =	vst v63  }
0x5b: {  	_ =	swait.ge [sflag:s29], $0x2800  }
0x5c: {  	[sflag:s29] =	ssyncset.done $0x0  }
0x5d: {  	[sflag:s29] =	ssyncadd.s32 $0xFFFFD800  }
0x5e: {  	[spmem:s2] =	stream.indirect.scatter.add.f32 [tilespmem:s24], [sflag:$0x3], $0x80, s22, s23, $0xb8;
	[tilespmem:$0x18A80] =	vst v63  }
0x5f: {  	_ =	swait.ge [sflag:s21], $0x2800  }
0x60: {  	s9 =	sshrl.u32 s1, $0x3;
	[sflag:s21] =	ssyncset.done $0x0  }
0x61: {  	s9 =	sadd.s32 s5, s9;
	[sflag:s21] =	ssyncadd.s32 $0xFFFFD800  }
0x62: {  	[tilespmem:s3], [sflag:$0x3] =	stream.linear.gather [hbm4b:s9+s3], $0x50, $0x38;
	[tilespmem:$0x18A80] =	vst v63  }
0x63: {  	_ =	swait.ge [sflag:s21], $0x50  }
0x64: {  	[sflag:s21] =	ssyncset.done $0x0  }
0x65: {  	s7 =	sadd.s32 $0x14, s7;
	[sflag:s21] =	ssyncadd.s32 $0xFFFFFFB0  }
0x66: {  	[tilespmem:s22], [sflag:$0x3] =	stream.linear.gather [hbm4b:s7+s3], $0x50, $0x38;
	[tilespmem:$0x18A80] =	vst v63  }
0x67: {  	_ =	swait.ge [sflag:s21], $0x50  }
0x68: {  	[sflag:s21] =	ssyncset.done $0x0  }
0x69: {  	[sflag:s21] =	ssyncadd.s32 $0xFFFFFFB0  }
0x6a: {  	[tilespmem:s24], [sflag:$0x1] =	stream.indirect.gather [hbm4b:s4+s23], $0x80, s3, s23, $0xb8;
	[tilespmem:$0x18A80] =	vst v63  }
0x6b: {  	_ =	swait.ge [sflag:s30], $0x2800  }
.Ltmp0:
0x6c: {  	[sflag:s30] =	ssyncset.done $0x0;
	(pc) =	sbr.rel @p1 .LBB2_2-.Ltmp0, $4  }
0x6d: {  	[sflag:s30] =	ssyncadd.s32 $0xFFFFD800  }
0x6e: {  	[spmem:s2] =	stream.indirect.scatter.add.f32 [tilespmem:s28], [sflag:$0x3], $0x80, s26, s23, $0xb8;
	[tilespmem:$0x18A80] =	vst v63  }
0x6f: {  	_ =	swait.ge [sflag:s21], $0x2800  }
0x70: {  	s1 =	sadd.s32 $0xA0, s1;
	s7 =	smov.u32 s8;
	[sflag:s21] =	ssyncset.done $0x0  }
0x71: {  	s7 =	sadd.s32 s6, s18;
	[sflag:s21] =	ssyncadd.s32 $0xFFFFD800  }
0x72: {  	[tilespmem:s25], [sflag:$0x3] =	stream.linear.gather [hbm4b:s7+s3], $0x50, $0x38;
	[tilespmem:$0x18A80] =	vst v63  }
0x73: {  	_ =	swait.ge [sflag:s21], $0x50  }
0x74: {  	s8 =	sadd.s32 s6, s16;
	[sflag:s21] =	ssyncset.done $0x0  }
0x75: {  	s9 =	sadd.s32 $0xA, s8;
	[sflag:s21] =	ssyncadd.s32 $0xFFFFFFB0  }
0x76: {  	[tilespmem:s26], [sflag:$0x3] =	stream.linear.gather [hbm4b:s9+s3], $0x50, $0x38;
	[tilespmem:$0x18A80] =	vst v63  }
0x77: {  	_ =	swait.ge [sflag:s21], $0x50  }
0x78: {  	[sflag:s21] =	ssyncset.done $0x0  }
0x79: {  	[sflag:s21] =	ssyncadd.s32 $0xFFFFFFB0  }
0x7a: {  	[tilespmem:s28], [sflag:$0x2] =	stream.indirect.gather [hbm4b:s4+s23], $0x80, s25, s23, $0xb8;
	[tilespmem:$0x18A80] =	vst v63  }
0x7b: {  	_ =	swait.ge [sflag:s29], $0x2800  }
0x7c: {  	[sflag:s29] =	ssyncset.done $0x0  }
0x7d: {  	[sflag:s29] =	ssyncadd.s32 $0xFFFFD800  }
0x7e: {  	[spmem:s2] =	stream.indirect.scatter.add.f32 [tilespmem:s24], [sflag:$0x3], $0x80, s22, s23, $0xb8;
	[tilespmem:$0x18A80] =	vst v63  }
0x7f: {  	_ =	swait.ge [sflag:s21], $0x2800  }
0x80: {  	s1 =	sshrl.u32 s1, $0x3;
	[sflag:s21] =	ssyncset.done $0x0  }
0x81: {  	s1 =	sadd.s32 s5, s1;
	[sflag:s21] =	ssyncadd.s32 $0xFFFFD800  }
0x82: {  	[tilespmem:s3], [sflag:$0x3] =	stream.linear.gather [hbm4b:s1+s3], $0x50, $0x38;
	[tilespmem:$0x18A80] =	vst v63  }
0x83: {  	_ =	swait.ge [sflag:s21], $0x50  }
0x84: {  	[sflag:s21] =	ssyncset.done $0x0  }
0x85: {  	s10 =	sadd.s32 $0x14, s8;
	[sflag:s21] =	ssyncadd.s32 $0xFFFFFFB0  }
0x86: {  	[tilespmem:s22], [sflag:$0x3] =	stream.linear.gather [hbm4b:s10+s3], $0x50, $0x38;
	[tilespmem:$0x18A80] =	vst v63  }
0x87: {  	_ =	swait.ge [sflag:s21], $0x50  }
0x88: {  	[sflag:s21] =	ssyncset.done $0x0  }
0x89: {  	[sflag:s21] =	ssyncadd.s32 $0xFFFFFFB0  }
0x8a: {  	[tilespmem:s24], [sflag:$0x1] =	stream.indirect.gather [hbm4b:s4+s23], $0x80, s3, s23, $0xb8;
	[tilespmem:$0x18A80] =	vst v63  }
0x8b: {  	_ =	swait.ge [sflag:s30], $0x2800  }
0x8c: {  	[sflag:s30] =	ssyncset.done $0x0  }
0x8d: {  	[sflag:s30] =	ssyncadd.s32 $0xFFFFD800  }
0x8e: {  	[spmem:s2] =	stream.indirect.scatter.add.f32 [tilespmem:s28], [sflag:$0x3], $0x80, s26, s23, $0xb8;
	[tilespmem:$0x18A80] =	vst v63  }
0x8f: {  	_ =	swait.ge [sflag:s21], $0x2800  }
0x90: {  	[sflag:s21] =	ssyncset.done $0x0  }
0x91: {  	[sflag:s21] =	ssyncadd.s32 $0xFFFFD800  }
0x92: {  	[tilespmem:s25], [sflag:$0x3] =	stream.linear.gather [hbm4b:s14+s3], $0x50, $0x38;
	[tilespmem:$0x18A80] =	vst v63  }
0x93: {  	_ =	swait.ge [sflag:s21], $0x50  }
0x94: {  	[sflag:s21] =	ssyncset.done $0x0  }
0x95: {  	[sflag:s21] =	ssyncadd.s32 $0xFFFFFFB0  }
0x96: {  	[tilespmem:s26], [sflag:$0x3] =	stream.linear.gather [hbm4b:s15+s3], $0x50, $0x38;
	[tilespmem:$0x18A80] =	vst v63  }
0x97: {  	_ =	swait.ge [sflag:s21], $0x50  }
0x98: {  	[sflag:s21] =	ssyncset.done $0x0  }
0x99: {  	[sflag:s21] =	ssyncadd.s32 $0xFFFFFFB0  }
0x9a: {  	[tilespmem:s28], [sflag:$0x2] =	stream.indirect.gather [hbm4b:s4+s23], $0x80, s25, s23, $0xb8;
	[tilespmem:$0x18A80] =	vst v63  }
0x9b: {  	_ =	swait.ge [sflag:s29], $0x2800  }
0x9c: {  	[sflag:s29] =	ssyncset.done $0x0  }
0x9d: {  	[sflag:s29] =	ssyncadd.s32 $0xFFFFD800  }
0x9e: {  	[spmem:s2] =	stream.indirect.scatter.add.f32 [tilespmem:s24], [sflag:$0x3], $0x80, s22, s23, $0xb8;
	[tilespmem:$0x18A80] =	vst v63  }
0x9f: {  	_ =	swait.ge [sflag:s21], $0x2800  }
0xa0: {  	[sflag:s21] =	ssyncset.done $0x0  }
0xa1: {  	[sflag:s21] =	ssyncadd.s32 $0xFFFFD800  }
0xa2: {  	_ =	swait.ge [sflag:s30], $0x2800  }
0xa3: {  	[sflag:s30] =	ssyncset.done $0x0  }
0xa4: {  	[sflag:s30] =	ssyncadd.s32 $0xFFFFD800  }
0xa5: {  	[spmem:s2] =	stream.indirect.scatter.add.f32 [tilespmem:s28], [sflag:$0x3], $0x80, s26, s23, $0xb8;
	[tilespmem:$0x18A80] =	vst v63  }
0xa6: {  	_ =	swait.ge [sflag:s21], $0x2800  }
0xa7: {  	[sflag:s21] =	ssyncset.done $0x0  }
0xa8: {  	s6 =	simm.s32 @p0 $0x100;
	s7 =	simm.s32 @p0 $0x80;
	[sflag:s21] =	ssyncadd.s32 $0xFFFFD800  }
0xa9: {  	s8 =	simm.s32 @p0 $0x1FC3;
	s1 =	simm.s32 @p0 $0x8;
	[bflag:$0x0] =	sbarrier.arrive $0xFFFF  }
0xaa: {  	[hbm:s12@s6], [sflag:s8] =	dma.strided @p0 [spmem:s19@s7], $0x2080, s1, $0x10   }
0xab: {  	s1 =	simm.s32 @p0 $0x3  }
0xac: {  	s31 =	sadd.s32 $0x1, s31;
	_ =	swait.ge @p0 [sflag:s1], $0x2080  }
0xad: {  	p1 =	sne.s32 s31, s13;
	s6 =	simm.s32 @!p0 $0x100;
	[sflag:s1] =	ssyncset.done @p0 $0x0  }
0xae: {  	s7 =	simm.s32 @!p0 $0x80;
	[sflag:s1] =	ssyncadd.s32 @p0 $0xFFFFDF80;
	s1 =	simm.s32 @!p0 $0x8  }
0xaf: {  	[hbm:s11@s6], [sflag:s20] =	dma.strided @!p0 [spmem:s0@s7], $0x2780, s1, $0x10   }
.Ltmp1:
0xb0: {  	_ = 	snop;
	(pc) =	sbr.rel @p1 .LBB2_1-.Ltmp1, $4  }
0xb1: {  	s0 =	simm.s32 @!p0 $0x3  }
0xb2: {  	_ =	swait.ge @!p0 [sflag:s0], $0x2780  }
0xb3: {  	[sflag:s0] =	ssyncset.done @!p0 $0x0  }
0xb4: {  	[sflag:s0] =	ssyncadd.s32 @!p0 $0xFFFFD880  }
0xb5: {  	_ =	sfence.sel $0x180000  }
0xb6: {  	[bflag:$0x0] =	sbarrier.arrive $0xFFFF  }
0xb7: {  	_ =	strace $0x9000004A  }
0xb8: {  	s0 =	stileid.u32;
	[bflag:$0x2] =	sbarrier.arrive $0xFFFF  }
0xb9: {  	p0 =	sne.s32 s0, $0x0;
	s0 =	rddreg [dreg:$0x2]  }
0xba: {  	s0 =	sadd.s32 @!p0 $0x100000, s0  }
0xbb: {  	[sflag:s0] =	ssyncadd.tile.s32 @!p0 $0x1;
	_ =	shalt  }
.Lfunc_end2:
_tile_overlayer_lowered:
.L_overlay_start_2:
0xbc: {  	(tag) =	ssettag $0x2  }
0xbd: {  	s0 =	rddreg [dreg:$0x0];
	s2 =	stileid.u32  }
0xbe: {  	s1 =	rddreg [dreg:$0x1];
	p0 =	sne.s32 s2, $0x0  }
0xbf: {  	s3 =	rddreg [dreg:$0x2];
	[bflag:$0x3] =	sbarrier.arrive $0xFFFF;
	s2 =	simm.s32 @!p0 $0x1C03  }
0xc0: {  	[timem:s3], [sflag:s2] =	dma.local @!p0 [hbm:s0], s1  }
0xc1: {  	s0 =	simm.s32 @!p0 $0x3  }
0xc2: {  	_ =	swait.ge @!p0 [sflag:s0], s1  }
0xc3: {  	s1 =	ssub.s32 @!p0 $0x0, s1;
	[sflag:s0] =	ssyncset.done @!p0 $0x0  }
0xc4: {  	[sflag:s0] =	ssyncadd.s32 @!p0 s1  }
0xc5: {  	[bflag:$0x3] =	sbarrier.arrive $0xFFFF  }
0xc6: {  	_ =	shalt  }

// kernel: kernel.23.cloned.1.call-start
scs
__scs_entry_jumppad:
0x0: {  	(pc) =	sbr.rel $0x88, $3  }
0x1: {  	(tag) =	ssettag $0x0;
	lr =	simm.s32 $0x1  }
0x2: {  	[smem:$0x3F91] =	sst lr;
	_ =	strace $0xD0000000  }
0x3: {  	_ = 	snop  }
0x4: {  	_ = 	snop  }
0x5: {  	_ = 	snop  }
0x6: {  	_ = 	snop  }
0x7: {  	_ = 	snop  }
__scs_overlays_trampoline_lowered:
0x8: {  	[smem:$0x3FA0] =	sst s0  }
0x9: {  	[smem:$0x3FA1] =	sst s1  }
0xa: {  	[smem:$0x3FA2] =	sst s2  }
0xb: {  	[smem:$0x3FA3] =	sst s3  }
0xc: {  	[smem:$0x3FA4] =	sst s4  }
0xd: {  	[smem:$0x3FA5] =	sst s5  }
0xe: {  	[smem:$0x3FA6] =	sst s6  }
0xf: {  	[smem:$0x3FA7] =	sst s7  }
0x10: {  	[smem:$0x3FA8] =	sst s8  }
0x11: {  	[smem:$0x3FA9] =	sst s9;
	s0 =	simm.s32 @!p0 $0x0  }
0x12: {  	s1 =	sld [smem:$0x3F8F];
	s0 =	simm.s32 @p0 $0x1  }
0x13: {  	[smem:$0x3FAA] =	sst s0;
	s0 =	simm.s32 @!p1 $0x0  }
0x14: {  	s2 =	sld [smem:$0x3F8E];
	s0 =	simm.s32 @p1 $0x1  }
0x15: {  	[smem:$0x3FAB] =	sst s0;
	s0 =	simm.s32 @!p2 $0x0  }
0x16: {  	s3 =	sld [smem:$0x3FDB];
	s0 =	simm.s32 @p2 $0x1  }
0x17: {  	s4 =	simm.s32 $0x1BF5;
	[smem:$0x3FAD] =	sst s0  }
0x18: {  	s0 =	sld [smem:$0x3F90];
	_ =	swait.ge [sflag:s4], $0x0  }
0x19: {  	s7 =	sld [smem:$0x3F91]  }
0x1a: {  	s8 =	sadd.s32 $0xFFFFE003, lr  }
0x1b: {  	s9 =	sadd.s32 $0xFFFFFEF7, lr;
	s5 =	simm.s32 $0xFFFFFFFF;
	p2 =	slt.u32 s8, $0xFFFFF086  }
0x1c: {  	p1 =	slt.u32 s9, $0xF7A;
	s5 =	simm.s32 @!p2 $0x0  }
0x1d: {  	s5 =	simm.s32 @p1 $0x1;
	p0 =	seq.s32 s7, s2  }
0x1e: {  	s7 =	smul.u32 @!p0 $0xF7A, s2;
	p2 =	seq.s32 @!p0 s5, $0x0  }
0x1f: {  	s9 =	smul.u32 $0xF7A, s1;
	s8 =	simm.s32 @!p0 $0x1BF5;
	p2 =	por !p2, p0  }
0x20: {  	[sflag:s8] =	ssyncset.s32 @!p0 $0xFFFFF086;
	s6 =	sadd.s32 @!p0 s3, s7;
	s7 =	simm.s32 @!p0 $0x108  }
0x21: {  	s3 =	sadd.s32 s3, s9;
	s6 =	sadd.s32 @!p0 $0x88, s6;
	s7 =	simm.s32 @p2 $0x1082  }
0x22: {  	[simem:s7], [sflag:s8] =	dma.local @!p0 [hbm:s6], $0xF7A  }
0x23: {  	s9 =	sor.u32 $0xD0000000, s2;
	s6 =	simm.s32 $0x108;
	_ =	swait.ge @!p0 [sflag:s8], $0x0  }
0x24: {  	s3 =	sadd.s32 $0x88, s3;
	s6 =	simm.s32 @!p1 $0x1082;
	[sflag:s4] =	ssyncset.s32 $0xFFFFF086  }
0x25: {  	[simem:s6], [sflag:s4] =	dma.local [hbm:s3], $0xF7A  }
0x26: {  	[smem:$0x3F91] =	sst s1;
	(tag) =	ssettag s2;
	_ =	strace s9  }
0x27: {  	s1 =	sld [smem:$0x3FA1]  }
0x28: {  	s2 =	sld [smem:$0x3FA2]  }
0x29: {  	s4 =	sld [smem:$0x3FA4]  }
0x2a: {  	p0 =	seq.s32 s5, $0x0;
	s5 =	sld [smem:$0x3FA5]  }
0x2b: {  	s6 =	sld [smem:$0x3FA6]  }
0x2c: {  	s7 =	sld [smem:$0x3FA7]  }
0x2d: {  	s3 =	simm.s32 $0x108;
	s8 =	sld [smem:$0x3FA8]  }
0x2e: {  	s3 =	simm.s32 @!p0 $0x1082;
	s9 =	sld [smem:$0x3FA9]  }
0x2f: {  	lr =	sadd.s32 s0, s3;
	s0 =	sld [smem:$0x3FA0]  }
0x30: {  	s3 =	sld [smem:$0x3FA3]  }
0x31: {  	[smem:$0x3FAC] =	sst s10  }
0x32: {  	s10 =	sld [smem:$0x3FAA];
	_ =	sdelay $0x3  }
0x33: {  	p0 =	seq.s32 s10, $0x1;
	s10 =	sld [smem:$0x3FAC];
	_ =	sdelay $0x3  }
0x34: {  	[smem:$0x3FAC] =	sst s10  }
0x35: {  	s10 =	sld [smem:$0x3FAB];
	_ =	sdelay $0x3  }
0x36: {  	p1 =	seq.s32 s10, $0x1;
	s10 =	sld [smem:$0x3FAC];
	_ =	sdelay $0x3  }
0x37: {  	[smem:$0x3FAC] =	sst s10  }
0x38: {  	s10 =	sld [smem:$0x3FAD]  }
0x39: {  	_ = 	snop;
	(pc) =	sbr.ind lr, $3  }
0x3a: {  	_ = 	snop  }
0x3b: {  	_ = 	snop  }
0x3c: {  	p2 =	seq.s32 s10, $0x1;
	s10 =	sld [smem:$0x3FAC]  }
0x3d: {  	_ =	shalt  }
0x3e: {  	_ =	shalt  }
0x3f: {  	_ =	shalt  }
0x40: {  	_ =	shalt  }
0x41: {  	_ =	shalt  }
0x42: {  	_ =	shalt  }
0x43: {  	_ =	shalt  }
0x44: {  	_ =	shalt  }
0x45: {  	_ =	shalt  }
0x46: {  	_ =	shalt  }
0x47: {  	_ =	shalt  }
0x48: {  	_ =	shalt  }
0x49: {  	_ =	shalt  }
0x4a: {  	_ =	shalt  }
0x4b: {  	_ =	shalt  }
0x4c: {  	_ =	shalt  }
0x4d: {  	_ =	shalt  }
0x4e: {  	_ =	shalt  }
0x4f: {  	_ =	shalt  }
0x50: {  	_ =	shalt  }
0x51: {  	_ =	shalt  }
0x52: {  	_ =	shalt  }
0x53: {  	_ =	shalt  }
0x54: {  	_ =	shalt  }
0x55: {  	_ =	shalt  }
0x56: {  	_ =	shalt  }
0x57: {  	_ =	shalt  }
0x58: {  	_ =	shalt  }
0x59: {  	_ =	shalt  }
0x5a: {  	_ =	shalt  }
0x5b: {  	_ =	shalt  }
0x5c: {  	_ =	shalt  }
0x5d: {  	_ =	shalt  }
0x5e: {  	_ =	shalt  }
0x5f: {  	_ =	shalt  }
0x60: {  	_ =	shalt  }
0x61: {  	_ =	shalt  }
0x62: {  	_ =	shalt  }
0x63: {  	_ =	shalt  }
0x64: {  	_ =	shalt  }
0x65: {  	_ =	shalt  }
0x66: {  	_ =	shalt  }
0x67: {  	_ =	shalt  }
0x68: {  	_ =	shalt  }
0x69: {  	_ =	shalt  }
0x6a: {  	_ =	shalt  }
0x6b: {  	_ =	shalt  }
0x6c: {  	_ =	shalt  }
0x6d: {  	_ =	shalt  }
0x6e: {  	_ =	shalt  }
0x6f: {  	_ =	shalt  }
0x70: {  	_ =	shalt  }
0x71: {  	_ =	shalt  }
0x72: {  	_ =	shalt  }
0x73: {  	_ =	shalt  }
0x74: {  	_ =	shalt  }
0x75: {  	_ =	shalt  }
0x76: {  	_ =	shalt  }
0x77: {  	_ =	shalt  }
0x78: {  	_ =	shalt  }
0x79: {  	_ =	shalt  }
0x7a: {  	_ =	shalt  }
0x7b: {  	_ =	shalt  }
0x7c: {  	_ =	shalt  }
0x7d: {  	_ =	shalt  }
0x7e: {  	_ =	shalt  }
0x7f: {  	_ =	shalt  }
0x80: {  	_ =	shalt  }
0x81: {  	_ =	shalt  }
0x82: {  	_ =	shalt  }
0x83: {  	_ =	shalt  }
0x84: {  	_ =	shalt  }
0x85: {  	_ =	shalt  }
0x86: {  	_ =	shalt  }
0x87: {  	_ =	shalt  }
.Lfunc_end0:
.L_simem_size_0:
called_computation.2_lowered:
.L_overlay_start_0:
0x88: {  	s2 =	sld [smem:$0x3FD9]  }
0x89: {  	s3 =	sld [smem:$0x3FFE];
	_ =	sdelay $0x1  }
0x8a: {  	s1 =	srdreg.scid  }
0x8b: {  	s0 =	sand.u32 $0x1, s1  }
0x8c: {  	s17 =	sshll.u32 s0, $0xA;
	s2 =	sadd.s32 s3, s2  }
0x8d: {  	s2 =	sadd.s32 s2, s17  }
0x8e: {  	[smem:$0x3FB8] =	sst s2  }
0x8f: {  	_ = 	snop  }
0x90: {  	s2 =	sld [smem:$0x3FD0];
	(tm) =	ssettm $0x1  }
0x91: {  	s18 =	sld [smem:$0x3FFB];
	_ =	sdelay $0x3  }
0x92: {  	_ =	strace s18  }
0x93: {  	s3 =	sld [smem:$0x3FFC];
	_ =	sdelay $0x3  }
0x94: {  	_ =	strace s3  }
0x95: {  	s3 =	sld [smem:$0x3FFD];
	_ =	sdelay $0x3  }
0x96: {  	_ =	strace s3  }
0x97: {  	_ =	strace $0x8FFFFFFF  }
0x98: {  	s19 =	sld [smem:$0x3FDB];
	_ =	sdelay $0x1  }
0x99: {  	s4 =	simm.s32 $_scs_section_size  }
0x9a: {  	s5 =	simm.s32 $_size__tile_overlayer_lowered;
	s6 =	simm.s32 $_tile_overlayer_lowered  }
0x9b: {  	s22 =	simm.s32 $0x1BFF;
	s21 =	sshll.u32 s6, $0x1;
	s3 =	sadd.s32 s4, s19  }
0x9c: {  	s7 =	simm.s32 $0x0;
	s20 =	sshll.u32 s5, $0x1;
	s5 =	sadd.s32 s21, s3  }
0x9d: {  	[timem:s7], [sflag:s22] =	dma.local [hbm:s5], s20  }
0x9e: {  	_ =	swait.ge [sflag:s22], s20  }
0x9f: {  	s4 =	ssub.s32 $0x0, s20;
	[sflag:s22] =	ssyncset.done $0x0  }
0xa0: {  	[sflag:s22] =	ssyncadd.s32 s4;
	_ =	sdelay $0x1  }
0xa1: {  	s23 =	simm.s32 $0x1B8B  }
0xa2: {  	_ =	swait.ge [sflag:s23], $0x1  }
0xa3: {  	[sflag:s23] =	ssyncset.done $0x0  }
0xa4: {  	s25 =	simm.s32 $0x1B8E;
	s24 =	sld [smem:$0x3FFE];
	[sflag:s23] =	ssyncadd.s32 $0xFFFFFFFF  }
0xa5: {  	s26 =	simm.s32 $execute0_lowered;
	[smem:$0x3FD2] =	sst s25  }
0xa6: {  	s5 =	sshll.u32 s26, $0x1;
	_ =	strace $0x8000004C;
	[dreg:$0x1] =	wrdreg $0xFFFFFFFF  }
0xa7: {  	s28 =	simm.s32 $_size_execute0_lowered;
	s3 =	sadd.s32 s3, s5;
	[dreg:$0x0] =	wrdreg $0x0  }
0xa8: {  	s5 =	sshll.u32 s28, $0x1;
	[dreg:$0x2] =	wrdreg s3  }
0xa9: {  	[dreg:$0x3] =	wrdreg s5  }
0xaa: {  	[dreg:$0x4] =	wrdreg $0xC0  }
0xab: {  	_ =	task [dreg:s7], $0x5FFFF  }
0xac: {  	[dreg:$0x1] =	wrdreg $0xFFFFFFFF  }
0xad: {  	[dreg:$0x0] =	wrdreg $0x60  }
0xae: {  	[dreg:$0x2] =	wrdreg s24  }
0xaf: {  	[dreg:$0x3] =	wrdreg s2  }
0xb0: {  	[dreg:$0x4] =	wrdreg $0x9  }
0xb1: {  	_ =	task.clear_ibuf [dreg:s7], $0x5FFFF;
	_ =	strace $0x9000004C  }
0xb2: {  	s29 =	simm.s32 $0x9;
	_ =	strace $0x8000004E  }
0xb3: {  	_ =	swait.ge [sflag:s29], $0x1  }
0xb4: {  	[sflag:s29] =	ssyncadd.s32 $0xFFFFFFFF  }
0xb5: {  	_ =	strace $0x9000004E  }
0xb6: {  	_ =	sfence  }
0xb7: {  	s30 =	sld [smem:$0x0];
	_ =	sdelay $0x2  }
0xb8: {  	s31 =	sshll.u32 s1, $0xD;
	s1 =	sshrl.u32 s1, $0x2  }
0xb9: {  	s3 =	sand.u32 $0x4000, s31;
	s1 =	sadd.s32 s1, s30  }
0xba: {  	s0 =	sor.u32 s3, s0;
	s1 =	sshll.u32 s1, $0x11  }
0xbb: {  	s0 =	sor.u32 s1, s0  }
0xbc: {  	s0 =	sadd.s32 $0x8F2B, s0  }
0xbd: {  	[sflag:s0] =	ssyncadd.remote.s32 $0x1  }
0xbe: {  	_ =	sfence.sel $0xFFFF  }
0xbf: {  	[dreg:$0x0] =	wrdreg $0xFFFFFFFF;
	(pc) =	sbr.abs _section_cstart, $3  }
0xc0: {  	[dreg:$0x1] =	wrdreg $0xFFFFFFFF  }
0xc1: {  	_ =	task.clear_ibuf [dreg:s7], $0x2FFFF;
	_ =	strace $0x9FFFFFFF  }
0xc2: {  	(tm) =	ssettm $0x7FFFFFFF  }
0xc3: {  	_ =	shalt  }
tec
execute0_lowered:
.L_overlay_start_1:
0x0: {  	(tag) =	ssettag $0x1  }
0x1: {  	s0 =	rddreg [dreg:$0x0]  }
0x2: {  	s2 =	rddreg [dreg:$0x1];
	s3 =	simm.s32 $0x0;
	s1 =	srdreg.scid  }
0x3: {  	s4 =	stileid.u32;
	s16 =	simm.s32 $0x5;
	s17 =	simm.s32 $0x200  }
0x4: {  	s18 =	simm.s32 $0xC8;
	s19 =	simm.s32 $0x400;
	s21 =	simm.s32 $0x100  }
0x5: {  	s22 =	simm.s32 $0x300;
	s23 =	simm.s32 $0x6800;
	s24 =	simm.s32 $0x13000  }
0x6: {  	s28 =	simm.s32 $0x2;
	s29 =	simm.s32 $0x4;
	s30 =	simm.s32 $0x0  }
0x7: {  	[smem:$0x7FF] =	sst s3;
	s1 =	sand.u32 $0x1, s1;
	s4 =	smul.u32 $0x4E20, s4  }
0x8: {  	s6 =	sadd.s32 $0x65EE00, s0;
	s7 =	sadd.s32 $0x6A600, s0;
	s5 =	smul.u32 $0x4E200, s1  }
0x9: {  	s8 =	sadd.s32 $0x2FA00, s0;
	s9 =	sadd.s32 $0x1C000, s0;
	_ =	strace $0x8000004D  }
0xa: {  	s10 =	ssub.s32 $0x2, s1;
	s13 =	smul.u32 $0x2710000, s1;
	s14 =	sadd.s32 s4, s5  }
0xb: {  	s25 =	sshrl.u32 s10, $0x1;
	s12 =	sadd.s32 $0xC8, s4;
	s11 =	sshrl.u32 s14, $0x3  }
0xc: {  	s0 =	ssub.s32 s10, s25;
	s25 =	simm.s32 $0x1;
	s26 =	sadd.s32 s8, s11  }
0xd: {  	s14 =	sadd.s32 $0x190, s14;
	s31 =	sadd.s32 s9, s11;
	[dreg:$0x3] =	wrdreg s26  }
0xe: {  	s15 =	smax.u32 s0, $0x1;
	[dreg:$0x4] =	wrdreg s31;
	s26 =	simm.s32 $0x3  }
.LBB2_1:
0xf: {  	s0 =	rddreg [dreg:$0x3]  }
0x10: {  	[tilespmem:s3], [sflag:$0x5] =	stream.linear.gather [hbm4b:s0+s3], $0xC8, $0x38;
	[tilespmem:$0x19400] =	vst v63  }
0x11: {  	_ =	swait.ge [sflag:s16], $0xC8  }
0x12: {  	[sflag:s16] =	ssyncset.done $0x0  }
0x13: {  	s11 =	rddreg [dreg:$0x4];
	[sflag:s16] =	ssyncadd.s32 $0xFFFFFF38  }
0x14: {  	[tilespmem:s17], [sflag:$0x5] =	stream.linear.gather [hbm4b:s11+s3], $0xC8, $0x38;
	[tilespmem:$0x19400] =	vst v63  }
0x15: {  	_ =	swait.ge [sflag:s16], $0xC8  }
0x16: {  	[sflag:s16] =	ssyncset.done $0x0  }
0x17: {  	[sflag:s16] =	ssyncadd.s32 $0xFFFFFF38  }
0x18: {  	[tilespmem:s19], [sflag:$0x1] =	stream.indirect.gather [hbm4b:s6+s18], $0x80, s3, s18, $0xb8;
	[tilespmem:$0x19400] =	vst v63  }
0x19: {  	s20 =	simm.s32 $0xCC00;
	s31 =	simm.s32 $0x0  }
0x1a: {  	[tilespmem:s20], [sflag:$0x3] =	stream.indirect.gather [hbm4b:s7+s18], $0x80, s17, s18, $0xb8;
	[tilespmem:$0x19400] =	vst v63  }
.LBB2_2:
0x1b: {  	s1 =	smul.u32 $0x190, s31;
	_ =	sdelay $0x1  }
0x1c: {  	s0 =	sadd.s32 s1, s12  }
0x1d: {  	s10 =	sadd.s32 s5, s0  }
0x1e: {  	s10 =	sshrl.u32 s10, $0x3  }
0x1f: {  	s11 =	simm.s32 $0x0;
	s20 =	sadd.s32 s8, s10  }
0x20: {  	[tilespmem:s21], [sflag:$0x5] =	stream.linear.gather [hbm4b:s20+s11], $0xC8, $0x38;
	[tilespmem:$0x19400] =	vst v63  }
0x21: {  	_ =	swait.ge [sflag:s16], $0xC8  }
0x22: {  	[sflag:s16] =	ssyncset.done $0x0  }
0x23: {  	s10 =	sadd.s32 s9, s10;
	[sflag:s16] =	ssyncadd.s32 $0xFFFFFF38  }
0x24: {  	[tilespmem:s22], [sflag:$0x5] =	stream.linear.gather [hbm4b:s10+s11], $0xC8, $0x38;
	[tilespmem:$0x19400] =	vst v63  }
0x25: {  	_ =	swait.ge [sflag:s16], $0xC8  }
0x26: {  	[sflag:s16] =	ssyncset.done $0x0  }
0x27: {  	[sflag:s16] =	ssyncadd.s32 $0xFFFFFF38  }
0x28: {  	[tilespmem:s23], [sflag:$0x2] =	stream.indirect.gather [hbm4b:s6+s18], $0x80, s21, s18, $0xb8;
	[tilespmem:$0x19400] =	vst v63  }
0x29: {  	_ = 	snop  }
0x2a: {  	[tilespmem:s24], [sflag:$0x4] =	stream.indirect.gather [hbm4b:s7+s18], $0x80, s22, s18, $0xb8;
	[tilespmem:$0x19400] =	vst v63  }
0x2b: {  	_ =	swait.ge [sflag:s25], $0x6400  }
0x2c: {  	[sflag:s25] =	ssyncset.done $0x0  }
0x2d: {  	[sflag:s25] =	ssyncadd.s32 $0xFFFF9C00  }
0x2e: {  	_ =	swait.ge [sflag:s26], $0x6400  }
0x2f: {  	[sflag:s26] =	ssyncset.done $0x0  }
0x30: {  	s20 =	simm.s32 $0x0;
	[sflag:s26] =	ssyncadd.s32 $0xFFFF9C00  }
0x31: {  	v6 =	vld [tilespmem:s20+$0xCC00]  }
0x32: {  	v11 =	vld [tilespmem:s20+$0xCC10]  }
0x33: {  	v5 =	vld [tilespmem:s20+$0xCC20]  }
0x34: {  	v4 =	vld [tilespmem:s20+$0xCC30]  }
0x35: {  	v3 =	vld [tilespmem:s20+$0xCC40]  }
0x36: {  	v2 =	vld [tilespmem:s20+$0xCC50]  }
0x37: {  	v1 =	vld [tilespmem:s20+$0xCC60]  }
0x38: {  	v0 =	vld [tilespmem:s20+$0xCC70]  }
0x39: {  	v12 =	vld [tilespmem:s20+$0x400]  }
0x3a: {  	v13 =	vld [tilespmem:s20+$0x410]  }
0x3b: {  	v10 =	vld [tilespmem:s20+$0x420]  }
0x3c: {  	v9 =	vld [tilespmem:s20+$0x430]  }
0x3d: {  	v8 =	vld [tilespmem:s20+$0x440]  }
0x3e: {  	v7 =	vld [tilespmem:s20+$0x450];
	v12 =	vadd.f32 v6, v12  }
0x3f: {  	s10 =	simm.s32 $0x200;
	v11 =	vadd.f32 v11, v13;
	v6 =	vld [tilespmem:s20+$0x460]  }
.LBB2_3:
0x40: {  	s11 =	sshra.s32 s10, $0x2;
	p0 =	sne.s32 s10, $0x18E00;
	[tilespmem:s20+$0x400] =	vst v12;
	v5 =	vadd.f32 v5, v10;
	v10 =	vld [tilespmem:s20+$0x470]  }
0x41: {  	v12 =	vld [tilespmem:s11+$0xCC00];
	[tilespmem:s20+$0x410] =	vst v11;
	v4 =	vadd.f32 v4, v9  }
0x42: {  	v11 =	vld [tilespmem:s11+$0xCC10];
	[tilespmem:s20+$0x420] =	vst v5;
	v3 =	vadd.f32 v3, v8  }
0x43: {  	v5 =	vld [tilespmem:s11+$0xCC20];
	[tilespmem:s20+$0x430] =	vst v4;
	v2 =	vadd.f32 v2, v7  }
0x44: {  	v4 =	vld [tilespmem:s11+$0xCC30];
	[tilespmem:s20+$0x440] =	vst v3;
	v1 =	vadd.f32 v1, v6  }
0x45: {  	v3 =	vld [tilespmem:s11+$0xCC40];
	[tilespmem:s20+$0x450] =	vst v2;
	v0 =	vadd.f32 v0, v10  }
0x46: {  	v2 =	vld [tilespmem:s11+$0xCC50];
	[tilespmem:s20+$0x460] =	vst v1  }
0x47: {  	v1 =	vld [tilespmem:s11+$0xCC60];
	[tilespmem:s20+$0x470] =	vst v0;
	s20 =	smov.u32 s11  }
0x48: {  	v0 =	vld [tilespmem:s20+$0xCC70]  }
0x49: {  	v6 =	vld [tilespmem:s20+$0x400]  }
0x4a: {  	v13 =	vld [tilespmem:s20+$0x410]  }
.Ltmp0:
0x4b: {  	v10 =	vld [tilespmem:s20+$0x420];
	(pc) =	sbr.rel @p0 .LBB2_3-.Ltmp0, $4  }
0x4c: {  	v9 =	vld [tilespmem:s20+$0x430]  }
0x4d: {  	v8 =	vld [tilespmem:s20+$0x440]  }
0x4e: {  	v12 =	vadd.f32 v12, v6;
	v7 =	vld [tilespmem:s20+$0x450]  }
0x4f: {  	s10 =	sadd.s32 $0x200, s10;
	v11 =	vadd.f32 v11, v13;
	v6 =	vld [tilespmem:s20+$0x460]  }
0x50: {  	[tilespmem:s20+$0x400] =	vst v12;
	v5 =	vadd.f32 v5, v10;
	v10 =	vld [tilespmem:s20+$0x470]  }
0x51: {  	[tilespmem:s20+$0x410] =	vst v11;
	v4 =	vadd.f32 v4, v9  }
0x52: {  	[tilespmem:s20+$0x420] =	vst v5;
	v3 =	vadd.f32 v3, v8  }
0x53: {  	s10 =	sadd.s32 s4, s1;
	[tilespmem:s20+$0x430] =	vst v4;
	v2 =	vadd.f32 v2, v7  }
0x54: {  	s10 =	sshll.u32 s10, $0x7;
	[tilespmem:s20+$0x440] =	vst v3;
	v1 =	vadd.f32 v1, v6  }
0x55: {  	s10 =	sadd.s32 s13, s10;
	[tilespmem:s20+$0x450] =	vst v2;
	v0 =	vadd.f32 v0, v10  }
0x56: {  	s10 =	sshrl.u32 s10, $0x3;
	[tilespmem:s20+$0x460] =	vst v1  }
0x57: {  	p0 =	seq.s32 s31, $0x31;
	s10 =	sadd.s32 s2, s10;
	[tilespmem:s20+$0x470] =	vst v0  }
0x58: {  	[hbm4b:s10+s3] =	stream.linear.scatter [tilespmem:s19], [sflag:$0x5], $0x6400, $0x38;
	[tilespmem:$0x19400] =	vst v63  }
0x59: {  	s1 =	sadd.s32 @!p0 s1, s14;
	_ =	swait.ge [sflag:s16], $0x6400  }
0x5a: {  	s1 =	sshrl.u32 @!p0 s1, $0x3;
	[sflag:s16] =	ssyncset.done $0x0  }
0x5b: {  	s11 =	simm.s32 @!p0 $0x0;
	s10 =	sadd.s32 @!p0 s8, s1;
	[sflag:s16] =	ssyncadd.s32 $0xFFFF9C00  }
0x5c: {  	[tilespmem:s11], [sflag:$0x5] =	stream.linear.gather @!p0 [hbm4b:s10+s11], $0xC8, $0x38;
	[tilespmem:$0x19400] =	vst v63  }
0x5d: {  	s10 =	simm.s32 @!p0 $0x5  }
0x5e: {  	_ =	swait.ge @!p0 [sflag:s10], $0xC8  }
0x5f: {  	[sflag:s10] =	ssyncset.done @!p0 $0x0  }
0x60: {  	s20 =	simm.s32 @!p0 $0x200;
	s1 =	sadd.s32 @!p0 s9, s1;
	[sflag:s10] =	ssyncadd.s32 @!p0 $0xFFFFFF38  }
0x61: {  	[tilespmem:s20], [sflag:$0x5] =	stream.linear.gather @!p0 [hbm4b:s1+s11], $0xC8, $0x38;
	[tilespmem:$0x19400] =	vst v63  }
0x62: {  	_ =	swait.ge @!p0 [sflag:s10], $0xC8  }
0x63: {  	[sflag:s10] =	ssyncset.done @!p0 $0x0  }
0x64: {  	s1 =	simm.s32 @!p0 $0xC8;
	[sflag:s10] =	ssyncadd.s32 @!p0 $0xFFFFFF38;
	s10 =	simm.s32 @!p0 $0x400  }
0x65: {  	[tilespmem:s10], [sflag:$0x1] =	stream.indirect.gather @!p0 [hbm4b:s6+s1], $0x80, s11, s1, $0xb8;
	[tilespmem:$0x19400] =	vst v63  }
0x66: {  	s10 =	simm.s32 @!p0 $0xCC00  }
0x67: {  	[tilespmem:s10], [sflag:$0x3] =	stream.indirect.gather @!p0 [hbm4b:s7+s1], $0x80, s20, s1, $0xb8;
	[tilespmem:$0x19400] =	vst v63  }
0x68: {  	_ =	swait.ge [sflag:s28], $0x6400  }
0x69: {  	[sflag:s28] =	ssyncset.done $0x0  }
0x6a: {  	[sflag:s28] =	ssyncadd.s32 $0xFFFF9C00  }
0x6b: {  	_ =	swait.ge [sflag:s29], $0x6400  }
0x6c: {  	[sflag:s29] =	ssyncset.done $0x0  }
0x6d: {  	s1 =	simm.s32 $0x0;
	[sflag:s29] =	ssyncadd.s32 $0xFFFF9C00  }
0x6e: {  	v7 =	vld [tilespmem:s1+$0x13000]  }
0x6f: {  	v11 =	vld [tilespmem:s1+$0x13010]  }
0x70: {  	v5 =	vld [tilespmem:s1+$0x13020]  }
0x71: {  	v4 =	vld [tilespmem:s1+$0x13030]  }
0x72: {  	v3 =	vld [tilespmem:s1+$0x13040]  }
0x73: {  	v2 =	vld [tilespmem:s1+$0x13050]  }
0x74: {  	v1 =	vld [tilespmem:s1+$0x13060]  }
0x75: {  	v0 =	vld [tilespmem:s1+$0x13070]  }
0x76: {  	v12 =	vld [tilespmem:s1+$0x6800]  }
0x77: {  	v13 =	vld [tilespmem:s1+$0x6810]  }
0x78: {  	v10 =	vld [tilespmem:s1+$0x6820]  }
0x79: {  	v9 =	vld [tilespmem:s1+$0x6830]  }
0x7a: {  	v8 =	vld [tilespmem:s1+$0x6840]  }
0x7b: {  	v6 =	vld [tilespmem:s1+$0x6850];
	v12 =	vadd.f32 v7, v12  }
0x7c: {  	s10 =	simm.s32 $0x200;
	v11 =	vadd.f32 v11, v13;
	v7 =	vld [tilespmem:s1+$0x6860]  }
.LBB2_5:
0x7d: {  	s11 =	sshra.s32 s10, $0x2;
	p0 =	sne.s32 s10, $0x18E00;
	[tilespmem:s1+$0x6800] =	vst v12;
	v5 =	vadd.f32 v5, v10;
	v10 =	vld [tilespmem:s1+$0x6870]  }
0x7e: {  	v12 =	vld [tilespmem:s11+$0x13000];
	[tilespmem:s1+$0x6810] =	vst v11;
	v4 =	vadd.f32 v4, v9  }
0x7f: {  	v11 =	vld [tilespmem:s11+$0x13010];
	[tilespmem:s1+$0x6820] =	vst v5;
	v3 =	vadd.f32 v3, v8  }
0x80: {  	v5 =	vld [tilespmem:s11+$0x13020];
	[tilespmem:s1+$0x6830] =	vst v4;
	v2 =	vadd.f32 v2, v6  }
0x81: {  	v4 =	vld [tilespmem:s11+$0x13030];
	[tilespmem:s1+$0x6840] =	vst v3;
	v1 =	vadd.f32 v1, v7  }
0x82: {  	v3 =	vld [tilespmem:s11+$0x13040];
	[tilespmem:s1+$0x6850] =	vst v2;
	v0 =	vadd.f32 v0, v10  }
0x83: {  	v2 =	vld [tilespmem:s11+$0x13050];
	[tilespmem:s1+$0x6860] =	vst v1  }
0x84: {  	v1 =	vld [tilespmem:s11+$0x13060];
	[tilespmem:s1+$0x6870] =	vst v0;
	s1 =	smov.u32 s11  }
0x85: {  	v0 =	vld [tilespmem:s1+$0x13070]  }
0x86: {  	v6 =	vld [tilespmem:s1+$0x6800]  }
0x87: {  	v7 =	vld [tilespmem:s1+$0x6810]  }
.Ltmp1:
0x88: {  	v10 =	vld [tilespmem:s1+$0x6820];
	(pc) =	sbr.rel @p0 .LBB2_5-.Ltmp1, $4  }
0x89: {  	v9 =	vld [tilespmem:s1+$0x6830]  }
0x8a: {  	v8 =	vld [tilespmem:s1+$0x6840]  }
0x8b: {  	v12 =	vadd.f32 v12, v6;
	v6 =	vld [tilespmem:s1+$0x6850]  }
0x8c: {  	s10 =	sadd.s32 $0x200, s10;
	v11 =	vadd.f32 v11, v7;
	v7 =	vld [tilespmem:s1+$0x6860]  }
0x8d: {  	[tilespmem:s1+$0x6800] =	vst v12;
	v5 =	vadd.f32 v5, v10;
	v63 =	vld [tilespmem:s1+$0x6870]  }
0x8e: {  	[tilespmem:s1+$0x6810] =	vst v11;
	v4 =	vadd.f32 v4, v9  }
0x8f: {  	[tilespmem:s1+$0x6820] =	vst v5;
	v3 =	vadd.f32 v3, v8  }
0x90: {  	[tilespmem:s1+$0x6830] =	vst v4;
	v2 =	vadd.f32 v2, v6  }
0x91: {  	s0 =	sshll.u32 s0, $0x7;
	[tilespmem:s1+$0x6840] =	vst v3;
	v1 =	vadd.f32 v1, v7  }
0x92: {  	s31 =	sadd.s32 $0x1, s31;
	s0 =	sadd.s32 s13, s0;
	[tilespmem:s1+$0x6850] =	vst v2;
	v0 =	vadd.f32 v0, v63  }
0x93: {  	p0 =	sne.s32 s31, $0x32;
	s0 =	sshrl.u32 s0, $0x3;
	[tilespmem:s1+$0x6860] =	vst v1  }
.Ltmp2:
0x94: {  	s0 =	sadd.s32 s2, s0;
	[tilespmem:s1+$0x6870] =	vst v0;
	(pc) =	sbr.rel @p0 .LBB2_2-.Ltmp2, $4  }
0x95: {  	[hbm4b:s0+s3] =	stream.linear.scatter [tilespmem:s23], [sflag:$0x5], $0x6400, $0x38;
	[tilespmem:$0x19400] =	vst v63  }
0x96: {  	_ =	swait.ge [sflag:s16], $0x6400  }
0x97: {  	[sflag:s16] =	ssyncset.done $0x0  }
0x98: {  	[sflag:s16] =	ssyncadd.s32 $0xFFFF9C00  }
0x99: {  	s30 =	sadd.s32 $0x1, s30  }
0x9a: {  	p0 =	sne.s32 s30, s15  }
.Ltmp3:
0x9b: {  	_ = 	snop;
	(pc) =	sbr.rel @p0 .LBB2_1-.Ltmp3, $1  }
0x9c: {  	_ =	sdelay $0x3  }
0x9d: {  	_ =	sfence.sel $0x180000  }
0x9e: {  	[bflag:$0x0] =	sbarrier.arrive $0xFFFF  }
0x9f: {  	_ =	strace $0x9000004D  }
0xa0: {  	s0 =	stileid.u32;
	[bflag:$0x2] =	sbarrier.arrive $0xFFFF  }
0xa1: {  	p0 =	sne.s32 s0, $0x0;
	s0 =	rddreg [dreg:$0x2]  }
0xa2: {  	s0 =	sadd.s32 @!p0 $0x100000, s0  }
0xa3: {  	[sflag:s0] =	ssyncadd.tile.s32 @!p0 $0x1;
	_ =	shalt  }
.Lfunc_end2:
_tile_overlayer_lowered:
.L_overlay_start_2:
0xa4: {  	(tag) =	ssettag $0x2  }
0xa5: {  	s0 =	rddreg [dreg:$0x0];
	s2 =	stileid.u32  }
0xa6: {  	s1 =	rddreg [dreg:$0x1];
	p0 =	sne.s32 s2, $0x0  }
0xa7: {  	s3 =	rddreg [dreg:$0x2];
	[bflag:$0x3] =	sbarrier.arrive $0xFFFF;
	s2 =	simm.s32 @!p0 $0x1C05  }
0xa8: {  	[timem:s3], [sflag:s2] =	dma.local @!p0 [hbm:s0], s1  }
0xa9: {  	s0 =	simm.s32 @!p0 $0x5  }
0xaa: {  	_ =	swait.ge @!p0 [sflag:s0], s1  }
0xab: {  	s1 =	ssub.s32 @!p0 $0x0, s1;
	[sflag:s0] =	ssyncset.done @!p0 $0x0  }
0xac: {  	[sflag:s0] =	ssyncadd.s32 @!p0 s1  }
0xad: {  	[bflag:$0x3] =	sbarrier.arrive $0xFFFF  }
0xae: {  	_ =	shalt  }

// kernel: kernel.26.cloned.1.call-start
scs
__scs_entry_jumppad:
0x0: {  	(pc) =	sbr.rel $0x88, $3  }
0x1: {  	(tag) =	ssettag $0x0;
	lr =	simm.s32 $0x1  }
0x2: {  	[smem:$0x3F91] =	sst lr;
	_ =	strace $0xD0000000  }
0x3: {  	_ = 	snop  }
0x4: {  	_ = 	snop  }
0x5: {  	_ = 	snop  }
0x6: {  	_ = 	snop  }
0x7: {  	_ = 	snop  }
__scs_overlays_trampoline_lowered:
0x8: {  	[smem:$0x3FA0] =	sst s0  }
0x9: {  	[smem:$0x3FA1] =	sst s1  }
0xa: {  	[smem:$0x3FA2] =	sst s2  }
0xb: {  	[smem:$0x3FA3] =	sst s3  }
0xc: {  	[smem:$0x3FA4] =	sst s4  }
0xd: {  	[smem:$0x3FA5] =	sst s5  }
0xe: {  	[smem:$0x3FA6] =	sst s6  }
0xf: {  	[smem:$0x3FA7] =	sst s7  }
0x10: {  	[smem:$0x3FA8] =	sst s8  }
0x11: {  	[smem:$0x3FA9] =	sst s9;
	s0 =	simm.s32 @!p0 $0x0  }
0x12: {  	s1 =	sld [smem:$0x3F8F];
	s0 =	simm.s32 @p0 $0x1  }
0x13: {  	[smem:$0x3FAA] =	sst s0;
	s0 =	simm.s32 @!p1 $0x0  }
0x14: {  	s2 =	sld [smem:$0x3F8E];
	s0 =	simm.s32 @p1 $0x1  }
0x15: {  	[smem:$0x3FAB] =	sst s0;
	s0 =	simm.s32 @!p2 $0x0  }
0x16: {  	s3 =	sld [smem:$0x3FDB];
	s0 =	simm.s32 @p2 $0x1  }
0x17: {  	s4 =	simm.s32 $0x1BF5;
	[smem:$0x3FAD] =	sst s0  }
0x18: {  	s0 =	sld [smem:$0x3F90];
	_ =	swait.ge [sflag:s4], $0x0  }
0x19: {  	s7 =	sld [smem:$0x3F91]  }
0x1a: {  	s8 =	sadd.s32 $0xFFFFE003, lr  }
0x1b: {  	s9 =	sadd.s32 $0xFFFFFEF7, lr;
	s5 =	simm.s32 $0xFFFFFFFF;
	p2 =	slt.u32 s8, $0xFFFFF086  }
0x1c: {  	p1 =	slt.u32 s9, $0xF7A;
	s5 =	simm.s32 @!p2 $0x0  }
0x1d: {  	s5 =	simm.s32 @p1 $0x1;
	p0 =	seq.s32 s7, s2  }
0x1e: {  	s7 =	smul.u32 @!p0 $0xF7A, s2;
	p2 =	seq.s32 @!p0 s5, $0x0  }
0x1f: {  	s9 =	smul.u32 $0xF7A, s1;
	s8 =	simm.s32 @!p0 $0x1BF5;
	p2 =	por !p2, p0  }
0x20: {  	[sflag:s8] =	ssyncset.s32 @!p0 $0xFFFFF086;
	s6 =	sadd.s32 @!p0 s3, s7;
	s7 =	simm.s32 @!p0 $0x108  }
0x21: {  	s3 =	sadd.s32 s3, s9;
	s6 =	sadd.s32 @!p0 $0x88, s6;
	s7 =	simm.s32 @p2 $0x1082  }
0x22: {  	[simem:s7], [sflag:s8] =	dma.local @!p0 [hbm:s6], $0xF7A  }
0x23: {  	s9 =	sor.u32 $0xD0000000, s2;
	s6 =	simm.s32 $0x108;
	_ =	swait.ge @!p0 [sflag:s8], $0x0  }
0x24: {  	s3 =	sadd.s32 $0x88, s3;
	s6 =	simm.s32 @!p1 $0x1082;
	[sflag:s4] =	ssyncset.s32 $0xFFFFF086  }
0x25: {  	[simem:s6], [sflag:s4] =	dma.local [hbm:s3], $0xF7A  }
0x26: {  	[smem:$0x3F91] =	sst s1;
	(tag) =	ssettag s2;
	_ =	strace s9  }
0x27: {  	s1 =	sld [smem:$0x3FA1]  }
0x28: {  	s2 =	sld [smem:$0x3FA2]  }
0x29: {  	s4 =	sld [smem:$0x3FA4]  }
0x2a: {  	p0 =	seq.s32 s5, $0x0;
	s5 =	sld [smem:$0x3FA5]  }
0x2b: {  	s6 =	sld [smem:$0x3FA6]  }
0x2c: {  	s7 =	sld [smem:$0x3FA7]  }
0x2d: {  	s3 =	simm.s32 $0x108;
	s8 =	sld [smem:$0x3FA8]  }
0x2e: {  	s3 =	simm.s32 @!p0 $0x1082;
	s9 =	sld [smem:$0x3FA9]  }
0x2f: {  	lr =	sadd.s32 s0, s3;
	s0 =	sld [smem:$0x3FA0]  }
0x30: {  	s3 =	sld [smem:$0x3FA3]  }
0x31: {  	[smem:$0x3FAC] =	sst s10  }
0x32: {  	s10 =	sld [smem:$0x3FAA];
	_ =	sdelay $0x3  }
0x33: {  	p0 =	seq.s32 s10, $0x1;
	s10 =	sld [smem:$0x3FAC];
	_ =	sdelay $0x3  }
0x34: {  	[smem:$0x3FAC] =	sst s10  }
0x35: {  	s10 =	sld [smem:$0x3FAB];
	_ =	sdelay $0x3  }
0x36: {  	p1 =	seq.s32 s10, $0x1;
	s10 =	sld [smem:$0x3FAC];
	_ =	sdelay $0x3  }
0x37: {  	[smem:$0x3FAC] =	sst s10  }
0x38: {  	s10 =	sld [smem:$0x3FAD]  }
0x39: {  	_ = 	snop;
	(pc) =	sbr.ind lr, $3  }
0x3a: {  	_ = 	snop  }
0x3b: {  	_ = 	snop  }
0x3c: {  	p2 =	seq.s32 s10, $0x1;
	s10 =	sld [smem:$0x3FAC]  }
0x3d: {  	_ =	shalt  }
0x3e: {  	_ =	shalt  }
0x3f: {  	_ =	shalt  }
0x40: {  	_ =	shalt  }
0x41: {  	_ =	shalt  }
0x42: {  	_ =	shalt  }
0x43: {  	_ =	shalt  }
0x44: {  	_ =	shalt  }
0x45: {  	_ =	shalt  }
0x46: {  	_ =	shalt  }
0x47: {  	_ =	shalt  }
0x48: {  	_ =	shalt  }
0x49: {  	_ =	shalt  }
0x4a: {  	_ =	shalt  }
0x4b: {  	_ =	shalt  }
0x4c: {  	_ =	shalt  }
0x4d: {  	_ =	shalt  }
0x4e: {  	_ =	shalt  }
0x4f: {  	_ =	shalt  }
0x50: {  	_ =	shalt  }
0x51: {  	_ =	shalt  }
0x52: {  	_ =	shalt  }
0x53: {  	_ =	shalt  }
0x54: {  	_ =	shalt  }
0x55: {  	_ =	shalt  }
0x56: {  	_ =	shalt  }
0x57: {  	_ =	shalt  }
0x58: {  	_ =	shalt  }
0x59: {  	_ =	shalt  }
0x5a: {  	_ =	shalt  }
0x5b: {  	_ =	shalt  }
0x5c: {  	_ =	shalt  }
0x5d: {  	_ =	shalt  }
0x5e: {  	_ =	shalt  }
0x5f: {  	_ =	shalt  }
0x60: {  	_ =	shalt  }
0x61: {  	_ =	shalt  }
0x62: {  	_ =	shalt  }
0x63: {  	_ =	shalt  }
0x64: {  	_ =	shalt  }
0x65: {  	_ =	shalt  }
0x66: {  	_ =	shalt  }
0x67: {  	_ =	shalt  }
0x68: {  	_ =	shalt  }
0x69: {  	_ =	shalt  }
0x6a: {  	_ =	shalt  }
0x6b: {  	_ =	shalt  }
0x6c: {  	_ =	shalt  }
0x6d: {  	_ =	shalt  }
0x6e: {  	_ =	shalt  }
0x6f: {  	_ =	shalt  }
0x70: {  	_ =	shalt  }
0x71: {  	_ =	shalt  }
0x72: {  	_ =	shalt  }
0x73: {  	_ =	shalt  }
0x74: {  	_ =	shalt  }
0x75: {  	_ =	shalt  }
0x76: {  	_ =	shalt  }
0x77: {  	_ =	shalt  }
0x78: {  	_ =	shalt  }
0x79: {  	_ =	shalt  }
0x7a: {  	_ =	shalt  }
0x7b: {  	_ =	shalt  }
0x7c: {  	_ =	shalt  }
0x7d: {  	_ =	shalt  }
0x7e: {  	_ =	shalt  }
0x7f: {  	_ =	shalt  }
0x80: {  	_ =	shalt  }
0x81: {  	_ =	shalt  }
0x82: {  	_ =	shalt  }
0x83: {  	_ =	shalt  }
0x84: {  	_ =	shalt  }
0x85: {  	_ =	shalt  }
0x86: {  	_ =	shalt  }
0x87: {  	_ =	shalt  }
.Lfunc_end0:
.L_simem_size_0:
called_computation.3_lowered:
.L_overlay_start_0:
0x88: {  	s2 =	sld [smem:$0x3FD9]  }
0x89: {  	s3 =	sld [smem:$0x3FFE];
	_ =	sdelay $0x1  }
0x8a: {  	s1 =	srdreg.scid  }
0x8b: {  	s0 =	sand.u32 $0x1, s1  }
0x8c: {  	s16 =	sshll.u32 s0, $0xA;
	s2 =	sadd.s32 s3, s2  }
0x8d: {  	s2 =	sadd.s32 s2, s16  }
0x8e: {  	[smem:$0x3FB8] =	sst s2  }
0x8f: {  	_ = 	snop  }
0x90: {  	(tm) =	ssettm $0x1  }
0x91: {  	s17 =	sld [smem:$0x3FFB];
	_ =	sdelay $0x3  }
0x92: {  	_ =	strace s17  }
0x93: {  	s2 =	sld [smem:$0x3FFC];
	_ =	sdelay $0x3  }
0x94: {  	_ =	strace s2  }
0x95: {  	s2 =	sld [smem:$0x3FFD];
	_ =	sdelay $0x3  }
0x96: {  	_ =	strace s2  }
0x97: {  	_ =	strace $0x8FFFFFFF  }
0x98: {  	s18 =	sld [smem:$0x3FDB];
	_ =	sdelay $0x1  }
0x99: {  	s19 =	simm.s32 $_scs_section_size  }
0x9a: {  	s4 =	simm.s32 $_size__tile_overlayer_lowered;
	s5 =	simm.s32 $_tile_overlayer_lowered  }
0x9b: {  	s22 =	simm.s32 $0x1BFF;
	s21 =	sshll.u32 s5, $0x1;
	s2 =	sadd.s32 s19, s18  }
0x9c: {  	s6 =	simm.s32 $0x0;
	s20 =	sshll.u32 s4, $0x1;
	s4 =	sadd.s32 s21, s2  }
0x9d: {  	[timem:s6], [sflag:s22] =	dma.local [hbm:s4], s20  }
0x9e: {  	_ =	swait.ge [sflag:s22], s20  }
0x9f: {  	s3 =	ssub.s32 $0x0, s20;
	[sflag:s22] =	ssyncset.done $0x0  }
0xa0: {  	[sflag:s22] =	ssyncadd.s32 s3;
	_ =	sdelay $0x1  }
0xa1: {  	s23 =	simm.s32 $0x1B8B  }
0xa2: {  	_ =	swait.ge [sflag:s23], $0x1  }
0xa3: {  	[sflag:s23] =	ssyncset.done $0x0  }
0xa4: {  	s25 =	simm.s32 $0x1B8E;
	s24 =	sld [smem:$0x3FFE];
	[sflag:s23] =	ssyncadd.s32 $0xFFFFFFFF  }
0xa5: {  	s26 =	simm.s32 $execute0_lowered;
	[smem:$0x3FD2] =	sst s25  }
0xa6: {  	s4 =	sshll.u32 s26, $0x1;
	_ =	strace $0x8000004F;
	[dreg:$0x1] =	wrdreg $0xFFFFFFFF  }
0xa7: {  	s28 =	simm.s32 $_size_execute0_lowered;
	s2 =	sadd.s32 s2, s4;
	[dreg:$0x0] =	wrdreg $0x0  }
0xa8: {  	s4 =	sshll.u32 s28, $0x1;
	[dreg:$0x2] =	wrdreg s2  }
0xa9: {  	[dreg:$0x3] =	wrdreg s4  }
0xaa: {  	[dreg:$0x4] =	wrdreg $0xC0  }
0xab: {  	_ =	task [dreg:s6], $0x5FFFF  }
0xac: {  	[dreg:$0x1] =	wrdreg $0xFFFFFFFF  }
0xad: {  	[dreg:$0x0] =	wrdreg $0x60  }
0xae: {  	[dreg:$0x2] =	wrdreg s24  }
0xaf: {  	[dreg:$0x3] =	wrdreg $0x2000  }
0xb0: {  	[dreg:$0x4] =	wrdreg $0x9  }
0xb1: {  	_ =	task.clear_ibuf [dreg:s6], $0x5FFFF;
	_ =	strace $0x9000004F  }
0xb2: {  	s29 =	simm.s32 $0x9;
	_ =	strace $0x80000051  }
0xb3: {  	_ =	swait.ge [sflag:s29], $0x1  }
0xb4: {  	[sflag:s29] =	ssyncadd.s32 $0xFFFFFFFF  }
0xb5: {  	_ =	strace $0x90000051  }
0xb6: {  	_ =	sfence  }
0xb7: {  	s30 =	sld [smem:$0x0];
	_ =	sdelay $0x2  }
0xb8: {  	s31 =	sshll.u32 s1, $0xD;
	s1 =	sshrl.u32 s1, $0x2  }
0xb9: {  	s3 =	sand.u32 $0x4000, s31;
	s1 =	sadd.s32 s1, s30  }
0xba: {  	s0 =	sor.u32 s3, s0;
	s1 =	sshll.u32 s1, $0x11  }
0xbb: {  	s0 =	sor.u32 s1, s0  }
0xbc: {  	s0 =	sadd.s32 $0x8F2B, s0  }
0xbd: {  	[sflag:s0] =	ssyncadd.remote.s32 $0x1  }
0xbe: {  	_ =	sfence.sel $0xFFFF  }
0xbf: {  	[dreg:$0x0] =	wrdreg $0xFFFFFFFF;
	(pc) =	sbr.abs _section_cstart, $3  }
0xc0: {  	[dreg:$0x1] =	wrdreg $0xFFFFFFFF  }
0xc1: {  	_ =	task.clear_ibuf [dreg:s6], $0x2FFFF;
	_ =	strace $0x9FFFFFFF  }
0xc2: {  	(tm) =	ssettm $0x7FFFFFFF  }
0xc3: {  	_ =	shalt  }
tec
execute0_lowered:
.L_overlay_start_1:
0x0: {  	(tag) =	ssettag $0x1  }
0x1: {  	s0 =	srdreg.scid  }
0x2: {  	s11 =	stileid.u32;
	s5 =	rddreg [dreg:$0x0]  }
0x3: {  	s1 =	rddreg [dreg:$0x1];
	s2 =	simm.s32 $0x0;
	s10 =	simm.s32 $0x1  }
0x4: {  	s12 =	simm.s32 $0xC8;
	s6 =	sand.u32 $0x1, s0;
	s0 =	rddreg [dreg:$0x2]  }
0x5: {  	s16 =	simm.s32 $0x0;
	s4 =	smul.u32 $0x2710, s11;
	[smem:$0x7FF] =	sst s2  }
0x6: {  	p0 =	seq.s32 s11, $0x0;
	s3 =	smul.u32 $0x27100, s6;
	_ =	strace $0x80000050  }
0x7: {  	s7 =	ssub.s32 $0x2, s6;
	p1 =	seq.s32 s6, $0x1;
	s31 =	sor.u32 s6, s11  }
0x8: {  	s9 =	sshrl.u32 s7, $0x1;
	p0 =	por !p0, !p1;
	p2 =	sne.s32 s31, $0x0  }
0x9: {  	s3 =	sadd.s32 s4, s3;
	s4 =	sadd.s32 $0x25A00, s5;
	s7 =	ssub.s32 s7, s9  }
0xa: {  	p1 =	por !p0, !p0;
	p0 =	sne.s32 s11, $0x0;
	s13 =	sshll.u32 @!p2 s11, $0x6  }
0xb: {  	s11 =	simm.s32 $0x100;
	s14 =	sshrl.u32 @!p2 s1, $0x3;
	s3 =	sshrl.u32 s3, $0x3  }
0xc: {  	s6 =	smax.u32 s7, $0x1;
	s9 =	sshrl.u32 @!p0 s1, $0x3;
	s13 =	sor.u32 @!p2 $0x1C01, s13  }
0xd: {  	s15 =	sshrl.u32 @p1 s1, $0x3;
	s8 =	sadd.s32 s3, s5;
	s3 =	sadd.s32 $0x1B400, s5  }
0xe: {  	s5 =	sadd.s32 $0x26000, s5;
	s7 =	sadd.s32 $0x1BC00, s8;
	s8 =	sadd.s32 $0x7800, s8  }
.LBB2_1:
0xf: {  	s17 =	simm.s32 @!p0 $0x1C01  }
0x10: {  	[spmem:s9], [sflag:s17] =	dma.local @!p0 [hbm:s3], $0x4F0  }
0x11: {  	s17 =	simm.s32 @!p0 $0x1  }
0x12: {  	_ =	swait.ge @!p0 [sflag:s17], $0x4F0  }
0x13: {  	[sflag:s17] =	ssyncset.done @!p0 $0x0  }
0x14: {  	[sflag:s17] =	ssyncadd.s32 @!p0 $0xFFFFFB10  }
0x15: {  	s30 =	sadd.s32 $0x0, s8;
	[bflag:$0x0] =	sbarrier.arrive $0xFFFF  }
0x16: {  	[tilespmem:s2], [sflag:$0x1] =	stream.linear.gather [hbm4b:s30+s2], $0xC8, $0x38;
	[tilespmem:$0x478] =	vst v63  }
0x17: {  	_ =	swait.ge [sflag:s10], $0xC8  }
0x18: {  	[sflag:s10] =	ssyncset.done $0x0  }
0x19: {  	s31 =	sadd.s32 $0x0, s7;
	[sflag:s10] =	ssyncadd.s32 $0xFFFFFF38  }
0x1a: {  	[tilespmem:s11], [sflag:$0x1] =	stream.linear.gather [hbm4b:s31+s2], $0xC8, $0x38;
	[tilespmem:$0x478] =	vst v63  }
0x1b: {  	_ =	swait.ge [sflag:s10], $0xC8  }
0x1c: {  	[sflag:s10] =	ssyncset.done $0x0  }
0x1d: {  	[sflag:s10] =	ssyncadd.s32 $0xFFFFFF38  }
0x1e: {  	[spmem:s1] =	stream.indirect.scatter.add.f32 [tilespmem:s11], [sflag:$0x1], $0x1, s2, s12, $0xb8;
	[tilespmem:$0x478] =	vst v63  }
0x1f: {  	_ =	swait.ge [sflag:s10], $0xC8  }
0x20: {  	s18 =	simm.s32 $0x32;
	s17 =	simm.s32 $0x19;
	[sflag:s10] =	ssyncset.done $0x0  }
.LBB2_2:
0x21: {  	s19 =	sadd.s32 s17, s8  }
0x22: {  	[sflag:s10] =	ssyncadd.s32 $0xFFFFFF38;
	s20 =	smov.u32 s18;
	s21 =	sadd.s32 $0x19, s18  }
0x23: {  	[tilespmem:s2], [sflag:$0x1] =	stream.linear.gather [hbm4b:s19+s2], $0xC8, $0x38;
	[tilespmem:$0x478] =	vst v63  }
0x24: {  	p3 =	sne.s32 s18, $0x4C9;
	_ =	swait.ge [sflag:s10], $0xC8  }
0x25: {  	[sflag:s10] =	ssyncset.done $0x0  }
0x26: {  	s18 =	sadd.s32 s17, s7;
	s17 =	smov.u32 s20;
	[sflag:s10] =	ssyncadd.s32 $0xFFFFFF38  }
0x27: {  	[tilespmem:s11], [sflag:$0x1] =	stream.linear.gather [hbm4b:s18+s2], $0xC8, $0x38;
	[tilespmem:$0x478] =	vst v63  }
0x28: {  	_ =	swait.ge [sflag:s10], $0xC8  }
.Ltmp0:
0x29: {  	[sflag:s10] =	ssyncset.done $0x0;
	(pc) =	sbr.rel @p3 .LBB2_2-.Ltmp0, $4  }
0x2a: {  	[sflag:s10] =	ssyncadd.s32 $0xFFFFFF38  }
0x2b: {  	[spmem:s1] =	stream.indirect.scatter.add.f32 [tilespmem:s11], [sflag:$0x1], $0x1, s2, s12, $0xb8;
	[tilespmem:$0x478] =	vst v63  }
0x2c: {  	_ =	swait.ge [sflag:s10], $0xC8  }
0x2d: {  	s18 =	smov.u32 s21;
	[sflag:s10] =	ssyncset.done $0x0  }
0x2e: {  	s18 =	sadd.s32 s17, s8;
	[sflag:s10] =	ssyncadd.s32 $0xFFFFFF38  }
0x2f: {  	[tilespmem:s2], [sflag:$0x1] =	stream.linear.gather [hbm4b:s18+s2], $0xC8, $0x38;
	[tilespmem:$0x478] =	vst v63  }
0x30: {  	_ =	swait.ge [sflag:s10], $0xC8  }
0x31: {  	[sflag:s10] =	ssyncset.done $0x0  }
0x32: {  	s31 =	sadd.s32 s17, s7;
	[sflag:s10] =	ssyncadd.s32 $0xFFFFFF38  }
0x33: {  	[tilespmem:s11], [sflag:$0x1] =	stream.linear.gather [hbm4b:s31+s2], $0xC8, $0x38;
	[tilespmem:$0x478] =	vst v63  }
0x34: {  	_ =	swait.ge [sflag:s10], $0xC8  }
0x35: {  	[sflag:s10] =	ssyncset.done $0x0  }
0x36: {  	[sflag:s10] =	ssyncadd.s32 $0xFFFFFF38  }
0x37: {  	[spmem:s1] =	stream.indirect.scatter.add.f32 [tilespmem:s11], [sflag:$0x1], $0x1, s2, s12, $0xb8;
	[tilespmem:$0x478] =	vst v63  }
0x38: {  	_ =	swait.ge [sflag:s10], $0xC8  }
0x39: {  	[sflag:s10] =	ssyncset.done $0x0  }
0x3a: {  	[sflag:s10] =	ssyncadd.s32 $0xFFFFFF38  }
0x3b: {  	s17 =	simm.s32 @!p2 $0x1;
	[bflag:$0x0] =	sbarrier.arrive $0xFFFF  }
0x3c: {  	[hbm:s4], [sflag:s13] =	dma.local @!p2 [spmem:s14], $0x4F0  }
0x3d: {  	_ =	swait.ge @!p2 [sflag:s17], $0x4F0  }
0x3e: {  	s16 =	sadd.s32 $0x1, s16;
	[sflag:s17] =	ssyncset.done @!p2 $0x0  }
0x3f: {  	p3 =	sne.s32 s16, s6;
	[sflag:s17] =	ssyncadd.s32 @!p2 $0xFFFFFB10;
	s17 =	simm.s32 @p1 $0x1C01  }
0x40: {  	[hbm:s5], [sflag:s17] =	dma.local @p1 [spmem:s15], $0x4F0  }
.Ltmp1:
0x41: {  	_ = 	snop;
	(pc) =	sbr.rel @p3 .LBB2_1-.Ltmp1, $4  }
0x42: {  	s17 =	simm.s32 @p1 $0x1  }
0x43: {  	_ =	swait.ge @p1 [sflag:s17], $0x4F0  }
0x44: {  	[sflag:s17] =	ssyncset.done @p1 $0x0  }
0x45: {  	[sflag:s17] =	ssyncadd.s32 @p1 $0xFFFFFB10  }
0x46: {  	_ =	sfence.sel $0x180000  }
0x47: {  	[bflag:$0x0] =	sbarrier.arrive $0xFFFF  }
0x48: {  	_ =	strace $0x90000050  }
0x49: {  	s0 =	sadd.s32 @!p0 $0x100000, s0;
	[bflag:$0x2] =	sbarrier.arrive $0xFFFF  }
0x4a: {  	[sflag:s0] =	ssyncadd.tile.s32 @!p0 $0x1;
	_ =	shalt  }
.Lfunc_end2:
_tile_overlayer_lowered:
.L_overlay_start_2:
0x4b: {  	(tag) =	ssettag $0x2  }
0x4c: {  	s0 =	rddreg [dreg:$0x0];
	s2 =	stileid.u32  }
0x4d: {  	s1 =	rddreg [dreg:$0x1];
	p0 =	sne.s32 s2, $0x0  }
0x4e: {  	s3 =	rddreg [dreg:$0x2];
	[bflag:$0x3] =	sbarrier.arrive $0xFFFF;
	s2 =	simm.s32 @!p0 $0x1C01  }
0x4f: {  	[timem:s3], [sflag:s2] =	dma.local @!p0 [hbm:s0], s1  }
0x50: {  	s0 =	simm.s32 @!p0 $0x1  }
0x51: {  	_ =	swait.ge @!p0 [sflag:s0], s1  }
0x52: {  	s1 =	ssub.s32 @!p0 $0x0, s1;
	[sflag:s0] =	ssyncset.done @!p0 $0x0  }
0x53: {  	[sflag:s0] =	ssyncadd.s32 @!p0 s1  }
0x54: {  	[bflag:$0x3] =	sbarrier.arrive $0xFFFF  }
0x55: {  	_ =	shalt  }

// kernel: kernel.29.cloned.1.call-start
scs
__scs_entry_jumppad:
0x0: {  	(pc) =	sbr.rel $0x88, $3  }
0x1: {  	(tag) =	ssettag $0x0;
	lr =	simm.s32 $0x1  }
0x2: {  	[smem:$0x3F91] =	sst lr;
	_ =	strace $0xD0000000  }
0x3: {  	_ = 	snop  }
0x4: {  	_ = 	snop  }
0x5: {  	_ = 	snop  }
0x6: {  	_ = 	snop  }
0x7: {  	_ = 	snop  }
__scs_overlays_trampoline_lowered:
0x8: {  	[smem:$0x3FA0] =	sst s0  }
0x9: {  	[smem:$0x3FA1] =	sst s1  }
0xa: {  	[smem:$0x3FA2] =	sst s2  }
0xb: {  	[smem:$0x3FA3] =	sst s3  }
0xc: {  	[smem:$0x3FA4] =	sst s4  }
0xd: {  	[smem:$0x3FA5] =	sst s5  }
0xe: {  	[smem:$0x3FA6] =	sst s6  }
0xf: {  	[smem:$0x3FA7] =	sst s7  }
0x10: {  	[smem:$0x3FA8] =	sst s8  }
0x11: {  	[smem:$0x3FA9] =	sst s9;
	s0 =	simm.s32 @!p0 $0x0  }
0x12: {  	s1 =	sld [smem:$0x3F8F];
	s0 =	simm.s32 @p0 $0x1  }
0x13: {  	[smem:$0x3FAA] =	sst s0;
	s0 =	simm.s32 @!p1 $0x0  }
0x14: {  	s2 =	sld [smem:$0x3F8E];
	s0 =	simm.s32 @p1 $0x1  }
0x15: {  	[smem:$0x3FAB] =	sst s0;
	s0 =	simm.s32 @!p2 $0x0  }
0x16: {  	s3 =	sld [smem:$0x3FDB];
	s0 =	simm.s32 @p2 $0x1  }
0x17: {  	s4 =	simm.s32 $0x1BF5;
	[smem:$0x3FAD] =	sst s0  }
0x18: {  	s0 =	sld [smem:$0x3F90];
	_ =	swait.ge [sflag:s4], $0x0  }
0x19: {  	s7 =	sld [smem:$0x3F91]  }
0x1a: {  	s8 =	sadd.s32 $0xFFFFE003, lr  }
0x1b: {  	s9 =	sadd.s32 $0xFFFFFEF7, lr;
	s5 =	simm.s32 $0xFFFFFFFF;
	p2 =	slt.u32 s8, $0xFFFFF086  }
0x1c: {  	p1 =	slt.u32 s9, $0xF7A;
	s5 =	simm.s32 @!p2 $0x0  }
0x1d: {  	s5 =	simm.s32 @p1 $0x1;
	p0 =	seq.s32 s7, s2  }
0x1e: {  	s7 =	smul.u32 @!p0 $0xF7A, s2;
	p2 =	seq.s32 @!p0 s5, $0x0  }
0x1f: {  	s9 =	smul.u32 $0xF7A, s1;
	s8 =	simm.s32 @!p0 $0x1BF5;
	p2 =	por !p2, p0  }
0x20: {  	[sflag:s8] =	ssyncset.s32 @!p0 $0xFFFFF086;
	s6 =	sadd.s32 @!p0 s3, s7;
	s7 =	simm.s32 @!p0 $0x108  }
0x21: {  	s3 =	sadd.s32 s3, s9;
	s6 =	sadd.s32 @!p0 $0x88, s6;
	s7 =	simm.s32 @p2 $0x1082  }
0x22: {  	[simem:s7], [sflag:s8] =	dma.local @!p0 [hbm:s6], $0xF7A  }
0x23: {  	s9 =	sor.u32 $0xD0000000, s2;
	s6 =	simm.s32 $0x108;
	_ =	swait.ge @!p0 [sflag:s8], $0x0  }
0x24: {  	s3 =	sadd.s32 $0x88, s3;
	s6 =	simm.s32 @!p1 $0x1082;
	[sflag:s4] =	ssyncset.s32 $0xFFFFF086  }
0x25: {  	[simem:s6], [sflag:s4] =	dma.local [hbm:s3], $0xF7A  }
0x26: {  	[smem:$0x3F91] =	sst s1;
	(tag) =	ssettag s2;
	_ =	strace s9  }
0x27: {  	s1 =	sld [smem:$0x3FA1]  }
0x28: {  	s2 =	sld [smem:$0x3FA2]  }
0x29: {  	s4 =	sld [smem:$0x3FA4]  }
0x2a: {  	p0 =	seq.s32 s5, $0x0;
	s5 =	sld [smem:$0x3FA5]  }
0x2b: {  	s6 =	sld [smem:$0x3FA6]  }
0x2c: {  	s7 =	sld [smem:$0x3FA7]  }
0x2d: {  	s3 =	simm.s32 $0x108;
	s8 =	sld [smem:$0x3FA8]  }
0x2e: {  	s3 =	simm.s32 @!p0 $0x1082;
	s9 =	sld [smem:$0x3FA9]  }
0x2f: {  	lr =	sadd.s32 s0, s3;
	s0 =	sld [smem:$0x3FA0]  }
0x30: {  	s3 =	sld [smem:$0x3FA3]  }
0x31: {  	[smem:$0x3FAC] =	sst s10  }
0x32: {  	s10 =	sld [smem:$0x3FAA];
	_ =	sdelay $0x3  }
0x33: {  	p0 =	seq.s32 s10, $0x1;
	s10 =	sld [smem:$0x3FAC];
	_ =	sdelay $0x3  }
0x34: {  	[smem:$0x3FAC] =	sst s10  }
0x35: {  	s10 =	sld [smem:$0x3FAB];
	_ =	sdelay $0x3  }
0x36: {  	p1 =	seq.s32 s10, $0x1;
	s10 =	sld [smem:$0x3FAC];
	_ =	sdelay $0x3  }
0x37: {  	[smem:$0x3FAC] =	sst s10  }
0x38: {  	s10 =	sld [smem:$0x3FAD]  }
0x39: {  	_ = 	snop;
	(pc) =	sbr.ind lr, $3  }
0x3a: {  	_ = 	snop  }
0x3b: {  	_ = 	snop  }
0x3c: {  	p2 =	seq.s32 s10, $0x1;
	s10 =	sld [smem:$0x3FAC]  }
0x3d: {  	_ =	shalt  }
0x3e: {  	_ =	shalt  }
0x3f: {  	_ =	shalt  }
0x40: {  	_ =	shalt  }
0x41: {  	_ =	shalt  }
0x42: {  	_ =	shalt  }
0x43: {  	_ =	shalt  }
0x44: {  	_ =	shalt  }
0x45: {  	_ =	shalt  }
0x46: {  	_ =	shalt  }
0x47: {  	_ =	shalt  }
0x48: {  	_ =	shalt  }
0x49: {  	_ =	shalt  }
0x4a: {  	_ =	shalt  }
0x4b: {  	_ =	shalt  }
0x4c: {  	_ =	shalt  }
0x4d: {  	_ =	shalt  }
0x4e: {  	_ =	shalt  }
0x4f: {  	_ =	shalt  }
0x50: {  	_ =	shalt  }
0x51: {  	_ =	shalt  }
0x52: {  	_ =	shalt  }
0x53: {  	_ =	shalt  }
0x54: {  	_ =	shalt  }
0x55: {  	_ =	shalt  }
0x56: {  	_ =	shalt  }
0x57: {  	_ =	shalt  }
0x58: {  	_ =	shalt  }
0x59: {  	_ =	shalt  }
0x5a: {  	_ =	shalt  }
0x5b: {  	_ =	shalt  }
0x5c: {  	_ =	shalt  }
0x5d: {  	_ =	shalt  }
0x5e: {  	_ =	shalt  }
0x5f: {  	_ =	shalt  }
0x60: {  	_ =	shalt  }
0x61: {  	_ =	shalt  }
0x62: {  	_ =	shalt  }
0x63: {  	_ =	shalt  }
0x64: {  	_ =	shalt  }
0x65: {  	_ =	shalt  }
0x66: {  	_ =	shalt  }
0x67: {  	_ =	shalt  }
0x68: {  	_ =	shalt  }
0x69: {  	_ =	shalt  }
0x6a: {  	_ =	shalt  }
0x6b: {  	_ =	shalt  }
0x6c: {  	_ =	shalt  }
0x6d: {  	_ =	shalt  }
0x6e: {  	_ =	shalt  }
0x6f: {  	_ =	shalt  }
0x70: {  	_ =	shalt  }
0x71: {  	_ =	shalt  }
0x72: {  	_ =	shalt  }
0x73: {  	_ =	shalt  }
0x74: {  	_ =	shalt  }
0x75: {  	_ =	shalt  }
0x76: {  	_ =	shalt  }
0x77: {  	_ =	shalt  }
0x78: {  	_ =	shalt  }
0x79: {  	_ =	shalt  }
0x7a: {  	_ =	shalt  }
0x7b: {  	_ =	shalt  }
0x7c: {  	_ =	shalt  }
0x7d: {  	_ =	shalt  }
0x7e: {  	_ =	shalt  }
0x7f: {  	_ =	shalt  }
0x80: {  	_ =	shalt  }
0x81: {  	_ =	shalt  }
0x82: {  	_ =	shalt  }
0x83: {  	_ =	shalt  }
0x84: {  	_ =	shalt  }
0x85: {  	_ =	shalt  }
0x86: {  	_ =	shalt  }
0x87: {  	_ =	shalt  }
.Lfunc_end0:
.L_simem_size_0:
called_computation.4_lowered:
.L_overlay_start_0:
0x88: {  	s2 =	sld [smem:$0x3FD9]  }
0x89: {  	s3 =	sld [smem:$0x3FFE];
	_ =	sdelay $0x1  }
0x8a: {  	s1 =	srdreg.scid  }
0x8b: {  	s0 =	sand.u32 $0x1, s1  }
0x8c: {  	s17 =	sshll.u32 s0, $0xA;
	s2 =	sadd.s32 s3, s2  }
0x8d: {  	s2 =	sadd.s32 s2, s17  }
0x8e: {  	[smem:$0x3FB8] =	sst s2  }
0x8f: {  	_ = 	snop  }
0x90: {  	s18 =	sld [smem:$0x3FD0];
	(tm) =	ssettm $0x1  }
0x91: {  	s19 =	sld [smem:$0x3FFB];
	_ =	sdelay $0x3  }
0x92: {  	_ =	strace s19  }
0x93: {  	s2 =	sld [smem:$0x3FFC];
	_ =	sdelay $0x3  }
0x94: {  	_ =	strace s2  }
0x95: {  	s2 =	sld [smem:$0x3FFD];
	_ =	sdelay $0x3  }
0x96: {  	_ =	strace s2  }
0x97: {  	_ =	strace $0x8FFFFFFF  }
0x98: {  	s20 =	sld [smem:$0x3FDB];
	_ =	sdelay $0x1  }
0x99: {  	s4 =	simm.s32 $_scs_section_size  }
0x9a: {  	s5 =	simm.s32 $_size__tile_overlayer_lowered;
	s6 =	simm.s32 $_tile_overlayer_lowered  }
0x9b: {  	s7 =	simm.s32 $0x1BFF;
	s21 =	sshll.u32 s6, $0x1;
	s4 =	sadd.s32 s4, s20  }
0x9c: {  	s22 =	simm.s32 $0x0;
	s5 =	sshll.u32 s5, $0x1;
	s6 =	sadd.s32 s21, s4  }
0x9d: {  	[timem:s22], [sflag:s7] =	dma.local [hbm:s6], s5  }
0x9e: {  	_ =	swait.ge [sflag:s7], s5  }
0x9f: {  	s5 =	ssub.s32 $0x0, s5;
	[sflag:s7] =	ssyncset.done $0x0  }
0xa0: {  	[sflag:s7] =	ssyncadd.s32 s5;
	_ =	sdelay $0x1  }
0xa1: {  	s23 =	simm.s32 $0x1B8B  }
0xa2: {  	_ =	swait.ge [sflag:s23], $0x1  }
0xa3: {  	[sflag:s23] =	ssyncset.done $0x0  }
0xa4: {  	[sflag:s23] =	ssyncadd.s32 $0xFFFFFFFF  }
0xa5: {  	s5 =	sld [smem:$0x0]  }
0xa6: {  	s6 =	sand.u32 $0xFFFFFFFE, s1  }
0xa7: {  	p0 =	sne.s32 s1, s6  }
0xa8: {  	s6 =	sshll.u32 @p0 s6, $0xE  }
0xa9: {  	s6 =	sadd.s32 @p0 $0x11B8D, s6;
	s7 =	sshll.u32 @p0 s5, $0x11  }
0xaa: {  	s6 =	sor.u32 @p0 s7, s6  }
0xab: {  	[sflag:s6] =	ssyncadd.remote.s32 @p0 $0x1;
	_ =	sdelay $0x1  }
0xac: {  	s6 =	simm.s32 @p0 $0x1B8D  }
0xad: {  	_ =	swait.eq @p0 [sflag:s6], $0x1  }
0xae: {  	[sflag:s6] =	ssyncadd.s32 @p0 $0xFFFFFFFF  }
0xaf: {  	s7 =	sshll.u32 @!p0 s1, $0xE  }
0xb0: {  	s7 =	sor.u32 @!p0 $0x4000, s7;
	s6 =	simm.s32 @!p0 $0x1B8D  }
0xb1: {  	s5 =	sshll.u32 @!p0 s5, $0x11;
	s7 =	sadd.s32 @!p0 $0x11B8D, s7;
	_ =	swait.eq @!p0 [sflag:s6], $0x1  }
0xb2: {  	s5 =	sor.u32 @!p0 s5, s7;
	[sflag:s6] =	ssyncadd.s32 @!p0 $0xFFFFFFFF  }
0xb3: {  	s25 =	simm.s32 $0x1B8E;
	s24 =	sld [smem:$0x3FFE];
	[sflag:s5] =	ssyncadd.remote.s32 @!p0 $0x1  }
0xb4: {  	s26 =	simm.s32 $execute0_lowered;
	[smem:$0x3FD2] =	sst s25  }
0xb5: {  	s6 =	sshll.u32 s26, $0x1;
	_ =	strace $0x80000052;
	[dreg:$0x1] =	wrdreg $0xFFFFFFFF  }
0xb6: {  	s28 =	simm.s32 $_size_execute0_lowered;
	s4 =	sadd.s32 s4, s6;
	[dreg:$0x0] =	wrdreg $0x0  }
0xb7: {  	s6 =	sshll.u32 s28, $0x1;
	[dreg:$0x2] =	wrdreg s4  }
0xb8: {  	[dreg:$0x3] =	wrdreg s6  }
0xb9: {  	[dreg:$0x4] =	wrdreg $0xC0  }
0xba: {  	_ =	task [dreg:s22], $0x5FFFF  }
0xbb: {  	[dreg:$0x1] =	wrdreg $0xFFFFFFFF  }
0xbc: {  	[dreg:$0x0] =	wrdreg $0x60  }
0xbd: {  	[dreg:$0x2] =	wrdreg s24  }
0xbe: {  	[dreg:$0x3] =	wrdreg s18  }
0xbf: {  	[dreg:$0x4] =	wrdreg $0x5C000  }
0xc0: {  	[dreg:$0x5] =	wrdreg $0xA  }
0xc1: {  	_ =	task.clear_ibuf [dreg:s22], $0x6FFFF;
	_ =	strace $0x90000052  }
0xc2: {  	s29 =	simm.s32 $0xA;
	_ =	strace $0x80000054  }
0xc3: {  	_ =	swait.ge [sflag:s29], $0x1  }
0xc4: {  	[sflag:s29] =	ssyncadd.s32 $0xFFFFFFFF  }
0xc5: {  	_ =	strace $0x90000054  }
0xc6: {  	_ =	sfence  }
0xc7: {  	s30 =	sld [smem:$0x0];
	_ =	sdelay $0x2  }
0xc8: {  	s31 =	sshll.u32 s1, $0xD;
	s1 =	sshrl.u32 s1, $0x2  }
0xc9: {  	s4 =	sand.u32 $0x4000, s31;
	s1 =	sadd.s32 s1, s30  }
0xca: {  	s0 =	sor.u32 s4, s0;
	s1 =	sshll.u32 s1, $0x11  }
0xcb: {  	s0 =	sor.u32 s1, s0  }
0xcc: {  	s0 =	sadd.s32 $0x8F2B, s0  }
0xcd: {  	[sflag:s0] =	ssyncadd.remote.s32 $0x1  }
0xce: {  	_ =	sfence.sel $0xFFFF  }
0xcf: {  	[dreg:$0x0] =	wrdreg $0xFFFFFFFF;
	(pc) =	sbr.abs _section_cstart, $3  }
0xd0: {  	[dreg:$0x1] =	wrdreg $0xFFFFFFFF  }
0xd1: {  	_ =	task.clear_ibuf [dreg:s22], $0x2FFFF;
	_ =	strace $0x9FFFFFFF  }
0xd2: {  	(tm) =	ssettm $0x7FFFFFFF  }
0xd3: {  	_ =	shalt  }
tec
execute0_lowered:
.L_overlay_start_1:
0x0: {  	(tag) =	ssettag $0x1  }
0x1: {  	s0 =	rddreg [dreg:$0x0]  }
0x2: {  	s1 =	rddreg [dreg:$0x1]  }
0x3: {  	s2 =	rddreg [dreg:$0x2]  }
0x4: {  	s4 =	simm.s32 $0x0;
	s19 =	stileid.u32;
	s8 =	srdreg.scid  }
0x5: {  	s22 =	simm.s32 $0x3;
	s28 =	simm.s32 $0x80;
	s29 =	simm.s32 $0x180  }
0x6: {  	s30 =	simm.s32 $0x700;
	s31 =	simm.s32 $0x3400;
	s3 =	smul.u32 $0x2780, s19  }
0x7: {  	[smem:$0x7FF] =	sst s4;
	s5 =	sadd.s32 $0x65EE00, s0;
	s10 =	smul.u32 $0x4F000, s19  }
0x8: {  	s6 =	sadd.s32 $0x2FA00, s0;
	s7 =	sadd.s32 $0x7800, s0;
	s13 =	smul.u32 $0x4E20, s19  }
0x9: {  	s9 =	sand.u32 $0x1, s8;
	s11 =	sadd.s32 $0x6A600, s0;
	s14 =	smul.u32 $0x9C40, s19  }
0xa: {  	s16 =	smul.u32 $0x27800, s19;
	p0 =	seq.s32 s19, $0xF;
	_ =	strace $0x80000053  }
0xb: {  	s8 =	ssub.s32 $0x2, s9;
	s25 =	sshll.u32 s9, $0xA;
	s3 =	sadd.s32 s3, s0  }
0xc: {  	s12 =	sshrl.u32 s8, $0x1;
	s10 =	sshrl.u32 s10, $0x2;
	s0 =	sadd.s32 $0xDD880, s0  }
0xd: {  	s15 =	sshrl.u32 s13, $0x3;
	s14 =	sadd.s32 s1, s14;
	s12 =	ssub.s32 s8, s12  }
0xe: {  	s8 =	smul.u32 $0x4E200, s9;
	s10 =	sadd.s32 s10, s2;
	[dreg:$0x5] =	wrdreg s0  }
0xf: {  	s3 =	sadd.s32 $0xB8800, s3;
	s24 =	sadd.s32 s7, s15;
	[dreg:$0x8] =	wrdreg s14  }
0x10: {  	s14 =	sadd.s32 $0x50, s13;
	s15 =	sadd.s32 $0xA0, s13;
	s9 =	sshll.u32 s9, $0x7  }
0x11: {  	[dreg:$0x4] =	wrdreg s3;
	s3 =	sadd.s32 $0x128400, s2;
	s23 =	sadd.s32 s13, s8  }
0x12: {  	[dreg:$0x7] =	wrdreg s24;
	s26 =	sadd.s32 s9, s11;
	s0 =	sshrl.u32 s23, $0x3  }
0x13: {  	s18 =	smax.u32 s12, $0x1;
	s21 =	sshrl.u32 @!p0 s10, $0x3;
	s0 =	sadd.s32 s6, s0  }
0x14: {  	s24 =	simm.s32 $0x0;
	[dreg:$0x6] =	wrdreg s0;
	s0 =	sor.u32 s25, s16  }
0x15: {  	s17 =	sadd.s32 $0x4A100, s26;
	s26 =	simm.s32 $0xC00;
	s0 =	sshrl.u32 s0, $0x3  }
0x16: {  	s23 =	simm.s32 $0x100;
	s25 =	simm.s32 $0x50;
	s0 =	sadd.s32 s11, s0  }
0x17: {  	[dreg:$0x9] =	wrdreg s0;
	s0 =	sshll.u32 @!p0 s19, $0x6;
	s19 =	sshrl.u32 @p0 s3, $0x3  }
0x18: {  	s3 =	simm.s32 $0x2;
	s20 =	sor.u32 @!p0 $0x1C03, s0;
	s0 =	simm.s32 $0x1  }
.LBB2_1:
0x19: {  	s9 =	simm.s32 @p0 $0x1FC3;
	s10 =	rddreg [dreg:$0x5]  }
0x1a: {  	[spmem:s19], [sflag:s9] =	dma.local @p0 [hbm:s10], $0x2080  }
0x1b: {  	s9 =	simm.s32 @p0 $0x3  }
0x1c: {  	_ =	swait.ge @p0 [sflag:s9], $0x2080  }
0x1d: {  	[sflag:s9] =	ssyncset.done @p0 $0x0  }
0x1e: {  	[sflag:s9] =	ssyncadd.s32 @p0 $0xFFFFDF80;
	s9 =	rddreg [dreg:$0x4]  }
0x1f: {  	[spmem:s21], [sflag:s20] =	dma.local @!p0 [hbm:s9], $0x2780  }
0x20: {  	s9 =	simm.s32 @!p0 $0x3  }
0x21: {  	_ =	swait.ge @!p0 [sflag:s9], $0x2780  }
0x22: {  	[sflag:s9] =	ssyncset.done @!p0 $0x0  }
0x23: {  	[sflag:s9] =	ssyncadd.s32 @!p0 $0xFFFFD880  }
0x24: {  	[bflag:$0x0] =	sbarrier.arrive $0xFFFF  }
0x25: {  	s11 =	rddreg [dreg:$0x6]  }
0x26: {  	[tilespmem:s4], [sflag:$0x3] =	stream.linear.gather [hbm4b:s11+s4], $0x50, $0x38;
	[tilespmem:$0x19480] =	vst v63  }
0x27: {  	_ =	swait.ge [sflag:s22], $0x50  }
0x28: {  	[sflag:s22] =	ssyncset.done $0x0  }
0x29: {  	s12 =	rddreg [dreg:$0x7];
	[sflag:s22] =	ssyncadd.s32 $0xFFFFFFB0  }
0x2a: {  	[tilespmem:s23], [sflag:$0x3] =	stream.linear.gather [hbm4b:s12+s4], $0x50, $0x38;
	[tilespmem:$0x19480] =	vst v63  }
0x2b: {  	_ =	swait.ge [sflag:s22], $0x50  }
0x2c: {  	[sflag:s22] =	ssyncset.done $0x0  }
0x2d: {  	s16 =	simm.s32 $0x200;
	s13 =	rddreg [dreg:$0x8];
	[sflag:s22] =	ssyncadd.s32 $0xFFFFFFB0  }
0x2e: {  	[tilespmem:s16], [sflag:$0x3] =	stream.linear.gather [hbm4b:s13+s4], $0x500, $0x38;
	[tilespmem:$0x19480] =	vst v63  }
0x2f: {  	_ =	swait.ge [sflag:s22], $0x500  }
0x30: {  	[sflag:s22] =	ssyncset.done $0x0  }
0x31: {  	s9 =	simm.s32 $0x0;
	[sflag:s22] =	ssyncadd.s32 $0xFFFFFB00  }
0x32: {  	[tilespmem:s26], [sflag:$0x1] =	stream.indirect.gather [hbm4b:s5+s25], $0x80, s4, s25, $0xb8;
	[tilespmem:$0x19480] =	vst v63  }
.LBB2_2:
0x33: {  	s10 =	smul.u32 $0xA0, s9;
	_ =	sdelay $0x1  }
0x34: {  	s11 =	sadd.s32 s10, s14  }
0x35: {  	s12 =	sadd.s32 s8, s11  }
0x36: {  	s12 =	sshrl.u32 s12, $0x3  }
0x37: {  	s13 =	simm.s32 $0x0;
	s12 =	sadd.s32 s6, s12  }
0x38: {  	[tilespmem:s28], [sflag:$0x3] =	stream.linear.gather [hbm4b:s12+s13], $0x50, $0x38;
	[tilespmem:$0x19480] =	vst v63  }
0x39: {  	_ =	swait.ge [sflag:s22], $0x50  }
0x3a: {  	s16 =	sshrl.u32 s11, $0x3;
	[sflag:s22] =	ssyncset.done $0x0  }
0x3b: {  	s12 =	sadd.s32 s7, s16;
	[sflag:s22] =	ssyncadd.s32 $0xFFFFFFB0  }
0x3c: {  	[tilespmem:s29], [sflag:$0x3] =	stream.linear.gather [hbm4b:s12+s13], $0x50, $0x38;
	[tilespmem:$0x19480] =	vst v63  }
0x3d: {  	_ =	swait.ge [sflag:s22], $0x50  }
0x3e: {  	s11 =	sshll.u32 s11, $0x1;
	[sflag:s22] =	ssyncset.done $0x0  }
0x3f: {  	s11 =	sadd.s32 s1, s11;
	[sflag:s22] =	ssyncadd.s32 $0xFFFFFFB0  }
0x40: {  	[tilespmem:s30], [sflag:$0x3] =	stream.linear.gather [hbm4b:s11+s13], $0x500, $0x38;
	[tilespmem:$0x19480] =	vst v63  }
0x41: {  	_ =	swait.ge [sflag:s22], $0x500  }
0x42: {  	[sflag:s22] =	ssyncset.done $0x0  }
0x43: {  	[sflag:s22] =	ssyncadd.s32 $0xFFFFFB00  }
0x44: {  	[tilespmem:s31], [sflag:$0x2] =	stream.indirect.gather [hbm4b:s5+s25], $0x80, s28, s25, $0xb8;
	[tilespmem:$0x19480] =	vst v63  }
0x45: {  	_ =	swait.ge [sflag:s0], $0x2800  }
0x46: {  	[sflag:s0] =	ssyncset.done $0x0  }
0x47: {  	s11 =	simm.s32 $0xC40;
	[sflag:s0] =	ssyncadd.s32 $0xFFFFD800  }
0x48: {  	v4 =	vld [tilespmem:s11+$0x30]  }
0x49: {  	v7 =	vld [tilespmem:s11+$0x10]  }
0x4a: {  	s16 =	simm.s32 $0x0;
	v5 =	vld [tilespmem:s11+$0xFFFFFFC0]  }
0x4b: {  	v1 =	vld [tilespmem:s16+$0x200]  }
0x4c: {  	v9 =	vld [tilespmem:s11+$0xFFFFFFE0]  }
0x4d: {  	v0 =	vld [tilespmem:s11+$0xFFFFFFF0]  }
0x4e: {  	v2 =	vld [tilespmem:s11+$0x20]  }
0x4f: {  	v3 =	vld [tilespmem:s11+$0xFFFFFFD0]  }
0x50: {  	v8 =	vmul.f32 v4, v1;
	v4 =	vld [tilespmem:s11+$0x0]  }
0x51: {  	v6 =	vmul.f32 v5, v1  }
0x52: {  	s12 =	simm.s32 $0x40;
	s13 =	simm.s32 $0xC40;
	v5 =	vmul.f32 v9, v1;
	v7 =	vmul.f32 v7, v1  }
.LBB2_3:
0x53: {  	p1 =	sne.s32 s12, $0x13C0  }
0x54: {  	v3 =	vmul.f32 v3, v1;
	v2 =	vmul.f32 v2, v1;
	[tilespmem:s11+$0x30] =	vst v8;
	s13 =	sadd.s32 $0x80, s13;
	s16 =	smov.u32 s12;
	s12 =	sadd.s32 $0x40, s12  }
0x55: {  	[tilespmem:s11+$0xFFFFFFC0] =	vst v6;
	v6 =	vmul.f32 v0, v1;
	v1 =	vmul.f32 v4, v1  }
0x56: {  	[tilespmem:s11+$0x10] =	vst v7  }
0x57: {  	v0 =	vld [tilespmem:s13+$0xFFFFFFF0];
	[tilespmem:s11+$0xFFFFFFE0] =	vst v5  }
0x58: {  	v5 =	vld [tilespmem:s13+$0x30];
	[tilespmem:s11+$0xFFFFFFF0] =	vst v6  }
0x59: {  	v7 =	vld [tilespmem:s13+$0x10];
	[tilespmem:s11+$0x0] =	vst v1  }
0x5a: {  	v6 =	vld [tilespmem:s13+$0xFFFFFFC0];
	[tilespmem:s11+$0x20] =	vst v2  }
0x5b: {  	s16 =	sshra.s32 s16, $0x2;
	v9 =	vld [tilespmem:s13+$0xFFFFFFE0];
	[tilespmem:s11+$0xFFFFFFD0] =	vst v3;
	s11 =	smov.u32 s13  }
0x5c: {  	v1 =	vld [tilespmem:s16+$0x200]  }
0x5d: {  	v2 =	vld [tilespmem:s13+$0x20]  }
.Ltmp0:
0x5e: {  	v3 =	vld [tilespmem:s13+$0xFFFFFFD0];
	(pc) =	sbr.rel @p1 .LBB2_3-.Ltmp0, $3  }
0x5f: {  	v4 =	vld [tilespmem:s13+$0x0];
	_ =	sdelay $0x1  }
0x60: {  	v6 =	vmul.f32 v6, v1;
	v8 =	vmul.f32 v5, v1  }
0x61: {  	v5 =	vmul.f32 v9, v1;
	v7 =	vmul.f32 v7, v1  }
0x62: {  	[tilespmem:s11+$0x30] =	vst v8  }
0x63: {  	[tilespmem:s11+$0xFFFFFFC0] =	vst v6  }
0x64: {  	v0 =	vmul.f32 v0, v1;
	[tilespmem:s11+$0x10] =	vst v7  }
0x65: {  	v2 =	vmul.f32 v2, v1;
	[tilespmem:s11+$0xFFFFFFE0] =	vst v5  }
0x66: {  	v4 =	vmul.f32 v4, v1;
	[tilespmem:s11+$0xFFFFFFF0] =	vst v0  }
0x67: {  	v0 =	vmul.f32 v3, v1;
	[tilespmem:s11+$0x20] =	vst v2  }
0x68: {  	p1 =	seq.s32 s9, $0x7C;
	[tilespmem:s11+$0x0] =	vst v4  }
0x69: {  	s10 =	sadd.s32 @!p1 s10, s15;
	[tilespmem:s11+$0xFFFFFFD0] =	vst v0  }
0x6a: {  	[spmem:s2] =	stream.indirect.scatter.add.f32 [tilespmem:s26], [sflag:$0x3], $0x80, s23, s25, $0xb8;
	[tilespmem:$0x19480] =	vst v63  }
0x6b: {  	s11 =	sadd.s32 @!p1 s8, s10;
	_ =	swait.ge [sflag:s22], $0x2800  }
0x6c: {  	s11 =	sshrl.u32 @!p1 s11, $0x3;
	[sflag:s22] =	ssyncset.done $0x0  }
0x6d: {  	s12 =	simm.s32 @!p1 $0x0;
	s11 =	sadd.s32 @!p1 s6, s11;
	[sflag:s22] =	ssyncadd.s32 $0xFFFFD800  }
0x6e: {  	[tilespmem:s12], [sflag:$0x3] =	stream.linear.gather @!p1 [hbm4b:s11+s12], $0x50, $0x38;
	[tilespmem:$0x19480] =	vst v63  }
0x6f: {  	s11 =	simm.s32 @!p1 $0x3  }
0x70: {  	_ =	swait.ge @!p1 [sflag:s11], $0x50  }
0x71: {  	s13 =	sshrl.u32 @!p1 s10, $0x3;
	[sflag:s11] =	ssyncset.done @!p1 $0x0  }
0x72: {  	s16 =	simm.s32 @!p1 $0x100;
	s13 =	sadd.s32 @!p1 s7, s13;
	[sflag:s11] =	ssyncadd.s32 @!p1 $0xFFFFFFB0  }
0x73: {  	[tilespmem:s16], [sflag:$0x3] =	stream.linear.gather @!p1 [hbm4b:s13+s12], $0x50, $0x38;
	[tilespmem:$0x19480] =	vst v63  }
0x74: {  	_ =	swait.ge @!p1 [sflag:s11], $0x50  }
0x75: {  	s10 =	sshll.u32 @!p1 s10, $0x1;
	[sflag:s11] =	ssyncset.done @!p1 $0x0  }
0x76: {  	s10 =	sadd.s32 @!p1 s1, s10;
	s13 =	simm.s32 @!p1 $0x200;
	[sflag:s11] =	ssyncadd.s32 @!p1 $0xFFFFFFB0  }
0x77: {  	[tilespmem:s13], [sflag:$0x3] =	stream.linear.gather @!p1 [hbm4b:s10+s12], $0x500, $0x38;
	[tilespmem:$0x19480] =	vst v63  }
0x78: {  	_ =	swait.ge @!p1 [sflag:s11], $0x500  }
0x79: {  	[sflag:s11] =	ssyncset.done @!p1 $0x0  }
0x7a: {  	s10 =	simm.s32 @!p1 $0x50;
	[sflag:s11] =	ssyncadd.s32 @!p1 $0xFFFFFB00;
	s11 =	simm.s32 @!p1 $0xC00  }
0x7b: {  	[tilespmem:s11], [sflag:$0x1] =	stream.indirect.gather @!p1 [hbm4b:s5+s10], $0x80, s12, s10, $0xb8;
	[tilespmem:$0x19480] =	vst v63  }
0x7c: {  	_ =	swait.ge [sflag:s3], $0x2800  }
0x7d: {  	[sflag:s3] =	ssyncset.done $0x0  }
0x7e: {  	s10 =	simm.s32 $0x3440;
	[sflag:s3] =	ssyncadd.s32 $0xFFFFD800  }
0x7f: {  	v4 =	vld [tilespmem:s10+$0x30]  }
0x80: {  	v7 =	vld [tilespmem:s10+$0x10]  }
0x81: {  	s16 =	simm.s32 $0x0;
	v5 =	vld [tilespmem:s10+$0xFFFFFFC0]  }
0x82: {  	v1 =	vld [tilespmem:s16+$0x700]  }
0x83: {  	v9 =	vld [tilespmem:s10+$0xFFFFFFE0]  }
0x84: {  	v0 =	vld [tilespmem:s10+$0xFFFFFFF0]  }
0x85: {  	v2 =	vld [tilespmem:s10+$0x20]  }
0x86: {  	v3 =	vld [tilespmem:s10+$0xFFFFFFD0]  }
0x87: {  	v8 =	vmul.f32 v4, v1;
	v4 =	vld [tilespmem:s10+$0x0]  }
0x88: {  	v6 =	vmul.f32 v5, v1  }
0x89: {  	s11 =	simm.s32 $0x40;
	s12 =	simm.s32 $0x3440;
	v5 =	vmul.f32 v9, v1;
	v7 =	vmul.f32 v7, v1  }
.LBB2_5:
0x8a: {  	p1 =	sne.s32 s11, $0x13C0  }
0x8b: {  	v3 =	vmul.f32 v3, v1;
	v2 =	vmul.f32 v2, v1;
	[tilespmem:s10+$0x30] =	vst v8;
	s12 =	sadd.s32 $0x80, s12;
	s13 =	smov.u32 s11;
	s11 =	sadd.s32 $0x40, s11  }
0x8c: {  	[tilespmem:s10+$0xFFFFFFC0] =	vst v6;
	v6 =	vmul.f32 v0, v1;
	v1 =	vmul.f32 v4, v1  }
0x8d: {  	[tilespmem:s10+$0x10] =	vst v7  }
0x8e: {  	v0 =	vld [tilespmem:s12+$0xFFFFFFF0];
	[tilespmem:s10+$0xFFFFFFE0] =	vst v5  }
0x8f: {  	v5 =	vld [tilespmem:s12+$0x30];
	[tilespmem:s10+$0xFFFFFFF0] =	vst v6  }
0x90: {  	v7 =	vld [tilespmem:s12+$0x10];
	[tilespmem:s10+$0x0] =	vst v1  }
0x91: {  	v6 =	vld [tilespmem:s12+$0xFFFFFFC0];
	[tilespmem:s10+$0x20] =	vst v2  }
0x92: {  	s13 =	sshra.s32 s13, $0x2;
	v9 =	vld [tilespmem:s12+$0xFFFFFFE0];
	[tilespmem:s10+$0xFFFFFFD0] =	vst v3;
	s10 =	smov.u32 s12  }
0x93: {  	v1 =	vld [tilespmem:s13+$0x700]  }
0x94: {  	v2 =	vld [tilespmem:s12+$0x20]  }
.Ltmp1:
0x95: {  	v3 =	vld [tilespmem:s12+$0xFFFFFFD0];
	(pc) =	sbr.rel @p1 .LBB2_5-.Ltmp1, $3  }
0x96: {  	v4 =	vld [tilespmem:s12+$0x0];
	_ =	sdelay $0x1  }
0x97: {  	v6 =	vmul.f32 v6, v1;
	v8 =	vmul.f32 v5, v1  }
0x98: {  	v5 =	vmul.f32 v9, v1;
	v7 =	vmul.f32 v7, v1  }
0x99: {  	[tilespmem:s10+$0x30] =	vst v8  }
0x9a: {  	[tilespmem:s10+$0xFFFFFFC0] =	vst v6  }
0x9b: {  	v0 =	vmul.f32 v0, v1;
	[tilespmem:s10+$0x10] =	vst v7  }
0x9c: {  	v2 =	vmul.f32 v2, v1;
	[tilespmem:s10+$0xFFFFFFE0] =	vst v5  }
0x9d: {  	v63 =	vmul.f32 v3, v1;
	[tilespmem:s10+$0xFFFFFFF0] =	vst v0  }
0x9e: {  	s9 =	sadd.s32 $0x1, s9;
	v4 =	vmul.f32 v4, v1;
	[tilespmem:s10+$0x20] =	vst v2  }
0x9f: {  	p1 =	sne.s32 s9, $0x7D;
	[tilespmem:s10+$0xFFFFFFD0] =	vst v63  }
.Ltmp2:
0xa0: {  	[tilespmem:s10+$0x0] =	vst v4;
	(pc) =	sbr.rel @p1 .LBB2_2-.Ltmp2, $4  }
0xa1: {  	[spmem:s2] =	stream.indirect.scatter.add.f32 [tilespmem:s31], [sflag:$0x3], $0x80, s29, s25, $0xb8;
	[tilespmem:$0x19480] =	vst v63  }
0xa2: {  	_ =	swait.ge [sflag:s22], $0x2800  }
0xa3: {  	[sflag:s22] =	ssyncset.done $0x0  }
0xa4: {  	[sflag:s22] =	ssyncadd.s32 $0xFFFFD800  }
0xa5: {  	[bflag:$0x0] =	sbarrier.arrive $0xFFFF;
	s9 =	simm.s32 @p0 $0x8  }
0xa6: {  	s10 =	simm.s32 @p0 $0x100;
	s11 =	simm.s32 @p0 $0x80;
	s12 =	simm.s32 @p0 $0x1FC3  }
0xa7: {  	[hbm:s17@s10], [sflag:s12] =	dma.strided @p0 [spmem:s19@s11], $0x2080, s9, $0x10   }
0xa8: {  	s9 =	simm.s32 @p0 $0x3  }
0xa9: {  	s24 =	sadd.s32 $0x1, s24;
	s10 =	simm.s32 @!p0 $0x100;
	_ =	swait.ge @p0 [sflag:s9], $0x2080  }
0xaa: {  	s11 =	simm.s32 @!p0 $0x80;
	p1 =	sne.s32 s24, s18;
	[sflag:s9] =	ssyncset.done @p0 $0x0  }
0xab: {  	s12 =	rddreg [dreg:$0x9];
	[sflag:s9] =	ssyncadd.s32 @p0 $0xFFFFDF80;
	s9 =	simm.s32 @!p0 $0x8  }
0xac: {  	[hbm:s12@s10], [sflag:s20] =	dma.strided @!p0 [spmem:s21@s11], $0x2780, s9, $0x10   }
.Ltmp3:
0xad: {  	_ = 	snop;
	(pc) =	sbr.rel @p1 .LBB2_1-.Ltmp3, $4  }
0xae: {  	s9 =	simm.s32 @!p0 $0x3  }
0xaf: {  	_ =	swait.ge @!p0 [sflag:s9], $0x2780  }
0xb0: {  	[sflag:s9] =	ssyncset.done @!p0 $0x0  }
0xb1: {  	[sflag:s9] =	ssyncadd.s32 @!p0 $0xFFFFD880  }
0xb2: {  	_ =	sfence.sel $0x180000  }
0xb3: {  	[bflag:$0x0] =	sbarrier.arrive $0xFFFF  }
0xb4: {  	_ =	strace $0x90000053  }
0xb5: {  	s0 =	stileid.u32;
	[bflag:$0x2] =	sbarrier.arrive $0xFFFF  }
0xb6: {  	p0 =	sne.s32 s0, $0x0;
	s0 =	rddreg [dreg:$0x3]  }
0xb7: {  	s0 =	sadd.s32 @!p0 $0x100000, s0  }
0xb8: {  	[sflag:s0] =	ssyncadd.tile.s32 @!p0 $0x1;
	_ =	shalt  }
.Lfunc_end2:
_tile_overlayer_lowered:
.L_overlay_start_2:
0xb9: {  	(tag) =	ssettag $0x2  }
0xba: {  	s0 =	rddreg [dreg:$0x0];
	s2 =	stileid.u32  }
0xbb: {  	s1 =	rddreg [dreg:$0x1];
	p0 =	sne.s32 s2, $0x0  }
0xbc: {  	s3 =	rddreg [dreg:$0x2];
	[bflag:$0x3] =	sbarrier.arrive $0xFFFF;
	s2 =	simm.s32 @!p0 $0x1C03  }
0xbd: {  	[timem:s3], [sflag:s2] =	dma.local @!p0 [hbm:s0], s1  }
0xbe: {  	s0 =	simm.s32 @!p0 $0x3  }
0xbf: {  	_ =	swait.ge @!p0 [sflag:s0], s1  }
0xc0: {  	s1 =	ssub.s32 @!p0 $0x0, s1;
	[sflag:s0] =	ssyncset.done @!p0 $0x0  }
0xc1: {  	[sflag:s0] =	ssyncadd.s32 @!p0 s1  }
0xc2: {  	[bflag:$0x3] =	sbarrier.arrive $0xFFFF  }
0xc3: {  	_ =	shalt  }

// kernel: kernel.32.cloned.1.call-start
scs
__scs_entry_jumppad:
0x0: {  	(pc) =	sbr.rel $0x88, $3  }
0x1: {  	(tag) =	ssettag $0x0;
	lr =	simm.s32 $0x1  }
0x2: {  	[smem:$0x3F91] =	sst lr;
	_ =	strace $0xD0000000  }
0x3: {  	_ = 	snop  }
0x4: {  	_ = 	snop  }
0x5: {  	_ = 	snop  }
0x6: {  	_ = 	snop  }
0x7: {  	_ = 	snop  }
__scs_overlays_trampoline_lowered:
0x8: {  	[smem:$0x3FA0] =	sst s0  }
0x9: {  	[smem:$0x3FA1] =	sst s1  }
0xa: {  	[smem:$0x3FA2] =	sst s2  }
0xb: {  	[smem:$0x3FA3] =	sst s3  }
0xc: {  	[smem:$0x3FA4] =	sst s4  }
0xd: {  	[smem:$0x3FA5] =	sst s5  }
0xe: {  	[smem:$0x3FA6] =	sst s6  }
0xf: {  	[smem:$0x3FA7] =	sst s7  }
0x10: {  	[smem:$0x3FA8] =	sst s8  }
0x11: {  	[smem:$0x3FA9] =	sst s9;
	s0 =	simm.s32 @!p0 $0x0  }
0x12: {  	s1 =	sld [smem:$0x3F8F];
	s0 =	simm.s32 @p0 $0x1  }
0x13: {  	[smem:$0x3FAA] =	sst s0;
	s0 =	simm.s32 @!p1 $0x0  }
0x14: {  	s2 =	sld [smem:$0x3F8E];
	s0 =	simm.s32 @p1 $0x1  }
0x15: {  	[smem:$0x3FAB] =	sst s0;
	s0 =	simm.s32 @!p2 $0x0  }
0x16: {  	s3 =	sld [smem:$0x3FDB];
	s0 =	simm.s32 @p2 $0x1  }
0x17: {  	s4 =	simm.s32 $0x1BF5;
	[smem:$0x3FAD] =	sst s0  }
0x18: {  	s0 =	sld [smem:$0x3F90];
	_ =	swait.ge [sflag:s4], $0x0  }
0x19: {  	s7 =	sld [smem:$0x3F91]  }
0x1a: {  	s8 =	sadd.s32 $0xFFFFE003, lr  }
0x1b: {  	s9 =	sadd.s32 $0xFFFFFEF7, lr;
	s5 =	simm.s32 $0xFFFFFFFF;
	p2 =	slt.u32 s8, $0xFFFFF086  }
0x1c: {  	p1 =	slt.u32 s9, $0xF7A;
	s5 =	simm.s32 @!p2 $0x0  }
0x1d: {  	s5 =	simm.s32 @p1 $0x1;
	p0 =	seq.s32 s7, s2  }
0x1e: {  	s7 =	smul.u32 @!p0 $0xF7A, s2;
	p2 =	seq.s32 @!p0 s5, $0x0  }
0x1f: {  	s9 =	smul.u32 $0xF7A, s1;
	s8 =	simm.s32 @!p0 $0x1BF5;
	p2 =	por !p2, p0  }
0x20: {  	[sflag:s8] =	ssyncset.s32 @!p0 $0xFFFFF086;
	s6 =	sadd.s32 @!p0 s3, s7;
	s7 =	simm.s32 @!p0 $0x108  }
0x21: {  	s3 =	sadd.s32 s3, s9;
	s6 =	sadd.s32 @!p0 $0x88, s6;
	s7 =	simm.s32 @p2 $0x1082  }
0x22: {  	[simem:s7], [sflag:s8] =	dma.local @!p0 [hbm:s6], $0xF7A  }
0x23: {  	s9 =	sor.u32 $0xD0000000, s2;
	s6 =	simm.s32 $0x108;
	_ =	swait.ge @!p0 [sflag:s8], $0x0  }
0x24: {  	s3 =	sadd.s32 $0x88, s3;
	s6 =	simm.s32 @!p1 $0x1082;
	[sflag:s4] =	ssyncset.s32 $0xFFFFF086  }
0x25: {  	[simem:s6], [sflag:s4] =	dma.local [hbm:s3], $0xF7A  }
0x26: {  	[smem:$0x3F91] =	sst s1;
	(tag) =	ssettag s2;
	_ =	strace s9  }
0x27: {  	s1 =	sld [smem:$0x3FA1]  }
0x28: {  	s2 =	sld [smem:$0x3FA2]  }
0x29: {  	s4 =	sld [smem:$0x3FA4]  }
0x2a: {  	p0 =	seq.s32 s5, $0x0;
	s5 =	sld [smem:$0x3FA5]  }
0x2b: {  	s6 =	sld [smem:$0x3FA6]  }
0x2c: {  	s7 =	sld [smem:$0x3FA7]  }
0x2d: {  	s3 =	simm.s32 $0x108;
	s8 =	sld [smem:$0x3FA8]  }
0x2e: {  	s3 =	simm.s32 @!p0 $0x1082;
	s9 =	sld [smem:$0x3FA9]  }
0x2f: {  	lr =	sadd.s32 s0, s3;
	s0 =	sld [smem:$0x3FA0]  }
0x30: {  	s3 =	sld [smem:$0x3FA3]  }
0x31: {  	[smem:$0x3FAC] =	sst s10  }
0x32: {  	s10 =	sld [smem:$0x3FAA];
	_ =	sdelay $0x3  }
0x33: {  	p0 =	seq.s32 s10, $0x1;
	s10 =	sld [smem:$0x3FAC];
	_ =	sdelay $0x3  }
0x34: {  	[smem:$0x3FAC] =	sst s10  }
0x35: {  	s10 =	sld [smem:$0x3FAB];
	_ =	sdelay $0x3  }
0x36: {  	p1 =	seq.s32 s10, $0x1;
	s10 =	sld [smem:$0x3FAC];
	_ =	sdelay $0x3  }
0x37: {  	[smem:$0x3FAC] =	sst s10  }
0x38: {  	s10 =	sld [smem:$0x3FAD]  }
0x39: {  	_ = 	snop;
	(pc) =	sbr.ind lr, $3  }
0x3a: {  	_ = 	snop  }
0x3b: {  	_ = 	snop  }
0x3c: {  	p2 =	seq.s32 s10, $0x1;
	s10 =	sld [smem:$0x3FAC]  }
0x3d: {  	_ =	shalt  }
0x3e: {  	_ =	shalt  }
0x3f: {  	_ =	shalt  }
0x40: {  	_ =	shalt  }
0x41: {  	_ =	shalt  }
0x42: {  	_ =	shalt  }
0x43: {  	_ =	shalt  }
0x44: {  	_ =	shalt  }
0x45: {  	_ =	shalt  }
0x46: {  	_ =	shalt  }
0x47: {  	_ =	shalt  }
0x48: {  	_ =	shalt  }
0x49: {  	_ =	shalt  }
0x4a: {  	_ =	shalt  }
0x4b: {  	_ =	shalt  }
0x4c: {  	_ =	shalt  }
0x4d: {  	_ =	shalt  }
0x4e: {  	_ =	shalt  }
0x4f: {  	_ =	shalt  }
0x50: {  	_ =	shalt  }
0x51: {  	_ =	shalt  }
0x52: {  	_ =	shalt  }
0x53: {  	_ =	shalt  }
0x54: {  	_ =	shalt  }
0x55: {  	_ =	shalt  }
0x56: {  	_ =	shalt  }
0x57: {  	_ =	shalt  }
0x58: {  	_ =	shalt  }
0x59: {  	_ =	shalt  }
0x5a: {  	_ =	shalt  }
0x5b: {  	_ =	shalt  }
0x5c: {  	_ =	shalt  }
0x5d: {  	_ =	shalt  }
0x5e: {  	_ =	shalt  }
0x5f: {  	_ =	shalt  }
0x60: {  	_ =	shalt  }
0x61: {  	_ =	shalt  }
0x62: {  	_ =	shalt  }
0x63: {  	_ =	shalt  }
0x64: {  	_ =	shalt  }
0x65: {  	_ =	shalt  }
0x66: {  	_ =	shalt  }
0x67: {  	_ =	shalt  }
0x68: {  	_ =	shalt  }
0x69: {  	_ =	shalt  }
0x6a: {  	_ =	shalt  }
0x6b: {  	_ =	shalt  }
0x6c: {  	_ =	shalt  }
0x6d: {  	_ =	shalt  }
0x6e: {  	_ =	shalt  }
0x6f: {  	_ =	shalt  }
0x70: {  	_ =	shalt  }
0x71: {  	_ =	shalt  }
0x72: {  	_ =	shalt  }
0x73: {  	_ =	shalt  }
0x74: {  	_ =	shalt  }
0x75: {  	_ =	shalt  }
0x76: {  	_ =	shalt  }
0x77: {  	_ =	shalt  }
0x78: {  	_ =	shalt  }
0x79: {  	_ =	shalt  }
0x7a: {  	_ =	shalt  }
0x7b: {  	_ =	shalt  }
0x7c: {  	_ =	shalt  }
0x7d: {  	_ =	shalt  }
0x7e: {  	_ =	shalt  }
0x7f: {  	_ =	shalt  }
0x80: {  	_ =	shalt  }
0x81: {  	_ =	shalt  }
0x82: {  	_ =	shalt  }
0x83: {  	_ =	shalt  }
0x84: {  	_ =	shalt  }
0x85: {  	_ =	shalt  }
0x86: {  	_ =	shalt  }
0x87: {  	_ =	shalt  }
.Lfunc_end0:
.L_simem_size_0:
called_computation.5_lowered:
.L_overlay_start_0:
0x88: {  	s2 =	sld [smem:$0x3FD9]  }
0x89: {  	s3 =	sld [smem:$0x3FFE];
	_ =	sdelay $0x1  }
0x8a: {  	s1 =	srdreg.scid  }
0x8b: {  	s0 =	sand.u32 $0x1, s1  }
0x8c: {  	s17 =	sshll.u32 s0, $0xA;
	s2 =	sadd.s32 s3, s2  }
0x8d: {  	s2 =	sadd.s32 s2, s17  }
0x8e: {  	[smem:$0x3FB8] =	sst s2  }
0x8f: {  	_ = 	snop  }
0x90: {  	s2 =	sld [smem:$0x3FD0];
	(tm) =	ssettm $0x1  }
0x91: {  	s18 =	sld [smem:$0x3FFB];
	_ =	sdelay $0x3  }
0x92: {  	_ =	strace s18  }
0x93: {  	s3 =	sld [smem:$0x3FFC];
	_ =	sdelay $0x3  }
0x94: {  	_ =	strace s3  }
0x95: {  	s3 =	sld [smem:$0x3FFD];
	_ =	sdelay $0x3  }
0x96: {  	_ =	strace s3  }
0x97: {  	_ =	strace $0x8FFFFFFF  }
0x98: {  	s19 =	sld [smem:$0x3FDB];
	_ =	sdelay $0x1  }
0x99: {  	s4 =	simm.s32 $_scs_section_size  }
0x9a: {  	s5 =	simm.s32 $_size__tile_overlayer_lowered;
	s6 =	simm.s32 $_tile_overlayer_lowered  }
0x9b: {  	s22 =	simm.s32 $0x1BFF;
	s21 =	sshll.u32 s6, $0x1;
	s3 =	sadd.s32 s4, s19  }
0x9c: {  	s7 =	simm.s32 $0x0;
	s20 =	sshll.u32 s5, $0x1;
	s5 =	sadd.s32 s21, s3  }
0x9d: {  	[timem:s7], [sflag:s22] =	dma.local [hbm:s5], s20  }
0x9e: {  	_ =	swait.ge [sflag:s22], s20  }
0x9f: {  	s4 =	ssub.s32 $0x0, s20;
	[sflag:s22] =	ssyncset.done $0x0  }
0xa0: {  	[sflag:s22] =	ssyncadd.s32 s4;
	_ =	sdelay $0x1  }
0xa1: {  	s23 =	simm.s32 $0x1B8B  }
0xa2: {  	_ =	swait.ge [sflag:s23], $0x1  }
0xa3: {  	[sflag:s23] =	ssyncset.done $0x0  }
0xa4: {  	s25 =	simm.s32 $0x1B8E;
	s24 =	sld [smem:$0x3FFE];
	[sflag:s23] =	ssyncadd.s32 $0xFFFFFFFF  }
0xa5: {  	s26 =	simm.s32 $execute0_lowered;
	[smem:$0x3FD2] =	sst s25  }
0xa6: {  	s5 =	sshll.u32 s26, $0x1;
	_ =	strace $0x80000055;
	[dreg:$0x1] =	wrdreg $0xFFFFFFFF  }
0xa7: {  	s28 =	simm.s32 $_size_execute0_lowered;
	s3 =	sadd.s32 s3, s5;
	[dreg:$0x0] =	wrdreg $0x0  }
0xa8: {  	s5 =	sshll.u32 s28, $0x1;
	[dreg:$0x2] =	wrdreg s3  }
0xa9: {  	[dreg:$0x3] =	wrdreg s5  }
0xaa: {  	[dreg:$0x4] =	wrdreg $0xC0  }
0xab: {  	_ =	task [dreg:s7], $0x5FFFF  }
0xac: {  	[dreg:$0x1] =	wrdreg $0xFFFFFFFF  }
0xad: {  	[dreg:$0x0] =	wrdreg $0x60  }
0xae: {  	[dreg:$0x2] =	wrdreg s2  }
0xaf: {  	[dreg:$0x3] =	wrdreg s24  }
0xb0: {  	[dreg:$0x4] =	wrdreg $0x66000  }
0xb1: {  	[dreg:$0x5] =	wrdreg $0x9  }
0xb2: {  	_ =	task.clear_ibuf [dreg:s7], $0x6FFFF;
	_ =	strace $0x90000055  }
0xb3: {  	s29 =	simm.s32 $0x9;
	_ =	strace $0x80000057  }
0xb4: {  	_ =	swait.ge [sflag:s29], $0x1  }
0xb5: {  	[sflag:s29] =	ssyncadd.s32 $0xFFFFFFFF  }
0xb6: {  	_ =	strace $0x90000057  }
0xb7: {  	_ =	sfence  }
0xb8: {  	s30 =	sld [smem:$0x0];
	_ =	sdelay $0x2  }
0xb9: {  	s31 =	sshll.u32 s1, $0xD;
	s1 =	sshrl.u32 s1, $0x2  }
0xba: {  	s3 =	sand.u32 $0x4000, s31;
	s1 =	sadd.s32 s1, s30  }
0xbb: {  	s0 =	sor.u32 s3, s0;
	s1 =	sshll.u32 s1, $0x11  }
0xbc: {  	s0 =	sor.u32 s1, s0  }
0xbd: {  	s0 =	sadd.s32 $0x8F2B, s0  }
0xbe: {  	[sflag:s0] =	ssyncadd.remote.s32 $0x1  }
0xbf: {  	_ =	sfence.sel $0xFFFF  }
0xc0: {  	[dreg:$0x0] =	wrdreg $0xFFFFFFFF;
	(pc) =	sbr.abs _section_cstart, $3  }
0xc1: {  	[dreg:$0x1] =	wrdreg $0xFFFFFFFF  }
0xc2: {  	_ =	task.clear_ibuf [dreg:s7], $0x2FFFF;
	_ =	strace $0x9FFFFFFF  }
0xc3: {  	(tm) =	ssettm $0x7FFFFFFF  }
tec
execute0_lowered:
.L_overlay_start_1:
0x0: {  	(tag) =	ssettag $0x1  }
0x1: {  	s1 =	rddreg [dreg:$0x0]  }
0x2: {  	s12 =	rddreg [dreg:$0x1]  }
0x3: {  	s0 =	srdreg.scid;
	s3 =	rddreg [dreg:$0x2]  }
0x4: {  	s2 =	rddreg [dreg:$0x3];
	s4 =	simm.s32 $0x0;
	s19 =	simm.s32 $0x2  }
0x5: {  	s20 =	simm.s32 $0x100;
	s21 =	simm.s32 $0xC8;
	s9 =	sand.u32 $0x1, s0  }
0x6: {  	s22 =	simm.s32 $0x200;
	s0 =	stileid.u32;
	s5 =	smul.u32 $0x27100, s9  }
0x7: {  	s23 =	simm.s32 $0x1;
	s25 =	simm.s32 $0x0;
	s6 =	smul.u32 $0x2710, s0  }
0x8: {  	[smem:$0x7FF] =	sst s4;
	s10 =	sadd.s32 $0x40480, s12;
	s29 =	smul.u32 $0x2780, s0  }
0x9: {  	s7 =	ssub.s32 $0x2, s9;
	s8 =	smul.u32 $0x4F000, s0;
	_ =	strace $0x80000056  }
0xa: {  	p4 =	seq.s32 s9, $0x1;
	p0 =	seq.s32 s0, $0xF;
	s30 =	sshrl.u32 s7, $0x1  }
0xb: {  	s17 =	sshll.u32 @!p0 s0, $0x6;
	p2 =	seq.s32 @p4 s0, $0xF;
	p5 =	seq.s32 @!p4 s0, $0xF  }
0xc: {  	s5 =	sadd.s32 s6, s5;
	s11 =	sadd.s32 s29, s12;
	s13 =	ssub.s32 s7, s30  }
0xd: {  	s31 =	sshrl.u32 s8, $0x2;
	s7 =	sadd.s32 $0x128400, s3;
	s8 =	sadd.s32 $0xDD880, s12  }
0xe: {  	s17 =	sor.u32 @!p0 $0x1C02, s17;
	p1 =	por !p2, !p4;
	p2 =	por p2, !p4  }
0xf: {  	p3 =	por !p5, p4;
	p4 =	por p5, p4;
	s5 =	sshrl.u32 s5, $0x3  }
0x10: {  	s6 =	sadd.s32 $0xB8800, s11;
	s9 =	sadd.s32 $0x1B400, s11;
	s11 =	sadd.s32 $0x6A600, s11  }
0x11: {  	s13 =	smax.u32 s13, $0x1;
	s16 =	sshrl.u32 @p0 s7, $0x3;
	s24 =	sshrl.u32 @!p1 s7, $0x3  }
0x12: {  	s15 =	sadd.s32 s5, s12;
	s5 =	sadd.s32 s31, s3;
	s12 =	sadd.s32 $0x8F680, s12  }
0x13: {  	s14 =	sadd.s32 $0x7800, s15;
	s15 =	sadd.s32 $0x11600, s15;
	s18 =	sshrl.u32 @!p0 s5, $0x3  }
.LBB2_1:
0x14: {  	s26 =	simm.s32 @p0 $0x1FC2  }
0x15: {  	[spmem:s16], [sflag:s26] =	dma.local @p0 [hbm:s8], $0x2080  }
0x16: {  	s26 =	simm.s32 @p0 $0x2  }
0x17: {  	_ =	swait.ge @p0 [sflag:s26], $0x2080  }
0x18: {  	[sflag:s26] =	ssyncset.done @p0 $0x0  }
0x19: {  	[sflag:s26] =	ssyncadd.s32 @p0 $0xFFFFDF80;
	s26 =	simm.s32 @!p0 $0x2  }
0x1a: {  	[spmem:s18], [sflag:s17] =	dma.local @!p0 [hbm:s6], $0x2780  }
0x1b: {  	_ =	swait.ge @!p0 [sflag:s26], $0x2780  }
0x1c: {  	[sflag:s26] =	ssyncset.done @!p0 $0x0  }
0x1d: {  	[sflag:s26] =	ssyncadd.s32 @!p0 $0xFFFFD880  }
0x1e: {  	s30 =	sadd.s32 $0x0, s15;
	[bflag:$0x0] =	sbarrier.arrive $0xFFFF  }
0x1f: {  	[tilespmem:s4], [sflag:$0x2] =	stream.linear.gather [hbm4b:s30+s4], $0xC8, $0x38;
	[tilespmem:$0x19E80] =	vst v63  }
0x20: {  	_ =	swait.ge [sflag:s19], $0xC8  }
0x21: {  	[sflag:s19] =	ssyncset.done $0x0  }
0x22: {  	s31 =	sadd.s32 $0x0, s14;
	[sflag:s19] =	ssyncadd.s32 $0xFFFFFF38  }
0x23: {  	[tilespmem:s20], [sflag:$0x2] =	stream.linear.gather [hbm4b:s31+s4], $0xC8, $0x38;
	[tilespmem:$0x19E80] =	vst v63  }
0x24: {  	_ =	swait.ge [sflag:s19], $0xC8  }
0x25: {  	[sflag:s19] =	ssyncset.done $0x0  }
0x26: {  	[sflag:s19] =	ssyncadd.s32 $0xFFFFFF38  }
0x27: {  	[tilespmem:s22], [sflag:$0x1] =	stream.indirect.gather [hbm4b:s1+s21], $0x80, s4, s21, $0xb8;
	[tilespmem:$0x19E80] =	vst v63  }
0x28: {  	_ =	swait.ge [sflag:s23], $0x6400  }
0x29: {  	[sflag:s23] =	ssyncset.done $0x0  }
0x2a: {  	[sflag:s23] =	ssyncadd.s32 $0xFFFF9C00  }
0x2b: {  	[spmem:s3] =	stream.indirect.scatter.add.f32 [tilespmem:s22], [sflag:$0x2], $0x80, s20, s21, $0xb8;
	[tilespmem:$0x19E80] =	vst v63  }
0x2c: {  	_ =	swait.ge [sflag:s19], $0x6400  }
0x2d: {  	s28 =	simm.s32 $0x32;
	s26 =	simm.s32 $0x19;
	[sflag:s19] =	ssyncset.done $0x0  }
.LBB2_2:
0x2e: {  	s29 =	sadd.s32 s26, s15  }
0x2f: {  	[sflag:s19] =	ssyncadd.s32 $0xFFFF9C00;
	s30 =	smov.u32 s28;
	s31 =	sadd.s32 $0x19, s28  }
0x30: {  	[tilespmem:s4], [sflag:$0x2] =	stream.linear.gather [hbm4b:s29+s4], $0xC8, $0x38;
	[tilespmem:$0x19E80] =	vst v63  }
0x31: {  	p5 =	sne.s32 s28, $0x4C9;
	_ =	swait.ge [sflag:s19], $0xC8  }
0x32: {  	[sflag:s19] =	ssyncset.done $0x0  }
0x33: {  	s28 =	sadd.s32 s26, s14;
	s26 =	smov.u32 s30;
	[sflag:s19] =	ssyncadd.s32 $0xFFFFFF38  }
0x34: {  	[tilespmem:s20], [sflag:$0x2] =	stream.linear.gather [hbm4b:s28+s4], $0xC8, $0x38;
	[tilespmem:$0x19E80] =	vst v63  }
0x35: {  	_ =	swait.ge [sflag:s19], $0xC8  }
0x36: {  	[sflag:s19] =	ssyncset.done $0x0  }
0x37: {  	[sflag:s19] =	ssyncadd.s32 $0xFFFFFF38  }
0x38: {  	[tilespmem:s22], [sflag:$0x1] =	stream.indirect.gather [hbm4b:s1+s21], $0x80, s4, s21, $0xb8;
	[tilespmem:$0x19E80] =	vst v63  }
0x39: {  	_ =	swait.ge [sflag:s23], $0x6400  }
.Ltmp0:
0x3a: {  	[sflag:s23] =	ssyncset.done $0x0;
	(pc) =	sbr.rel @p5 .LBB2_2-.Ltmp0, $4  }
0x3b: {  	[sflag:s23] =	ssyncadd.s32 $0xFFFF9C00  }
0x3c: {  	[spmem:s3] =	stream.indirect.scatter.add.f32 [tilespmem:s22], [sflag:$0x2], $0x80, s20, s21, $0xb8;
	[tilespmem:$0x19E80] =	vst v63  }
0x3d: {  	_ =	swait.ge [sflag:s19], $0x6400  }
0x3e: {  	s28 =	smov.u32 s31;
	[sflag:s19] =	ssyncset.done $0x0  }
0x3f: {  	s28 =	sadd.s32 s26, s15;
	[sflag:s19] =	ssyncadd.s32 $0xFFFF9C00  }
0x40: {  	[tilespmem:s4], [sflag:$0x2] =	stream.linear.gather [hbm4b:s28+s4], $0xC8, $0x38;
	[tilespmem:$0x19E80] =	vst v63  }
0x41: {  	_ =	swait.ge [sflag:s19], $0xC8  }
0x42: {  	[sflag:s19] =	ssyncset.done $0x0  }
0x43: {  	s31 =	sadd.s32 s26, s14;
	[sflag:s19] =	ssyncadd.s32 $0xFFFFFF38  }
0x44: {  	[tilespmem:s20], [sflag:$0x2] =	stream.linear.gather [hbm4b:s31+s4], $0xC8, $0x38;
	[tilespmem:$0x19E80] =	vst v63  }
0x45: {  	_ =	swait.ge [sflag:s19], $0xC8  }
0x46: {  	[sflag:s19] =	ssyncset.done $0x0  }
0x47: {  	[sflag:s19] =	ssyncadd.s32 $0xFFFFFF38  }
0x48: {  	[tilespmem:s22], [sflag:$0x1] =	stream.indirect.gather [hbm4b:s1+s21], $0x80, s4, s21, $0xb8;
	[tilespmem:$0x19E80] =	vst v63  }
0x49: {  	_ =	swait.ge [sflag:s23], $0x6400  }
0x4a: {  	[sflag:s23] =	ssyncset.done $0x0  }
0x4b: {  	[sflag:s23] =	ssyncadd.s32 $0xFFFF9C00  }
0x4c: {  	[spmem:s3] =	stream.indirect.scatter.add.f32 [tilespmem:s22], [sflag:$0x2], $0x80, s20, s21, $0xb8;
	[tilespmem:$0x19E80] =	vst v63  }
0x4d: {  	_ =	swait.ge [sflag:s19], $0x6400  }
0x4e: {  	[sflag:s19] =	ssyncset.done $0x0  }
0x4f: {  	[sflag:s19] =	ssyncadd.s32 $0xFFFF9C00  }
0x50: {  	s26 =	simm.s32 @!p1 $0x1FC2;
	[bflag:$0x0] =	sbarrier.arrive $0xFFFF  }
0x51: {  	[hbm:s12], [sflag:s26] =	dma.local @!p1 [spmem:s24], $0x2080  }
0x52: {  	s26 =	simm.s32 @!p1 $0x2  }
0x53: {  	_ =	swait.ge @!p1 [sflag:s26], $0x2080  }
0x54: {  	s28 =	sshll.u32 @!p2 s0, $0x6;
	[sflag:s26] =	ssyncset.done @!p1 $0x0  }
0x55: {  	[sflag:s26] =	ssyncadd.s32 @!p1 $0xFFFFDF80;
	s26 =	sor.u32 @!p2 $0x1C02, s28;
	s28 =	sshrl.u32 @!p2 s5, $0x3  }
0x56: {  	[hbm:s11], [sflag:s26] =	dma.local @!p2 [spmem:s28], $0x2780  }
0x57: {  	s26 =	simm.s32 @!p2 $0x2  }
0x58: {  	_ =	swait.ge @!p2 [sflag:s26], $0x2780  }
0x59: {  	[sflag:s26] =	ssyncset.done @!p2 $0x0  }
0x5a: {  	s28 =	simm.s32 @!p3 $0x1FC2;
	[sflag:s26] =	ssyncadd.s32 @!p2 $0xFFFFD880;
	s26 =	sshrl.u32 @!p3 s7, $0x3  }
0x5b: {  	[hbm:s10], [sflag:s28] =	dma.local @!p3 [spmem:s26], $0x2080  }
0x5c: {  	s26 =	simm.s32 @!p3 $0x2  }
0x5d: {  	s25 =	sadd.s32 $0x1, s25;
	_ =	swait.ge @!p3 [sflag:s26], $0x2080  }
0x5e: {  	p5 =	sne.s32 s25, s13;
	s28 =	sshll.u32 @!p4 s0, $0x6;
	[sflag:s26] =	ssyncset.done @!p3 $0x0  }
0x5f: {  	[sflag:s26] =	ssyncadd.s32 @!p3 $0xFFFFDF80;
	s26 =	sor.u32 @!p4 $0x1C02, s28;
	s28 =	sshrl.u32 @!p4 s5, $0x3  }
0x60: {  	[hbm:s9], [sflag:s26] =	dma.local @!p4 [spmem:s28], $0x2780  }
.Ltmp1:
0x61: {  	_ = 	snop;
	(pc) =	sbr.rel @p5 .LBB2_1-.Ltmp1, $4  }
0x62: {  	s26 =	simm.s32 @!p4 $0x2  }
0x63: {  	_ =	swait.ge @!p4 [sflag:s26], $0x2780  }
0x64: {  	[sflag:s26] =	ssyncset.done @!p4 $0x0  }
0x65: {  	[sflag:s26] =	ssyncadd.s32 @!p4 $0xFFFFD880  }
0x66: {  	_ =	sfence.sel $0x180000  }
0x67: {  	[bflag:$0x0] =	sbarrier.arrive $0xFFFF  }
0x68: {  	p0 =	sne.s32 s0, $0x0;
	_ =	strace $0x90000056  }
0x69: {  	s0 =	sadd.s32 @!p0 $0x100000, s2;
	[bflag:$0x2] =	sbarrier.arrive $0xFFFF  }
0x6a: {  	[sflag:s0] =	ssyncadd.tile.s32 @!p0 $0x1;
	_ =	shalt  }
.Lfunc_end2:
_tile_overlayer_lowered:
.L_overlay_start_2:
0x6b: {  	(tag) =	ssettag $0x2  }
0x6c: {  	s0 =	rddreg [dreg:$0x0];
	s2 =	stileid.u32  }
0x6d: {  	s1 =	rddreg [dreg:$0x1];
	p0 =	sne.s32 s2, $0x0  }
0x6e: {  	s3 =	rddreg [dreg:$0x2];
	[bflag:$0x3] =	sbarrier.arrive $0xFFFF;
	s2 =	simm.s32 @!p0 $0x1C02  }
0x6f: {  	[timem:s3], [sflag:s2] =	dma.local @!p0 [hbm:s0], s1  }
0x70: {  	s0 =	simm.s32 @!p0 $0x2  }
0x71: {  	_ =	swait.ge @!p0 [sflag:s0], s1  }
0x72: {  	s1 =	ssub.s32 @!p0 $0x0, s1;
	[sflag:s0] =	ssyncset.done @!p0 $0x0  }
0x73: {  	[sflag:s0] =	ssyncadd.s32 @!p0 s1  }
0x74: {  	[bflag:$0x3] =	sbarrier.arrive $0xFFFF  }
0x75: {  	_ =	shalt  }

</sc_bundles>
